<compile_context>
chip_gen: v7x
topology: tpu7x:2x2x1
jax: 0.10.2.dev20260603
libtpu: 0.0.44.dev20260713+nightly
codegen_flags: <defaults>
</compile_context>

<pallas_src>
import functools

import jax
import jax.numpy as jnp
from jax import lax
from jax.experimental import pallas as pl
from jax.experimental.pallas import tpu as pltpu

NN = 10000
NG = 100
NPER = 100
NE = 160000
DIN = 128
HID = 256
NA = 128
GIN_L = 4

_INTERP = False


_RB = 2000
_NRB = NN // _RB


def _mlp_body(h_ref, msg_ref, deg_ref, w1_ref, b1_ref, w2_ref, b2_ref,
              h3_ref, sum_ref, ssq_ref):
    i = pl.program_id(0)
    deg = jnp.maximum(deg_ref[...], 1.0)
    hin = h_ref[...] + msg_ref[...] / deg
    t = jnp.maximum(
        jnp.dot(hin, w1_ref[...], preferred_element_type=jnp.float32,
                precision=lax.Precision.HIGHEST) + b1_ref[...], 0.0)
    h2 = jnp.dot(t, w2_ref[...], preferred_element_type=jnp.float32,
                 precision=lax.Precision.HIGHEST) + b2_ref[...]
    h3 = jnp.maximum(h2, 0.0)
    h3_ref[...] = h3

    @pl.when(i == 0)
    def _():
        sum_ref[...] = jnp.zeros_like(sum_ref)
        ssq_ref[...] = jnp.zeros_like(ssq_ref)

    sum_ref[...] += jnp.sum(h3, axis=0, keepdims=True)
    ssq_ref[...] += jnp.sum(h3 * h3, axis=0, keepdims=True)


def _bn_body(h3_ref, sum_ref, ssq_ref, gam_ref, bet_ref, np_ref,
             h_out_ref, np_out_ref):
    mu = sum_ref[...] * (1.0 / NN)
    var = jnp.maximum(ssq_ref[...] * (1.0 / NN) - mu * mu, 0.0)
    h3 = h3_ref[...]
    hbn = gam_ref[...] * (h3 - mu) / jnp.sqrt(var + 1e-5) + bet_ref[...]
    h_out_ref[...] = hbn
    np_out_ref[...] = np_ref[...] + hbn


def _layer_call(h, msg, deg, W1, b1, W2, b2, gam, bet, node_pool):
    din = h.shape[1]
    row = lambda d: pl.BlockSpec((_RB, d), lambda i: (i, 0))
    full = lambda a: pl.BlockSpec(a.shape, lambda i: (0,) * a.ndim)
    acc = pl.BlockSpec((1, HID), lambda i: (0, 0))
    b1r, b2r = b1.reshape(1, -1), b2.reshape(1, -1)
    h3, s, sq = pl.pallas_call(
        _mlp_body,
        grid=(_NRB,),
        in_specs=[row(din), row(din), pl.BlockSpec((_RB, 1), lambda i: (i, 0)),
                  full(W1), full(b1r), full(W2), full(b2r)],
        out_specs=(row(HID), acc, acc),
        out_shape=(jax.ShapeDtypeStruct((NN, HID), jnp.float32),
                   jax.ShapeDtypeStruct((1, HID), jnp.float32),
                   jax.ShapeDtypeStruct((1, HID), jnp.float32)),
        interpret=_INTERP,
    )(h, msg, deg, W1, b1r, W2, b2r)
    gamr, betr = gam.reshape(1, -1), bet.reshape(1, -1)
    return pl.pallas_call(
        _bn_body,
        grid=(_NRB,),
        in_specs=[row(HID), full(s), full(sq), full(gamr), full(betr),
                  row(HID)],
        out_specs=(row(HID), row(HID)),
        out_shape=(jax.ShapeDtypeStruct((NN, HID), jnp.float32),
                   jax.ShapeDtypeStruct((NN, HID), jnp.float32)),
        interpret=_INTERP,
    )(h3, s, sq, gamr, betr, node_pool)


def _embed_body(np_ref, ge_ref):
    node_g = lax.broadcasted_iota(jnp.int32, (NG, NN), 1) // NPER
    gid = lax.broadcasted_iota(jnp.int32, (NG, NN), 0)
    P = (node_g == gid).astype(jnp.float32)
    ge_ref[...] = jnp.dot(P, np_ref[...], preferred_element_type=jnp.float32,
                          precision=lax.Precision.HIGHEST) * (1.0 / NPER)


def _embed_call(node_pool):
    return pl.pallas_call(
        _embed_body,
        out_shape=jax.ShapeDtypeStruct((NG, HID), jnp.float32),
        interpret=_INTERP,
    )(node_pool)


def _head_body(np_ref, ge_ref, fa0c_ref, fa1c_ref, fa0r_ref, fa1r_ref, gum_ref,
               wa0_ref, wa1_ref, wa2_ref, ba_ref, wb_ref, bb_ref,
               wa2p_ref, ba2_ref, wb2_ref, bb2_ref,
               wa3_ref, ba3_ref, wb3t_ref, bb3_ref,
               act_ref, lp_ref, ent_ref):
    g = pl.program_id(0)
    hp = lax.Precision.HIGHEST
    npg = np_ref[0]
    lane_iota_n = lax.broadcasted_iota(jnp.int32, (NA, NPER), 1)
    oh0 = (fa0c_ref[0] == lane_iota_n).astype(jnp.float32)
    oh1 = (fa1c_ref[0] == lane_iota_n).astype(jnp.float32)
    e0 = jnp.dot(oh0, npg, preferred_element_type=jnp.float32, precision=hp)
    e1 = jnp.dot(oh1, npg, preferred_element_type=jnp.float32, precision=hp)
    ge = ge_ref[0]
    u = (jnp.dot(e0, wa0_ref[...], preferred_element_type=jnp.float32, precision=hp)
         + jnp.dot(e1, wa1_ref[...], preferred_element_type=jnp.float32, precision=hp)
         + jnp.dot(ge, wa2_ref[...], preferred_element_type=jnp.float32, precision=hp)
         + ba_ref[...])
    u = jnp.maximum(u, 0.0)
    v = jnp.dot(u, wb_ref[...], preferred_element_type=jnp.float32, precision=hp) + bb_ref[...]
    u2 = jnp.maximum(jnp.dot(v, wa2p_ref[...], preferred_element_type=jnp.float32, precision=hp) + ba2_ref[...], 0.0)
    v2 = jnp.dot(u2, wb2_ref[...], preferred_element_type=jnp.float32, precision=hp) + bb2_ref[...]
    u3 = jnp.maximum(jnp.dot(v2, wa3_ref[...], preferred_element_type=jnp.float32, precision=hp) + ba3_ref[...], 0.0)
    scores = lax.dot_general(wb3t_ref[...], u3, (((1,), (1,)), ((), ())),
                             preferred_element_type=jnp.float32, precision=hp)
    scores = scores + bb3_ref[...]
    m = jnp.max(scores, axis=1, keepdims=True)
    ex = jnp.exp(scores - m)
    logits = scores - m - jnp.log(jnp.sum(ex, axis=1, keepdims=True))
    pi = jnp.exp(logits)
    z = scores + gum_ref[0]
    zmax = jnp.max(z, axis=1, keepdims=True)
    lane_iota = lax.broadcasted_iota(jnp.int32, (1, NA), 1)
    idx = jnp.min(jnp.where(z == zmax, lane_iota, NA), axis=1, keepdims=True)
    oh = (lane_iota == idx).astype(jnp.float32)
    s0 = jnp.sum(oh * fa0r_ref[0].astype(jnp.float32), axis=1, keepdims=True)
    s1 = jnp.sum(oh * fa1r_ref[0].astype(jnp.float32), axis=1, keepdims=True)
    act_ref[0] = jnp.concatenate([s0, s1], axis=1).astype(jnp.int32)
    lp_ref[0] = jnp.sum(oh * logits, axis=1, keepdims=True)
    ent = -jnp.sum(pi * logits, axis=1, keepdims=True)

    @pl.when(g == 0)
    def _():
        ent_ref[...] = jnp.zeros_like(ent_ref)

    ent_ref[...] += ent * (1.0 / NG)


def _head_call(node_pool, graph_embed, fa, gumbel, policy_params):
    (Wa, ba, Wb, bb), (Wa2, ba2, Wb2, bb2), (Wa3, ba3, Wb3, bb3) = policy_params
    fa0c = fa[:, :, 0:1]
    fa1c = fa[:, :, 1:2]
    fa0r = fa[:, :, 0].reshape(NG, 1, NA)
    fa1r = fa[:, :, 1].reshape(NG, 1, NA)
    ge3 = graph_embed.reshape(NG, 1, HID)
    gum3 = gumbel.reshape(NG, 1, NA)
    row3 = lambda i: pl.BlockSpec((1, 1, NA), lambda g: (g, 0, 0))
    full = lambda a: pl.BlockSpec(a.shape, lambda g: (0,) * a.ndim)
    wspecs = []
    wargs = []
    for w in (Wa[:HID], Wa[HID:2 * HID], Wa[2 * HID:], ba.reshape(1, -1),
              Wb, bb.reshape(1, -1), Wa2, ba2.reshape(1, -1), Wb2,
              bb2.reshape(1, -1), Wa3, ba3.reshape(1, -1),
              Wb3.reshape(1, -1), bb3.reshape(1, 1)):
        wargs.append(w)
        wspecs.append(full(w))
    return pl.pallas_call(
        _head_body,
        grid=(NG,),
        in_specs=[
            pl.BlockSpec((1, NPER, HID), lambda g: (g, 0, 0)),
            pl.BlockSpec((1, 1, HID), lambda g: (g, 0, 0)),
            pl.BlockSpec((1, NA, 1), lambda g: (g, 0, 0)),
            pl.BlockSpec((1, NA, 1), lambda g: (g, 0, 0)),
            row3(0), row3(1), row3(2),
        ] + wspecs,
        out_specs=(
            pl.BlockSpec((1, 1, 2), lambda g: (g, 0, 0)),
            pl.BlockSpec((1, 1, 1), lambda g: (g, 0, 0)),
            pl.BlockSpec((1, 1), lambda g: (0, 0)),
        ),
        out_shape=(
            jax.ShapeDtypeStruct((NG, 1, 2), jnp.int32),
            jax.ShapeDtypeStruct((NG, 1, 1), jnp.float32),
            jax.ShapeDtypeStruct((1, 1), jnp.float32),
        ),
        interpret=_INTERP,
    )(node_pool.reshape(NG, NPER, HID), ge3, fa0c, fa1c, fa0r, fa1r, gum3,
      *wargs)


def _segment_mean_msg(h, src, dst):
    return jax.ops.segment_sum(h[src], dst, num_segments=NN)


def _degree(src, dst):
    return jax.ops.segment_sum(jnp.ones((NE,), jnp.float32), dst,
                               num_segments=NN)


def kernel(x, edge_index, batch, feasible_actions, gin_params, bn_params,
           policy_params):
    src, dst = edge_index[0], edge_index[1]
    deg = _degree(src, dst).reshape(NN, 1)
    h = x
    node_pool = jnp.zeros((NN, HID), jnp.float32)
    for i in range(GIN_L):
        msg = _segment_mean_msg(h, src, dst)
        W1, b1, W2, b2 = gin_params[i]
        gam, bet = bn_params[i]
        h, node_pool = _layer_call(h, msg, deg, W1, b1, W2, b2, gam, bet,
                                   node_pool)
    graph_embed = _embed_call(node_pool)
    gumbel = jax.random.gumbel(jax.random.key(42), (NG, NA), jnp.float32)
    act3, lp3, ent = _head_call(node_pool, graph_embed, feasible_actions,
                                gumbel, policy_params)
    return (act3.reshape(NG, 2), lp3.reshape(NG, 1), ent.reshape(()))

# --- scband reference (transcript-rebuilt; emitter-appended) ---
"""Pipeline reference for scband-actor-67731634257969 (READ-ONLY COPY).

The authoritative reference and input builder live on the scoring server;
editing this copy changes nothing except your own understanding.
"""

import jax, jax.numpy as jnp
import numpy as np

N_NODES = 10000
N_GRAPHS = 100
NODES_PER = 100
N_EDGES = 160000
IN_DIM = 128
HID = 256
A = 128
GIN_L = 4


def _lin(k, din, dout):
    kw, kb = jax.random.split(k)
    s = 1.0 / np.sqrt(din)
    W = jax.random.uniform(kw, (din, dout), minval=-s, maxval=s, dtype=jnp.float32)
    b = jax.random.uniform(kb, (dout,), minval=-s, maxval=s, dtype=jnp.float32)
    return W, b


def setup_inputs(seed: int = 0):
    key = jax.random.key(seed)
    ks = jax.random.split(key, 8)
    x = jax.random.normal(ks[0], (N_NODES, IN_DIM), dtype=jnp.float32)
    edge_index = jax.random.randint(ks[1], (2, N_EDGES), 0, N_NODES)
    batch = jnp.repeat(jnp.arange(N_GRAPHS), NODES_PER)
    feasible_actions = jax.random.randint(ks[2], (N_GRAPHS, A, 2), 0, NODES_PER)
    gin_params = []
    bn_params = []
    dims = [IN_DIM] + [HID] * (GIN_L - 1)
    kk = ks[3]
    for i in range(GIN_L):
        kk, k1, k2 = jax.random.split(kk, 3)
        W1, b1 = _lin(k1, dims[i], HID)
        W2, b2 = _lin(k2, HID, HID)
        gin_params.append((W1, b1, W2, b2))
        bn_params.append((jnp.ones((HID,), jnp.float32), jnp.zeros((HID,), jnp.float32)))
    pol_dims = [(3 * HID, HID, HID // 2), (HID // 2, HID // 2, HID // 4), (HID // 4, HID // 4, 1)]
    policy_params = []
    for (di, dh, do) in pol_dims:
        kk, k1, k2 = jax.random.split(kk, 3)
        Wa, ba = _lin(k1, di, dh)
        Wb, bb = _lin(k2, dh, do)
        policy_params.append((Wa, ba, Wb, bb))
    return {"x": x, "edge_index": edge_index, "batch": batch, "feasible_actions": feasible_actions,
            "gin_params": gin_params, "bn_params": bn_params, "policy_params": policy_params}


def _batch_norm(h, gamma, beta):
    mu = h.mean(axis=0)
    var = jnp.var(h, axis=0)
    return gamma * (h - mu) / jnp.sqrt(var + 1e-5) + beta


def _gin_conv(x, src, dst, p):
    W1, b1, W2, b2 = p
    msg = jax.ops.segment_sum(x[src], dst, num_segments=N_NODES)
    deg = jax.ops.segment_sum(jnp.ones((src.shape[0],), x.dtype), dst, num_segments=N_NODES)
    mean = msg / jnp.maximum(deg, 1.0)[:, None]
    h = x + mean  # eps=0
    h = jnp.maximum(h @ W1 + b1, 0.0) @ W2 + b2
    return h


def reference(x, edge_index, batch, feasible_actions, gin_params, bn_params, policy_params):
    src, dst = edge_index[0], edge_index[1]
    h = x
    node_pool = 0.0
    hidden_rep = []
    for i in range(GIN_L):
        h = _gin_conv(h, src, dst, gin_params[i])
        h = jnp.maximum(h, 0.0)
        h = _batch_norm(h, bn_params[i][0], bn_params[i][1])
        node_pool = node_pool + h
        hidden_rep.append(h)
    g_pool = 0.0
    ones_n = jnp.ones((N_NODES,), jnp.float32)
    cnt = jax.ops.segment_sum(ones_n, batch, num_segments=N_GRAPHS)
    for hl in hidden_rep:
        s = jax.ops.segment_sum(hl, batch, num_segments=N_GRAPHS)
        g_pool = g_pool + s / jnp.maximum(cnt, 1.0)[:, None]
    node_embed = node_pool
    graph_embed = g_pool
    carries = (jnp.arange(N_GRAPHS) * NODES_PER).astype(feasible_actions.dtype)
    a_flat = (feasible_actions + carries[:, None, None]).reshape(-1, 2)
    actions_embed = jnp.concatenate([node_embed[a_flat[:, 0]], node_embed[a_flat[:, 1]]], axis=-1)
    context = jnp.repeat(graph_embed, A, axis=0)
    s = jnp.concatenate([actions_embed, context], axis=-1)
    for (Wa, ba, Wb, bb) in policy_params:
        s = jnp.maximum(s @ Wa + ba, 0.0) @ Wb + bb
    scores = s.reshape(N_GRAPHS, A)
    logits = jax.nn.log_softmax(scores, axis=-1)
    pi = jnp.exp(logits)
    akey = jax.random.key(42)
    actions_id = jax.random.categorical(akey, jax.lax.stop_gradient(scores), axis=-1)
    sampled_actions = jnp.take_along_axis(feasible_actions, actions_id[:, None, None], axis=1)[:, 0, :]
    log_prob = jnp.take_along_axis(logits, actions_id[:, None], axis=1)[:, 0]
    mean_entropy = (-(pi * logits).sum(axis=-1)).mean()
    return (sampled_actions, log_prob[:, None], mean_entropy)

if __name__ == "__main__":
    import jax
    _d = setup_inputs()
    print(jax.jit(kernel)(*tuple(_d.values())))

</pallas_src>

<mosaic_0001>
module attributes {stable_mosaic.version = 14 : i64} {
  func.func @_mlp_body(%arg0: i32, %arg1: memref<2000x128xf32, #tpu.memory_space<vmem>>, %arg2: memref<2000x128xf32, #tpu.memory_space<vmem>>, %arg3: memref<2000x1xf32, #tpu.memory_space<vmem>>, %arg4: memref<128x256xf32, #tpu.memory_space<vmem>>, %arg5: memref<1x256xf32, #tpu.memory_space<vmem>>, %arg6: memref<256x256xf32, #tpu.memory_space<vmem>>, %arg7: memref<1x256xf32, #tpu.memory_space<vmem>>, %arg8: memref<2000x256xf32, #tpu.memory_space<vmem>>, %arg9: memref<1x256xf32, #tpu.memory_space<vmem>>, %arg10: memref<1x256xf32, #tpu.memory_space<vmem>>) attributes {dimension_semantics = [#tpu.dimension_semantics<arbitrary>], iteration_bounds = array<i64: 5>, scalar_prefetch = 0 : i64, scratch_operands = 0 : i64, tpu.core_type = #tpu.core_type<tc>, window_params = [{transform_indices = @transform_0, window_bounds = array<i64: 2000, 128>}, {transform_indices = @transform_1, window_bounds = array<i64: 2000, 128>}, {transform_indices = @transform_2, window_bounds = array<i64: 2000, 1>}, {pipeline_mode = #tpu.pipeline_mode<synchronous>, transform_indices = @transform_3, window_bounds = array<i64: 128, 256>}, {pipeline_mode = #tpu.pipeline_mode<synchronous>, transform_indices = @transform_4, window_bounds = array<i64: 1, 256>}, {pipeline_mode = #tpu.pipeline_mode<synchronous>, transform_indices = @transform_5, window_bounds = array<i64: 256, 256>}, {pipeline_mode = #tpu.pipeline_mode<synchronous>, transform_indices = @transform_6, window_bounds = array<i64: 1, 256>}, {transform_indices = @transform_7, window_bounds = array<i64: 2000, 256>}, {pipeline_mode = #tpu.pipeline_mode<synchronous>, transform_indices = @transform_8, window_bounds = array<i64: 1, 256>}, {pipeline_mode = #tpu.pipeline_mode<synchronous>, transform_indices = @transform_9, window_bounds = array<i64: 1, 256>}]} {
    %get3A = arith.constant 0 : index
    %get3A_0 = arith.constant 0 : index
    %get3A_1 = vector.load %arg3[%get3A, %get3A_0] : memref<2000x1xf32, #tpu.memory_space<vmem>>, vector<2000x1xf32>
    %max3A = arith.constant 1.000000e+00 : f32
    %max3A_2 = vector.broadcast %max3A : f32 to vector<2000x1xf32>
    %max3A_3 = arith.maximumf %get3A_1, %max3A_2 : vector<2000x1xf32>
    %get3A_4 = arith.constant 0 : index
    %get3A_5 = arith.constant 0 : index
    %get3A_6 = vector.load %arg1[%get3A_4, %get3A_5] : memref<2000x128xf32, #tpu.memory_space<vmem>>, vector<2000x128xf32>
    %get3A_7 = arith.constant 0 : index
    %get3A_8 = arith.constant 0 : index
    %get3A_9 = vector.load %arg2[%get3A_7, %get3A_8] : memref<2000x128xf32, #tpu.memory_space<vmem>>, vector<2000x128xf32>
    %div3A = vector.broadcast %max3A_3 : vector<2000x1xf32> to vector<2000x128xf32>
    %div3A_10 = arith.divf %get3A_9, %div3A : vector<2000x128xf32>
    %add3A = arith.addf %get3A_6, %div3A_10 : vector<2000x128xf32>
    %get3A_11 = arith.constant 0 : index
    %get3A_12 = arith.constant 0 : index
    %get3A_13 = vector.load %arg4[%get3A_11, %get3A_12] : memref<128x256xf32, #tpu.memory_space<vmem>>, vector<128x256xf32>
    %dot_general3A = arith.constant dense<0.000000e+00> : vector<2000x256xf32>
    %dot_general3A_14 = tpu.matmul %add3A, %get3A_13, %dot_general3A {dimension_numbers = #tpu.dot_dimension_numbers<[1], [0], [0], [1], [0, 0, 1, 1], [], []>, precision = #tpu.contract_precision<fp32>, transpose_lhs_hint = false} : vector<2000x128xf32>, vector<128x256xf32>, vector<2000x256xf32> -> vector<2000x256xf32>
    %get3A_15 = arith.constant 0 : index
    %get3A_16 = arith.constant 0 : index
    %get3A_17 = vector.load %arg5[%get3A_15, %get3A_16] : memref<1x256xf32, #tpu.memory_space<vmem>>, vector<1x256xf32>
    %add3A_18 = vector.broadcast %get3A_17 : vector<1x256xf32> to vector<2000x256xf32>
    %add3A_19 = arith.addf %dot_general3A_14, %add3A_18 : vector<2000x256xf32>
    %max3A_20 = arith.constant 0.000000e+00 : f32
    %max3A_21 = vector.broadcast %max3A_20 : f32 to vector<2000x256xf32>
    %max3A_22 = arith.maximumf %add3A_19, %max3A_21 : vector<2000x256xf32>
    %get3A_23 = arith.constant 0 : index
    %get3A_24 = arith.constant 0 : index
    %get3A_25 = vector.load %arg6[%get3A_23, %get3A_24] : memref<256x256xf32, #tpu.memory_space<vmem>>, vector<256x256xf32>
    %dot_general3A_26 = arith.constant dense<0.000000e+00> : vector<2000x256xf32>
    %dot_general3A_27 = tpu.matmul %max3A_22, %get3A_25, %dot_general3A_26 {dimension_numbers = #tpu.dot_dimension_numbers<[1], [0], [0], [1], [0, 0, 1, 1], [], []>, precision = #tpu.contract_precision<fp32>, transpose_lhs_hint = false} : vector<2000x256xf32>, vector<256x256xf32>, vector<2000x256xf32> -> vector<2000x256xf32>
    %get3A_28 = arith.constant 0 : index
    %get3A_29 = arith.constant 0 : index
    %get3A_30 = vector.load %arg7[%get3A_28, %get3A_29] : memref<1x256xf32, #tpu.memory_space<vmem>>, vector<1x256xf32>
    %add3A_31 = vector.broadcast %get3A_30 : vector<1x256xf32> to vector<2000x256xf32>
    %add3A_32 = arith.addf %dot_general3A_27, %add3A_31 : vector<2000x256xf32>
    %max3A_33 = arith.constant 0.000000e+00 : f32
    %max3A_34 = vector.broadcast %max3A_33 : f32 to vector<2000x256xf32>
    %max3A_35 = arith.maximumf %add3A_32, %max3A_34 : vector<2000x256xf32>
    %swap3A = arith.constant 0 : index
    %swap3A_36 = arith.constant 0 : index
    %swap3A_37 = vector.load %arg8[%swap3A, %swap3A_36] : memref<2000x256xf32, #tpu.memory_space<vmem>>, vector<2000x256xf32>
    tpu.vector_store %arg8[%swap3A, %swap3A_36], %max3A_35 {strides = array<i32>} : memref<2000x256xf32, #tpu.memory_space<vmem>>, vector<2000x256xf32>,
    %eq3A = arith.constant 0 : i32
    %eq3A_38 = arith.cmpi eq, %arg0, %eq3A : i32
    %convert_element_type3A = arith.extui %eq3A_38 : i1 to i32
    %cond3A = arith.constant 0 : i32
    %cond3A_39 = arith.cmpi ne, %convert_element_type3A, %cond3A : i32
    scf.if %cond3A_39 {
      %broadcast_in_dim3A_58 = arith.constant 0.000000e+00 : f32
      %broadcast_in_dim3A_59 = vector.broadcast %broadcast_in_dim3A_58 : f32 to vector<1x256xf32>
      %swap3A_60 = arith.constant 0 : index
      %swap3A_61 = arith.constant 0 : index
      %swap3A_62 = vector.load %arg9[%swap3A_60, %swap3A_61] : memref<1x256xf32, #tpu.memory_space<vmem>>, vector<1x256xf32>
      tpu.vector_store %arg9[%swap3A_60, %swap3A_61], %broadcast_in_dim3A_59 {strides = array<i32>} : memref<1x256xf32, #tpu.memory_space<vmem>>, vector<1x256xf32>,
      %broadcast_in_dim3A_63 = arith.constant 0.000000e+00 : f32
      %broadcast_in_dim3A_64 = vector.broadcast %broadcast_in_dim3A_63 : f32 to vector<1x256xf32>
      %swap3A_65 = arith.constant 0 : index
      %swap3A_66 = arith.constant 0 : index
      %swap3A_67 = vector.load %arg10[%swap3A_65, %swap3A_66] : memref<1x256xf32, #tpu.memory_space<vmem>>, vector<1x256xf32>
      tpu.vector_store %arg10[%swap3A_65, %swap3A_66], %broadcast_in_dim3A_64 {strides = array<i32>} : memref<1x256xf32, #tpu.memory_space<vmem>>, vector<1x256xf32>,
    } else {
    }
    %get3A_40 = arith.constant 0 : index
    %get3A_41 = arith.constant 0 : index
    %get3A_42 = vector.load %arg9[%get3A_40, %get3A_41] : memref<1x256xf32, #tpu.memory_space<vmem>>, vector<1x256xf32>
    %reduce_sum3A = arith.constant dense<0.000000e+00> : vector<256xf32>
    %reduce_sum3A_43 = vector.multi_reduction <add>, %max3A_35, %reduce_sum3A [0] : vector<2000x256xf32> to vector<256xf32>
    %broadcast_in_dim3A = vector.shape_cast %reduce_sum3A_43 : vector<256xf32> to vector<1x256xf32>
    %add3A_44 = arith.addf %get3A_42, %broadcast_in_dim3A : vector<1x256xf32>
    %swap3A_45 = arith.constant 0 : index
    %swap3A_46 = arith.constant 0 : index
    %swap3A_47 = vector.load %arg9[%swap3A_45, %swap3A_46] : memref<1x256xf32, #tpu.memory_space<vmem>>, vector<1x256xf32>
    tpu.vector_store %arg9[%swap3A_45, %swap3A_46], %add3A_44 {strides = array<i32>} : memref<1x256xf32, #tpu.memory_space<vmem>>, vector<1x256xf32>,
    %get3A_48 = arith.constant 0 : index
    %get3A_49 = arith.constant 0 : index
    %get3A_50 = vector.load %arg10[%get3A_48, %get3A_49] : memref<1x256xf32, #tpu.memory_space<vmem>>, vector<1x256xf32>
    %mul3A = arith.mulf %max3A_35, %max3A_35 : vector<2000x256xf32>
    %reduce_sum3A_51 = arith.constant dense<0.000000e+00> : vector<256xf32>
    %reduce_sum3A_52 = vector.multi_reduction <add>, %mul3A, %reduce_sum3A_51 [0] : vector<2000x256xf32> to vector<256xf32>
    %broadcast_in_dim3A_53 = vector.shape_cast %reduce_sum3A_52 : vector<256xf32> to vector<1x256xf32>
    %add3A_54 = arith.addf %get3A_50, %broadcast_in_dim3A_53 : vector<1x256xf32>
    %swap3A_55 = arith.constant 0 : index
    %swap3A_56 = arith.constant 0 : index
    %swap3A_57 = vector.load %arg10[%swap3A_55, %swap3A_56] : memref<1x256xf32, #tpu.memory_space<vmem>>, vector<1x256xf32>
    tpu.vector_store %arg10[%swap3A_55, %swap3A_56], %add3A_54 {strides = array<i32>} : memref<1x256xf32, #tpu.memory_space<vmem>>, vector<1x256xf32>,
    return
  }
  func.func @transform_0(%arg0: i32) -> (i32, i32) {
    %c0_i32 = arith.constant 0 : i32
    %c0_i32_0 = arith.constant 0 : i32
    return %arg0, %c0_i32 : i32, i32
  }
  func.func @transform_1(%arg0: i32) -> (i32, i32) {
    %c0_i32 = arith.constant 0 : i32
    %c0_i32_0 = arith.constant 0 : i32
    return %arg0, %c0_i32 : i32, i32
  }
  func.func @transform_2(%arg0: i32) -> (i32, i32) {
    %c0_i32 = arith.constant 0 : i32
    %c0_i32_0 = arith.constant 0 : i32
    return %arg0, %c0_i32 : i32, i32
  }
  func.func @transform_3(%arg0: i32) -> (i32, i32) {
    %c0_i32 = arith.constant 0 : i32
    %c0_i32_0 = arith.constant 0 : i32
    %c0_i32_1 = arith.constant 0 : i32
    return %c0_i32, %c0_i32_0 : i32, i32
  }
  func.func @transform_4(%arg0: i32) -> (i32, i32) {
    %c0_i32 = arith.constant 0 : i32
    %c0_i32_0 = arith.constant 0 : i32
    %c0_i32_1 = arith.constant 0 : i32
    return %c0_i32, %c0_i32_0 : i32, i32
  }
  func.func @transform_5(%arg0: i32) -> (i32, i32) {
    %c0_i32 = arith.constant 0 : i32
    %c0_i32_0 = arith.constant 0 : i32
    %c0_i32_1 = arith.constant 0 : i32
    return %c0_i32, %c0_i32_0 : i32, i32
  }
  func.func @transform_6(%arg0: i32) -> (i32, i32) {
    %c0_i32 = arith.constant 0 : i32
    %c0_i32_0 = arith.constant 0 : i32
    %c0_i32_1 = arith.constant 0 : i32
    return %c0_i32, %c0_i32_0 : i32, i32
  }
  func.func @transform_7(%arg0: i32) -> (i32, i32) {
    %c0_i32 = arith.constant 0 : i32
    %c0_i32_0 = arith.constant 0 : i32
    return %arg0, %c0_i32 : i32, i32
  }
  func.func @transform_8(%arg0: i32) -> (i32, i32) {
    %c0_i32 = arith.constant 0 : i32
    %c0_i32_0 = arith.constant 0 : i32
    %c0_i32_1 = arith.constant 0 : i32
    return %c0_i32, %c0_i32_0 : i32, i32
  }
  func.func @transform_9(%arg0: i32) -> (i32, i32) {
    %c0_i32 = arith.constant 0 : i32
    %c0_i32_0 = arith.constant 0 : i32
    %c0_i32_1 = arith.constant 0 : i32
    return %c0_i32, %c0_i32_0 : i32, i32
  }
}

module attributes {stable_mosaic.version = 14 : i64} {
  func.func @_bn_body(%arg0: i32, %arg1: memref<2000x256xf32, #tpu.memory_space<vmem>>, %arg2: memref<1x256xf32, #tpu.memory_space<vmem>>, %arg3: memref<1x256xf32, #tpu.memory_space<vmem>>, %arg4: memref<1x256xf32, #tpu.memory_space<vmem>>, %arg5: memref<1x256xf32, #tpu.memory_space<vmem>>, %arg6: memref<2000x256xf32, #tpu.memory_space<vmem>>, %arg7: memref<2000x256xf32, #tpu.memory_space<vmem>>, %arg8: memref<2000x256xf32, #tpu.memory_space<vmem>>) attributes {dimension_semantics = [#tpu.dimension_semantics<arbitrary>], iteration_bounds = array<i64: 5>, scalar_prefetch = 0 : i64, scratch_operands = 0 : i64, tpu.core_type = #tpu.core_type<tc>, window_params = [{transform_indices = @transform_0, window_bounds = array<i64: 2000, 256>}, {pipeline_mode = #tpu.pipeline_mode<synchronous>, transform_indices = @transform_1, window_bounds = array<i64: 1, 256>}, {pipeline_mode = #tpu.pipeline_mode<synchronous>, transform_indices = @transform_2, window_bounds = array<i64: 1, 256>}, {pipeline_mode = #tpu.pipeline_mode<synchronous>, transform_indices = @transform_3, window_bounds = array<i64: 1, 256>}, {pipeline_mode = #tpu.pipeline_mode<synchronous>, transform_indices = @transform_4, window_bounds = array<i64: 1, 256>}, {transform_indices = @transform_5, window_bounds = array<i64: 2000, 256>}, {transform_indices = @transform_6, window_bounds = array<i64: 2000, 256>}, {transform_indices = @transform_7, window_bounds = array<i64: 2000, 256>}]} {
    %get3A = arith.constant 0 : index
    %get3A_0 = arith.constant 0 : index
    %get3A_1 = vector.load %arg2[%get3A, %get3A_0] : memref<1x256xf32, #tpu.memory_space<vmem>>, vector<1x256xf32>
    %mul3A = arith.constant 9.99999974E-5 : f32
    %mul3A_2 = vector.broadcast %mul3A : f32 to vector<1x256xf32>
    %mul3A_3 = arith.mulf %get3A_1, %mul3A_2 : vector<1x256xf32>
    %get3A_4 = arith.constant 0 : index
    %get3A_5 = arith.constant 0 : index
    %get3A_6 = vector.load %arg3[%get3A_4, %get3A_5] : memref<1x256xf32, #tpu.memory_space<vmem>>, vector<1x256xf32>
    %mul3A_7 = arith.constant 9.99999974E-5 : f32
    %mul3A_8 = vector.broadcast %mul3A_7 : f32 to vector<1x256xf32>
    %mul3A_9 = arith.mulf %get3A_6, %mul3A_8 : vector<1x256xf32>
    %mul3A_10 = arith.mulf %mul3A_3, %mul3A_3 : vector<1x256xf32>
    %sub3A = arith.subf %mul3A_9, %mul3A_10 : vector<1x256xf32>
    %max3A = arith.constant 0.000000e+00 : f32
    %max3A_11 = vector.broadcast %max3A : f32 to vector<1x256xf32>
    %max3A_12 = arith.maximumf %sub3A, %max3A_11 : vector<1x256xf32>
    %get3A_13 = arith.constant 0 : index
    %get3A_14 = arith.constant 0 : index
    %get3A_15 = vector.load %arg1[%get3A_13, %get3A_14] : memref<2000x256xf32, #tpu.memory_space<vmem>>, vector<2000x256xf32>
    %get3A_16 = arith.constant 0 : index
    %get3A_17 = arith.constant 0 : index
    %get3A_18 = vector.load %arg4[%get3A_16, %get3A_17] : memref<1x256xf32, #tpu.memory_space<vmem>>, vector<1x256xf32>
    %sub3A_19 = vector.broadcast %mul3A_3 : vector<1x256xf32> to vector<2000x256xf32>
    %sub3A_20 = arith.subf %get3A_15, %sub3A_19 : vector<2000x256xf32>
    %mul3A_21 = vector.broadcast %get3A_18 : vector<1x256xf32> to vector<2000x256xf32>
    %mul3A_22 = arith.mulf %mul3A_21, %sub3A_20 : vector<2000x256xf32>
    %add3A = arith.constant 9.99999974E-6 : f32
    %add3A_23 = vector.broadcast %add3A : f32 to vector<1x256xf32>
    %add3A_24 = arith.addf %max3A_12, %add3A_23 : vector<1x256xf32>
    %sqrt3A = math.sqrt %add3A_24 : vector<1x256xf32>
    %div3A = vector.broadcast %sqrt3A : vector<1x256xf32> to vector<2000x256xf32>
    %div3A_25 = arith.divf %mul3A_22, %div3A : vector<2000x256xf32>
    %get3A_26 = arith.constant 0 : index
    %get3A_27 = arith.constant 0 : index
    %get3A_28 = vector.load %arg5[%get3A_26, %get3A_27] : memref<1x256xf32, #tpu.memory_space<vmem>>, vector<1x256xf32>
    %add3A_29 = vector.broadcast %get3A_28 : vector<1x256xf32> to vector<2000x256xf32>
    %add3A_30 = arith.addf %div3A_25, %add3A_29 : vector<2000x256xf32>
    %swap3A = arith.constant 0 : index
    %swap3A_31 = arith.constant 0 : index
    %swap3A_32 = vector.load %arg7[%swap3A, %swap3A_31] : memref<2000x256xf32, #tpu.memory_space<vmem>>, vector<2000x256xf32>
    tpu.vector_store %arg7[%swap3A, %swap3A_31], %add3A_30 {strides = array<i32>} : memref<2000x256xf32, #tpu.memory_space<vmem>>, vector<2000x256xf32>,
    %get3A_33 = arith.constant 0 : index
    %get3A_34 = arith.constant 0 : index
    %get3A_35 = vector.load %arg6[%get3A_33, %get3A_34] : memref<2000x256xf32, #tpu.memory_space<vmem>>, vector<2000x256xf32>
    %add3A_36 = arith.addf %get3A_35, %add3A_30 : vector<2000x256xf32>
    %swap3A_37 = arith.constant 0 : index
    %swap3A_38 = arith.constant 0 : index
    %swap3A_39 = vector.load %arg8[%swap3A_37, %swap3A_38] : memref<2000x256xf32, #tpu.memory_space<vmem>>, vector<2000x256xf32>
    tpu.vector_store %arg8[%swap3A_37, %swap3A_38], %add3A_36 {strides = array<i32>} : memref<2000x256xf32, #tpu.memory_space<vmem>>, vector<2000x256xf32>,
    return
  }
  func.func @transform_0(%arg0: i32) -> (i32, i32) {
    %c0_i32 = arith.constant 0 : i32
    %c0_i32_0 = arith.constant 0 : i32
    return %arg0, %c0_i32 : i32, i32
  }
  func.func @transform_1(%arg0: i32) -> (i32, i32) {
    %c0_i32 = arith.constant 0 : i32
    %c0_i32_0 = arith.constant 0 : i32
    %c0_i32_1 = arith.constant 0 : i32
    return %c0_i32, %c0_i32_0 : i32, i32
  }
  func.func @transform_2(%arg0: i32) -> (i32, i32) {
    %c0_i32 = arith.constant 0 : i32
    %c0_i32_0 = arith.constant 0 : i32
    %c0_i32_1 = arith.constant 0 : i32
    return %c0_i32, %c0_i32_0 : i32, i32
  }
  func.func @transform_3(%arg0: i32) -> (i32, i32) {
    %c0_i32 = arith.constant 0 : i32
    %c0_i32_0 = arith.constant 0 : i32
    %c0_i32_1 = arith.constant 0 : i32
    return %c0_i32, %c0_i32_0 : i32, i32
  }
  func.func @transform_4(%arg0: i32) -> (i32, i32) {
    %c0_i32 = arith.constant 0 : i32
    %c0_i32_0 = arith.constant 0 : i32
    %c0_i32_1 = arith.constant 0 : i32
    return %c0_i32, %c0_i32_0 : i32, i32
  }
  func.func @transform_5(%arg0: i32) -> (i32, i32) {
    %c0_i32 = arith.constant 0 : i32
    %c0_i32_0 = arith.constant 0 : i32
    return %arg0, %c0_i32 : i32, i32
  }
  func.func @transform_6(%arg0: i32) -> (i32, i32) {
    %c0_i32 = arith.constant 0 : i32
    %c0_i32_0 = arith.constant 0 : i32
    return %arg0, %c0_i32 : i32, i32
  }
  func.func @transform_7(%arg0: i32) -> (i32, i32) {
    %c0_i32 = arith.constant 0 : i32
    %c0_i32_0 = arith.constant 0 : i32
    return %arg0, %c0_i32 : i32, i32
  }
}

module attributes {stable_mosaic.version = 14 : i64} {
  func.func @_mlp_body(%arg0: i32, %arg1: memref<2000x256xf32, #tpu.memory_space<vmem>>, %arg2: memref<2000x256xf32, #tpu.memory_space<vmem>>, %arg3: memref<2000x1xf32, #tpu.memory_space<vmem>>, %arg4: memref<256x256xf32, #tpu.memory_space<vmem>>, %arg5: memref<1x256xf32, #tpu.memory_space<vmem>>, %arg6: memref<256x256xf32, #tpu.memory_space<vmem>>, %arg7: memref<1x256xf32, #tpu.memory_space<vmem>>, %arg8: memref<2000x256xf32, #tpu.memory_space<vmem>>, %arg9: memref<1x256xf32, #tpu.memory_space<vmem>>, %arg10: memref<1x256xf32, #tpu.memory_space<vmem>>) attributes {dimension_semantics = [#tpu.dimension_semantics<arbitrary>], iteration_bounds = array<i64: 5>, scalar_prefetch = 0 : i64, scratch_operands = 0 : i64, tpu.core_type = #tpu.core_type<tc>, window_params = [{transform_indices = @transform_0, window_bounds = array<i64: 2000, 256>}, {transform_indices = @transform_1, window_bounds = array<i64: 2000, 256>}, {transform_indices = @transform_2, window_bounds = array<i64: 2000, 1>}, {pipeline_mode = #tpu.pipeline_mode<synchronous>, transform_indices = @transform_3, window_bounds = array<i64: 256, 256>}, {pipeline_mode = #tpu.pipeline_mode<synchronous>, transform_indices = @transform_4, window_bounds = array<i64: 1, 256>}, {pipeline_mode = #tpu.pipeline_mode<synchronous>, transform_indices = @transform_5, window_bounds = array<i64: 256, 256>}, {pipeline_mode = #tpu.pipeline_mode<synchronous>, transform_indices = @transform_6, window_bounds = array<i64: 1, 256>}, {transform_indices = @transform_7, window_bounds = array<i64: 2000, 256>}, {pipeline_mode = #tpu.pipeline_mode<synchronous>, transform_indices = @transform_8, window_bounds = array<i64: 1, 256>}, {pipeline_mode = #tpu.pipeline_mode<synchronous>, transform_indices = @transform_9, window_bounds = array<i64: 1, 256>}]} {
    %get3A = arith.constant 0 : index
    %get3A_0 = arith.constant 0 : index
    %get3A_1 = vector.load %arg3[%get3A, %get3A_0] : memref<2000x1xf32, #tpu.memory_space<vmem>>, vector<2000x1xf32>
    %max3A = arith.constant 1.000000e+00 : f32
    %max3A_2 = vector.broadcast %max3A : f32 to vector<2000x1xf32>
    %max3A_3 = arith.maximumf %get3A_1, %max3A_2 : vector<2000x1xf32>
    %get3A_4 = arith.constant 0 : index
    %get3A_5 = arith.constant 0 : index
    %get3A_6 = vector.load %arg1[%get3A_4, %get3A_5] : memref<2000x256xf32, #tpu.memory_space<vmem>>, vector<2000x256xf32>
    %get3A_7 = arith.constant 0 : index
    %get3A_8 = arith.constant 0 : index
    %get3A_9 = vector.load %arg2[%get3A_7, %get3A_8] : memref<2000x256xf32, #tpu.memory_space<vmem>>, vector<2000x256xf32>
    %div3A = vector.broadcast %max3A_3 : vector<2000x1xf32> to vector<2000x256xf32>
    %div3A_10 = arith.divf %get3A_9, %div3A : vector<2000x256xf32>
    %add3A = arith.addf %get3A_6, %div3A_10 : vector<2000x256xf32>
    %get3A_11 = arith.constant 0 : index
    %get3A_12 = arith.constant 0 : index
    %get3A_13 = vector.load %arg4[%get3A_11, %get3A_12] : memref<256x256xf32, #tpu.memory_space<vmem>>, vector<256x256xf32>
    %dot_general3A = arith.constant dense<0.000000e+00> : vector<2000x256xf32>
    %dot_general3A_14 = tpu.matmul %add3A, %get3A_13, %dot_general3A {dimension_numbers = #tpu.dot_dimension_numbers<[1], [0], [0], [1], [0, 0, 1, 1], [], []>, precision = #tpu.contract_precision<fp32>, transpose_lhs_hint = false} : vector<2000x256xf32>, vector<256x256xf32>, vector<2000x256xf32> -> vector<2000x256xf32>
    %get3A_15 = arith.constant 0 : index
    %get3A_16 = arith.constant 0 : index
    %get3A_17 = vector.load %arg5[%get3A_15, %get3A_16] : memref<1x256xf32, #tpu.memory_space<vmem>>, vector<1x256xf32>
    %add3A_18 = vector.broadcast %get3A_17 : vector<1x256xf32> to vector<2000x256xf32>
    %add3A_19 = arith.addf %dot_general3A_14, %add3A_18 : vector<2000x256xf32>
    %max3A_20 = arith.constant 0.000000e+00 : f32
    %max3A_21 = vector.broadcast %max3A_20 : f32 to vector<2000x256xf32>
    %max3A_22 = arith.maximumf %add3A_19, %max3A_21 : vector<2000x256xf32>
    %get3A_23 = arith.constant 0 : index
    %get3A_24 = arith.constant 0 : index
    %get3A_25 = vector.load %arg6[%get3A_23, %get3A_24] : memref<256x256xf32, #tpu.memory_space<vmem>>, vector<256x256xf32>
    %dot_general3A_26 = arith.constant dense<0.000000e+00> : vector<2000x256xf32>
    %dot_general3A_27 = tpu.matmul %max3A_22, %get3A_25, %dot_general3A_26 {dimension_numbers = #tpu.dot_dimension_numbers<[1], [0], [0], [1], [0, 0, 1, 1], [], []>, precision = #tpu.contract_precision<fp32>, transpose_lhs_hint = false} : vector<2000x256xf32>, vector<256x256xf32>, vector<2000x256xf32> -> vector<2000x256xf32>
    %get3A_28 = arith.constant 0 : index
    %get3A_29 = arith.constant 0 : index
    %get3A_30 = vector.load %arg7[%get3A_28, %get3A_29] : memref<1x256xf32, #tpu.memory_space<vmem>>, vector<1x256xf32>
    %add3A_31 = vector.broadcast %get3A_30 : vector<1x256xf32> to vector<2000x256xf32>
    %add3A_32 = arith.addf %dot_general3A_27, %add3A_31 : vector<2000x256xf32>
    %max3A_33 = arith.constant 0.000000e+00 : f32
    %max3A_34 = vector.broadcast %max3A_33 : f32 to vector<2000x256xf32>
    %max3A_35 = arith.maximumf %add3A_32, %max3A_34 : vector<2000x256xf32>
    %swap3A = arith.constant 0 : index
    %swap3A_36 = arith.constant 0 : index
    %swap3A_37 = vector.load %arg8[%swap3A, %swap3A_36] : memref<2000x256xf32, #tpu.memory_space<vmem>>, vector<2000x256xf32>
    tpu.vector_store %arg8[%swap3A, %swap3A_36], %max3A_35 {strides = array<i32>} : memref<2000x256xf32, #tpu.memory_space<vmem>>, vector<2000x256xf32>,
    %eq3A = arith.constant 0 : i32
    %eq3A_38 = arith.cmpi eq, %arg0, %eq3A : i32
    %convert_element_type3A = arith.extui %eq3A_38 : i1 to i32
    %cond3A = arith.constant 0 : i32
    %cond3A_39 = arith.cmpi ne, %convert_element_type3A, %cond3A : i32
    scf.if %cond3A_39 {
      %broadcast_in_dim3A_58 = arith.constant 0.000000e+00 : f32
      %broadcast_in_dim3A_59 = vector.broadcast %broadcast_in_dim3A_58 : f32 to vector<1x256xf32>
      %swap3A_60 = arith.constant 0 : index
      %swap3A_61 = arith.constant 0 : index
      %swap3A_62 = vector.load %arg9[%swap3A_60, %swap3A_61] : memref<1x256xf32, #tpu.memory_space<vmem>>, vector<1x256xf32>
      tpu.vector_store %arg9[%swap3A_60, %swap3A_61], %broadcast_in_dim3A_59 {strides = array<i32>} : memref<1x256xf32, #tpu.memory_space<vmem>>, vector<1x256xf32>,
      %broadcast_in_dim3A_63 = arith.constant 0.000000e+00 : f32
      %broadcast_in_dim3A_64 = vector.broadcast %broadcast_in_dim3A_63 : f32 to vector<1x256xf32>
      %swap3A_65 = arith.constant 0 : index
      %swap3A_66 = arith.constant 0 : index
      %swap3A_67 = vector.load %arg10[%swap3A_65, %swap3A_66] : memref<1x256xf32, #tpu.memory_space<vmem>>, vector<1x256xf32>
      tpu.vector_store %arg10[%swap3A_65, %swap3A_66], %broadcast_in_dim3A_64 {strides = array<i32>} : memref<1x256xf32, #tpu.memory_space<vmem>>, vector<1x256xf32>,
    } else {
    }
    %get3A_40 = arith.constant 0 : index
    %get3A_41 = arith.constant 0 : index
    %get3A_42 = vector.load %arg9[%get3A_40, %get3A_41] : memref<1x256xf32, #tpu.memory_space<vmem>>, vector<1x256xf32>
    %reduce_sum3A = arith.constant dense<0.000000e+00> : vector<256xf32>
    %reduce_sum3A_43 = vector.multi_reduction <add>, %max3A_35, %reduce_sum3A [0] : vector<2000x256xf32> to vector<256xf32>
    %broadcast_in_dim3A = vector.shape_cast %reduce_sum3A_43 : vector<256xf32> to vector<1x256xf32>
    %add3A_44 = arith.addf %get3A_42, %broadcast_in_dim3A : vector<1x256xf32>
    %swap3A_45 = arith.constant 0 : index
    %swap3A_46 = arith.constant 0 : index
    %swap3A_47 = vector.load %arg9[%swap3A_45, %swap3A_46] : memref<1x256xf32, #tpu.memory_space<vmem>>, vector<1x256xf32>
    tpu.vector_store %arg9[%swap3A_45, %swap3A_46], %add3A_44 {strides = array<i32>} : memref<1x256xf32, #tpu.memory_space<vmem>>, vector<1x256xf32>,
    %get3A_48 = arith.constant 0 : index
    %get3A_49 = arith.constant 0 : index
    %get3A_50 = vector.load %arg10[%get3A_48, %get3A_49] : memref<1x256xf32, #tpu.memory_space<vmem>>, vector<1x256xf32>
    %mul3A = arith.mulf %max3A_35, %max3A_35 : vector<2000x256xf32>
    %reduce_sum3A_51 = arith.constant dense<0.000000e+00> : vector<256xf32>
    %reduce_sum3A_52 = vector.multi_reduction <add>, %mul3A, %reduce_sum3A_51 [0] : vector<2000x256xf32> to vector<256xf32>
    %broadcast_in_dim3A_53 = vector.shape_cast %reduce_sum3A_52 : vector<256xf32> to vector<1x256xf32>
    %add3A_54 = arith.addf %get3A_50, %broadcast_in_dim3A_53 : vector<1x256xf32>
    %swap3A_55 = arith.constant 0 : index
    %swap3A_56 = arith.constant 0 : index
    %swap3A_57 = vector.load %arg10[%swap3A_55, %swap3A_56] : memref<1x256xf32, #tpu.memory_space<vmem>>, vector<1x256xf32>
    tpu.vector_store %arg10[%swap3A_55, %swap3A_56], %add3A_54 {strides = array<i32>} : memref<1x256xf32, #tpu.memory_space<vmem>>, vector<1x256xf32>,
    return
  }
  func.func @transform_0(%arg0: i32) -> (i32, i32) {
    %c0_i32 = arith.constant 0 : i32
    %c0_i32_0 = arith.constant 0 : i32
    return %arg0, %c0_i32 : i32, i32
  }
  func.func @transform_1(%arg0: i32) -> (i32, i32) {
    %c0_i32 = arith.constant 0 : i32
    %c0_i32_0 = arith.constant 0 : i32
    return %arg0, %c0_i32 : i32, i32
  }
  func.func @transform_2(%arg0: i32) -> (i32, i32) {
    %c0_i32 = arith.constant 0 : i32
    %c0_i32_0 = arith.constant 0 : i32
    return %arg0, %c0_i32 : i32, i32
  }
  func.func @transform_3(%arg0: i32) -> (i32, i32) {
    %c0_i32 = arith.constant 0 : i32
    %c0_i32_0 = arith.constant 0 : i32
    %c0_i32_1 = arith.constant 0 : i32
    return %c0_i32, %c0_i32_0 : i32, i32
  }
  func.func @transform_4(%arg0: i32) -> (i32, i32) {
    %c0_i32 = arith.constant 0 : i32
    %c0_i32_0 = arith.constant 0 : i32
    %c0_i32_1 = arith.constant 0 : i32
    return %c0_i32, %c0_i32_0 : i32, i32
  }
  func.func @transform_5(%arg0: i32) -> (i32, i32) {
    %c0_i32 = arith.constant 0 : i32
    %c0_i32_0 = arith.constant 0 : i32
    %c0_i32_1 = arith.constant 0 : i32
    return %c0_i32, %c0_i32_0 : i32, i32
  }
  func.func @transform_6(%arg0: i32) -> (i32, i32) {
    %c0_i32 = arith.constant 0 : i32
    %c0_i32_0 = arith.constant 0 : i32
    %c0_i32_1 = arith.constant 0 : i32
    return %c0_i32, %c0_i32_0 : i32, i32
  }
  func.func @transform_7(%arg0: i32) -> (i32, i32) {
    %c0_i32 = arith.constant 0 : i32
    %c0_i32_0 = arith.constant 0 : i32
    return %arg0, %c0_i32 : i32, i32
  }
  func.func @transform_8(%arg0: i32) -> (i32, i32) {
    %c0_i32 = arith.constant 0 : i32
    %c0_i32_0 = arith.constant 0 : i32
    %c0_i32_1 = arith.constant 0 : i32
    return %c0_i32, %c0_i32_0 : i32, i32
  }
  func.func @transform_9(%arg0: i32) -> (i32, i32) {
    %c0_i32 = arith.constant 0 : i32
    %c0_i32_0 = arith.constant 0 : i32
    %c0_i32_1 = arith.constant 0 : i32
    return %c0_i32, %c0_i32_0 : i32, i32
  }
}

module attributes {stable_mosaic.version = 14 : i64} {
  func.func @_bn_body(%arg0: i32, %arg1: memref<2000x256xf32, #tpu.memory_space<vmem>>, %arg2: memref<1x256xf32, #tpu.memory_space<vmem>>, %arg3: memref<1x256xf32, #tpu.memory_space<vmem>>, %arg4: memref<1x256xf32, #tpu.memory_space<vmem>>, %arg5: memref<1x256xf32, #tpu.memory_space<vmem>>, %arg6: memref<2000x256xf32, #tpu.memory_space<vmem>>, %arg7: memref<2000x256xf32, #tpu.memory_space<vmem>>, %arg8: memref<2000x256xf32, #tpu.memory_space<vmem>>) attributes {dimension_semantics = [#tpu.dimension_semantics<arbitrary>], iteration_bounds = array<i64: 5>, scalar_prefetch = 0 : i64, scratch_operands = 0 : i64, tpu.core_type = #tpu.core_type<tc>, window_params = [{transform_indices = @transform_0, window_bounds = array<i64: 2000, 256>}, {pipeline_mode = #tpu.pipeline_mode<synchronous>, transform_indices = @transform_1, window_bounds = array<i64: 1, 256>}, {pipeline_mode = #tpu.pipeline_mode<synchronous>, transform_indices = @transform_2, window_bounds = array<i64: 1, 256>}, {pipeline_mode = #tpu.pipeline_mode<synchronous>, transform_indices = @transform_3, window_bounds = array<i64: 1, 256>}, {pipeline_mode = #tpu.pipeline_mode<synchronous>, transform_indices = @transform_4, window_bounds = array<i64: 1, 256>}, {transform_indices = @transform_5, window_bounds = array<i64: 2000, 256>}, {transform_indices = @transform_6, window_bounds = array<i64: 2000, 256>}, {transform_indices = @transform_7, window_bounds = array<i64: 2000, 256>}]} {
    %get3A = arith.constant 0 : index
    %get3A_0 = arith.constant 0 : index
    %get3A_1 = vector.load %arg2[%get3A, %get3A_0] : memref<1x256xf32, #tpu.memory_space<vmem>>, vector<1x256xf32>
    %mul3A = arith.constant 9.99999974E-5 : f32
    %mul3A_2 = vector.broadcast %mul3A : f32 to vector<1x256xf32>
    %mul3A_3 = arith.mulf %get3A_1, %mul3A_2 : vector<1x256xf32>
    %get3A_4 = arith.constant 0 : index
    %get3A_5 = arith.constant 0 : index
    %get3A_6 = vector.load %arg3[%get3A_4, %get3A_5] : memref<1x256xf32, #tpu.memory_space<vmem>>, vector<1x256xf32>
    %mul3A_7 = arith.constant 9.99999974E-5 : f32
    %mul3A_8 = vector.broadcast %mul3A_7 : f32 to vector<1x256xf32>
    %mul3A_9 = arith.mulf %get3A_6, %mul3A_8 : vector<1x256xf32>
    %mul3A_10 = arith.mulf %mul3A_3, %mul3A_3 : vector<1x256xf32>
    %sub3A = arith.subf %mul3A_9, %mul3A_10 : vector<1x256xf32>
    %max3A = arith.constant 0.000000e+00 : f32
    %max3A_11 = vector.broadcast %max3A : f32 to vector<1x256xf32>
    %max3A_12 = arith.maximumf %sub3A, %max3A_11 : vector<1x256xf32>
    %get3A_13 = arith.constant 0 : index
    %get3A_14 = arith.constant 0 : index
    %get3A_15 = vector.load %arg1[%get3A_13, %get3A_14] : memref<2000x256xf32, #tpu.memory_space<vmem>>, vector<2000x256xf32>
    %get3A_16 = arith.constant 0 : index
    %get3A_17 = arith.constant 0 : index
    %get3A_18 = vector.load %arg4[%get3A_16, %get3A_17] : memref<1x256xf32, #tpu.memory_space<vmem>>, vector<1x256xf32>
    %sub3A_19 = vector.broadcast %mul3A_3 : vector<1x256xf32> to vector<2000x256xf32>
    %sub3A_20 = arith.subf %get3A_15, %sub3A_19 : vector<2000x256xf32>
    %mul3A_21 = vector.broadcast %get3A_18 : vector<1x256xf32> to vector<2000x256xf32>
    %mul3A_22 = arith.mulf %mul3A_21, %sub3A_20 : vector<2000x256xf32>
    %add3A = arith.constant 9.99999974E-6 : f32
    %add3A_23 = vector.broadcast %add3A : f32 to vector<1x256xf32>
    %add3A_24 = arith.addf %max3A_12, %add3A_23 : vector<1x256xf32>
    %sqrt3A = math.sqrt %add3A_24 : vector<1x256xf32>
    %div3A = vector.broadcast %sqrt3A : vector<1x256xf32> to vector<2000x256xf32>
    %div3A_25 = arith.divf %mul3A_22, %div3A : vector<2000x256xf32>
    %get3A_26 = arith.constant 0 : index
    %get3A_27 = arith.constant 0 : index
    %get3A_28 = vector.load %arg5[%get3A_26, %get3A_27] : memref<1x256xf32, #tpu.memory_space<vmem>>, vector<1x256xf32>
    %add3A_29 = vector.broadcast %get3A_28 : vector<1x256xf32> to vector<2000x256xf32>
    %add3A_30 = arith.addf %div3A_25, %add3A_29 : vector<2000x256xf32>
    %swap3A = arith.constant 0 : index
    %swap3A_31 = arith.constant 0 : index
    %swap3A_32 = vector.load %arg7[%swap3A, %swap3A_31] : memref<2000x256xf32, #tpu.memory_space<vmem>>, vector<2000x256xf32>
    tpu.vector_store %arg7[%swap3A, %swap3A_31], %add3A_30 {strides = array<i32>} : memref<2000x256xf32, #tpu.memory_space<vmem>>, vector<2000x256xf32>,
    %get3A_33 = arith.constant 0 : index
    %get3A_34 = arith.constant 0 : index
    %get3A_35 = vector.load %arg6[%get3A_33, %get3A_34] : memref<2000x256xf32, #tpu.memory_space<vmem>>, vector<2000x256xf32>
    %add3A_36 = arith.addf %get3A_35, %add3A_30 : vector<2000x256xf32>
    %swap3A_37 = arith.constant 0 : index
    %swap3A_38 = arith.constant 0 : index
    %swap3A_39 = vector.load %arg8[%swap3A_37, %swap3A_38] : memref<2000x256xf32, #tpu.memory_space<vmem>>, vector<2000x256xf32>
    tpu.vector_store %arg8[%swap3A_37, %swap3A_38], %add3A_36 {strides = array<i32>} : memref<2000x256xf32, #tpu.memory_space<vmem>>, vector<2000x256xf32>,
    return
  }
  func.func @transform_0(%arg0: i32) -> (i32, i32) {
    %c0_i32 = arith.constant 0 : i32
    %c0_i32_0 = arith.constant 0 : i32
    return %arg0, %c0_i32 : i32, i32
  }
  func.func @transform_1(%arg0: i32) -> (i32, i32) {
    %c0_i32 = arith.constant 0 : i32
    %c0_i32_0 = arith.constant 0 : i32
    %c0_i32_1 = arith.constant 0 : i32
    return %c0_i32, %c0_i32_0 : i32, i32
  }
  func.func @transform_2(%arg0: i32) -> (i32, i32) {
    %c0_i32 = arith.constant 0 : i32
    %c0_i32_0 = arith.constant 0 : i32
    %c0_i32_1 = arith.constant 0 : i32
    return %c0_i32, %c0_i32_0 : i32, i32
  }
  func.func @transform_3(%arg0: i32) -> (i32, i32) {
    %c0_i32 = arith.constant 0 : i32
    %c0_i32_0 = arith.constant 0 : i32
    %c0_i32_1 = arith.constant 0 : i32
    return %c0_i32, %c0_i32_0 : i32, i32
  }
  func.func @transform_4(%arg0: i32) -> (i32, i32) {
    %c0_i32 = arith.constant 0 : i32
    %c0_i32_0 = arith.constant 0 : i32
    %c0_i32_1 = arith.constant 0 : i32
    return %c0_i32, %c0_i32_0 : i32, i32
  }
  func.func @transform_5(%arg0: i32) -> (i32, i32) {
    %c0_i32 = arith.constant 0 : i32
    %c0_i32_0 = arith.constant 0 : i32
    return %arg0, %c0_i32 : i32, i32
  }
  func.func @transform_6(%arg0: i32) -> (i32, i32) {
    %c0_i32 = arith.constant 0 : i32
    %c0_i32_0 = arith.constant 0 : i32
    return %arg0, %c0_i32 : i32, i32
  }
  func.func @transform_7(%arg0: i32) -> (i32, i32) {
    %c0_i32 = arith.constant 0 : i32
    %c0_i32_0 = arith.constant 0 : i32
    return %arg0, %c0_i32 : i32, i32
  }
}

module attributes {stable_mosaic.version = 14 : i64} {
  func.func @_embed_body(%arg0: memref<10000x256xf32, #tpu.memory_space<vmem>>, %arg1: memref<100x256xf32, #tpu.memory_space<vmem>>) attributes {dimension_semantics = [], scalar_prefetch = 0 : i64, scratch_operands = 0 : i64, tpu.core_type = #tpu.core_type<tc>} {
    %iota3A = tpu.iota {dimensions = array<i32: 1>} : vector<100x10000xi32>
    %jit3A = arith.constant 100 : i32
    %div3A = vector.broadcast %jit3A : i32 to vector<100x10000xi32>
    %div3A_0 = arith.divsi %iota3A, %div3A : vector<100x10000xi32>
    %sign3A = arith.constant 0 : i32
    %sign3A_1 = vector.broadcast %sign3A : i32 to vector<100x10000xi32>
    %sign3A_2 = arith.cmpi sgt, %iota3A, %sign3A_1 : vector<100x10000xi32>
    %sign3A_3 = arith.extui %sign3A_2 : vector<100x10000xi1> to vector<100x10000xi32>
    %sign3A_4 = arith.constant 0 : i32
    %sign3A_5 = vector.broadcast %sign3A_4 : i32 to vector<100x10000xi32>
    %sign3A_6 = arith.cmpi slt, %iota3A, %sign3A_5 : vector<100x10000xi32>
    %sign3A_7 = arith.extui %sign3A_6 : vector<100x10000xi1> to vector<100x10000xi32>
    %sign3A_8 = arith.subi %sign3A_3, %sign3A_7 : vector<100x10000xi32>
    %sign3A_9 = arith.constant 0 : i32
    %sign3A_10 = arith.cmpi sgt, %jit3A, %sign3A_9 : i32
    %sign3A_11 = arith.extui %sign3A_10 : i1 to i32
    %sign3A_12 = arith.constant 0 : i32
    %sign3A_13 = arith.cmpi slt, %jit3A, %sign3A_12 : i32
    %sign3A_14 = arith.extui %sign3A_13 : i1 to i32
    %sign3A_15 = arith.subi %sign3A_11, %sign3A_14 : i32
    %ne3A = vector.broadcast %sign3A_15 : i32 to vector<100x10000xi32>
    %ne3A_16 = arith.cmpi ne, %sign3A_8, %ne3A : vector<100x10000xi32>
    %rem3A = vector.broadcast %jit3A : i32 to vector<100x10000xi32>
    %rem3A_17 = arith.remsi %iota3A, %rem3A : vector<100x10000xi32>
    %ne3A_18 = arith.constant 0 : i32
    %ne3A_19 = vector.broadcast %ne3A_18 : i32 to vector<100x10000xi32>
    %ne3A_20 = arith.cmpi ne, %rem3A_17, %ne3A_19 : vector<100x10000xi32>
    %and3A = arith.andi %ne3A_16, %ne3A_20 : vector<100x10000xi1>
    %sub3A = arith.constant 1 : i32
    %sub3A_21 = vector.broadcast %sub3A : i32 to vector<100x10000xi32>
    %sub3A_22 = arith.subi %div3A_0, %sub3A_21 : vector<100x10000xi32>
    %select_n3A = arith.select %and3A, %sub3A_22, %div3A_0 : vector<100x10000xi1>, vector<100x10000xi32>
    %iota3A_23 = tpu.iota {dimensions = array<i32: 0>} : vector<100x10000xi32>
    %eq3A = arith.cmpi eq, %select_n3A, %iota3A_23 : vector<100x10000xi32>
    %convert_element_type3A = arith.extui %eq3A : vector<100x10000xi1> to vector<100x10000xi32>
    %convert_element_type3A_24 = arith.sitofp %convert_element_type3A : vector<100x10000xi32> to vector<100x10000xf32>
    %get3A = arith.constant 0 : index
    %get3A_25 = arith.constant 0 : index
    %get3A_26 = vector.load %arg0[%get3A, %get3A_25] : memref<10000x256xf32, #tpu.memory_space<vmem>>, vector<10000x256xf32>
    %dot_general3A = arith.constant dense<0.000000e+00> : vector<100x256xf32>
    %dot_general3A_27 = tpu.matmul %convert_element_type3A_24, %get3A_26, %dot_general3A {dimension_numbers = #tpu.dot_dimension_numbers<[1], [0], [0], [1], [0, 0, 1, 1], [], []>, precision = #tpu.contract_precision<fp32>, transpose_lhs_hint = false} : vector<100x10000xf32>, vector<10000x256xf32>, vector<100x256xf32> -> vector<100x256xf32>
    %mul3A = arith.constant 0.00999999977 : f32
    %mul3A_28 = vector.broadcast %mul3A : f32 to vector<100x256xf32>
    %mul3A_29 = arith.mulf %dot_general3A_27, %mul3A_28 : vector<100x256xf32>
    %swap3A = arith.constant 0 : index
    %swap3A_30 = arith.constant 0 : index
    %swap3A_31 = vector.load %arg1[%swap3A, %swap3A_30] : memref<100x256xf32, #tpu.memory_space<vmem>>, vector<100x256xf32>
    tpu.vector_store %arg1[%swap3A, %swap3A_30], %mul3A_29 {strides = array<i32>} : memref<100x256xf32, #tpu.memory_space<vmem>>, vector<100x256xf32>,
    return
  }
}

module attributes {stable_mosaic.version = 14 : i64} {
  func.func @_head_body(%arg0: i32, %arg1: memref<1x100x256xf32, #tpu.memory_space<vmem>>, %arg2: memref<1x1x256xf32, #tpu.memory_space<vmem>>, %arg3: memref<1x128x1xi32, #tpu.memory_space<vmem>>, %arg4: memref<1x128x1xi32, #tpu.memory_space<vmem>>, %arg5: memref<1x1x128xi32, #tpu.memory_space<vmem>>, %arg6: memref<1x1x128xi32, #tpu.memory_space<vmem>>, %arg7: memref<1x1x128xf32, #tpu.memory_space<vmem>>, %arg8: memref<256x256xf32, #tpu.memory_space<vmem>>, %arg9: memref<256x256xf32, #tpu.memory_space<vmem>>, %arg10: memref<256x256xf32, #tpu.memory_space<vmem>>, %arg11: memref<1x256xf32, #tpu.memory_space<vmem>>, %arg12: memref<256x128xf32, #tpu.memory_space<vmem>>, %arg13: memref<1x128xf32, #tpu.memory_space<vmem>>, %arg14: memref<128x128xf32, #tpu.memory_space<vmem>>, %arg15: memref<1x128xf32, #tpu.memory_space<vmem>>, %arg16: memref<128x64xf32, #tpu.memory_space<vmem>>, %arg17: memref<1x64xf32, #tpu.memory_space<vmem>>, %arg18: memref<64x64xf32, #tpu.memory_space<vmem>>, %arg19: memref<1x64xf32, #tpu.memory_space<vmem>>, %arg20: memref<1x64xf32, #tpu.memory_space<vmem>>, %arg21: memref<1x1xf32, #tpu.memory_space<vmem>>, %arg22: memref<1x1x2xi32, #tpu.memory_space<vmem>>, %arg23: memref<1x1x1xf32, #tpu.memory_space<vmem>>, %arg24: memref<1x1xf32, #tpu.memory_space<vmem>>) attributes {dimension_semantics = [#tpu.dimension_semantics<arbitrary>], iteration_bounds = array<i64: 100>, scalar_prefetch = 0 : i64, scratch_operands = 0 : i64, tpu.core_type = #tpu.core_type<tc>, window_params = [{transform_indices = @transform_0, window_bounds = array<i64: 1, 100, 256>}, {transform_indices = @transform_1, window_bounds = array<i64: 1, 1, 256>}, {transform_indices = @transform_2, window_bounds = array<i64: 1, 128, 1>}, {transform_indices = @transform_3, window_bounds = array<i64: 1, 128, 1>}, {transform_indices = @transform_4, window_bounds = array<i64: 1, 1, 128>}, {transform_indices = @transform_5, window_bounds = array<i64: 1, 1, 128>}, {transform_indices = @transform_6, window_bounds = array<i64: 1, 1, 128>}, {pipeline_mode = #tpu.pipeline_mode<synchronous>, transform_indices = @transform_7, window_bounds = array<i64: 256, 256>}, {pipeline_mode = #tpu.pipeline_mode<synchronous>, transform_indices = @transform_8, window_bounds = array<i64: 256, 256>}, {pipeline_mode = #tpu.pipeline_mode<synchronous>, transform_indices = @transform_9, window_bounds = array<i64: 256, 256>}, {pipeline_mode = #tpu.pipeline_mode<synchronous>, transform_indices = @transform_10, window_bounds = array<i64: 1, 256>}, {pipeline_mode = #tpu.pipeline_mode<synchronous>, transform_indices = @transform_11, window_bounds = array<i64: 256, 128>}, {pipeline_mode = #tpu.pipeline_mode<synchronous>, transform_indices = @transform_12, window_bounds = array<i64: 1, 128>}, {pipeline_mode = #tpu.pipeline_mode<synchronous>, transform_indices = @transform_13, window_bounds = array<i64: 128, 128>}, {pipeline_mode = #tpu.pipeline_mode<synchronous>, transform_indices = @transform_14, window_bounds = array<i64: 1, 128>}, {pipeline_mode = #tpu.pipeline_mode<synchronous>, transform_indices = @transform_15, window_bounds = array<i64: 128, 64>}, {pipeline_mode = #tpu.pipeline_mode<synchronous>, transform_indices = @transform_16, window_bounds = array<i64: 1, 64>}, {pipeline_mode = #tpu.pipeline_mode<synchronous>, transform_indices = @transform_17, window_bounds = array<i64: 64, 64>}, {pipeline_mode = #tpu.pipeline_mode<synchronous>, transform_indices = @transform_18, window_bounds = array<i64: 1, 64>}, {pipeline_mode = #tpu.pipeline_mode<synchronous>, transform_indices = @transform_19, window_bounds = array<i64: 1, 64>}, {pipeline_mode = #tpu.pipeline_mode<synchronous>, transform_indices = @transform_20, window_bounds = array<i64: 1, 1>}, {transform_indices = @transform_21, window_bounds = array<i64: 1, 1, 2>}, {transform_indices = @transform_22, window_bounds = array<i64: 1, 1, 1>}, {pipeline_mode = #tpu.pipeline_mode<synchronous>, transform_indices = @transform_23, window_bounds = array<i64: 1, 1>}]} {
    %get3A = arith.constant 0 : index
    %get3A_0 = arith.constant 0 : index
    %get3A_1 = arith.constant 0 : index
    %get3A_2 = vector.load %arg1[%get3A, %get3A_0, %get3A_1] : memref<1x100x256xf32, #tpu.memory_space<vmem>>, vector<1x100x256xf32>
    %get3A_3 = vector.shape_cast %get3A_2 : vector<1x100x256xf32> to vector<100x256xf32>
    %iota3A = tpu.iota {dimensions = array<i32: 1>} : vector<128x100xi32>
    %get3A_4 = arith.constant 0 : index
    %get3A_5 = arith.constant 0 : index
    %get3A_6 = arith.constant 0 : index
    %get3A_7 = vector.load %arg3[%get3A_4, %get3A_5, %get3A_6] : memref<1x128x1xi32, #tpu.memory_space<vmem>>, vector<1x128x1xi32>
    %get3A_8 = vector.shape_cast %get3A_7 : vector<1x128x1xi32> to vector<128x1xi32>
    %eq3A = vector.broadcast %get3A_8 : vector<128x1xi32> to vector<128x100xi32>
    %eq3A_9 = arith.cmpi eq, %eq3A, %iota3A : vector<128x100xi32>
    %convert_element_type3A = arith.extui %eq3A_9 : vector<128x100xi1> to vector<128x100xi32>
    %convert_element_type3A_10 = arith.sitofp %convert_element_type3A : vector<128x100xi32> to vector<128x100xf32>
    %get3A_11 = arith.constant 0 : index
    %get3A_12 = arith.constant 0 : index
    %get3A_13 = arith.constant 0 : index
    %get3A_14 = vector.load %arg4[%get3A_11, %get3A_12, %get3A_13] : memref<1x128x1xi32, #tpu.memory_space<vmem>>, vector<1x128x1xi32>
    %get3A_15 = vector.shape_cast %get3A_14 : vector<1x128x1xi32> to vector<128x1xi32>
    %eq3A_16 = vector.broadcast %get3A_15 : vector<128x1xi32> to vector<128x100xi32>
    %eq3A_17 = arith.cmpi eq, %eq3A_16, %iota3A : vector<128x100xi32>
    %convert_element_type3A_18 = arith.extui %eq3A_17 : vector<128x100xi1> to vector<128x100xi32>
    %convert_element_type3A_19 = arith.sitofp %convert_element_type3A_18 : vector<128x100xi32> to vector<128x100xf32>
    %dot_general3A = arith.constant dense<0.000000e+00> : vector<128x256xf32>
    %dot_general3A_20 = tpu.matmul %convert_element_type3A_10, %get3A_3, %dot_general3A {dimension_numbers = #tpu.dot_dimension_numbers<[1], [0], [0], [1], [0, 0, 1, 1], [], []>, precision = #tpu.contract_precision<fp32>, transpose_lhs_hint = false} : vector<128x100xf32>, vector<100x256xf32>, vector<128x256xf32> -> vector<128x256xf32>
    %dot_general3A_21 = arith.constant dense<0.000000e+00> : vector<128x256xf32>
    %dot_general3A_22 = tpu.matmul %convert_element_type3A_19, %get3A_3, %dot_general3A_21 {dimension_numbers = #tpu.dot_dimension_numbers<[1], [0], [0], [1], [0, 0, 1, 1], [], []>, precision = #tpu.contract_precision<fp32>, transpose_lhs_hint = false} : vector<128x100xf32>, vector<100x256xf32>, vector<128x256xf32> -> vector<128x256xf32>
    %get3A_23 = arith.constant 0 : index
    %get3A_24 = arith.constant 0 : index
    %get3A_25 = arith.constant 0 : index
    %get3A_26 = vector.load %arg2[%get3A_23, %get3A_24, %get3A_25] : memref<1x1x256xf32, #tpu.memory_space<vmem>>, vector<1x1x256xf32>
    %get3A_27 = vector.shape_cast %get3A_26 : vector<1x1x256xf32> to vector<1x256xf32>
    %get3A_28 = arith.constant 0 : index
    %get3A_29 = arith.constant 0 : index
    %get3A_30 = vector.load %arg8[%get3A_28, %get3A_29] : memref<256x256xf32, #tpu.memory_space<vmem>>, vector<256x256xf32>
    %dot_general3A_31 = arith.constant dense<0.000000e+00> : vector<128x256xf32>
    %dot_general3A_32 = tpu.matmul %dot_general3A_20, %get3A_30, %dot_general3A_31 {dimension_numbers = #tpu.dot_dimension_numbers<[1], [0], [0], [1], [0, 0, 1, 1], [], []>, precision = #tpu.contract_precision<fp32>, transpose_lhs_hint = false} : vector<128x256xf32>, vector<256x256xf32>, vector<128x256xf32> -> vector<128x256xf32>
    %get3A_33 = arith.constant 0 : index
    %get3A_34 = arith.constant 0 : index
    %get3A_35 = vector.load %arg9[%get3A_33, %get3A_34] : memref<256x256xf32, #tpu.memory_space<vmem>>, vector<256x256xf32>
    %dot_general3A_36 = arith.constant dense<0.000000e+00> : vector<128x256xf32>
    %dot_general3A_37 = tpu.matmul %dot_general3A_22, %get3A_35, %dot_general3A_36 {dimension_numbers = #tpu.dot_dimension_numbers<[1], [0], [0], [1], [0, 0, 1, 1], [], []>, precision = #tpu.contract_precision<fp32>, transpose_lhs_hint = false} : vector<128x256xf32>, vector<256x256xf32>, vector<128x256xf32> -> vector<128x256xf32>
    %add3A = arith.addf %dot_general3A_32, %dot_general3A_37 : vector<128x256xf32>
    %get3A_38 = arith.constant 0 : index
    %get3A_39 = arith.constant 0 : index
    %get3A_40 = vector.load %arg10[%get3A_38, %get3A_39] : memref<256x256xf32, #tpu.memory_space<vmem>>, vector<256x256xf32>
    %dot_general3A_41 = arith.constant dense<0.000000e+00> : vector<1x256xf32>
    %dot_general3A_42 = tpu.matmul %get3A_27, %get3A_40, %dot_general3A_41 {dimension_numbers = #tpu.dot_dimension_numbers<[1], [0], [0], [1], [0, 0, 1, 1], [], []>, precision = #tpu.contract_precision<fp32>, transpose_lhs_hint = false} : vector<1x256xf32>, vector<256x256xf32>, vector<1x256xf32> -> vector<1x256xf32>
    %add3A_43 = vector.broadcast %dot_general3A_42 : vector<1x256xf32> to vector<128x256xf32>
    %add3A_44 = arith.addf %add3A, %add3A_43 : vector<128x256xf32>
    %get3A_45 = arith.constant 0 : index
    %get3A_46 = arith.constant 0 : index
    %get3A_47 = vector.load %arg11[%get3A_45, %get3A_46] : memref<1x256xf32, #tpu.memory_space<vmem>>, vector<1x256xf32>
    %add3A_48 = vector.broadcast %get3A_47 : vector<1x256xf32> to vector<128x256xf32>
    %add3A_49 = arith.addf %add3A_44, %add3A_48 : vector<128x256xf32>
    %max3A = arith.constant 0.000000e+00 : f32
    %max3A_50 = vector.broadcast %max3A : f32 to vector<128x256xf32>
    %max3A_51 = arith.maximumf %add3A_49, %max3A_50 : vector<128x256xf32>
    %get3A_52 = arith.constant 0 : index
    %get3A_53 = arith.constant 0 : index
    %get3A_54 = vector.load %arg12[%get3A_52, %get3A_53] : memref<256x128xf32, #tpu.memory_space<vmem>>, vector<256x128xf32>
    %dot_general3A_55 = arith.constant dense<0.000000e+00> : vector<128x128xf32>
    %dot_general3A_56 = tpu.matmul %max3A_51, %get3A_54, %dot_general3A_55 {dimension_numbers = #tpu.dot_dimension_numbers<[1], [0], [0], [1], [0, 0, 1, 1], [], []>, precision = #tpu.contract_precision<fp32>, transpose_lhs_hint = false} : vector<128x256xf32>, vector<256x128xf32>, vector<128x128xf32> -> vector<128x128xf32>
    %get3A_57 = arith.constant 0 : index
    %get3A_58 = arith.constant 0 : index
    %get3A_59 = vector.load %arg13[%get3A_57, %get3A_58] : memref<1x128xf32, #tpu.memory_space<vmem>>, vector<1x128xf32>
    %add3A_60 = vector.broadcast %get3A_59 : vector<1x128xf32> to vector<128x128xf32>
    %add3A_61 = arith.addf %dot_general3A_56, %add3A_60 : vector<128x128xf32>
    %get3A_62 = arith.constant 0 : index
    %get3A_63 = arith.constant 0 : index
    %get3A_64 = vector.load %arg14[%get3A_62, %get3A_63] : memref<128x128xf32, #tpu.memory_space<vmem>>, vector<128x128xf32>
    %dot_general3A_65 = arith.constant dense<0.000000e+00> : vector<128x128xf32>
    %dot_general3A_66 = tpu.matmul %add3A_61, %get3A_64, %dot_general3A_65 {dimension_numbers = #tpu.dot_dimension_numbers<[1], [0], [0], [1], [0, 0, 1, 1], [], []>, precision = #tpu.contract_precision<fp32>, transpose_lhs_hint = false} : vector<128x128xf32>, vector<128x128xf32>, vector<128x128xf32> -> vector<128x128xf32>
    %get3A_67 = arith.constant 0 : index
    %get3A_68 = arith.constant 0 : index
    %get3A_69 = vector.load %arg15[%get3A_67, %get3A_68] : memref<1x128xf32, #tpu.memory_space<vmem>>, vector<1x128xf32>
    %add3A_70 = vector.broadcast %get3A_69 : vector<1x128xf32> to vector<128x128xf32>
    %add3A_71 = arith.addf %dot_general3A_66, %add3A_70 : vector<128x128xf32>
    %max3A_72 = arith.constant 0.000000e+00 : f32
    %max3A_73 = vector.broadcast %max3A_72 : f32 to vector<128x128xf32>
    %max3A_74 = arith.maximumf %add3A_71, %max3A_73 : vector<128x128xf32>
    %get3A_75 = arith.constant 0 : index
    %get3A_76 = arith.constant 0 : index
    %get3A_77 = vector.load %arg16[%get3A_75, %get3A_76] : memref<128x64xf32, #tpu.memory_space<vmem>>, vector<128x64xf32>
    %dot_general3A_78 = arith.constant dense<0.000000e+00> : vector<128x64xf32>
    %dot_general3A_79 = tpu.matmul %max3A_74, %get3A_77, %dot_general3A_78 {dimension_numbers = #tpu.dot_dimension_numbers<[1], [0], [0], [1], [0, 0, 1, 1], [], []>, precision = #tpu.contract_precision<fp32>, transpose_lhs_hint = false} : vector<128x128xf32>, vector<128x64xf32>, vector<128x64xf32> -> vector<128x64xf32>
    %get3A_80 = arith.constant 0 : index
    %get3A_81 = arith.constant 0 : index
    %get3A_82 = vector.load %arg17[%get3A_80, %get3A_81] : memref<1x64xf32, #tpu.memory_space<vmem>>, vector<1x64xf32>
    %add3A_83 = vector.broadcast %get3A_82 : vector<1x64xf32> to vector<128x64xf32>
    %add3A_84 = arith.addf %dot_general3A_79, %add3A_83 : vector<128x64xf32>
    %get3A_85 = arith.constant 0 : index
    %get3A_86 = arith.constant 0 : index
    %get3A_87 = vector.load %arg18[%get3A_85, %get3A_86] : memref<64x64xf32, #tpu.memory_space<vmem>>, vector<64x64xf32>
    %dot_general3A_88 = arith.constant dense<0.000000e+00> : vector<128x64xf32>
    %dot_general3A_89 = tpu.matmul %add3A_84, %get3A_87, %dot_general3A_88 {dimension_numbers = #tpu.dot_dimension_numbers<[1], [0], [0], [1], [0, 0, 1, 1], [], []>, precision = #tpu.contract_precision<fp32>, transpose_lhs_hint = false} : vector<128x64xf32>, vector<64x64xf32>, vector<128x64xf32> -> vector<128x64xf32>
    %get3A_90 = arith.constant 0 : index
    %get3A_91 = arith.constant 0 : index
    %get3A_92 = vector.load %arg19[%get3A_90, %get3A_91] : memref<1x64xf32, #tpu.memory_space<vmem>>, vector<1x64xf32>
    %add3A_93 = vector.broadcast %get3A_92 : vector<1x64xf32> to vector<128x64xf32>
    %add3A_94 = arith.addf %dot_general3A_89, %add3A_93 : vector<128x64xf32>
    %max3A_95 = arith.constant 0.000000e+00 : f32
    %max3A_96 = vector.broadcast %max3A_95 : f32 to vector<128x64xf32>
    %max3A_97 = arith.maximumf %add3A_94, %max3A_96 : vector<128x64xf32>
    %get3A_98 = arith.constant 0 : index
    %get3A_99 = arith.constant 0 : index
    %get3A_100 = vector.load %arg20[%get3A_98, %get3A_99] : memref<1x64xf32, #tpu.memory_space<vmem>>, vector<1x64xf32>
    %dot_general3A_101 = arith.constant dense<0.000000e+00> : vector<1x128xf32>
    %dot_general3A_102 = tpu.matmul %get3A_100, %max3A_97, %dot_general3A_101 {dimension_numbers = #tpu.dot_dimension_numbers<[1], [1], [0], [0], [0, 0, 1, 0], [], []>, precision = #tpu.contract_precision<fp32>, transpose_lhs_hint = false} : vector<1x64xf32>, vector<128x64xf32>, vector<1x128xf32> -> vector<1x128xf32>
    %get3A_103 = arith.constant 0 : index
    %get3A_104 = arith.constant 0 : index
    %get3A_105 = vector.load %arg21[%get3A_103, %get3A_104] : memref<1x1xf32, #tpu.memory_space<vmem>>, vector<1x1xf32>
    %add3A_106 = vector.broadcast %get3A_105 : vector<1x1xf32> to vector<1x128xf32>
    %add3A_107 = arith.addf %dot_general3A_102, %add3A_106 : vector<1x128xf32>
    %reduce_max3A = arith.constant dense<0xFF800000> : vector<1xf32>
    %reduce_max3A_108 = vector.multi_reduction <maximumf>, %add3A_107, %reduce_max3A [1] : vector<1x128xf32> to vector<1xf32>
    %broadcast_in_dim3A = vector.shape_cast %reduce_max3A_108 : vector<1xf32> to vector<1x1xf32>
    %sub3A = vector.broadcast %broadcast_in_dim3A : vector<1x1xf32> to vector<1x128xf32>
    %sub3A_109 = arith.subf %add3A_107, %sub3A : vector<1x128xf32>
    %exp3A = math.exp %sub3A_109 : vector<1x128xf32>
    %sub3A_110 = vector.broadcast %broadcast_in_dim3A : vector<1x1xf32> to vector<1x128xf32>
    %sub3A_111 = arith.subf %add3A_107, %sub3A_110 : vector<1x128xf32>
    %reduce_sum3A = arith.constant dense<0.000000e+00> : vector<1xf32>
    %reduce_sum3A_112 = vector.multi_reduction <add>, %exp3A, %reduce_sum3A [1] : vector<1x128xf32> to vector<1xf32>
    %broadcast_in_dim3A_113 = vector.shape_cast %reduce_sum3A_112 : vector<1xf32> to vector<1x1xf32>
    %log3A = math.log %broadcast_in_dim3A_113 : vector<1x1xf32>
    %sub3A_114 = vector.broadcast %log3A : vector<1x1xf32> to vector<1x128xf32>
    %sub3A_115 = arith.subf %sub3A_111, %sub3A_114 : vector<1x128xf32>
    %exp3A_116 = math.exp %sub3A_115 : vector<1x128xf32>
    %get3A_117 = arith.constant 0 : index
    %get3A_118 = arith.constant 0 : index
    %get3A_119 = arith.constant 0 : index
    %get3A_120 = vector.load %arg7[%get3A_117, %get3A_118, %get3A_119] : memref<1x1x128xf32, #tpu.memory_space<vmem>>, vector<1x1x128xf32>
    %get3A_121 = vector.shape_cast %get3A_120 : vector<1x1x128xf32> to vector<1x128xf32>
    %add3A_122 = arith.addf %add3A_107, %get3A_121 : vector<1x128xf32>
    %reduce_max3A_123 = arith.constant dense<0xFF800000> : vector<1xf32>
    %reduce_max3A_124 = vector.multi_reduction <maximumf>, %add3A_122, %reduce_max3A_123 [1] : vector<1x128xf32> to vector<1xf32>
    %broadcast_in_dim3A_125 = vector.shape_cast %reduce_max3A_124 : vector<1xf32> to vector<1x1xf32>
    %iota3A_126 = tpu.iota {dimensions = array<i32: 1>} : vector<1x128xi32>
    %eq3A_127 = vector.broadcast %broadcast_in_dim3A_125 : vector<1x1xf32> to vector<1x128xf32>
    %eq3A_128 = arith.cmpf oeq, %add3A_122, %eq3A_127 : vector<1x128xf32>
    %jit3A = arith.constant 128 : i32
    %broadcast_in_dim3A_129 = vector.broadcast %jit3A : i32 to vector<1x128xi32>
    %select_n3A = arith.select %eq3A_128, %iota3A_126, %broadcast_in_dim3A_129 : vector<1x128xi1>, vector<1x128xi32>
    %reduce_min3A = arith.constant dense<2147483647> : vector<1xi32>
    %reduce_min3A_130 = vector.multi_reduction <minsi>, %select_n3A, %reduce_min3A [1] : vector<1x128xi32> to vector<1xi32>
    %broadcast_in_dim3A_131 = vector.shape_cast %reduce_min3A_130 : vector<1xi32> to vector<1x1xi32>
    %eq3A_132 = vector.broadcast %broadcast_in_dim3A_131 : vector<1x1xi32> to vector<1x128xi32>
    %eq3A_133 = arith.cmpi eq, %iota3A_126, %eq3A_132 : vector<1x128xi32>
    %convert_element_type3A_134 = arith.extui %eq3A_133 : vector<1x128xi1> to vector<1x128xi32>
    %convert_element_type3A_135 = arith.sitofp %convert_element_type3A_134 : vector<1x128xi32> to vector<1x128xf32>
    %get3A_136 = arith.constant 0 : index
    %get3A_137 = arith.constant 0 : index
    %get3A_138 = arith.constant 0 : index
    %get3A_139 = vector.load %arg5[%get3A_136, %get3A_137, %get3A_138] : memref<1x1x128xi32, #tpu.memory_space<vmem>>, vector<1x1x128xi32>
    %get3A_140 = vector.shape_cast %get3A_139 : vector<1x1x128xi32> to vector<1x128xi32>
    %convert_element_type3A_141 = arith.sitofp %get3A_140 : vector<1x128xi32> to vector<1x128xf32>
    %mul3A = arith.mulf %convert_element_type3A_135, %convert_element_type3A_141 : vector<1x128xf32>
    %reduce_sum3A_142 = arith.constant dense<0.000000e+00> : vector<1xf32>
    %reduce_sum3A_143 = vector.multi_reduction <add>, %mul3A, %reduce_sum3A_142 [1] : vector<1x128xf32> to vector<1xf32>
    %broadcast_in_dim3A_144 = vector.shape_cast %reduce_sum3A_143 : vector<1xf32> to vector<1x1xf32>
    %get3A_145 = arith.constant 0 : index
    %get3A_146 = arith.constant 0 : index
    %get3A_147 = arith.constant 0 : index
    %get3A_148 = vector.load %arg6[%get3A_145, %get3A_146, %get3A_147] : memref<1x1x128xi32, #tpu.memory_space<vmem>>, vector<1x1x128xi32>
    %get3A_149 = vector.shape_cast %get3A_148 : vector<1x1x128xi32> to vector<1x128xi32>
    %convert_element_type3A_150 = arith.sitofp %get3A_149 : vector<1x128xi32> to vector<1x128xf32>
    %mul3A_151 = arith.mulf %convert_element_type3A_135, %convert_element_type3A_150 : vector<1x128xf32>
    %reduce_sum3A_152 = arith.constant dense<0.000000e+00> : vector<1xf32>
    %reduce_sum3A_153 = vector.multi_reduction <add>, %mul3A_151, %reduce_sum3A_152 [1] : vector<1x128xf32> to vector<1xf32>
    %broadcast_in_dim3A_154 = vector.shape_cast %reduce_sum3A_153 : vector<1xf32> to vector<1x1xf32>
    %concatenate3A = tpu.concatenate %broadcast_in_dim3A_144, %broadcast_in_dim3A_154 in 1 : vector<1x1xf32>, vector<1x1xf32> -> vector<1x2xf32>
    %convert_element_type3A_155 = arith.fptosi %concatenate3A : vector<1x2xf32> to vector<1x2xi32>
    %swap3A = arith.constant 0 : index
    %swap3A_156 = arith.constant 0 : index
    %swap3A_157 = arith.constant 0 : index
    %swap3A_158 = vector.load %arg22[%swap3A, %swap3A_156, %swap3A_157] : memref<1x1x2xi32, #tpu.memory_space<vmem>>, vector<1x1x2xi32>
    %swap3A_159 = vector.shape_cast %swap3A_158 : vector<1x1x2xi32> to vector<1x2xi32>
    %swap3A_160 = vector.shape_cast %convert_element_type3A_155 : vector<1x2xi32> to vector<1x1x2xi32>
    tpu.vector_store %arg22[%swap3A, %swap3A_156, %swap3A_157], %swap3A_160 {strides = array<i32>} : memref<1x1x2xi32, #tpu.memory_space<vmem>>, vector<1x1x2xi32>,
    %mul3A_161 = arith.mulf %convert_element_type3A_135, %sub3A_115 : vector<1x128xf32>
    %reduce_sum3A_162 = arith.constant dense<0.000000e+00> : vector<1xf32>
    %reduce_sum3A_163 = vector.multi_reduction <add>, %mul3A_161, %reduce_sum3A_162 [1] : vector<1x128xf32> to vector<1xf32>
    %broadcast_in_dim3A_164 = vector.shape_cast %reduce_sum3A_163 : vector<1xf32> to vector<1x1xf32>
    %swap3A_165 = arith.constant 0 : index
    %swap3A_166 = arith.constant 0 : index
    %swap3A_167 = arith.constant 0 : index
    %swap3A_168 = vector.load %arg23[%swap3A_165, %swap3A_166, %swap3A_167] : memref<1x1x1xf32, #tpu.memory_space<vmem>>, vector<1x1x1xf32>
    %swap3A_169 = vector.shape_cast %swap3A_168 : vector<1x1x1xf32> to vector<1x1xf32>
    %swap3A_170 = vector.shape_cast %broadcast_in_dim3A_164 : vector<1x1xf32> to vector<1x1x1xf32>
    tpu.vector_store %arg23[%swap3A_165, %swap3A_166, %swap3A_167], %swap3A_170 {strides = array<i32>} : memref<1x1x1xf32, #tpu.memory_space<vmem>>, vector<1x1x1xf32>,
    %mul3A_171 = arith.mulf %exp3A_116, %sub3A_115 : vector<1x128xf32>
    %reduce_sum3A_172 = arith.constant dense<0.000000e+00> : vector<1xf32>
    %reduce_sum3A_173 = vector.multi_reduction <add>, %mul3A_171, %reduce_sum3A_172 [1] : vector<1x128xf32> to vector<1xf32>
    %broadcast_in_dim3A_174 = vector.shape_cast %reduce_sum3A_173 : vector<1xf32> to vector<1x1xf32>
    %neg3A = arith.constant 0.000000e+00 : f32
    %neg3A_175 = vector.broadcast %neg3A : f32 to vector<1x1xf32>
    %neg3A_176 = arith.subf %neg3A_175, %broadcast_in_dim3A_174 : vector<1x1xf32>
    %eq3A_177 = arith.constant 0 : i32
    %eq3A_178 = arith.cmpi eq, %arg0, %eq3A_177 : i32
    %convert_element_type3A_179 = arith.extui %eq3A_178 : i1 to i32
    %cond3A = arith.constant 0 : i32
    %cond3A_180 = arith.cmpi ne, %convert_element_type3A_179, %cond3A : i32
    scf.if %cond3A_180 {
      %broadcast_in_dim3A_191 = arith.constant 0.000000e+00 : f32
      %broadcast_in_dim3A_192 = vector.broadcast %broadcast_in_dim3A_191 : f32 to vector<1x1xf32>
      %swap3A_193 = arith.constant 0 : index
      %swap3A_194 = arith.constant 0 : index
      %swap3A_195 = vector.load %arg24[%swap3A_193, %swap3A_194] : memref<1x1xf32, #tpu.memory_space<vmem>>, vector<1x1xf32>
      tpu.vector_store %arg24[%swap3A_193, %swap3A_194], %broadcast_in_dim3A_192 {strides = array<i32>} : memref<1x1xf32, #tpu.memory_space<vmem>>, vector<1x1xf32>,
    } else {
    }
    %get3A_181 = arith.constant 0 : index
    %get3A_182 = arith.constant 0 : index
    %get3A_183 = vector.load %arg24[%get3A_181, %get3A_182] : memref<1x1xf32, #tpu.memory_space<vmem>>, vector<1x1xf32>
    %mul3A_184 = arith.constant 0.00999999977 : f32
    %mul3A_185 = vector.broadcast %mul3A_184 : f32 to vector<1x1xf32>
    %mul3A_186 = arith.mulf %neg3A_176, %mul3A_185 : vector<1x1xf32>
    %add3A_187 = arith.addf %get3A_183, %mul3A_186 : vector<1x1xf32>
    %swap3A_188 = arith.constant 0 : index
    %swap3A_189 = arith.constant 0 : index
    %swap3A_190 = vector.load %arg24[%swap3A_188, %swap3A_189] : memref<1x1xf32, #tpu.memory_space<vmem>>, vector<1x1xf32>
    tpu.vector_store %arg24[%swap3A_188, %swap3A_189], %add3A_187 {strides = array<i32>} : memref<1x1xf32, #tpu.memory_space<vmem>>, vector<1x1xf32>,
    return
  }
  func.func @transform_0(%arg0: i32) -> (i32, i32, i32) {
    %c0_i32 = arith.constant 0 : i32
    %c0_i32_0 = arith.constant 0 : i32
    %c0_i32_1 = arith.constant 0 : i32
    return %arg0, %c0_i32, %c0_i32_0 : i32, i32, i32
  }
  func.func @transform_1(%arg0: i32) -> (i32, i32, i32) {
    %c0_i32 = arith.constant 0 : i32
    %c0_i32_0 = arith.constant 0 : i32
    %c0_i32_1 = arith.constant 0 : i32
    return %arg0, %c0_i32, %c0_i32_0 : i32, i32, i32
  }
  func.func @transform_2(%arg0: i32) -> (i32, i32, i32) {
    %c0_i32 = arith.constant 0 : i32
    %c0_i32_0 = arith.constant 0 : i32
    %c0_i32_1 = arith.constant 0 : i32
    return %arg0, %c0_i32, %c0_i32_0 : i32, i32, i32
  }
  func.func @transform_3(%arg0: i32) -> (i32, i32, i32) {
    %c0_i32 = arith.constant 0 : i32
    %c0_i32_0 = arith.constant 0 : i32
    %c0_i32_1 = arith.constant 0 : i32
    return %arg0, %c0_i32, %c0_i32_0 : i32, i32, i32
  }
  func.func @transform_4(%arg0: i32) -> (i32, i32, i32) {
    %c0_i32 = arith.constant 0 : i32
    %c0_i32_0 = arith.constant 0 : i32
    %c0_i32_1 = arith.constant 0 : i32
    return %arg0, %c0_i32, %c0_i32_0 : i32, i32, i32
  }
  func.func @transform_5(%arg0: i32) -> (i32, i32, i32) {
    %c0_i32 = arith.constant 0 : i32
    %c0_i32_0 = arith.constant 0 : i32
    %c0_i32_1 = arith.constant 0 : i32
    return %arg0, %c0_i32, %c0_i32_0 : i32, i32, i32
  }
  func.func @transform_6(%arg0: i32) -> (i32, i32, i32) {
    %c0_i32 = arith.constant 0 : i32
    %c0_i32_0 = arith.constant 0 : i32
    %c0_i32_1 = arith.constant 0 : i32
    return %arg0, %c0_i32, %c0_i32_0 : i32, i32, i32
  }
  func.func @transform_7(%arg0: i32) -> (i32, i32) {
    %c0_i32 = arith.constant 0 : i32
    %c0_i32_0 = arith.constant 0 : i32
    %c0_i32_1 = arith.constant 0 : i32
    return %c0_i32, %c0_i32_0 : i32, i32
  }
  func.func @transform_8(%arg0: i32) -> (i32, i32) {
    %c0_i32 = arith.constant 0 : i32
    %c0_i32_0 = arith.constant 0 : i32
    %c0_i32_1 = arith.constant 0 : i32
    return %c0_i32, %c0_i32_0 : i32, i32
  }
  func.func @transform_9(%arg0: i32) -> (i32, i32) {
    %c0_i32 = arith.constant 0 : i32
    %c0_i32_0 = arith.constant 0 : i32
    %c0_i32_1 = arith.constant 0 : i32
    return %c0_i32, %c0_i32_0 : i32, i32
  }
  func.func @transform_10(%arg0: i32) -> (i32, i32) {
    %c0_i32 = arith.constant 0 : i32
    %c0_i32_0 = arith.constant 0 : i32
    %c0_i32_1 = arith.constant 0 : i32
    return %c0_i32, %c0_i32_0 : i32, i32
  }
  func.func @transform_11(%arg0: i32) -> (i32, i32) {
    %c0_i32 = arith.constant 0 : i32
    %c0_i32_0 = arith.constant 0 : i32
    %c0_i32_1 = arith.constant 0 : i32
    return %c0_i32, %c0_i32_0 : i32, i32
  }
  func.func @transform_12(%arg0: i32) -> (i32, i32) {
    %c0_i32 = arith.constant 0 : i32
    %c0_i32_0 = arith.constant 0 : i32
    %c0_i32_1 = arith.constant 0 : i32
    return %c0_i32, %c0_i32_0 : i32, i32
  }
  func.func @transform_13(%arg0: i32) -> (i32, i32) {
    %c0_i32 = arith.constant 0 : i32
    %c0_i32_0 = arith.constant 0 : i32
    %c0_i32_1 = arith.constant 0 : i32
    return %c0_i32, %c0_i32_0 : i32, i32
  }
  func.func @transform_14(%arg0: i32) -> (i32, i32) {
    %c0_i32 = arith.constant 0 : i32
    %c0_i32_0 = arith.constant 0 : i32
    %c0_i32_1 = arith.constant 0 : i32
    return %c0_i32, %c0_i32_0 : i32, i32
  }
  func.func @transform_15(%arg0: i32) -> (i32, i32) {
    %c0_i32 = arith.constant 0 : i32
    %c0_i32_0 = arith.constant 0 : i32
    %c0_i32_1 = arith.constant 0 : i32
    return %c0_i32, %c0_i32_0 : i32, i32
  }
  func.func @transform_16(%arg0: i32) -> (i32, i32) {
    %c0_i32 = arith.constant 0 : i32
    %c0_i32_0 = arith.constant 0 : i32
    %c0_i32_1 = arith.constant 0 : i32
    return %c0_i32, %c0_i32_0 : i32, i32
  }
  func.func @transform_17(%arg0: i32) -> (i32, i32) {
    %c0_i32 = arith.constant 0 : i32
    %c0_i32_0 = arith.constant 0 : i32
    %c0_i32_1 = arith.constant 0 : i32
    return %c0_i32, %c0_i32_0 : i32, i32
  }
  func.func @transform_18(%arg0: i32) -> (i32, i32) {
    %c0_i32 = arith.constant 0 : i32
    %c0_i32_0 = arith.constant 0 : i32
    %c0_i32_1 = arith.constant 0 : i32
    return %c0_i32, %c0_i32_0 : i32, i32
  }
  func.func @transform_19(%arg0: i32) -> (i32, i32) {
    %c0_i32 = arith.constant 0 : i32
    %c0_i32_0 = arith.constant 0 : i32
    %c0_i32_1 = arith.constant 0 : i32
    return %c0_i32, %c0_i32_0 : i32, i32
  }
  func.func @transform_20(%arg0: i32) -> (i32, i32) {
    %c0_i32 = arith.constant 0 : i32
    %c0_i32_0 = arith.constant 0 : i32
    %c0_i32_1 = arith.constant 0 : i32
    return %c0_i32, %c0_i32_0 : i32, i32
  }
  func.func @transform_21(%arg0: i32) -> (i32, i32, i32) {
    %c0_i32 = arith.constant 0 : i32
    %c0_i32_0 = arith.constant 0 : i32
    %c0_i32_1 = arith.constant 0 : i32
    return %arg0, %c0_i32, %c0_i32_0 : i32, i32, i32
  }
  func.func @transform_22(%arg0: i32) -> (i32, i32, i32) {
    %c0_i32 = arith.constant 0 : i32
    %c0_i32_0 = arith.constant 0 : i32
    %c0_i32_1 = arith.constant 0 : i32
    return %arg0, %c0_i32, %c0_i32_0 : i32, i32, i32
  }
  func.func @transform_23(%arg0: i32) -> (i32, i32) {
    %c0_i32 = arith.constant 0 : i32
    %c0_i32_0 = arith.constant 0 : i32
    %c0_i32_1 = arith.constant 0 : i32
    return %c0_i32, %c0_i32_0 : i32, i32
  }
}

</mosaic_0001>

<sc_bundles>
// kernel: scatter_offload_async_start.1
scs
__scs_entry_jumppad:
0x0: {  	(pc) =	sbr.rel $0x88, $3  }
0x1: {  	(tag) =	ssettag $0x0;
	lr =	simm.s32 $0x1  }
0x2: {  	[smem:$0x3F7A] =	sst lr;
	_ =	strace $0xD0000000  }
0x3: {  	_ = 	snop  }
0x4: {  	_ = 	snop  }
0x5: {  	_ = 	snop  }
0x6: {  	_ = 	snop  }
0x7: {  	_ = 	snop  }
__scs_overlays_trampoline_lowered:
0x8: {  	[smem:$0x3F89] =	sst s0  }
0x9: {  	[smem:$0x3F8A] =	sst s1  }
0xa: {  	[smem:$0x3F8B] =	sst s2  }
0xb: {  	[smem:$0x3F8C] =	sst s3  }
0xc: {  	[smem:$0x3F8D] =	sst s4  }
0xd: {  	[smem:$0x3F8E] =	sst s5  }
0xe: {  	[smem:$0x3F8F] =	sst s6  }
0xf: {  	[smem:$0x3F90] =	sst s7  }
0x10: {  	[smem:$0x3F91] =	sst s8  }
0x11: {  	[smem:$0x3F92] =	sst s9;
	s0 =	simm.s32 @!p0 $0x0  }
0x12: {  	s1 =	sld [smem:$0x3F78];
	s0 =	simm.s32 @p0 $0x1  }
0x13: {  	[smem:$0x3F93] =	sst s0;
	s0 =	simm.s32 @!p1 $0x0  }
0x14: {  	s2 =	sld [smem:$0x3F77];
	s0 =	simm.s32 @p1 $0x1  }
0x15: {  	[smem:$0x3F94] =	sst s0;
	s0 =	simm.s32 @!p2 $0x0  }
0x16: {  	s3 =	sld [smem:$0x3FDB];
	s0 =	simm.s32 @p2 $0x1  }
0x17: {  	s4 =	simm.s32 $0x1BF5;
	[smem:$0x3F96] =	sst s0  }
0x18: {  	s0 =	sld [smem:$0x3F79];
	_ =	swait.ge [sflag:s4], $0x0  }
0x19: {  	s7 =	sld [smem:$0x3F7A]  }
0x1a: {  	s8 =	sadd.s32 $0xFFFFE003, lr  }
0x1b: {  	s9 =	sadd.s32 $0xFFFFFEF7, lr;
	s5 =	simm.s32 $0xFFFFFFFF;
	p2 =	slt.u32 s8, $0xFFFFF086  }
0x1c: {  	p1 =	slt.u32 s9, $0xF7A;
	s5 =	simm.s32 @!p2 $0x0  }
0x1d: {  	s5 =	simm.s32 @p1 $0x1;
	p0 =	seq.s32 s7, s2  }
0x1e: {  	s7 =	smul.u32 @!p0 $0xF7A, s2;
	p2 =	seq.s32 @!p0 s5, $0x0  }
0x1f: {  	s9 =	smul.u32 $0xF7A, s1;
	s8 =	simm.s32 @!p0 $0x1BF5;
	p2 =	por !p2, p0  }
0x20: {  	[sflag:s8] =	ssyncset.s32 @!p0 $0xFFFFF086;
	s6 =	sadd.s32 @!p0 s3, s7;
	s7 =	simm.s32 @!p0 $0x108  }
0x21: {  	s3 =	sadd.s32 s3, s9;
	s6 =	sadd.s32 @!p0 $0x88, s6;
	s7 =	simm.s32 @p2 $0x1082  }
0x22: {  	[simem:s7], [sflag:s8] =	dma.local @!p0 [hbm:s6], $0xF7A  }
0x23: {  	s9 =	sor.u32 $0xD0000000, s2;
	s6 =	simm.s32 $0x108;
	_ =	swait.ge @!p0 [sflag:s8], $0x0  }
0x24: {  	s3 =	sadd.s32 $0x88, s3;
	s6 =	simm.s32 @!p1 $0x1082;
	[sflag:s4] =	ssyncset.s32 $0xFFFFF086  }
0x25: {  	[simem:s6], [sflag:s4] =	dma.local [hbm:s3], $0xF7A  }
0x26: {  	[smem:$0x3F7A] =	sst s1;
	(tag) =	ssettag s2;
	_ =	strace s9  }
0x27: {  	s1 =	sld [smem:$0x3F8A]  }
0x28: {  	s2 =	sld [smem:$0x3F8B]  }
0x29: {  	s4 =	sld [smem:$0x3F8D]  }
0x2a: {  	p0 =	seq.s32 s5, $0x0;
	s5 =	sld [smem:$0x3F8E]  }
0x2b: {  	s6 =	sld [smem:$0x3F8F]  }
0x2c: {  	s7 =	sld [smem:$0x3F90]  }
0x2d: {  	s3 =	simm.s32 $0x108;
	s8 =	sld [smem:$0x3F91]  }
0x2e: {  	s3 =	simm.s32 @!p0 $0x1082;
	s9 =	sld [smem:$0x3F92]  }
0x2f: {  	lr =	sadd.s32 s0, s3;
	s0 =	sld [smem:$0x3F89]  }
0x30: {  	s3 =	sld [smem:$0x3F8C]  }
0x31: {  	[smem:$0x3F95] =	sst s10  }
0x32: {  	s10 =	sld [smem:$0x3F93];
	_ =	sdelay $0x3  }
0x33: {  	p0 =	seq.s32 s10, $0x1;
	s10 =	sld [smem:$0x3F95];
	_ =	sdelay $0x3  }
0x34: {  	[smem:$0x3F95] =	sst s10  }
0x35: {  	s10 =	sld [smem:$0x3F94];
	_ =	sdelay $0x3  }
0x36: {  	p1 =	seq.s32 s10, $0x1;
	s10 =	sld [smem:$0x3F95];
	_ =	sdelay $0x3  }
0x37: {  	[smem:$0x3F95] =	sst s10  }
0x38: {  	s10 =	sld [smem:$0x3F96]  }
0x39: {  	_ = 	snop;
	(pc) =	sbr.ind lr, $3  }
0x3a: {  	_ = 	snop  }
0x3b: {  	_ = 	snop  }
0x3c: {  	p2 =	seq.s32 s10, $0x1;
	s10 =	sld [smem:$0x3F95]  }
0x3d: {  	_ =	shalt  }
0x3e: {  	_ =	shalt  }
0x3f: {  	_ =	shalt  }
0x40: {  	_ =	shalt  }
0x41: {  	_ =	shalt  }
0x42: {  	_ =	shalt  }
0x43: {  	_ =	shalt  }
0x44: {  	_ =	shalt  }
0x45: {  	_ =	shalt  }
0x46: {  	_ =	shalt  }
0x47: {  	_ =	shalt  }
0x48: {  	_ =	shalt  }
0x49: {  	_ =	shalt  }
0x4a: {  	_ =	shalt  }
0x4b: {  	_ =	shalt  }
0x4c: {  	_ =	shalt  }
0x4d: {  	_ =	shalt  }
0x4e: {  	_ =	shalt  }
0x4f: {  	_ =	shalt  }
0x50: {  	_ =	shalt  }
0x51: {  	_ =	shalt  }
0x52: {  	_ =	shalt  }
0x53: {  	_ =	shalt  }
0x54: {  	_ =	shalt  }
0x55: {  	_ =	shalt  }
0x56: {  	_ =	shalt  }
0x57: {  	_ =	shalt  }
0x58: {  	_ =	shalt  }
0x59: {  	_ =	shalt  }
0x5a: {  	_ =	shalt  }
0x5b: {  	_ =	shalt  }
0x5c: {  	_ =	shalt  }
0x5d: {  	_ =	shalt  }
0x5e: {  	_ =	shalt  }
0x5f: {  	_ =	shalt  }
0x60: {  	_ =	shalt  }
0x61: {  	_ =	shalt  }
0x62: {  	_ =	shalt  }
0x63: {  	_ =	shalt  }
0x64: {  	_ =	shalt  }
0x65: {  	_ =	shalt  }
0x66: {  	_ =	shalt  }
0x67: {  	_ =	shalt  }
0x68: {  	_ =	shalt  }
0x69: {  	_ =	shalt  }
0x6a: {  	_ =	shalt  }
0x6b: {  	_ =	shalt  }
0x6c: {  	_ =	shalt  }
0x6d: {  	_ =	shalt  }
0x6e: {  	_ =	shalt  }
0x6f: {  	_ =	shalt  }
0x70: {  	_ =	shalt  }
0x71: {  	_ =	shalt  }
0x72: {  	_ =	shalt  }
0x73: {  	_ =	shalt  }
0x74: {  	_ =	shalt  }
0x75: {  	_ =	shalt  }
0x76: {  	_ =	shalt  }
0x77: {  	_ =	shalt  }
0x78: {  	_ =	shalt  }
0x79: {  	_ =	shalt  }
0x7a: {  	_ =	shalt  }
0x7b: {  	_ =	shalt  }
0x7c: {  	_ =	shalt  }
0x7d: {  	_ =	shalt  }
0x7e: {  	_ =	shalt  }
0x7f: {  	_ =	shalt  }
0x80: {  	_ =	shalt  }
0x81: {  	_ =	shalt  }
0x82: {  	_ =	shalt  }
0x83: {  	_ =	shalt  }
0x84: {  	_ =	shalt  }
0x85: {  	_ =	shalt  }
0x86: {  	_ =	shalt  }
0x87: {  	_ =	shalt  }
.Lfunc_end0:
.L_simem_size_0:
called_computation.1_lowered:
.L_overlay_start_0:
0x88: {  	s0 =	sld [smem:$0x3FD9]  }
0x89: {  	s1 =	sld [smem:$0x3FFE];
	_ =	sdelay $0x3  }
0x8a: {  	s0 =	sadd.s32 s1, s0  }
0x8b: {  	[smem:$0x3FA1] =	sst s0  }
0x8c: {  	_ = 	snop  }
0x8d: {  	(tm) =	ssettm $0x1  }
0x8e: {  	s15 =	sld [smem:$0x3FFB];
	_ =	sdelay $0x3  }
0x8f: {  	_ =	strace s15  }
0x90: {  	s0 =	sld [smem:$0x3FFC];
	_ =	sdelay $0x3  }
0x91: {  	_ =	strace s0  }
0x92: {  	s0 =	sld [smem:$0x3FFD];
	_ =	sdelay $0x3  }
0x93: {  	_ =	strace s0  }
0x94: {  	_ =	strace $0x8FFFFFFF  }
0x95: {  	s16 =	sld [smem:$0x3FDB];
	_ =	sdelay $0x1  }
0x96: {  	s17 =	simm.s32 $_scs_section_size  }
0x97: {  	s2 =	simm.s32 $_size__tile_overlayer_lowered;
	s3 =	simm.s32 $_tile_overlayer_lowered  }
0x98: {  	s20 =	simm.s32 $0x1BFF;
	s19 =	sshll.u32 s3, $0x1;
	s0 =	sadd.s32 s17, s16  }
0x99: {  	s4 =	simm.s32 $0x0;
	s18 =	sshll.u32 s2, $0x1;
	s2 =	sadd.s32 s19, s0  }
0x9a: {  	[timem:s4], [sflag:s20] =	dma.local [hbm:s2], s18  }
0x9b: {  	_ =	swait.ge [sflag:s20], s18  }
0x9c: {  	s1 =	ssub.s32 $0x0, s18;
	[sflag:s20] =	ssyncset.done $0x0  }
0x9d: {  	[sflag:s20] =	ssyncadd.s32 s1;
	_ =	sdelay $0x1  }
0x9e: {  	s21 =	simm.s32 $0x1B8B  }
0x9f: {  	_ =	swait.ge [sflag:s21], $0x1  }
0xa0: {  	[sflag:s21] =	ssyncset.done $0x0  }
0xa1: {  	s23 =	simm.s32 $0x1B8E;
	s22 =	sld [smem:$0x3FFE];
	[sflag:s21] =	ssyncadd.s32 $0xFFFFFFFF  }
0xa2: {  	s24 =	simm.s32 $execute0_lowered;
	[smem:$0x3FD2] =	sst s23  }
0xa3: {  	s2 =	sshll.u32 s24, $0x1;
	_ =	strace $0x80000046;
	[dreg:$0x1] =	wrdreg $0xFFFFFFFF  }
0xa4: {  	s25 =	simm.s32 $_size_execute0_lowered;
	s0 =	sadd.s32 s0, s2;
	[dreg:$0x0] =	wrdreg $0x0  }
0xa5: {  	s2 =	sshll.u32 s25, $0x1;
	[dreg:$0x2] =	wrdreg s0  }
0xa6: {  	[dreg:$0x3] =	wrdreg s2  }
0xa7: {  	[dreg:$0x4] =	wrdreg $0xC0  }
0xa8: {  	_ =	task [dreg:s4], $0x5FFFF  }
0xa9: {  	[dreg:$0x1] =	wrdreg $0xFFFFFFFF  }
0xaa: {  	[dreg:$0x0] =	wrdreg $0x60  }
0xab: {  	[dreg:$0x2] =	wrdreg s22  }
0xac: {  	[dreg:$0x3] =	wrdreg $0xA  }
0xad: {  	_ =	task.clear_ibuf [dreg:s4], $0x4FFFF;
	_ =	strace $0x90000046  }
0xae: {  	s26 =	simm.s32 $0xA;
	_ =	strace $0x80000048  }
0xaf: {  	_ =	swait.ge [sflag:s26], $0x1  }
0xb0: {  	[sflag:s26] =	ssyncadd.s32 $0xFFFFFFFF  }
0xb1: {  	_ =	strace $0x90000048  }
0xb2: {  	_ =	sfence  }
0xb3: {  	s28 =	sld [smem:$0x0];
	_ =	sdelay $0x1  }
0xb4: {  	s29 =	srdreg.scid  }
0xb5: {  	s30 =	sshll.u32 s29, $0xD;
	s31 =	sshrl.u32 s29, $0x2  }
0xb6: {  	s1 =	sand.u32 $0x1, s29;
	s2 =	sand.u32 $0x4000, s30;
	s0 =	sadd.s32 s31, s28  }
0xb7: {  	s1 =	sor.u32 s2, s1;
	s0 =	sshll.u32 s0, $0x11  }
0xb8: {  	s0 =	sor.u32 s0, s1  }
0xb9: {  	s0 =	sadd.s32 $0x8F2B, s0  }
0xba: {  	[sflag:s0] =	ssyncadd.remote.s32 $0x1  }
0xbb: {  	_ =	sfence.sel $0xFFFF  }
0xbc: {  	[dreg:$0x0] =	wrdreg $0xFFFFFFFF;
	(pc) =	sbr.abs _section_cstart, $3  }
0xbd: {  	[dreg:$0x1] =	wrdreg $0xFFFFFFFF  }
0xbe: {  	_ =	task.clear_ibuf [dreg:s4], $0x2FFFF;
	_ =	strace $0x9FFFFFFF  }
0xbf: {  	(tm) =	ssettm $0x7FFFFFFF  }
tec
execute0_lowered:
.L_overlay_start_1:
0x0: {  	(tag) =	ssettag $0x1  }
0x1: {  	s0 =	rddreg [dreg:$0x0]  }
0x2: {  	s14 =	stileid.u32;
	_ =	strace $0x80000047;
	s2 =	simm.s32 $0x1  }
0x3: {  	v1 =	vimm.s32 $0xFFFFFFFF;
	s1 =	smin.u32 s14, $0x4;
	[sflag:s2] =	ssyncpa.u1 $0x0  }
0x4: {  	s1 =	sadd.s32 s14, s1;
	[tilespmem:$0x10] =	vst v1  }
0x5: {  	v0 =	vimm.f32 $0.0e+00;
	p0 =	slt.u32 s14, $0x4;
	[tilespmem:$0x20] =	vst v1;
	s3 =	smul.u32 $0x1F40, s1;
	s1 =	simm.s32 $0x3E80  }
0x6: {  	[tilespmem:$0x30] =	vst v0;
	s1 =	simm.s32 @!p0 $0x1F40  }
0x7: {  	[tilespmem:$0x40] =	vst v0;
	s1 =	sadd.s32 s1, s3  }
0x8: {  	[tilespmem:$0x50] =	vst v0;
	s4 =	smin.u32 s1, $0x27100  }
0x9: {  	[tilespmem:$0x60] =	vst v1;
	s9 =	ssub.s32 s4, s3  }
0xa: {  	s7 =	simm.s32 $0x2;
	s8 =	simm.s32 $0x8;
	[tilespmem:$0x70] =	vst v1;
	p0 =	sgt.s32 s9, $0x0  }
0xb: {  	s31 =	simm.s32 $0x9;
	s16 =	simm.s32 $0x0;
	[tilespmem:$0x80] =	vst v1;
	s9 =	simm.s32 @!p0 $0x0  }
0xc: {  	s17 =	simm.s32 $0xF0;
	s18 =	simm.s32 $0xFFFFFFFF;
	v1 =	vimm.s32 $0x0;
	[tilespmem:$0xB0] =	vst v0;
	s5 =	smulhi.u32 $0x10624DD3, s9  }
0xd: {  	s19 =	simm.s32 $0xFFFFC280;
	s20 =	simm.s32 $0xFFFFFFFE;
	s21 =	simm.s32 $0xF;
	[tilespmem:$0x90] =	vst v1  }
0xe: {  	[tilespmem:$0xA0] =	vst v1;
	[sflag:s7] =	ssyncpa.u1 $0x0;
	s7 =	simm.s32 $0x7;
	s10 =	sshrl.u32 s5, $0x9  }
0xf: {  	s25 =	simm.s32 $0x0;
	[sflag:s7] =	ssyncpa.u1 $0x0;
	s11 =	smul.u32 $0x1F40, s10  }
0x10: {  	s24 =	simm.s32 $0x0;
	s6 =	sadd.s32 $0x19A00, s0;
	[sflag:s8] =	ssyncpa.u1 $0x0  }
.Ltmp0:
0x11: {  	s23 =	smov.u32 s3;
	p0 =	sne.s32 s9, s11;
	(pc) =	sbr.rel .LBB2_1-.Ltmp0, $4  }
0x12: {  	s1 =	sadd.s32 $0x28FA00, s0;
	[sflag:s31] =	ssyncpa.u1 $0x0;
	s2 =	simm.s32 @!p0 $0x0  }
0x13: {  	s5 =	sadd.s32 $0x14A00, s0;
	p0 =	por $0x0, $0x0;
	s9 =	sadd.s32 s2, s10  }
0x14: {  	vm0 =	vmmov $0xffff;
	v2 =	vlaneseq.u32;
	s10 =	sshll.u32 s14, $0x1;
	s14 =	sshllo.u32 s14, $0x1;
	s11 =	sadd.s32 $0x1, s9  }
0x15: {  	vm1 =	vmxor vm1, vm1;
	vm2 =	vmmov $0x1;
	vm3 =	vcmask $0x3F3C;
	s12 =	sadd.s32 $0x2, s9;
	s13 =	sor.u32 $0x81, s10;
	s15 =	sor.u32 $0x80, s10  }
.LBB2_9:
0x16: {  	p1 =	slt.u32 s24, $0x3  }
0x17: {  	s0 =	simm.s32 @!p1 $0x2  }
0x18: {  	_ =	swait.ge @!p1 [sflag:s0], $0x1F40  }
0x19: {  	[sflag:s0] =	ssyncset.done @!p1 $0x0  }
0x1a: {  	[sflag:s0] =	ssyncadd.s32 @!p1 $0xFFFFE0C0;
	s0 =	simm.s32 @!p1 $0x9  }
0x1b: {  	_ =	swait.ge @!p1 [sflag:s0], $0x10  }
0x1c: {  	[sflag:s0] =	ssyncset.done @!p1 $0x0  }
0x1d: {  	[sflag:s0] =	ssyncadd.s32 @!p1 $0xFFFFFFF0;
	p1 =	sne.s32 s24, s12  }
.Ltmp1:
0x1e: {  	s2 =	sadd.s32 $0x1F40, s23;
	(pc) =	sbr.rel @!p1 .LBB2_10-.Ltmp1, $4  }
0x1f: {  	s22 =	smov.u32 s3;
	s31 =	sadd.s32 $0x1, s24;
	s17 =	sadd.s32 $0x1F40, s17  }
0x20: {  	s18 =	sadd.s32 $0x1, s18;
	s25 =	smov.u32 s23;
	p2 =	slt.s32 s2, s4  }
0x21: {  	p0 =	por !p0, !p0;
	s19 =	sadd.s32 $0x1F40, s19;
	s22 =	smov.u32 @p2 s2  }
0x22: {  	s20 =	sadd.s32 $0x1, s20;
	s23 =	smov.u32 s22;
	s24 =	smov.u32 s31  }
.LBB2_1:
0x23: {  	p1 =	sge.u32 s24, s9  }
0x24: {  	s0 =	smulhi.u32 @!p1 $0xAAAAAAAB, s24;
	_ =	sdelay $0x1  }
0x25: {  	s0 =	sshrl.u32 @!p1 s0, $0x1  }
0x26: {  	s0 =	smul.u32 @!p1 $0x3, s0;
	_ =	sdelay $0x1  }
0x27: {  	s0 =	ssub.s32 @!p1 s24, s0  }
0x28: {  	s0 =	smul.u32 @!p1 $0x7D00, s0;
	_ =	sdelay $0x1  }
0x29: {  	s2 =	sshrl.u32 @!p1 s23, $0x3;
	s0 =	sshrl.u32 @!p1 s0, $0x2  }
0x2a: {  	s22 =	sand.u32 @!p1 $0x7, s23;
	s2 =	sadd.s32 @!p1 s5, s2;
	s0 =	sadd.s32 @!p1 $0x100, s0  }
0x2b: {  	[tilespmem:s0], [sflag:$0x7] =	stream.linear.gather @!p1 [hbm4b:s2+s22], $0x1F40, $0x38;
	[tilespmem:$0x11A60] =	vst v63  }
0x2c: {  	s0 =	sadd.s32 $0xFFFFFFFF, s24  }
0x2d: {  	p1 =	sge.u32 s0, s9  }
.Ltmp2:
0x2e: {  	_ = 	snop;
	(pc) =	sbr.rel @p1 .LBB2_5-.Ltmp2, $1  }
0x2f: {  	_ =	sdelay $0x3  }
0x30: {  	s2 =	smulhi.u32 $0xAAAAAAAB, s0;
	_ =	sdelay $0x1  }
0x31: {  	s2 =	sshrl.u32 s2, $0x1  }
0x32: {  	s2 =	smul.u32 $0x3, s2;
	_ =	sdelay $0x1  }
0x33: {  	s2 =	ssub.s32 s0, s2  }
0x34: {  	s2 =	smul.u32 $0x7D00, s2  }
0x35: {  	_ =	swait.ge [sflag:s7], $0x1F40  }
0x36: {  	[sflag:s7] =	ssyncset.done $0x0;
	s2 =	sshrl.u32 s2, $0x2  }
0x37: {  	[sflag:s7] =	ssyncadd.s32 $0xFFFFE0C0;
	(ifvalue) =	ssetifvalue $0xFFFFFFFF;
	v3 =	vld.msk [tilespmem:s2+$0x100 ss:$0x1], $0xffff;
	_ =	sdelay $0x2  }
0x38: {  	s30 =	smulhi.u32 $0xAAAAAAAB, s18;
	p1 =	sne.s32 s24, $0x1  }
0x39: {  	v4 =	vimm.s32 @!p1 $0x0  }
0x3a: {  	s2 =	sshrl.u32 s30, $0x1;
	v4 =	vperm.xlane @!p1 v3, v4  }
0x3b: {  	s22 =	sshll.u32 s24, $0x4;
	s2 =	smul.u32 $0xFFFE8900, s2;
	vm4 =	vlt.u32 v3, $0x2800  }
0x3c: {  	s22 =	sand.u32 $0x10, s22;
	v3 =	vnsel vm4, $0xFFFFFFFE, v3;
	vm4 =	vlt.u32 @!p1 v4, $0x2800  }
0x3d: {  	s2 =	sshra.s32 s2, $0x2;
	[tilespmem:s22+$0x60] =	vst v3;
	v3 =	vnsel @!p1 vm4, $0xFFFFFFFE, v4  }
0x3e: {  	s28 =	sadd.s32 s2, s17;
	[tilespmem:$0x80] =	vst @!p1 v3  }
0x3f: {  	v3 =	vld.msk [tilespmem:s28+$0x0 ss:$0x1], $0xffff;
	_ =	sdelay $0x4  }
0x40: {  	(xrf1) =	vunique.msk.u32 $0xffff, v3;
	_ =	sdelay $0xd  }
0x41: {  	v4 =	vimm.s32 $0xFFFFFFFF;
	v5, _, _ =	vpop (xrf1)  }
0x42: {  	vm5 =	vne.s32 v3, v4;
	vm4 =	veq.s32 v5, v2  }
0x43: {  	vm6 =	vlt.u32 v3, $0x2800;
	vm4 =	vmand vm5, vm4  }
0x44: {  	vm4 =	vmand vm6, vm4  }
0x45: {  	v4 =	vnsel vm4, $0xFFFFFFFF, v3  }
0x46: {  	s31 =	sand.u32 $0x1, s0  }
0x47: {  	s0 =	simm.s32 $0x1F40;
	p1 =	seq.s32 s31, $0x1  }
0x48: {  	s0 =	simm.s32 @!p1 $0x0  }
0x49: {  	s26 =	sadd.s32 $0x7DF0, s0;
	(ifvalue) =	ssetifvalue $0xFFFFFFFF  }
0x4a: {  	v3 =	vperm.xlane v3, v1;
	[tilespmem:s26], [sflag:$0x8] =	stream.indirect_vreg.gather [hbm4b:s1+s16], $0x1, v4, vm0, $0x4038;
	v4 =	vnsel vm6, $0xFFFFFFFE, v4;
	[tilespmem:$0x11A60] =	vst v63  }
0x4b: {  	s2 =	simm.s32 $0x0;
	s22 =	sadd.s32 $0xFFFFFFF0, s28;
	[tilespmem:s28+$0x0] =	vst v4  }
.LBB2_3:
0x4c: {  	v4 =	vld.msk [tilespmem:s22+$0x0 ss:$0x1], $0xffff;
	s2 =	sadd.s32 $0x10, s2;
	v5 =	vmov v3;
	s28 =	smov.u32 s22  }
0x4d: {  	p1 =	slt.u32 s2, $0x1F30;
	_ =	sdelay $0x4  }
0x4e: {  	v3 =	vperm.xlane v4, v1;
	(xrf1) =	vunique.msk.u32 $0xffff, v4;
	_ =	sdelay $0xd  }
0x4f: {  	v6, _, _ =	vpop (xrf1)  }
0x50: {  	vm5 =	vne.s32 v4, v5;
	vm4 =	veq.s32 v6, v2  }
0x51: {  	vm6 =	vlt.u32 v4, $0x2800;
	vm4 =	vmand vm5, vm4  }
0x52: {  	vm4 =	vmand vm6, vm4  }
0x53: {  	v4 =	vnsel vm4, $0xFFFFFFFF, v4  }
.Ltmp3:
0x54: {  	v5 =	vnsel vm6, $0xFFFFFFFE, v4;
	(pc) =	sbr.rel @p1 .LBB2_3-.Ltmp3, $3  }
0x55: {  	_ =	sdelay $0x1  }
0x56: {  	s22 =	sadd.s32 $0xFFFFFFF0, s22;
	s26 =	sadd.s32 $0xFFFFFFF0, s26;
	(ifvalue) =	ssetifvalue $0xFFFFFFFF  }
0x57: {  	[tilespmem:s26], [sflag:$0x8] =	stream.indirect_vreg.gather [hbm4b:s1+s16], $0x1, v4, vm0, $0x4038;
	[tilespmem:s28+$0x0] =	vst v5  }
0x58: {  	s2 =	sshrl.u32 s25, $0x3  }
0x59: {  	s0 =	sadd.s32 $0x9D40, s0;
	s2 =	sadd.s32 s6, s2  }
0x5a: {  	[tilespmem:s0], [sflag:$0x8] =	stream.linear.gather [hbm:s2], $0x1F40, $0x38;
	[tilespmem:$0x11A60] =	vst v63  }
.LBB2_5:
0x5b: {  	p1 =	slt.u32 s24, $0x2  }
0x5c: {  	p2 =	sge.u32 @!p1 s24, s12  }
0x5d: {  	p1 =	por p1, p2  }
.Ltmp4:
0x5e: {  	_ = 	snop;
	(pc) =	sbr.rel @p1 .LBB2_9-.Ltmp4, $1  }
0x5f: {  	_ =	sdelay $0x3  }
0x60: {  	s0 =	sadd.s32 $0xFFFFFFFE, s24  }
0x61: {  	s2 =	smulhi.u32 $0xAAAAAAAB, s0;
	_ =	sdelay $0x1  }
0x62: {  	s2 =	sshrl.u32 s2, $0x1  }
0x63: {  	s2 =	smul.u32 $0x3, s2;
	_ =	sdelay $0x1  }
0x64: {  	s0 =	ssub.s32 s0, s2  }
0x65: {  	_ =	swait.ge [sflag:s8], $0x3E80;
	s0 =	smul.u32 $0x1F40, s0  }
0x66: {  	p1 =	sne.s32 s24, s11;
	[sflag:s8] =	ssyncset.done $0x0  }
0x67: {  	[sflag:s8] =	ssyncadd.s32 $0xFFFFC180;
	s2 =	sadd.s32 @!p1 $0x203F, s0  }
0x68: {  	[spmem:s13] =	stream.linear.scatter @!p1 [tilespmem:s2], [sflag:$0x1], $0x1, $0x38;
	[tilespmem:$0x11A60] =	vst v63  }
0x69: {  	s2 =	simm.s32 @!p1 $0x1  }
0x6a: {  	_ =	swait.ge @!p1 [sflag:s2], $0x1  }
0x6b: {  	s22 =	sshll.u32 s24, $0x4;
	[sflag:s2] =	ssyncset.done @!p1 $0x0  }
0x6c: {  	s25 =	sand.u32 $0x10, s22;
	[sflag:s2] =	ssyncadd.s32 @!p1 $0xFFFFFFFF  }
0x6d: {  	s2 =	sxor.u32 $0x10, s25;
	v4 =	vld [tilespmem:s25+$0x10]  }
0x6e: {  	v5 =	vld [tilespmem:s2+$0x60]  }
0x6f: {  	v3 =	vld [tilespmem:$0x80];
	_ =	sdelay $0x2  }
0x70: {  	(v2sf) =	vpush v4, $0x0  }
0x71: {  	(v2sf) =	vpush v5, $0x0  }
0x72: {  	(v2sf) =	vpush v3, $0x0;
	_ =	sdelay $0xc  }
0x73: {  	s22 =	spop (v2sf)  }
0x74: {  	s26 =	spop (v2sf)  }
0x75: {  	s28 =	spop (v2sf)  }
0x76: {  	p2 =	seq.s32 s22, s26;
	p3 =	seq.s32 s28, s22  }
0x77: {  	p3 =	por p2, p3  }
0x78: {  	s26 =	sand.u32 $0x1, s24;
	v4 =	vpsel p3, $0xFFFFFFFF, v4  }
0x79: {  	s29 =	smul.u32 $0x1F40, s26;
	[tilespmem:s25+$0x10] =	vst.msk $0x1, v4  }
0x7a: {  	v4 =	vld [tilespmem:$0x30]  }
0x7b: {  	v5 =	vld [tilespmem:s29+$0x9D40]  }
0x7c: {  	v6 =	vld [tilespmem:s25+$0x40];
	_ =	sdelay $0x3  }
0x7d: {  	vm4 =	vmmov vm1;
	v5 =	vadd.f32 v5, v4  }
0x7e: {  	vm5 =	vmmov vm2;
	vm4 =	vmmov @p2 vm2;
	s22 =	sshll.u32 s26, $0x4;
	v4 =	vadd.f32 v6, v4  }
0x7f: {  	s26 =	sor.u32 $0x11A40, s22;
	vm5 =	vmmov @p3 vm1;
	[tilespmem:s29+$0x9D40] =	vst.msk vm4, v5  }
0x80: {  	[tilespmem:s26+$0x0] =	vst.msk vm5, v4  }
0x81: {  	v4 =	vld [tilespmem:s29+$0x7DF0];
	_ =	sdelay $0x3  }
0x82: {  	v5 =	vimm.f32 $0.0e+00  }
0x83: {  	v4 =	vshift.insert v4, v5, s21  }
0x84: {  	s22 =	sor.u32 $0x40, s2  }
0x85: {  	[tilespmem:s22+$0x0] =	vst.msk $0x1, v4  }
0x86: {  	[tilespmem:s29+$0x7DFF] =	vst.msk $0x1, v5  }
0x87: {  	v4 =	vld [tilespmem:s0+$0x2030];
	_ =	sdelay $0x1  }
0x88: {  	s22 =	smulhi.u32 $0xAAAAAAAB, s20;
	s0 =	simm.s32 $0x1  }
0x89: {  	s0 =	simm.s32 @!p0 $0x0  }
0x8a: {  	s22 =	sshrl.u32 s22, $0x1;
	s0 =	smul.u32 $0x7D00, s0  }
0x8b: {  	s22 =	smul.u32 $0xFFFE8900, s22;
	v4 =	vshift.insert v4, v1, s21  }
0x8c: {  	s0 =	sshrl.u32 s0, $0x2  }
0x8d: {  	s22 =	sshra.s32 s22, $0x2;
	s30 =	sadd.s32 $0x9D40, s0;
	[tilespmem:s2+$0x10] =	vst.msk $0x1, v4  }
0x8e: {  	s22 =	sadd.s32 s22, s19;
	v6 =	vld [tilespmem:s30+$0x0]  }
0x8f: {  	v7 =	vld [tilespmem:s22+$0x0];
	_ =	sdelay $0x3  }
0x90: {  	v5 =	vadd.f32 v6, v5  }
0x91: {  	vm4 =	vne.s32 v7, $0xFFFFFFFF  }
0x92: {  	(xrf2) =	vadd.seg.scan.f32 vm4, v5;
	_ =	sdelay $0x3  }
0x93: {  	s31 =	sadd.s32 $0x5EC0, s0;
	v5 =	vperm.xlane v4, v1  }
0x94: {  	v6 =	vld [tilespmem:s31+$0x0]  }
0x95: {  	vm5 =	veq.s32 v7, v3;
	vm6 =	veq.s32 v7, v5  }
0x96: {  	vm7 =	vgt.u32 v7, $0xFFFFFFFD;
	vm6 =	vmor vm6, vm5  }
0x97: {  	vm6 =	vmor vm6, vm7  }
0x98: {  	v9 =	vld [tilespmem:$0xA0];
	v7 =	vsel vm6, $0xFFFFFFFF, v7  }
0x99: {  	v10 =	vld [tilespmem:$0x90];
	v6 =	vsel vm5, $0x0, v6;
	v8, _, _ =	vpop (xrf2)  }
0x9a: {  	v6 =	vadd.f32 v8, v6  }
0x9b: {  	s0 =	sadd.s32 $0xDBC0, s0  }
0x9c: {  	vm4 =	vmand vm4, vm3;
	[tilespmem:s0+$0x0] =	vst v6;
	(ifvalue) =	ssetifvalue $0xFFFFFFFF  }
0x9d: {  	vm6 =	veq.s32 v9, $0x1;
	[hbm4b:s1+s16] =	stream.indirect_vreg.scatter [tilespmem:s0], [sflag:$0x2], $0x1, v7, vm0, $0x4038;
	v7 =	vsel vm4, $0x0, v8;
	[tilespmem:$0x11A60] =	vst v63  }
0x9e: {  	s2 =	simm.s32 $0x0;
	s22 =	sadd.s32 $0x10, s22;
	vm4 =	vmor vm6, vm5;
	v6 =	vsel vm5, v8, v10;
	v7 =	vshift.insert v7, v0, s21  }
.LBB2_7:
0x9f: {  	v8 =	vld [tilespmem:s22+$0x0];
	s30 =	sadd.s32 $0x10, s30  }
0xa0: {  	s31 =	sadd.s32 $0x10, s31;
	v9 =	vld [tilespmem:s30+$0x0]  }
0xa1: {  	s2 =	sadd.s32 $0x10, s2;
	v10 =	vld [tilespmem:s31+$0x0]  }
0xa2: {  	p2 =	slt.u32 s2, $0x1F30;
	_ =	sdelay $0x2  }
0xa3: {  	v7 =	vadd.f32 v9, v7  }
0xa4: {  	vm5 =	vne.s32 v8, $0xFFFFFFFF  }
0xa5: {  	vm6 =	vmand vm5, vm3;
	(xrf2) =	vadd.seg.scan.f32 vm5, v7;
	_ =	sdelay $0x5  }
0xa6: {  	vm7 =	veq.s32 v8, v5;
	vm5 =	veq.s32 v8, v3  }
0xa7: {  	vm8 =	vgt.u32 v8, $0xFFFFFFFD;
	vm4 =	vmor vm4, vm5;
	vm7 =	vmor vm7, vm5  }
0xa8: {  	vm7 =	vmor vm7, vm8  }
0xa9: {  	v8 =	vsel vm7, $0xFFFFFFFF, v8  }
.Ltmp5:
0xaa: {  	v7 =	vsel vm5, $0x0, v10;
	v9, _, _ =	vpop (xrf2);
	(pc) =	sbr.rel @p2 .LBB2_7-.Ltmp5, $4  }
0xab: {  	v6 =	vsel vm5, v9, v6;
	v10 =	vadd.f32 v9, v7;
	v7 =	vsel vm6, $0x0, v9  }
0xac: {  	s0 =	sadd.s32 $0x10, s0;
	v7 =	vshift.insert v7, v0, s21  }
0xad: {  	s22 =	sadd.s32 $0x10, s22;
	[tilespmem:s0+$0x0] =	vst v10;
	(ifvalue) =	ssetifvalue $0xFFFFFFFF  }
0xae: {  	[hbm4b:s1+s16] =	stream.indirect_vreg.scatter [tilespmem:s0], [sflag:$0x2], $0x1, v8, vm0, $0x4038;
	[tilespmem:$0x11A60] =	vst v63  }
0xaf: {  	v3 =	vld [tilespmem:s29+$0xFAF0];
	_ =	sdelay $0x4  }
0xb0: {  	v3 =	vshift.insert v3, v0, s21  }
0xb1: {  	s0 =	simm.s32 $0x30  }
0xb2: {  	[tilespmem:s0+$0x0] =	vst.msk $0x1, v3  }
0xb3: {  	v3 =	vsel vm4, $0x1, v1;
	[tilespmem:$0x90] =	vst v6  }
0xb4: {  	s0 =	sadd.s32 @!p1 $0xFAFF, s29;
	[tilespmem:$0xA0] =	vst v3  }
0xb5: {  	[spmem:s14] =	stream.linear.scatter @!p1 [tilespmem:s0], [sflag:$0x1], $0x1, $0x38;
	[tilespmem:$0x11A60] =	vst v63  }
0xb6: {  	s0 =	simm.s32 @!p1 $0x1  }
0xb7: {  	v3 =	vmctz.xlane @!p1 vm4;
	_ =	swait.ge @!p1 [sflag:s0], $0x1  }
0xb8: {  	(v2sf) =	vpush @!p1 v4, $0x0  }
0xb9: {  	(v2sf) =	vpush @!p1 v3, $0x0;
	_ =	sdelay $0xd  }
0xba: {  	s2 =	spop @!p1 (v2sf)  }
0xbb: {  	s22 =	spop @!p1 (v2sf)  }
0xbc: {  	p2 =	sne.s32 @!p1 s28, s2;
	p3 =	slt.s32 @!p1 s22, $0xF  }
0xbd: {  	[sflag:s0] =	ssyncset.done @!p1 $0x0;
	p2 =	por p2, p1;
	p3 =	por !p3, p1  }
0xbe: {  	[sflag:s0] =	ssyncadd.s32 @!p1 $0xFFFFFFFF;
	v3 =	vimm.s32 @!p2 $0xFFFFFFFF;
	s22 =	simm.s32 @p3 $0xF  }
0xbf: {  	[tilespmem:$0x80] =	vst @!p2 v3;
	s2 =	sadd.s32 @!p1 $0x90, s22  }
0xc0: {  	[spmem:s10] =	stream.linear.scatter @!p1 [tilespmem:s2], [sflag:$0x1], $0x1, $0x38;
	[tilespmem:$0x11A60] =	vst v63  }
0xc1: {  	_ =	swait.ge @!p1 [sflag:s0], $0x1  }
0xc2: {  	[sflag:s0] =	ssyncset.done @!p1 $0x0  }
0xc3: {  	s2 =	simm.s32 @!p1 $0x80;
	[sflag:s0] =	ssyncadd.s32 @!p1 $0xFFFFFFFF  }
0xc4: {  	[spmem:s15] =	stream.linear.scatter @!p1 [tilespmem:s2], [sflag:$0x1], $0x1, $0x38;
	[tilespmem:$0x11A60] =	vst v63  }
0xc5: {  	_ =	swait.ge @!p1 [sflag:s0], $0x1  }
0xc6: {  	[sflag:s0] =	ssyncset.done @!p1 $0x0  }
0xc7: {  	[sflag:s0] =	ssyncadd.s32 @!p1 $0xFFFFFFFF;
	(ifvalue) =	ssetifvalue $0xFFFFFFFF;
	v3 =	vld [tilespmem:s25+$0x10];
	_ =	sdelay $0x3  }
.Ltmp6:
0xc8: {  	_ = 	snop;
	(pc) =	sbr.rel .LBB2_9-.Ltmp6, $3  }
0xc9: {  	_ =	sdelay $0x1  }
0xca: {  	(ifvalue) =	ssetifvalue $0xFFFFFFFF  }
0xcb: {  	[hbm4b:s1+s16] =	stream.indirect_vreg.scatter [tilespmem:s26], [sflag:$0x9], $0x1, v3, vm0, $0x4038;
	[tilespmem:$0x11A60] =	vst v63  }
.LBB2_10:
0xcc: {  	_ =	sfence.sel $0x180000  }
0xcd: {  	s0 =	simm.s32 $0x7;
	[bflag:$0x0] =	sbarrier.arrive $0xFFFF  }
0xce: {  	s26 =	simm.s32 $0x8;
	[sflag:s0] =	ssyncpa.u1 $0x1  }
0xcf: {  	s28 =	simm.s32 $0x9;
	[sflag:s26] =	ssyncpa.u1 $0x1  }
0xd0: {  	[sflag:s28] =	ssyncpa.u1 $0x1  }
0xd1: {  	_ =	sfence.stream.spmem  }
0xd2: {  	s29 =	simm.s32 $0x3;
	[bflag:$0x0] =	sbarrier.arrive $0xFFFF  }
0xd3: {  	s30 =	simm.s32 $0x4;
	[sflag:s29] =	ssyncpa.u1 $0x1  }
0xd4: {  	s31 =	simm.s32 $0x3C;
	s2 =	stileid.u32;
	[sflag:s30] =	ssyncpa.u1 $0x1  }
0xd5: {  	p0 =	sne.s32 s2, $0x0;
	[sflag:s31] =	ssyncpa.u1 $0x1  }
0xd6: {  	s0 =	simm.s32 @p0 $0x1;
	_ =	sfence @p0  }
0xd7: {  	[sflag:s0] =	ssyncpa.u1 @p0 $0x1;
	s0 =	simm.s32 @p0 $0x2  }
0xd8: {  	[sflag:s0] =	ssyncpa.u1 @p0 $0x1  }
0xd9: {  	_ =	strace @p0 $0x90000047  }
0xda: {  	[bflag:$0x2] =	sbarrier.arrive @p0 $0xFFFF  }
0xdb: {  	_ =	shalt @p0  }
.LBB2_11:
0xdc: {  	_ =	sfence.stream.spmem;
	s0 =	simm.s32 $0x5  }
0xdd: {  	s2 =	simm.s32 $0x80;
	s3 =	simm.s32 $0xC0;
	[sflag:s0] =	ssyncpa.u1 $0x0  }
0xde: {  	[tilespmem:s3], [sflag:$0x5] =	stream.linear.gather [spmem:s2], $0x20, $0x38;
	[tilespmem:$0x11A60] =	vst v63  }
0xdf: {  	s2 =	simm.s32 $0x0;
	s3 =	simm.s32 $0xE0  }
0xe0: {  	[tilespmem:s3], [sflag:$0x5] =	stream.linear.gather [spmem:s2], $0x20, $0x38;
	[tilespmem:$0x11A60] =	vst v63  }
.Ltmp7:
0xe1: {  	_ = 	snop;
	(pc) =	sbr.rel .LBB2_12-.Ltmp7, $4  }
0xe2: {  	_ =	swait.ge [sflag:s0], $0x40  }
0xe3: {  	[sflag:s0] =	ssyncset.done $0x0  }
0xe4: {  	s31 =	simm.s32 $0x6;
	[sflag:s0] =	ssyncadd.s32 $0xFFFFFFC0  }
0xe5: {  	s4 =	simm.s32 $0x0;
	[sflag:s31] =	ssyncpa.u1 $0x0  }
.LBB2_17:
0xe6: {  	p0 =	sgt.u32 s5, $0x27FF  }
0xe7: {  	s0 =	sshrl.u32 @!p0 s5, $0x3  }
0xe8: {  	s5 =	sand.u32 @!p0 $0x7, s5;
	s6 =	simm.s32 @!p0 $0xB0;
	s0 =	sadd.s32 @!p0 s1, s0  }
0xe9: {  	[tilespmem:s6], [sflag:$0x6] =	stream.linear.gather @!p0 [hbm4b:s0+s5], $0x1, $0x38;
	[tilespmem:$0x11A60] =	vst v63  }
0xea: {  	s0 =	simm.s32 @!p0 $0x6  }
0xeb: {  	_ =	swait.ge @!p0 [sflag:s0], $0x1  }
0xec: {  	[sflag:s0] =	ssyncset.done @!p0 $0x0  }
0xed: {  	[sflag:s0] =	ssyncadd.s32 @!p0 $0xFFFFFFFF  }
0xee: {  	v2 =	vmov @!p0 s4;
	v1 =	vld.msk @!p0 [tilespmem:$0xB0], $0x1;
	_ =	sdelay $0x3  }
0xef: {  	s0 =	simm.s32 @!p0 $0xE0  }
0xf0: {  	[tilespmem:v2+s0+$0x0], v1 =	vst.idx.ret.add.f32.msk @!p0 $0x1, v1  }
0xf1: {  	[tilespmem:s2+$0xC0] =	vst.msk $0x1, v0  }
0xf2: {  	v0 =	vld.msk [tilespmem:s4+$0xE0], $0x1;
	_ =	sdelay $0x4  }
0xf3: {  	[tilespmem:s2+$0xE0] =	vst.msk $0x1, v0;
	s2 =	sadd.s32 $0x1, s2  }
.LBB2_19:
0xf4: {  	s4 =	sadd.s32 $0x1, s4  }
0xf5: {  	p0 =	sne.s32 s4, $0x20  }
.Ltmp8:
0xf6: {  	_ = 	snop;
	(pc) =	sbr.rel @!p0 .LBB2_20-.Ltmp8, $1  }
0xf7: {  	_ =	sdelay $0x3  }
.LBB2_12:
0xf8: {  	v0 =	vld.msk [tilespmem:s4+$0xC0], $0x1;
	_ =	sdelay $0x4  }
0xf9: {  	(v2sf) =	vpush v0, $0x0;
	_ =	sdelay $0xe  }
0xfa: {  	s5 =	spop (v2sf)  }
0xfb: {  	p0 =	seq.s32 s5, $0xFFFFFFFF  }
.Ltmp9:
0xfc: {  	_ = 	snop;
	(pc) =	sbr.rel @p0 .LBB2_19-.Ltmp9, $1  }
0xfd: {  	_ =	sdelay $0x3  }
0xfe: {  	p0 =	slt.s32 s2, $0x1  }
.Ltmp10:
0xff: {  	_ = 	snop;
	(pc) =	sbr.rel @p0 .LBB2_17-.Ltmp10, $1  }
0x100: {  	_ =	sdelay $0x3  }
0x101: {  	s0 =	simm.s32 $0xC0;
	p0 =	por $0x0, $0x0  }
0x102: {  	v1 =	vld.msk @!p0 [tilespmem:s0+$0x0], $0x1;
	_ =	sdelay $0x4  }
0x103: {  	(v2sf) =	vpush @!p0 v1, $0x0;
	_ =	sdelay $0xd  }
0x104: {  	p2 =	sne.s32 s2, $0x1  }
.Ltmp11:
0x105: {  	s6 =	spop @!p0 (v2sf);
	(pc) =	sbr.rel @!p2 .LBB2_16-.Ltmp11, $4  }
0x106: {  	p1 =	seq.s32 @!p0 s5, s6  }
0x107: {  	s6 =	simm.s32 $0x0;
	p1 =	por !p1, p0  }
0x108: {  	s8 =	simm.s32 $0xFFFFFFFF;
	s6 =	simm.s32 @p1 $0xFFFFFFFF  }
0x109: {  	s7 =	simm.s32 $0x1;
	s6 =	smov.u32 @p0 s8  }
.LBB2_15:
0x10a: {  	s8 =	smov.u32 s6;
	p0 =	sne.s32 s6, $0xFFFFFFFF  }
0x10b: {  	s0 =	sadd.s32 $0x1, s0;
	s6 =	smov.u32 s7;
	s7 =	sadd.s32 $0x1, s7  }
0x10c: {  	p1 =	sne.s32 s2, s7;
	v1 =	vld.msk @!p0 [tilespmem:s0+$0x0], $0x1;
	_ =	sdelay $0x4  }
0x10d: {  	(v2sf) =	vpush @!p0 v1, $0x0;
	_ =	sdelay $0xe  }
.Ltmp12:
0x10e: {  	s9 =	spop @!p0 (v2sf);
	(pc) =	sbr.rel @p1 .LBB2_15-.Ltmp12, $4  }
0x10f: {  	p2 =	seq.s32 @!p0 s5, s9  }
0x110: {  	p2 =	por !p2, p0  }
0x111: {  	s6 =	simm.s32 @p2 $0xFFFFFFFF  }
0x112: {  	s6 =	smov.u32 @p0 s8  }
.LBB2_16:
0x113: {  	p0 =	sne.s32 s6, $0xFFFFFFFF  }
.Ltmp13:
0x114: {  	_ = 	snop;
	(pc) =	sbr.rel @!p0 .LBB2_17-.Ltmp13, $1  }
0x115: {  	_ =	sdelay $0x3  }
0x116: {  	v0 =	vld.msk [tilespmem:s4+$0xE0], $0x1;
	v1 =	vmov s6  }
.Ltmp14:
0x117: {  	_ = 	snop;
	(pc) =	sbr.rel .LBB2_19-.Ltmp14, $2  }
0x118: {  	_ =	sdelay $0x2  }
0x119: {  	[tilespmem:v1+s3+$0x0], v0 =	vst.idx.ret.add.f32.msk $0x1, v0  }
.LBB2_20:
0x11a: {  	p0 =	slt.s32 s2, $0x1  }
.Ltmp15:
0x11b: {  	_ = 	snop;
	(pc) =	sbr.rel @p0 .LBB2_24-.Ltmp15, $3  }
0x11c: {  	_ =	sdelay $0x1  }
0x11d: {  	s0 =	simm.s32 $0x6  }
0x11e: {  	s3 =	simm.s32 $0x0;
	[sflag:s0] =	ssyncpa.u1 $0x1  }
0x11f: {  	s0 =	simm.s32 $0xC0  }
0x120: {  	v0 =	vld.msk [tilespmem:s0+$0x0], $0x1;
	_ =	sdelay $0x4  }
0x121: {  	(v2sf) =	vpush v0, $0x0;
	_ =	sdelay $0xe  }
0x122: {  	s2 =	sadd.s32 $0xFFFFFFFF, s2;
	s4 =	spop (v2sf)  }
0x123: {  	p1 =	sne.s32 s2, $0x0;
	p0 =	sgt.u32 s4, $0x27FF  }
.Ltmp16:
0x124: {  	s5 =	sshrl.u32 @!p0 s4, $0x3;
	(pc) =	sbr.rel @!p1 .LBB2_23-.Ltmp16, $4  }
0x125: {  	s0 =	simm.s32 $0xE0;
	s4 =	sand.u32 @!p0 $0x7, s4;
	s5 =	sadd.s32 @!p0 s1, s5  }
0x126: {  	[hbm4b:s5+s4] =	stream.linear.scatter @!p0 [tilespmem:s0], [sflag:$0x5], $0x1, $0x38;
	[tilespmem:$0x11A60] =	vst v63  }
0x127: {  	s5 =	simm.s32 $0x0  }
0x128: {  	s4 =	simm.s32 $0xC1;
	s5 =	simm.s32 @!p0 $0x4  }
.LBB2_22:
0x129: {  	v0 =	vld.msk [tilespmem:s4+$0x0], $0x1;
	s2 =	sadd.s32 $0xFFFFFFFF, s2;
	s3 =	sadd.s32 s3, s5  }
0x12a: {  	p0 =	sne.s32 s2, $0x0;
	_ =	sdelay $0x3  }
0x12b: {  	(v2sf) =	vpush v0, $0x0;
	_ =	sdelay $0xe  }
.Ltmp17:
0x12c: {  	s6 =	spop (v2sf);
	(pc) =	sbr.rel @p0 .LBB2_22-.Ltmp17, $4  }
0x12d: {  	s5 =	simm.s32 $0x0;
	p1 =	sgt.u32 s6, $0x27FF  }
0x12e: {  	s0 =	sadd.s32 $0x1, s0;
	s5 =	simm.s32 @!p1 $0x4;
	s7 =	sshrl.u32 @!p1 s6, $0x3  }
0x12f: {  	s4 =	sadd.s32 $0x1, s4;
	s6 =	sand.u32 @!p1 $0x7, s6;
	s7 =	sadd.s32 @!p1 s1, s7  }
0x130: {  	[hbm4b:s7+s6] =	stream.linear.scatter @!p1 [tilespmem:s0], [sflag:$0x5], $0x1, $0x38;
	[tilespmem:$0x11A60] =	vst v63  }
.LBB2_23:
0x131: {  	s0 =	sadd.s32 s3, s5  }
0x132: {  	s3 =	sshrl.u32 s0, $0x2  }
.LBB2_24:
0x133: {  	s0 =	simm.s32 $0x5  }
0x134: {  	_ =	swait.ge [sflag:s0], s3  }
0x135: {  	s1 =	ssub.s32 $0x0, s3;
	[sflag:s0] =	ssyncset.done $0x0  }
0x136: {  	[sflag:s0] =	ssyncadd.s32 s1  }
0x137: {  	[sflag:s0] =	ssyncpa.u1 $0x1  }
0x138: {  	s29 =	simm.s32 $0x1;
	_ =	sfence  }
0x139: {  	s30 =	simm.s32 $0x2;
	[sflag:s29] =	ssyncpa.u1 $0x1  }
0x13a: {  	[sflag:s30] =	ssyncpa.u1 $0x1  }
0x13b: {  	_ =	strace $0x90000047  }
0x13c: {  	[bflag:$0x2] =	sbarrier.arrive $0xFFFF  }
0x13d: {  	s31 =	rddreg [dreg:$0x1]  }
0x13e: {  	s0 =	sadd.s32 $0x100000, s31  }
0x13f: {  	[sflag:s0] =	ssyncadd.tile.s32 $0x1;
	_ =	shalt  }
.Lfunc_end2:
_tile_overlayer_lowered:
.L_overlay_start_2:
0x140: {  	(tag) =	ssettag $0x2  }
0x141: {  	s0 =	rddreg [dreg:$0x0];
	s2 =	stileid.u32  }
0x142: {  	s1 =	rddreg [dreg:$0x1];
	p0 =	sne.s32 s2, $0x0  }
0x143: {  	s3 =	rddreg [dreg:$0x2];
	[bflag:$0x3] =	sbarrier.arrive $0xFFFF;
	s2 =	simm.s32 @!p0 $0x1C01  }
0x144: {  	[timem:s3], [sflag:s2] =	dma.local @!p0 [hbm:s0], s1  }
0x145: {  	s0 =	simm.s32 @!p0 $0x1  }
0x146: {  	_ =	swait.ge @!p0 [sflag:s0], s1  }
0x147: {  	s1 =	ssub.s32 @!p0 $0x0, s1;
	[sflag:s0] =	ssyncset.done @!p0 $0x0  }
0x148: {  	[sflag:s0] =	ssyncadd.s32 @!p0 s1  }
0x149: {  	[bflag:$0x3] =	sbarrier.arrive $0xFFFF  }
0x14a: {  	_ =	shalt  }

// kernel: scatter_offload_async_start.2
scs
__scs_entry_jumppad:
0x0: {  	(pc) =	sbr.rel $0x88, $3  }
0x1: {  	(tag) =	ssettag $0x0;
	lr =	simm.s32 $0x1  }
0x2: {  	[smem:$0x3F7A] =	sst lr;
	_ =	strace $0xD0000000  }
0x3: {  	_ = 	snop  }
0x4: {  	_ = 	snop  }
0x5: {  	_ = 	snop  }
0x6: {  	_ = 	snop  }
0x7: {  	_ = 	snop  }
__scs_overlays_trampoline_lowered:
0x8: {  	[smem:$0x3F89] =	sst s0  }
0x9: {  	[smem:$0x3F8A] =	sst s1  }
0xa: {  	[smem:$0x3F8B] =	sst s2  }
0xb: {  	[smem:$0x3F8C] =	sst s3  }
0xc: {  	[smem:$0x3F8D] =	sst s4  }
0xd: {  	[smem:$0x3F8E] =	sst s5  }
0xe: {  	[smem:$0x3F8F] =	sst s6  }
0xf: {  	[smem:$0x3F90] =	sst s7  }
0x10: {  	[smem:$0x3F91] =	sst s8  }
0x11: {  	[smem:$0x3F92] =	sst s9;
	s0 =	simm.s32 @!p0 $0x0  }
0x12: {  	s1 =	sld [smem:$0x3F78];
	s0 =	simm.s32 @p0 $0x1  }
0x13: {  	[smem:$0x3F93] =	sst s0;
	s0 =	simm.s32 @!p1 $0x0  }
0x14: {  	s2 =	sld [smem:$0x3F77];
	s0 =	simm.s32 @p1 $0x1  }
0x15: {  	[smem:$0x3F94] =	sst s0;
	s0 =	simm.s32 @!p2 $0x0  }
0x16: {  	s3 =	sld [smem:$0x3FDB];
	s0 =	simm.s32 @p2 $0x1  }
0x17: {  	s4 =	simm.s32 $0x1BF5;
	[smem:$0x3F96] =	sst s0  }
0x18: {  	s0 =	sld [smem:$0x3F79];
	_ =	swait.ge [sflag:s4], $0x0  }
0x19: {  	s7 =	sld [smem:$0x3F7A]  }
0x1a: {  	s8 =	sadd.s32 $0xFFFFE003, lr  }
0x1b: {  	s9 =	sadd.s32 $0xFFFFFEF7, lr;
	s5 =	simm.s32 $0xFFFFFFFF;
	p2 =	slt.u32 s8, $0xFFFFF086  }
0x1c: {  	p1 =	slt.u32 s9, $0xF7A;
	s5 =	simm.s32 @!p2 $0x0  }
0x1d: {  	s5 =	simm.s32 @p1 $0x1;
	p0 =	seq.s32 s7, s2  }
0x1e: {  	s7 =	smul.u32 @!p0 $0xF7A, s2;
	p2 =	seq.s32 @!p0 s5, $0x0  }
0x1f: {  	s9 =	smul.u32 $0xF7A, s1;
	s8 =	simm.s32 @!p0 $0x1BF5;
	p2 =	por !p2, p0  }
0x20: {  	[sflag:s8] =	ssyncset.s32 @!p0 $0xFFFFF086;
	s6 =	sadd.s32 @!p0 s3, s7;
	s7 =	simm.s32 @!p0 $0x108  }
0x21: {  	s3 =	sadd.s32 s3, s9;
	s6 =	sadd.s32 @!p0 $0x88, s6;
	s7 =	simm.s32 @p2 $0x1082  }
0x22: {  	[simem:s7], [sflag:s8] =	dma.local @!p0 [hbm:s6], $0xF7A  }
0x23: {  	s9 =	sor.u32 $0xD0000000, s2;
	s6 =	simm.s32 $0x108;
	_ =	swait.ge @!p0 [sflag:s8], $0x0  }
0x24: {  	s3 =	sadd.s32 $0x88, s3;
	s6 =	simm.s32 @!p1 $0x1082;
	[sflag:s4] =	ssyncset.s32 $0xFFFFF086  }
0x25: {  	[simem:s6], [sflag:s4] =	dma.local [hbm:s3], $0xF7A  }
0x26: {  	[smem:$0x3F7A] =	sst s1;
	(tag) =	ssettag s2;
	_ =	strace s9  }
0x27: {  	s1 =	sld [smem:$0x3F8A]  }
0x28: {  	s2 =	sld [smem:$0x3F8B]  }
0x29: {  	s4 =	sld [smem:$0x3F8D]  }
0x2a: {  	p0 =	seq.s32 s5, $0x0;
	s5 =	sld [smem:$0x3F8E]  }
0x2b: {  	s6 =	sld [smem:$0x3F8F]  }
0x2c: {  	s7 =	sld [smem:$0x3F90]  }
0x2d: {  	s3 =	simm.s32 $0x108;
	s8 =	sld [smem:$0x3F91]  }
0x2e: {  	s3 =	simm.s32 @!p0 $0x1082;
	s9 =	sld [smem:$0x3F92]  }
0x2f: {  	lr =	sadd.s32 s0, s3;
	s0 =	sld [smem:$0x3F89]  }
0x30: {  	s3 =	sld [smem:$0x3F8C]  }
0x31: {  	[smem:$0x3F95] =	sst s10  }
0x32: {  	s10 =	sld [smem:$0x3F93];
	_ =	sdelay $0x3  }
0x33: {  	p0 =	seq.s32 s10, $0x1;
	s10 =	sld [smem:$0x3F95];
	_ =	sdelay $0x3  }
0x34: {  	[smem:$0x3F95] =	sst s10  }
0x35: {  	s10 =	sld [smem:$0x3F94];
	_ =	sdelay $0x3  }
0x36: {  	p1 =	seq.s32 s10, $0x1;
	s10 =	sld [smem:$0x3F95];
	_ =	sdelay $0x3  }
0x37: {  	[smem:$0x3F95] =	sst s10  }
0x38: {  	s10 =	sld [smem:$0x3F96]  }
0x39: {  	_ = 	snop;
	(pc) =	sbr.ind lr, $3  }
0x3a: {  	_ = 	snop  }
0x3b: {  	_ = 	snop  }
0x3c: {  	p2 =	seq.s32 s10, $0x1;
	s10 =	sld [smem:$0x3F95]  }
0x3d: {  	_ =	shalt  }
0x3e: {  	_ =	shalt  }
0x3f: {  	_ =	shalt  }
0x40: {  	_ =	shalt  }
0x41: {  	_ =	shalt  }
0x42: {  	_ =	shalt  }
0x43: {  	_ =	shalt  }
0x44: {  	_ =	shalt  }
0x45: {  	_ =	shalt  }
0x46: {  	_ =	shalt  }
0x47: {  	_ =	shalt  }
0x48: {  	_ =	shalt  }
0x49: {  	_ =	shalt  }
0x4a: {  	_ =	shalt  }
0x4b: {  	_ =	shalt  }
0x4c: {  	_ =	shalt  }
0x4d: {  	_ =	shalt  }
0x4e: {  	_ =	shalt  }
0x4f: {  	_ =	shalt  }
0x50: {  	_ =	shalt  }
0x51: {  	_ =	shalt  }
0x52: {  	_ =	shalt  }
0x53: {  	_ =	shalt  }
0x54: {  	_ =	shalt  }
0x55: {  	_ =	shalt  }
0x56: {  	_ =	shalt  }
0x57: {  	_ =	shalt  }
0x58: {  	_ =	shalt  }
0x59: {  	_ =	shalt  }
0x5a: {  	_ =	shalt  }
0x5b: {  	_ =	shalt  }
0x5c: {  	_ =	shalt  }
0x5d: {  	_ =	shalt  }
0x5e: {  	_ =	shalt  }
0x5f: {  	_ =	shalt  }
0x60: {  	_ =	shalt  }
0x61: {  	_ =	shalt  }
0x62: {  	_ =	shalt  }
0x63: {  	_ =	shalt  }
0x64: {  	_ =	shalt  }
0x65: {  	_ =	shalt  }
0x66: {  	_ =	shalt  }
0x67: {  	_ =	shalt  }
0x68: {  	_ =	shalt  }
0x69: {  	_ =	shalt  }
0x6a: {  	_ =	shalt  }
0x6b: {  	_ =	shalt  }
0x6c: {  	_ =	shalt  }
0x6d: {  	_ =	shalt  }
0x6e: {  	_ =	shalt  }
0x6f: {  	_ =	shalt  }
0x70: {  	_ =	shalt  }
0x71: {  	_ =	shalt  }
0x72: {  	_ =	shalt  }
0x73: {  	_ =	shalt  }
0x74: {  	_ =	shalt  }
0x75: {  	_ =	shalt  }
0x76: {  	_ =	shalt  }
0x77: {  	_ =	shalt  }
0x78: {  	_ =	shalt  }
0x79: {  	_ =	shalt  }
0x7a: {  	_ =	shalt  }
0x7b: {  	_ =	shalt  }
0x7c: {  	_ =	shalt  }
0x7d: {  	_ =	shalt  }
0x7e: {  	_ =	shalt  }
0x7f: {  	_ =	shalt  }
0x80: {  	_ =	shalt  }
0x81: {  	_ =	shalt  }
0x82: {  	_ =	shalt  }
0x83: {  	_ =	shalt  }
0x84: {  	_ =	shalt  }
0x85: {  	_ =	shalt  }
0x86: {  	_ =	shalt  }
0x87: {  	_ =	shalt  }
.Lfunc_end0:
.L_simem_size_0:
called_computation.2_lowered:
.L_overlay_start_0:
0x88: {  	s2 =	sld [smem:$0x3FD9]  }
0x89: {  	s3 =	sld [smem:$0x3FFE];
	_ =	sdelay $0x1  }
0x8a: {  	s1 =	srdreg.scid  }
0x8b: {  	s0 =	sand.u32 $0x1, s1  }
0x8c: {  	s15 =	sshll.u32 s0, $0xA;
	s2 =	sadd.s32 s3, s2  }
0x8d: {  	s2 =	sadd.s32 s2, s15  }
0x8e: {  	[smem:$0x3FA1] =	sst s2  }
0x8f: {  	_ = 	snop  }
0x90: {  	(tm) =	ssettm $0x1  }
0x91: {  	s16 =	sld [smem:$0x3FFB];
	_ =	sdelay $0x3  }
0x92: {  	_ =	strace s16  }
0x93: {  	s2 =	sld [smem:$0x3FFC];
	_ =	sdelay $0x3  }
0x94: {  	_ =	strace s2  }
0x95: {  	s2 =	sld [smem:$0x3FFD];
	_ =	sdelay $0x3  }
0x96: {  	_ =	strace s2  }
0x97: {  	_ =	strace $0x8FFFFFFF  }
0x98: {  	s17 =	sld [smem:$0x3FDB];
	_ =	sdelay $0x1  }
0x99: {  	s18 =	simm.s32 $_scs_section_size  }
0x9a: {  	s4 =	simm.s32 $_size__tile_overlayer_lowered;
	s5 =	simm.s32 $_tile_overlayer_lowered  }
0x9b: {  	s6 =	simm.s32 $0x1BFF;
	s19 =	sshll.u32 s5, $0x1;
	s3 =	sadd.s32 s18, s17  }
0x9c: {  	s20 =	simm.s32 $0x0;
	s4 =	sshll.u32 s4, $0x1;
	s5 =	sadd.s32 s19, s3  }
0x9d: {  	[timem:s20], [sflag:s6] =	dma.local [hbm:s5], s4  }
0x9e: {  	_ =	swait.ge [sflag:s6], s4  }
0x9f: {  	s4 =	ssub.s32 $0x0, s4;
	[sflag:s6] =	ssyncset.done $0x0  }
0xa0: {  	[sflag:s6] =	ssyncadd.s32 s4;
	_ =	sdelay $0x1  }
0xa1: {  	s21 =	simm.s32 $0x1B8B  }
0xa2: {  	_ =	swait.ge [sflag:s21], $0x1  }
0xa3: {  	[sflag:s21] =	ssyncset.done $0x0  }
0xa4: {  	s22 =	sld [smem:$0x3FFE];
	[sflag:s21] =	ssyncadd.s32 $0xFFFFFFFF  }
0xa5: {  	s24 =	simm.s32 $0x1B8E;
	s23 =	sld [smem:$0x0]  }
0xa6: {  	s25 =	simm.s32 $execute0_lowered;
	[smem:$0x3FD2] =	sst s24  }
0xa7: {  	s6 =	sshll.u32 s25, $0x1;
	_ =	strace $0x8000004C;
	[dreg:$0x1] =	wrdreg $0xFFFFFFFF  }
0xa8: {  	s7 =	simm.s32 $_size_execute0_lowered;
	s6 =	sadd.s32 s3, s6;
	[dreg:$0x0] =	wrdreg $0x0  }
0xa9: {  	s7 =	sshll.u32 s7, $0x1;
	[dreg:$0x2] =	wrdreg s6  }
0xaa: {  	[dreg:$0x3] =	wrdreg s7  }
0xab: {  	[dreg:$0x4] =	wrdreg $0xC0  }
0xac: {  	s26 =	simm.s32 $execute1_lowered;
	_ =	task [dreg:s20], $0x5FFFF  }
0xad: {  	s6 =	sshll.u32 s26, $0x1;
	[dreg:$0x1] =	wrdreg $0xFFFFFFFF  }
0xae: {  	s3 =	sadd.s32 s3, s6;
	[dreg:$0x0] =	wrdreg $0x60  }
0xaf: {  	[dreg:$0x2] =	wrdreg s3  }
0xb0: {  	[dreg:$0x3] =	wrdreg s22  }
0xb1: {  	[dreg:$0x4] =	wrdreg $0x9  }
0xb2: {  	_ =	task.clear_ibuf [dreg:s20], $0x5FFFF;
	_ =	strace $0x9000004C  }
0xb3: {  	s28 =	simm.s32 $0x9;
	_ =	strace $0x8000004E  }
0xb4: {  	_ =	swait.ge [sflag:s28], $0x1  }
0xb5: {  	[sflag:s28] =	ssyncadd.s32 $0xFFFFFFFF  }
0xb6: {  	_ =	strace $0x9000004E  }
0xb7: {  	s3 =	sld [smem:$0x0]  }
0xb8: {  	s6 =	sand.u32 $0xFFFFFFFE, s1  }
0xb9: {  	p0 =	sne.s32 s1, s6  }
0xba: {  	s6 =	sshll.u32 @p0 s6, $0xE  }
0xbb: {  	s6 =	sadd.s32 @p0 $0x11BF3, s6;
	s7 =	sshll.u32 @p0 s3, $0x11  }
0xbc: {  	s6 =	sor.u32 @p0 s7, s6  }
0xbd: {  	[sflag:s6] =	ssyncadd.remote.s32 @p0 $0x1;
	_ =	sdelay $0x1  }
0xbe: {  	s6 =	simm.s32 @p0 $0x1BF3  }
0xbf: {  	_ =	swait.eq @p0 [sflag:s6], $0x1  }
0xc0: {  	[sflag:s6] =	ssyncadd.s32 @p0 $0xFFFFFFFF  }
0xc1: {  	s7 =	sshll.u32 @!p0 s1, $0xE  }
0xc2: {  	s7 =	sor.u32 @!p0 $0x4000, s7;
	s6 =	simm.s32 @!p0 $0x1BF3  }
0xc3: {  	s3 =	sshll.u32 @!p0 s3, $0x11;
	s7 =	sadd.s32 @!p0 $0x11BF3, s7;
	_ =	swait.eq @!p0 [sflag:s6], $0x1  }
0xc4: {  	s3 =	sor.u32 @!p0 s3, s7;
	[sflag:s6] =	ssyncadd.s32 @!p0 $0xFFFFFFFF  }
0xc5: {  	[sflag:s3] =	ssyncadd.remote.s32 @!p0 $0x1  }
0xc6: {  	_ =	strace $0x8000004F;
	[dreg:$0x1] =	wrdreg $0xFFFFFFFF  }
0xc7: {  	[dreg:$0x0] =	wrdreg $0x2030  }
0xc8: {  	[dreg:$0x2] =	wrdreg s22  }
0xc9: {  	[dreg:$0x3] =	wrdreg s1  }
0xca: {  	[dreg:$0x4] =	wrdreg s23  }
0xcb: {  	[dreg:$0x5] =	wrdreg $0xA  }
0xcc: {  	_ =	task.clear_ibuf [dreg:s20], $0x6FFFF;
	_ =	strace $0x9000004F  }
0xcd: {  	s29 =	simm.s32 $0xA;
	_ =	strace $0x80000051  }
0xce: {  	_ =	swait.ge [sflag:s29], $0x1  }
0xcf: {  	[sflag:s29] =	ssyncadd.s32 $0xFFFFFFFF  }
0xd0: {  	_ =	strace $0x90000051  }
0xd1: {  	_ =	sfence  }
0xd2: {  	s30 =	sld [smem:$0x0];
	_ =	sdelay $0x2  }
0xd3: {  	s31 =	sshll.u32 s1, $0xD;
	s1 =	sshrl.u32 s1, $0x2  }
0xd4: {  	s4 =	sand.u32 $0x4000, s31;
	s1 =	sadd.s32 s1, s30  }
0xd5: {  	s0 =	sor.u32 s4, s0;
	s1 =	sshll.u32 s1, $0x11  }
0xd6: {  	s0 =	sor.u32 s1, s0  }
0xd7: {  	s0 =	sadd.s32 $0x8F2B, s0  }
0xd8: {  	[sflag:s0] =	ssyncadd.remote.s32 $0x1  }
0xd9: {  	_ =	sfence.sel $0xFFFF  }
0xda: {  	[dreg:$0x0] =	wrdreg $0xFFFFFFFF;
	(pc) =	sbr.abs _section_cstart, $3  }
0xdb: {  	[dreg:$0x1] =	wrdreg $0xFFFFFFFF  }
0xdc: {  	_ =	task.clear_ibuf [dreg:s20], $0x2FFFF;
	_ =	strace $0x9FFFFFFF  }
0xdd: {  	(tm) =	ssettm $0x7FFFFFFF  }
tec
execute0_lowered:
.L_overlay_start_1:
0x0: {  	(tag) =	ssettag $0x1  }
0x1: {  	s2 =	rddreg [dreg:$0x0]  }
0x2: {  	s4 =	rddreg [dreg:$0x1]  }
0x3: {  	s3 =	stileid.u32;
	[bflag:$0x3] =	sbarrier.arrive $0xFFFF;
	s1 =	simm.s32 $_size_execute1_lowered  }
0x4: {  	s26 =	srdreg.scid;
	s30 =	simm.s32 $0x1;
	s7 =	simm.s32 $0x2  }
0x5: {  	s12 =	simm.s32 $0x0;
	p0 =	sne.s32 s3, $0x0;
	s0 =	sshll.u32 s1, $0x1  }
0x6: {  	s5 =	simm.s32 @!p0 $0x1C3F;
	s6 =	simm.s32 @!p0 $0x4060;
	[dreg:$0x3] =	wrdreg s0  }
0x7: {  	[timem:s6], [sflag:s5] =	dma.local @!p0 [hbm:s2], s0  }
0x8: {  	s10 =	simm.s32 $0x0;
	s11 =	simm.s32 $0x0;
	s2 =	sshll.u32 s26, $0x6  }
.Ltmp0:
0x9: {  	s3 =	sshll.u32 s3, $0x7;
	s28 =	sand.u32 $0x40, s2;
	(pc) =	sbr.rel .LBB2_1-.Ltmp0, $4  }
0xa: {  	s25 =	sadd.s32 $0x62C00, s4;
	_ =	strace $0x8000004D;
	s3 =	sor.u32 s3, s28  }
0xb: {  	s29 =	sadd.s32 $0xFF000, s4;
	[sflag:s30] =	ssyncpa.u1 $0x0;
	s31 =	ssub.s32 $0x2700, s3  }
0xc: {  	[dreg:$0x4] =	wrdreg s29;
	[sflag:s7] =	ssyncpa.u1 $0x0;
	s6 =	sshrl.u32 s31, $0xB  }
0xd: {  	s9 =	smov.u32 s3;
	[dreg:$0x5] =	wrdreg s3;
	s7 =	sadd.s32 $0x2, s6  }
.LBB2_4:
0xe: {  	_ = 	snop  }
.LBB2_9:
0xf: {  	_ =	sdelay $0x3  }
0x10: {  	[tilespmem:v0+s23+$0x0 ss:$0x1] =	vst.idx.msk @p1 $0xffff, v2  }
0x11: {  	s0 =	sor.u32 s29, s28;
	v2 =	vld.idx.msk @p1 [tilespmem:v1+s15+$0x0 ss:$0x1], $0xffff;
	[tilespmem:v0+s22+$0x0 ss:$0x1] =	vst.idx.msk @p1 $0xffff, v3  }
0x12: {  	s1 =	sand.u32 $0x80, s18;
	v3 =	vld.idx.msk @p1 [tilespmem:v1+s16+$0x0 ss:$0x1], $0xffff;
	[tilespmem:v0+s19+$0x0 ss:$0x1] =	vst.idx.msk @p1 $0xffff, v6;
	s2 =	sand.u32 $0x3B00, s0  }
0x13: {  	v6 =	vld.idx.msk @p1 [tilespmem:v1+s17+$0x0 ss:$0x1], $0xffff;
	[tilespmem:v0+s24+$0x0 ss:$0x1] =	vst.idx.msk @p1 $0xffff, v4;
	s0 =	sand.u32 $0x3B80, s0;
	s1 =	sor.u32 s1, s2  }
0x14: {  	[tilespmem:v0+s21+$0x0 ss:$0x1] =	vst.idx.msk @p1 $0xffff, v5;
	s24 =	sor.u32 $0x410, s0;
	v48 =	vld.idx.msk [tilespmem:v1+s1+$0x0 ss:$0x1], $0xffff  }
0x15: {  	s26 =	sor.u32 $0x420, s0;
	[tilespmem:v0+s20+$0x0 ss:$0x1] =	vst.idx.msk @p1 $0xffff, v7;
	v57 =	vld.idx.msk [tilespmem:v1+s24+$0x0 ss:$0x1], $0xffff  }
0x16: {  	s28 =	sor.u32 $0x430, s0;
	v58 =	vld.idx.msk [tilespmem:v1+s26+$0x0 ss:$0x1], $0xffff;
	[tilespmem:v0+s15+$0x0 ss:$0x1] =	vst.idx.msk @p1 $0xffff, v2  }
0x17: {  	s29 =	sor.u32 $0x440, s0;
	v59 =	vld.idx.msk [tilespmem:v1+s28+$0x0 ss:$0x1], $0xffff;
	[tilespmem:v0+s16+$0x0 ss:$0x1] =	vst.idx.msk @p1 $0xffff, v3  }
0x18: {  	s30 =	sor.u32 $0x450, s0;
	v60 =	vld.idx.msk [tilespmem:v1+s29+$0x0 ss:$0x1], $0xffff;
	[tilespmem:v0+s17+$0x0 ss:$0x1] =	vst.idx.msk @p1 $0xffff, v6  }
0x19: {  	s31 =	sor.u32 $0x460, s0;
	v61 =	vld.idx.msk [tilespmem:v1+s30+$0x0 ss:$0x1], $0xffff;
	[tilespmem:v0+s1+$0x0 ss:$0x1] =	vst.idx.msk $0xffff, v48  }
0x1a: {  	s0 =	sor.u32 $0x470, s0;
	v62 =	vld.idx.msk [tilespmem:v1+s31+$0x0 ss:$0x1], $0xffff;
	[tilespmem:v0+s24+$0x0 ss:$0x1] =	vst.idx.msk $0xffff, v57  }
0x1b: {  	s2 =	sor.u32 $0x400, s1;
	v63 =	vld.idx.msk [tilespmem:v1+s0+$0x0 ss:$0x1], $0xffff;
	[tilespmem:v0+s26+$0x0 ss:$0x1] =	vst.idx.msk $0xffff, v58  }
0x1c: {  	s4 =	sor.u32 $0x10, s1;
	v49 =	vld.idx.msk [tilespmem:v1+s2+$0x0 ss:$0x1], $0xffff;
	[tilespmem:v0+s28+$0x0 ss:$0x1] =	vst.idx.msk $0xffff, v59  }
0x1d: {  	s5 =	sor.u32 $0x20, s1;
	v50 =	vld.idx.msk [tilespmem:v1+s4+$0x0 ss:$0x1], $0xffff;
	[tilespmem:v0+s29+$0x0 ss:$0x1] =	vst.idx.msk $0xffff, v60  }
0x1e: {  	s8 =	sor.u32 $0x30, s1;
	v51 =	vld.idx.msk [tilespmem:v1+s5+$0x0 ss:$0x1], $0xffff;
	[tilespmem:v0+s30+$0x0 ss:$0x1] =	vst.idx.msk $0xffff, v61  }
0x1f: {  	s21 =	sor.u32 $0x40, s1;
	v52 =	vld.idx.msk [tilespmem:v1+s8+$0x0 ss:$0x1], $0xffff;
	[tilespmem:v0+s31+$0x0 ss:$0x1] =	vst.idx.msk $0xffff, v62  }
0x20: {  	s22 =	sor.u32 $0x50, s1;
	v53 =	vld.idx.msk [tilespmem:v1+s21+$0x0 ss:$0x1], $0xffff;
	[tilespmem:v0+s0+$0x0 ss:$0x1] =	vst.idx.msk $0xffff, v63  }
0x21: {  	s23 =	sor.u32 $0x60, s1;
	v54 =	vld.idx.msk [tilespmem:v1+s22+$0x0 ss:$0x1], $0xffff;
	[tilespmem:v0+s2+$0x0 ss:$0x1] =	vst.idx.msk $0xffff, v49  }
0x22: {  	v55 =	vld.idx.msk [tilespmem:v1+s23+$0x0 ss:$0x1], $0xffff;
	s1 =	sor.u32 $0x70, s1;
	[tilespmem:v0+s4+$0x0 ss:$0x1] =	vst.idx.msk $0xffff, v50  }
0x23: {  	v56 =	vld.idx.msk [tilespmem:v1+s1+$0x0 ss:$0x1], $0xffff;
	[tilespmem:v0+s5+$0x0 ss:$0x1] =	vst.idx.msk $0xffff, v51  }
0x24: {  	[tilespmem:v0+s8+$0x0 ss:$0x1] =	vst.idx.msk $0xffff, v52  }
0x25: {  	[tilespmem:v0+s21+$0x0 ss:$0x1] =	vst.idx.msk $0xffff, v53  }
0x26: {  	[tilespmem:v0+s22+$0x0 ss:$0x1] =	vst.idx.msk $0xffff, v54  }
0x27: {  	[tilespmem:v0+s23+$0x0 ss:$0x1] =	vst.idx.msk $0xffff, v55  }
0x28: {  	[tilespmem:v0+s1+$0x0 ss:$0x1] =	vst.idx.msk $0xffff, v56  }
.LBB2_10:
0x29: {  	s0 =	sshll.u32 s10, $0x8;
	s1 =	sshll.u32 s10, $0x7  }
0x2a: {  	s0 =	sand.u32 $0xFFFFF800, s0;
	s1 =	sand.u32 $0x300, s1  }
0x2b: {  	s0 =	sor.u32 s1, s0  }
0x2c: {  	s0 =	sshrl.u32 s0, $0x8  }
0x2d: {  	s28 =	smulhi.u32 $0x1A36E3, s0;
	_ =	sdelay $0x1  }
0x2e: {  	s1 =	sshrl.u32 s28, $0x2  }
0x2f: {  	s1 =	smul.u32 $0x2710, s1  }
0x30: {  	s2 =	sshll.u32 s10, $0x4  }
0x31: {  	s30 =	rddreg [dreg:$0x4];
	s29 =	sand.u32 $0x10, s2;
	s0 =	ssub.s32 s0, s1  }
0x32: {  	s1 =	sadd.s32 s30, s29;
	s0 =	sshll.u32 s0, $0x5  }
0x33: {  	s31 =	simm.s32 $0x0;
	s0 =	sadd.s32 s0, s1  }
0x34: {  	[hbm4b:s0+s31] =	stream.linear.scatter [tilespmem:s14], [sflag:$0x2], s13, $0x38;
	[tilespmem:$0x10000] =	vst v63  }
.LBB2_11:
0x35: {  	p1 =	slt.u32 s11, $0x2  }
0x36: {  	p2 =	sgt.s32 @!p1 s12, $0x26D0  }
0x37: {  	s0 =	smov.u32 s12;
	s1 =	sshra.s32 @!p1 s12, $0x1F;
	p2 =	por !p2, p1  }
0x38: {  	s1 =	sand.u32 @!p1 s1, s12;
	s0 =	simm.s32 @p2 $0x26D0  }
0x39: {  	s0 =	ssub.s32 @!p1 s0, s1  }
0x3a: {  	s0 =	sadd.s32 @!p1 $0xFFFFD930, s0  }
0x3b: {  	s1 =	sshll.u32 @!p1 s0, $0xA  }
0x3c: {  	p2 =	sgt.s32 @!p1 s0, $0x3F;
	s0 =	ssub.s32 @!p1 $0x10000, s1  }
0x3d: {  	s2 =	sadd.s32 $0x800, s9;
	p2 =	por !p2, p1;
	s0 =	sshrl.u32 @!p1 s0, $0x2  }
0x3e: {  	s0 =	simm.s32 @!p2 $0x0;
	p2 =	sgt.s32 s2, $0x270F  }
0x3f: {  	s2 =	smov.u32 @p2 s3;
	p2 =	sne.s32 s11, s7  }
.Ltmp1:
0x40: {  	_ = 	snop;
	(pc) =	sbr.rel @!p2 .LBB2_12-.Ltmp1, $4  }
0x41: {  	s1 =	simm.s32 @!p1 $0x2  }
0x42: {  	s12 =	smov.u32 s10;
	_ =	swait.ge @!p1 [sflag:s1], s0  }
0x43: {  	s10 =	smov.u32 s9;
	s0 =	ssub.s32 @!p1 $0x0, s0;
	[sflag:s1] =	ssyncset.done @!p1 $0x0  }
0x44: {  	s11 =	sadd.s32 $0x1, s11;
	s9 =	smov.u32 s2;
	[sflag:s1] =	ssyncadd.s32 @!p1 s0  }
.LBB2_1:
0x45: {  	p1 =	sgt.u32 s11, s6  }
0x46: {  	s13 =	sshll.u32 @!p1 s9, $0x8;
	s14 =	sshll.u32 @!p1 s9, $0x7  }
0x47: {  	s13 =	sand.u32 @!p1 $0xFFFFF800, s13;
	s14 =	sand.u32 @!p1 $0x300, s14  }
0x48: {  	s13 =	sor.u32 @!p1 s14, s13  }
0x49: {  	s15 =	smov.u32 s9;
	p2 =	sgt.s32 @!p1 s9, $0x26D0;
	s13 =	sshrl.u32 @!p1 s13, $0x8  }
0x4a: {  	s16 =	sshra.s32 @!p1 s9, $0x1F;
	p2 =	por !p2, p1;
	s14 =	smulhi.u32 @!p1 $0x1A36E3, s13  }
0x4b: {  	s16 =	sand.u32 @!p1 s16, s9;
	s15 =	simm.s32 @p2 $0x26D0  }
0x4c: {  	s15 =	ssub.s32 @!p1 s15, s16;
	s16 =	sxor.u32 @!p1 $0xFFFFFFFF, s11;
	s14 =	sshrl.u32 @!p1 s14, $0x2  }
0x4d: {  	s15 =	sadd.s32 @!p1 $0xFFFFD930, s15;
	s16 =	sshll.u32 @!p1 s16, $0xE;
	s14 =	smul.u32 @!p1 $0x2710, s14  }
0x4e: {  	p2 =	sgt.s32 @!p1 s15, $0x3F;
	s16 =	sand.u32 @!p1 $0x4000, s16  }
0x4f: {  	s13 =	ssub.s32 @!p1 s13, s14;
	s14 =	sshll.u32 @!p1 s15, $0xA;
	s15 =	sshll.u32 @!p1 s9, $0x4  }
0x50: {  	p2 =	por !p2, p1;
	s14 =	ssub.s32 @!p1 $0x10000, s14;
	s15 =	sand.u32 @!p1 $0x10, s15  }
0x51: {  	s13 =	sshll.u32 @!p1 s13, $0x5;
	s14 =	sshrl.u32 @!p1 s14, $0x2;
	s15 =	sadd.s32 @!p1 s25, s15  }
0x52: {  	s14 =	simm.s32 @!p2 $0x0;
	s13 =	sadd.s32 @!p1 s13, s15;
	s15 =	simm.s32 @!p1 $0x0  }
0x53: {  	[tilespmem:s16], [sflag:$0x1] =	stream.linear.gather @!p1 [hbm4b:s13+s15], s14, $0x38;
	[tilespmem:$0x10000] =	vst v63  }
0x54: {  	p1 =	seq.s32 s11, $0x0  }
0x55: {  	p2 =	sge.u32 @!p1 s11, s7  }
0x56: {  	p1 =	por p1, p2  }
.Ltmp2:
0x57: {  	_ = 	snop;
	(pc) =	sbr.rel @p1 .LBB2_11-.Ltmp2, $1  }
0x58: {  	_ =	sdelay $0x3  }
0x59: {  	p1 =	sgt.s32 s10, $0x26D0;
	s13 =	smov.u32 s10;
	s14 =	sshra.s32 s10, $0x1F  }
0x5a: {  	s13 =	simm.s32 @!p1 $0x26D0;
	s14 =	sand.u32 s14, s10  }
0x5b: {  	s13 =	ssub.s32 s13, s14  }
0x5c: {  	s13 =	sadd.s32 $0xFFFFD930, s13  }
0x5d: {  	s31 =	sshll.u32 s13, $0xA  }
0x5e: {  	s14 =	ssub.s32 $0x10000, s31  }
0x5f: {  	p1 =	sgt.s32 s13, $0x3F;
	s13 =	sshrl.u32 s14, $0x2;
	s14 =	sadd.s32 $0x40, s10  }
0x60: {  	s13 =	simm.s32 @p1 $0x0;
	p1 =	slt.s32 s14, $0x2710  }
0x61: {  	s14 =	simm.s32 @!p1 $0x2710  }
0x62: {  	s15 =	ssub.s32 s14, s10  }
0x63: {  	p1 =	slt.s32 s15, $0x1  }
.Ltmp3:
0x64: {  	_ = 	snop;
	(pc) =	sbr.rel @p1 .LBB2_10-.Ltmp3, $4  }
0x65: {  	s0 =	simm.s32 $0x1  }
0x66: {  	s16 =	sshll.u32 s11, $0xE;
	_ =	swait.ge [sflag:s0], s13  }
0x67: {  	s16 =	sand.u32 $0x4000, s16;
	s17 =	ssub.s32 $0x0, s13;
	[sflag:s0] =	ssyncset.done $0x0  }
0x68: {  	s14 =	sor.u32 $0x8000, s16;
	[sflag:s0] =	ssyncadd.s32 s17  }
0x69: {  	p2 =	sne.s32 s15, $0x1  }
.Ltmp4:
0x6a: {  	v1 =	vmov s16;
	v0 =	vmov s14;
	(pc) =	sbr.rel @!p2 .LBB2_4-.Ltmp4, $3  }
0x6b: {  	_ =	sdelay $0x1  }
0x6c: {  	s18 =	simm.s32 $0x0;
	s26 =	sadd.s32 $0xFFFFFFFF, s15  }
0x6d: {  	p1 =	por $0x0, $0x0;
	s28 =	sand.u32 $0xFFFFF800, s18;
	s29 =	sand.u32 $0x380, s18  }
0x6e: {  	_ = 	snop  }
0x6f: {  	s15 =	sor.u32 s29, s28  }
0x70: {  	s16 =	sand.u32 $0x80, s18;
	s17 =	sand.u32 $0x3B00, s15  }
0x71: {  	s31 =	sand.u32 $0x3B80, s15;
	s16 =	sor.u32 s16, s17  }
0x72: {  	s19 =	sor.u32 $0x410, s31;
	v2 =	vld.idx.msk [tilespmem:v1+s16+$0x0 ss:$0x1], $0xffff  }
0x73: {  	s17 =	sor.u32 $0x400, s16;
	v6 =	vld.idx.msk [tilespmem:v1+s19+$0x0 ss:$0x1], $0xffff  }
0x74: {  	s5 =	sor.u32 $0x10, s16;
	v3 =	vld.idx.msk [tilespmem:v1+s17+$0x0 ss:$0x1], $0xffff  }
0x75: {  	s8 =	sor.u32 $0x20, s16;
	v4 =	vld.idx.msk [tilespmem:v1+s5+$0x0 ss:$0x1], $0xffff  }
0x76: {  	s28 =	sor.u32 $0x30, s16;
	v5 =	vld.idx.msk [tilespmem:v1+s8+$0x0 ss:$0x1], $0xffff  }
0x77: {  	s29 =	sor.u32 $0x40, s16;
	v7 =	vld.idx.msk [tilespmem:v1+s28+$0x0 ss:$0x1], $0xffff  }
0x78: {  	s30 =	sor.u32 $0x50, s16;
	v8 =	vld.idx.msk [tilespmem:v1+s29+$0x0 ss:$0x1], $0xffff;
	[tilespmem:v0+s16+$0x0 ss:$0x1] =	vst.idx.msk $0xffff, v2  }
0x79: {  	s3 =	smov.u32 s6;
	p2 =	sne.s32 s26, $0x1;
	s23 =	sor.u32 $0x60, s16;
	v9 =	vld.idx.msk [tilespmem:v1+s30+$0x0 ss:$0x1], $0xffff;
	[tilespmem:v0+s17+$0x0 ss:$0x1] =	vst.idx.msk $0xffff, v3  }
.Ltmp5:
0x7a: {  	s6 =	smov.u32 s25;
	s22 =	sor.u32 $0x70, s16;
	v2 =	vld.idx.msk [tilespmem:v1+s23+$0x0 ss:$0x1], $0xffff;
	[tilespmem:v0+s5+$0x0 ss:$0x1] =	vst.idx.msk $0xffff, v4;
	(pc) =	sbr.rel @!p2 .LBB2_6-.Ltmp5, $4  }
0x7b: {  	s25 =	simm.s32 $0x100;
	s18 =	simm.s32 $0x80;
	s24 =	sor.u32 $0x420, s31;
	v3 =	vld.idx.msk [tilespmem:v1+s22+$0x0 ss:$0x1], $0xffff;
	[tilespmem:v0+s8+$0x0 ss:$0x1] =	vst.idx.msk $0xffff, v5  }
0x7c: {  	s26 =	sadd.s32 $0xFFFFFFFF, s26;
	p1 =	por $0x1, $0x1;
	s21 =	sor.u32 $0x430, s31;
	[tilespmem:v0+s28+$0x0 ss:$0x1] =	vst.idx.msk $0xffff, v7;
	v4 =	vld.idx.msk [tilespmem:v1+s24+$0x0 ss:$0x1], $0xffff  }
0x7d: {  	s20 =	sor.u32 $0x440, s31;
	s15 =	sor.u32 $0x450, s31;
	s16 =	sor.u32 $0x460, s31;
	[tilespmem:v0+s29+$0x0 ss:$0x1] =	vst.idx.msk $0xffff, v8;
	v5 =	vld.idx.msk [tilespmem:v1+s21+$0x0 ss:$0x1], $0xffff  }
0x7e: {  	s17 =	sor.u32 $0x470, s31;
	s28 =	sand.u32 $0xFFFFF800, s25;
	s29 =	sand.u32 $0x380, s18;
	[tilespmem:v0+s30+$0x0 ss:$0x1] =	vst.idx.msk $0xffff, v9;
	v7 =	vld.idx.msk [tilespmem:v1+s20+$0x0 ss:$0x1], $0xffff  }
.LBB2_7:
0x7f: {  	p2 =	sne.s32 s26, $0x1;
	s28 =	sor.u32 s29, s28;
	[tilespmem:v0+s23+$0x0 ss:$0x1] =	vst.idx.msk $0xffff, v2;
	v2 =	vld.idx.msk [tilespmem:v1+s15+$0x0 ss:$0x1], $0xffff  }
0x80: {  	s23 =	sand.u32 $0x80, s18;
	s29 =	sand.u32 $0x3B00, s28;
	s28 =	sand.u32 $0x3B80, s28;
	[tilespmem:v0+s22+$0x0 ss:$0x1] =	vst.idx.msk $0xffff, v3;
	v3 =	vld.idx.msk [tilespmem:v1+s16+$0x0 ss:$0x1], $0xffff  }
0x81: {  	s29 =	sor.u32 s23, s29;
	s30 =	sor.u32 $0x420, s28;
	[tilespmem:v0+s19+$0x0 ss:$0x1] =	vst.idx.msk $0xffff, v6;
	s19 =	sor.u32 $0x410, s28;
	v6 =	vld.idx.msk [tilespmem:v1+s17+$0x0 ss:$0x1], $0xffff  }
0x82: {  	v8 =	vld.idx.msk [tilespmem:v1+s29+$0x0 ss:$0x1], $0xffff;
	s31 =	sor.u32 $0x10, s29;
	s0 =	sor.u32 $0x20, s29;
	s1 =	sor.u32 $0x400, s29;
	[tilespmem:v0+s24+$0x0 ss:$0x1] =	vst.idx.msk $0xffff, v4  }
0x83: {  	s8 =	sor.u32 $0x30, s29;
	s4 =	sor.u32 $0x40, s29;
	s2 =	sor.u32 $0x50, s29;
	v4 =	vld.idx.msk [tilespmem:v1+s1+$0x0 ss:$0x1], $0xffff;
	[tilespmem:v0+s21+$0x0 ss:$0x1] =	vst.idx.msk $0xffff, v5  }
0x84: {  	s23 =	sor.u32 $0x60, s29;
	s22 =	sor.u32 $0x70, s29;
	s21 =	sor.u32 $0x430, s28;
	v5 =	vld.idx.msk [tilespmem:v1+s31+$0x0 ss:$0x1], $0xffff;
	[tilespmem:v0+s20+$0x0 ss:$0x1] =	vst.idx.msk $0xffff, v7  }
0x85: {  	s5 =	sor.u32 $0x460, s28;
	s20 =	sor.u32 $0x440, s28;
	v7 =	vld.idx.msk [tilespmem:v1+s0+$0x0 ss:$0x1], $0xffff;
	[tilespmem:v0+s15+$0x0 ss:$0x1] =	vst.idx.msk $0xffff, v2;
	s15 =	sor.u32 $0x450, s28  }
0x86: {  	s24 =	smov.u32 s30;
	s28 =	sor.u32 $0x470, s28;
	v9 =	vld.idx.msk [tilespmem:v1+s8+$0x0 ss:$0x1], $0xffff;
	[tilespmem:v0+s16+$0x0 ss:$0x1] =	vst.idx.msk $0xffff, v3;
	s16 =	smov.u32 s5  }
0x87: {  	v10 =	vld.idx.msk [tilespmem:v1+s4+$0x0 ss:$0x1], $0xffff;
	[tilespmem:v0+s17+$0x0 ss:$0x1] =	vst.idx.msk $0xffff, v6;
	s17 =	smov.u32 s28  }
0x88: {  	[tilespmem:v0+s29+$0x0 ss:$0x1] =	vst.idx.msk $0xffff, v8;
	v8 =	vld.idx.msk [tilespmem:v1+s2+$0x0 ss:$0x1], $0xffff  }
0x89: {  	v2 =	vld.idx.msk [tilespmem:v1+s23+$0x0 ss:$0x1], $0xffff;
	[tilespmem:v0+s1+$0x0 ss:$0x1] =	vst.idx.msk $0xffff, v4  }
.Ltmp6:
0x8a: {  	[tilespmem:v0+s31+$0x0 ss:$0x1] =	vst.idx.msk $0xffff, v5;
	v3 =	vld.idx.msk [tilespmem:v1+s22+$0x0 ss:$0x1], $0xffff;
	(pc) =	sbr.rel @p2 .LBB2_7-.Ltmp6, $4  }
0x8b: {  	[tilespmem:v0+s0+$0x0 ss:$0x1] =	vst.idx.msk $0xffff, v7;
	v6 =	vld.idx.msk [tilespmem:v1+s19+$0x0 ss:$0x1], $0xffff  }
0x8c: {  	[tilespmem:v0+s8+$0x0 ss:$0x1] =	vst.idx.msk $0xffff, v9;
	v4 =	vld.idx.msk [tilespmem:v1+s24+$0x0 ss:$0x1], $0xffff  }
0x8d: {  	s18 =	sadd.s32 $0x80, s18;
	s25 =	sadd.s32 $0x100, s25;
	[tilespmem:v0+s4+$0x0 ss:$0x1] =	vst.idx.msk $0xffff, v10;
	v5 =	vld.idx.msk [tilespmem:v1+s21+$0x0 ss:$0x1], $0xffff  }
0x8e: {  	s26 =	sadd.s32 $0xFFFFFFFF, s26;
	s28 =	sand.u32 $0xFFFFF800, s25;
	s29 =	sand.u32 $0x380, s18;
	[tilespmem:v0+s2+$0x0 ss:$0x1] =	vst.idx.msk $0xffff, v8;
	v7 =	vld.idx.msk [tilespmem:v1+s20+$0x0 ss:$0x1], $0xffff  }
.Ltmp7:
0x8f: {  	(pc) =	sbr.rel .LBB2_9-.Ltmp7, $2  }
0x90: {  	_ =	sdelay $0x2  }
0x91: {  	s25 =	smov.u32 s6;
	s6 =	smov.u32 s3;
	s3 =	rddreg [dreg:$0x5]  }
.LBB2_6:
.Ltmp8:
0x92: {  	(pc) =	sbr.rel .LBB2_9-.Ltmp8, $2  }
0x93: {  	_ =	sdelay $0x2  }
0x94: {  	s25 =	smov.u32 s6;
	s6 =	smov.u32 s3;
	s3 =	rddreg [dreg:$0x5]  }
.LBB2_12:
0x95: {  	_ =	sfence.sel $0x180000  }
0x96: {  	s0 =	simm.s32 $0x1;
	[bflag:$0x0] =	sbarrier.arrive $0xFFFF  }
0x97: {  	s31 =	simm.s32 $0x2;
	[sflag:s0] =	ssyncpa.u1 $0x1  }
0x98: {  	[sflag:s31] =	ssyncpa.u1 $0x1  }
0x99: {  	_ =	strace $0x9000004D  }
0x9a: {  	[bflag:$0x2] =	sbarrier.arrive $0xFFFF  }
0x9b: {  	s0 =	rddreg [dreg:$0x2]  }
0x9c: {  	s0 =	sadd.s32 @!p0 $0x100000, s0  }
0x9d: {  	s1 =	rddreg [dreg:$0x3];
	[sflag:s0] =	ssyncadd.tile.s32 @!p0 $0x1;
	s0 =	simm.s32 @!p0 $0x3F  }
0x9e: {  	_ =	swait.ge @!p0 [sflag:s0], s1  }
0x9f: {  	s1 =	ssub.s32 @!p0 $0x0, s1;
	[sflag:s0] =	ssyncset.done @!p0 $0x0  }
0xa0: {  	[sflag:s0] =	ssyncadd.s32 @!p0 s1  }
0xa1: {  	[bflag:$0x3] =	sbarrier.arrive $0xFFFF  }
0xa2: {  	_ =	shalt  }
.Lfunc_end2:
execute1_lowered:
.L_overlay_start_2:
0xa3: {  	(tag) =	ssettag $0x2  }
0xa4: {  	s2 =	rddreg [dreg:$0x0]  }
0xa5: {  	s3 =	rddreg [dreg:$0x1];
	_ =	strace $0x80000050;
	s0 =	simm.s32 $0x1  }
0xa6: {  	s5 =	simm.s32 $0x208;
	v0 =	vimm.s32 $0x0;
	[sflag:s0] =	ssyncpa.u1 $0x0  }
0xa7: {  	[tilespmem:s5+$0x70] =	vst v0  }
0xa8: {  	[tilespmem:s5+$0x60] =	vst v0  }
0xa9: {  	[tilespmem:s5+$0x50] =	vst v0  }
0xaa: {  	[tilespmem:s5+$0x40] =	vst v0  }
0xab: {  	[tilespmem:s5+$0x30] =	vst v0  }
0xac: {  	s1 =	sadd.s32 $0xFF000, s2;
	s0 =	sadd.s32 $0xAA00, s2;
	s6 =	sadd.s32 $0x2DE400, s2;
	[tilespmem:s5+$0x20] =	vst v0  }
0xad: {  	s4 =	sadd.s32 $0xFA00, s2;
	s10 =	sand.u32 $0x1, s3;
	s2 =	simm.s32 $0x40;
	[tilespmem:s5+$0x10] =	vst v0  }
.LBB3_1:
0xae: {  	s2 =	sadd.s32 $0x40, s2;
	[tilespmem:s5+$0x0] =	vst v0;
	s5 =	sadd.s32 $0x80, s5  }
0xaf: {  	p0 =	slt.u32 s2, $0x3880;
	[tilespmem:s5+$0x70] =	vst v0  }
0xb0: {  	[tilespmem:s5+$0x60] =	vst v0  }
.Ltmp9:
0xb1: {  	[tilespmem:s5+$0x50] =	vst v0;
	(pc) =	sbr.rel @p0 .LBB3_1-.Ltmp9, $4  }
0xb2: {  	[tilespmem:s5+$0x40] =	vst v0  }
0xb3: {  	[tilespmem:s5+$0x30] =	vst v0  }
0xb4: {  	[tilespmem:s5+$0x20] =	vst v0  }
0xb5: {  	[tilespmem:s5+$0x10] =	vst v0  }
0xb6: {  	s11 =	stileid.u32  }
0xb7: {  	s2 =	smul.u32 $0x2C, s11  }
0xb8: {  	s3 =	smin.u32 s11, $0xB  }
0xb9: {  	s2 =	sadd.s32 s3, s2  }
0xba: {  	p0 =	slt.u32 s11, $0xB;
	s20 =	smul.u32 $0x70, s2;
	s2 =	simm.s32 $0x13B0  }
0xbb: {  	s2 =	simm.s32 @!p0 $0x1340  }
0xbc: {  	s2 =	sadd.s32 s2, s20  }
0xbd: {  	s8 =	smin.u32 s2, $0x13880  }
0xbe: {  	s26 =	simm.s32 $0x2;
	s2 =	ssub.s32 s8, s20  }
0xbf: {  	s9 =	simm.s32 $0x9;
	s29 =	simm.s32 $0xA;
	p0 =	sgt.s32 s2, $0x0  }
0xc0: {  	s30 =	simm.s32 $0xB;
	s31 =	smul.u32 $0x2710, s10;
	s2 =	simm.s32 @!p0 $0x0  }
0xc1: {  	[dreg:$0x4] =	wrdreg s10;
	s12 =	simm.s32 $0x1;
	s25 =	smulhi.u32 $0x92492493, s2  }
0xc2: {  	s24 =	simm.s32 $0x0;
	p1 =	por $0x0, $0x0;
	s18 =	simm.s32 $0x80  }
0xc3: {  	s19 =	simm.s32 $0x400;
	s17 =	simm.s32 $0xC;
	s3 =	sshrl.u32 s25, $0x6  }
0xc4: {  	s21 =	simm.s32 $0x0;
	s23 =	simm.s32 $0x0;
	s28 =	smul.u32 $0x70, s3  }
.Ltmp10:
0xc5: {  	[tilespmem:s5+$0x0] =	vst v0;
	v0 =	vimm.s32 $0xFFFFFFFF;
	[sflag:s26] =	ssyncpa.u1 $0x0;
	s16 =	sshll.u32 s11, $0x9;
	(pc) =	sbr.rel .LBB3_3-.Ltmp10, $4  }
0xc6: {  	[tilespmem:$0xE408] =	vst v0;
	[sflag:s9] =	ssyncpa.u1 $0x0;
	p0 =	sne.s32 s2, s28;
	s2 =	simm.s32 $0x1  }
0xc7: {  	s14 =	sadd.s32 s31, s4;
	[sflag:s29] =	ssyncpa.u1 $0x0;
	s2 =	simm.s32 @!p0 $0x0  }
0xc8: {  	s15 =	sadd.s32 s31, s0;
	[sflag:s30] =	ssyncpa.u1 $0x0;
	s13 =	sadd.s32 s2, s3  }
0xc9: {  	v0 =	vlaneseq.u32;
	s22 =	smov.u32 s20;
	p0 =	por $0x1, $0x1;
	s11 =	sadd.s32 $0x1, s13  }
.LBB3_24:
0xca: {  	s2 =	sshrl.u32 s4, $0x2  }
.LBB3_26:
0xcb: {  	_ =	swait.ge [sflag:s17], s2  }
0xcc: {  	s31 =	ssub.s32 $0x0, s2;
	v1 =	vmov s26;
	vm0 =	veq.s32 v0, $0x0;
	[sflag:s17] =	ssyncset.done $0x0  }
0xcd: {  	vm15 =	veq.s32 v0, $0x2;
	v1 =	vsel vm0, s0, v1;
	[sflag:s17] =	ssyncadd.s32 s31  }
0xce: {  	v1 =	vsel vm15, s24, v1;
	[sflag:s17] =	ssyncpa.u1 $0x1  }
0xcf: {  	[tilespmem:$0xE408] =	vst v1  }
.LBB3_27:
0xd0: {  	s0 =	sadd.s32 $0x70, s22  }
0xd1: {  	s2 =	smov.u32 s20;
	p2 =	slt.s32 s0, s8  }
0xd2: {  	s2 =	smov.u32 @p2 s0;
	p2 =	sne.s32 s23, s11  }
.Ltmp11:
0xd3: {  	_ = 	snop;
	(pc) =	sbr.rel @!p2 .LBB3_28-.Ltmp11, $4  }
0xd4: {  	_ = 	snop  }
0xd5: {  	s24 =	smov.u32 s21  }
0xd6: {  	s31 =	sadd.s32 $0x1, s23;
	s21 =	smov.u32 s22;
	p0 =	por !p0, !p0  }
0xd7: {  	p1 =	por !p1, !p1;
	s23 =	smov.u32 s31;
	s22 =	smov.u32 s2  }
.LBB3_3:
0xd8: {  	p2 =	sge.u32 s23, s13  }
0xd9: {  	s0 =	smulhi.u32 @!p2 $0xAAAAAAAB, s23  }
0xda: {  	s2 =	smov.u32 s22;
	p3 =	sgt.s32 @!p2 s22, $0x13810  }
0xdb: {  	s3 =	sshra.s32 @!p2 s22, $0x1F;
	p3 =	por !p3, p2;
	s0 =	sshrl.u32 @!p2 s0, $0x1  }
0xdc: {  	s3 =	sand.u32 @!p2 s3, s22;
	s2 =	simm.s32 @p3 $0x13810;
	s0 =	smul.u32 @!p2 $0x3, s0  }
0xdd: {  	s2 =	ssub.s32 @!p2 s2, s3  }
0xde: {  	s2 =	sadd.s32 @!p2 $0xFFFEC7F0, s2;
	s0 =	ssub.s32 @!p2 s23, s0  }
0xdf: {  	s3 =	sshll.u32 @!p2 s2, $0x2;
	p3 =	sgt.s32 @!p2 s2, $0x6F;
	s0 =	smul.u32 @!p2 $0x1C0, s0  }
0xe0: {  	s4 =	sand.u32 @!p2 $0x7, s22;
	s2 =	ssub.s32 @!p2 $0x1C0, s3;
	p3 =	por !p3, p2  }
0xe1: {  	s3 =	sshrl.u32 @!p2 s22, $0x3;
	s2 =	sshrl.u32 @!p2 s2, $0x2;
	s0 =	sshrl.u32 @!p2 s0, $0x2  }
0xe2: {  	s3 =	sadd.s32 @!p2 s3, s14;
	s2 =	simm.s32 @!p3 $0x0;
	s0 =	sadd.s32 @!p2 $0x10448, s0  }
0xe3: {  	[tilespmem:s0], [sflag:$0xA] =	stream.linear.gather @!p2 [hbm4b:s3+s4], s2, $0x38;
	[tilespmem:$0x1E678] =	vst v63  }
0xe4: {  	s2 =	sadd.s32 $0xFFFFFFFF, s23  }
0xe5: {  	p2 =	sge.u32 s2, s13  }
0xe6: {  	p3 =	sgt.s32 @!p2 s21, $0x13810  }
0xe7: {  	s0 =	smov.u32 s21;
	s3 =	sshra.s32 @!p2 s21, $0x1F;
	p3 =	por !p3, p2  }
0xe8: {  	s3 =	sand.u32 @!p2 s3, s21;
	s0 =	simm.s32 @p3 $0x13810  }
0xe9: {  	s0 =	ssub.s32 @!p2 s0, s3  }
0xea: {  	s0 =	sadd.s32 @!p2 $0xFFFEC7F0, s0  }
0xeb: {  	s3 =	sshll.u32 @!p2 s0, $0x2  }
0xec: {  	p3 =	sgt.s32 @!p2 s0, $0x6F;
	s0 =	ssub.s32 @!p2 $0x1C0, s3  }
0xed: {  	p3 =	por !p3, p2;
	s0 =	sshrl.u32 @!p2 s0, $0x2  }
0xee: {  	s4 =	simm.s32 @!p2 $0xA;
	s3 =	sand.u32 @!p2 $0x1, s2;
	s0 =	simm.s32 @!p3 $0x0  }
0xef: {  	s3 =	smul.u32 @!p2 $0x1C0, s3;
	_ =	swait.ge @!p2 [sflag:s4], s0  }
0xf0: {  	s5 =	ssub.s32 @!p2 $0x0, s0;
	[sflag:s4] =	ssyncset.done @!p2 $0x0  }
0xf1: {  	s3 =	sshrl.u32 @!p2 s3, $0x2;
	[sflag:s4] =	ssyncadd.s32 @!p2 s5;
	s4 =	sshrl.u32 @!p2 s21, $0x3  }
0xf2: {  	s3 =	sadd.s32 @!p2 $0x10598, s3;
	s5 =	sand.u32 @!p2 $0x7, s21;
	s4 =	sadd.s32 @!p2 s4, s15  }
0xf3: {  	[tilespmem:s3], [sflag:$0xB] =	stream.linear.gather @!p2 [hbm4b:s4+s5], s0, $0x38;
	[tilespmem:$0x1E678] =	vst v63  }
0xf4: {  	s0 =	ssub.s32 @!p2 $0x13880, s21  }
0xf5: {  	p3 =	slt.s32 @!p2 s0, $0x1  }
0xf6: {  	p3 =	por p2, p3  }
.Ltmp12:
0xf7: {  	_ = 	snop;
	(pc) =	sbr.rel @p3 .LBB3_9-.Ltmp12, $1  }
0xf8: {  	_ =	sdelay $0x3  }
0xf9: {  	s3 =	smulhi.u32 $0xAAAAAAAB, s2;
	_ =	sdelay $0x1  }
0xfa: {  	s3 =	sshrl.u32 s3, $0x1  }
0xfb: {  	s3 =	smul.u32 $0x3, s3;
	_ =	sdelay $0x1  }
0xfc: {  	s30 =	ssub.s32 s2, s3  }
0xfd: {  	s4 =	simm.s32 $0x1;
	s2 =	smul.u32 $0x1C0, s30  }
.Ltmp13:
0xfe: {  	s4 =	simm.s32 @!p0 $0x0;
	(pc) =	sbr.rel .LBB3_6-.Ltmp13, $4  }
0xff: {  	s31 =	smul.u32 $0x1C000, s4  }
0x100: {  	p3 =	slt.s32 @!p2 s0, $0x70;
	s2 =	sshrl.u32 s2, $0x2  }
0x101: {  	p2 =	por !p3, p2;
	s3 =	sshrl.u32 s31, $0x2;
	s5 =	sadd.s32 $0x10448, s2  }
0x102: {  	s0 =	simm.s32 @p2 $0x70;
	s4 =	sor.u32 $0x10678, s3;
	s2 =	simm.s32 $0x0;
	v1 =	vmov s5  }
.LBB3_5:
0x103: {  	p2 =	sge.s32 s2, s0  }
.Ltmp14:
0x104: {  	_ = 	snop;
	(pc) =	sbr.rel @p2 .LBB3_9-.Ltmp14, $2  }
0x105: {  	_ =	sdelay $0x2  }
0x106: {  	s4 =	sadd.s32 $0x1000, s4  }
.LBB3_6:
0x107: {  	p2 =	sle.s32 s0, s2  }
.Ltmp15:
0x108: {  	_ = 	snop;
	(pc) =	sbr.rel @p2 .LBB3_5-.Ltmp15, $2  }
0x109: {  	_ =	sdelay $0x2  }
0x10a: {  	s5 =	smov.u32 s2;
	s2 =	sadd.s32 $0x10, s2  }
0x10b: {  	s3 =	ssub.s32 s0, s5  }
0x10c: {  	p2 =	slt.s32 s3, $0x10  }
0x10d: {  	s3 =	simm.s32 @!p2 $0x10  }
0x10e: {  	v2 =	vmov s3  }
0x10f: {  	vm0 =	vgt.s32 v2, v0;
	_ =	sdelay $0x5  }
0x110: {  	v2 =	vld.idx.msk [tilespmem:v1+s5+$0x0 ss:$0x1], vm0;
	_ =	sdelay $0x2  }
0x111: {  	p2 =	slt.s32 s2, s0;
	s3 =	smov.u32 s0  }
0x112: {  	s9 =	smov.u32 s4;
	s25 =	simm.s32 $0x0;
	s3 =	smov.u32 @p2 s2  }
.LBB3_8:
0x113: {  	(v2sf) =	vpush v2, s25;
	_ =	sdelay $0xe  }
0x114: {  	s25 =	sadd.s32 $0x1, s25;
	s10 =	spop (v2sf)  }
0x115: {  	s31 =	sadd.s32 s25, s5;
	s26 =	sshll.u32 s10, $0x8;
	s10 =	sshll.u32 s10, $0x7  }
0x116: {  	p2 =	slt.s32 s31, s3;
	s26 =	sand.u32 $0xFFFFF800, s26;
	s10 =	sand.u32 $0x380, s10  }
.Ltmp16:
0x117: {  	s10 =	sor.u32 s10, s26;
	(pc) =	sbr.rel @p2 .LBB3_8-.Ltmp16, $4  }
0x118: {  	s10 =	sshrl.u32 s10, $0x3  }
0x119: {  	s10 =	sadd.s32 s6, s10  }
0x11a: {  	[tilespmem:s9], [sflag:$0x9] =	stream.strided.gather [hbm4b:s10+s18], $0x100, s19, s18, $0x38;
	[tilespmem:$0x1E678] =	vst v63  }
0x11b: {  	s9 =	sadd.s32 $0x100, s9  }
.Ltmp17:
0x11c: {  	_ = 	snop;
	(pc) =	sbr.rel .LBB3_5-.Ltmp17, $1  }
0x11d: {  	_ =	sdelay $0x3  }
.LBB3_9:
0x11e: {  	p2 =	slt.u32 s23, $0x2  }
.Ltmp18:
0x11f: {  	_ = 	snop;
	(pc) =	sbr.rel @p2 .LBB3_27-.Ltmp18, $1  }
0x120: {  	_ =	sdelay $0x3  }
0x121: {  	p2 =	sgt.s32 s24, $0x13810  }
0x122: {  	s0 =	smov.u32 s24;
	s2 =	sshra.s32 s24, $0x1F;
	s3 =	ssub.s32 $0x13880, s24  }
0x123: {  	s0 =	simm.s32 @!p2 $0x13810;
	s2 =	sand.u32 s2, s24;
	p2 =	slt.s32 s3, $0x70  }
0x124: {  	s0 =	ssub.s32 s0, s2;
	s3 =	simm.s32 @!p2 $0x70  }
0x125: {  	s0 =	sadd.s32 $0xFFFEC7F0, s0;
	s9 =	sshll.u32 s3, $0x8  }
0x126: {  	s26 =	simm.s32 $0x9;
	s10 =	sshll.u32 s0, $0x2;
	s2 =	sand.u32 $0x3FFFFF00, s9  }
0x127: {  	p2 =	sgt.s32 s0, $0x6F;
	s25 =	ssub.s32 $0x1C0, s10;
	_ =	swait.ge [sflag:s26], s2  }
0x128: {  	s2 =	ssub.s32 $0x0, s2;
	[sflag:s26] =	ssyncset.done $0x0;
	s0 =	sshrl.u32 s25, $0x2  }
0x129: {  	s29 =	simm.s32 $0xB;
	[sflag:s26] =	ssyncadd.s32 s2;
	s0 =	simm.s32 @p2 $0x0  }
0x12a: {  	_ =	swait.ge [sflag:s29], s0  }
0x12b: {  	s0 =	ssub.s32 $0x0, s0;
	[sflag:s29] =	ssyncset.done $0x0  }
0x12c: {  	[sflag:s29] =	ssyncadd.s32 s0  }
0x12d: {  	v1 =	vld [tilespmem:$0xE408];
	_ =	sdelay $0x4  }
0x12e: {  	(v2sf) =	vpush v1, $0x0  }
0x12f: {  	(v2sf) =	vpush v1, $0x1  }
0x130: {  	(v2sf) =	vpush v1, $0x2;
	_ =	sdelay $0x3  }
0x131: {  	s0 =	sadd.s32 $0x70, s24  }
0x132: {  	s2 =	ssub.s32 $0x27100, s24;
	p2 =	slt.s32 s8, s0  }
0x133: {  	s0 =	smov.u32 @p2 s8;
	p2 =	sgt.s32 s2, $0x0  }
0x134: {  	s0 =	ssub.s32 s0, s24;
	s2 =	simm.s32 @!p2 $0x0  }
0x135: {  	p2 =	slt.s32 s2, s0  }
0x136: {  	s0 =	smov.u32 @p2 s2  }
0x137: {  	s4 =	simm.s32 $0x1;
	p2 =	slt.s32 s0, $0x1  }
.Ltmp19:
0x138: {  	s4 =	simm.s32 @!p1 $0x0;
	(pc) =	sbr.rel @p2 .LBB3_14-.Ltmp19, $4  }
0x139: {  	s30 =	smul.u32 $0x1C0, s4  }
0x13a: {  	s5 =	spop (v2sf)  }
0x13b: {  	s31 =	sshrl.u32 s30, $0x2;
	s28 =	spop (v2sf)  }
0x13c: {  	s25 =	sadd.s32 $0x10598, s31;
	s24 =	spop (v2sf)  }
0x13d: {  	s2 =	smin.u32 s0, $0x10  }
0x13e: {  	v1 =	vmov s2  }
0x13f: {  	vm1 =	vgt.u32 v1, v0  }
0x140: {  	p3 =	sgt.s32 s0, $0x10  }
.Ltmp20:
0x141: {  	_ = 	snop;
	(pc) =	sbr.rel @!p3 .LBB3_13-.Ltmp20, $2  }
0x142: {  	_ =	sdelay $0x2  }
0x143: {  	s26 =	simm.s32 $0x10;
	s29 =	sadd.s32 $0xFFFFFFF0, s0;
	s2 =	smov.u32 s25;
	vm0 =	vmmov vm1;
	v1 =	vld.msk [tilespmem:s25+$0x0 ss:$0x1], vm1  }
.LBB3_12:
0x144: {  	s3 =	smin.u32 s29, $0x10;
	s26 =	sadd.s32 $0x10, s26  }
0x145: {  	v2 =	vmov s3;
	p3 =	slt.s32 s26, s0  }
0x146: {  	vm1 =	vgt.u32 v2, v0;
	_ =	sdelay $0x1  }
0x147: {  	v2 =	vshll.u32 v1, $0x5;
	v1 =	vshll.u32 v1, $0x4  }
.Ltmp21:
0x148: {  	v2 =	vand.u32 $0xFFFFFF00, v2;
	v1 =	vand.u32 $0x70, v1;
	(pc) =	sbr.rel @p3 .LBB3_12-.Ltmp21, $4  }
0x149: {  	v1 =	vor.u32 v1, v2  }
0x14a: {  	[tilespmem:s2+$0x0] =	vst.msk vm0, v1;
	s2 =	sadd.s32 $0x10, s2;
	vm0 =	vmmov vm1  }
0x14b: {  	v1 =	vld.msk [tilespmem:s2+$0x0 ss:$0x1], vm1  }
0x14c: {  	s29 =	sadd.s32 $0xFFFFFFF0, s29  }
.LBB3_13:
0x14d: {  	_ =	sdelay $0x3  }
0x14e: {  	v2 =	vshll.u32 v1, $0x5;
	v1 =	vshll.u32 v1, $0x4  }
0x14f: {  	v2 =	vand.u32 $0xFFFFFF00, v2;
	v1 =	vand.u32 $0x70, v1  }
0x150: {  	v1 =	vor.u32 v1, v2  }
0x151: {  	[tilespmem:s2+$0x0] =	vst.msk vm0, v1  }
.LBB3_14:
0x152: {  	s2 =	sand.u32 $0x1, s23  }
0x153: {  	s2 =	smul.u32 $0x70, s2  }
0x154: {  	p3 =	sne.s32 s28, $0xFFFFFFFF  }
0x155: {  	v1 =	vld.msk @!p3 [tilespmem:s2+$0x10598], $0x1;
	_ =	sdelay $0x4  }
0x156: {  	(v2sf) =	vpush @!p3 v1, $0x0;
	_ =	sdelay $0xc  }
.Ltmp22:
0x157: {  	_ = 	snop;
	(pc) =	sbr.rel @p2 .LBB3_25-.Ltmp22, $4  }
0x158: {  	_ = 	snop  }
0x159: {  	s31 =	spop @!p3 (v2sf)  }
0x15a: {  	s24 =	simm.s32 @!p3 $0x0;
	s26 =	smov.u32 s31  }
0x15b: {  	[sflag:s17] =	ssyncpa.u1 $0x0;
	s31 =	smov.u32 @p3 s5;
	s26 =	smov.u32 @p3 s28  }
0x15c: {  	v1 =	vld.msk [tilespmem:s25+$0x0], $0x1;
	_ =	sdelay $0x4  }
0x15d: {  	(v2sf) =	vpush v1, $0x0;
	_ =	sdelay $0xe  }
0x15e: {  	s7 =	smov.u32 s11;
	s5 =	spop (v2sf)  }
0x15f: {  	s17 =	smov.u32 s15;
	s2 =	smul.u32 $0x1C000, s4;
	p2 =	seq.s32 s31, s5  }
0x160: {  	s3 =	smov.u32 s31;
	s29 =	ssub.s32 $0x0, s0;
	p3 =	sgt.s32 @!p2 s31, $0x0  }
0x161: {  	s30 =	simm.s32 $0x0;
	s2 =	sshrl.u32 s2, $0x2;
	p3 =	por !p3, p2  }
0x162: {  	s0 =	sadd.s32 $0x1, s29;
	s28 =	sor.u32 $0x106F8, s2;
	s3 =	simm.s32 @p3 $0x0  }
0x163: {  	s2 =	simm.s32 @!p2 $0x1;
	p3 =	seq.s32 s0, $0x0;
	s3 =	smin.u32 @!p2 s3, $0x4E170  }
.Ltmp23:
0x164: {  	s4 =	simm.s32 @!p2 $0x7308;
	s9 =	sand.u32 @!p2 $0x7FFF8, s3;
	(pc) =	sbr.rel @p3 .LBB3_17-.Ltmp23, $4  }
0x165: {  	s10 =	sadd.s32 @!p2 $0x80, s3;
	s11 =	sadd.s32 @!p2 s1, s9;
	s9 =	sand.u32 @!p2 $0x7, s3  }
0x166: {  	[tilespmem:s4], [sflag:$0x2] =	stream.linear.gather @!p2 [hbm4b:s11+s9], $0x80, $0x38;
	[tilespmem:$0x1E678] =	vst v63  }
0x167: {  	s15 =	smov.u32 s14;
	s2 =	smov.u32 @p2 s30;
	s4 =	sand.u32 @!p2 $0xFFFF8, s10  }
0x168: {  	s3 =	simm.s32 @!p2 $0x7388;
	s10 =	sadd.s32 @!p2 s1, s4;
	s4 =	sadd.s32 $0x1, s25  }
.LBB3_16:
0x169: {  	s11 =	smov.u32 s2  }
0x16a: {  	[tilespmem:s3], [sflag:$0x2] =	stream.linear.gather @!p2 [hbm4b:s10+s9], $0x80, $0x38;
	[tilespmem:$0x1E678] =	vst v63  }
0x16b: {  	s0 =	sadd.s32 $0x1, s0;
	s9 =	smov.u32 s5;
	v1 =	vld.msk [tilespmem:s4+$0x0], $0x1  }
0x16c: {  	p3 =	seq.s32 s0, $0x0;
	_ =	sdelay $0x3  }
0x16d: {  	(v2sf) =	vpush v1, $0x0;
	_ =	sdelay $0xe  }
0x16e: {  	s5 =	spop (v2sf)  }
0x16f: {  	p2 =	seq.s32 s9, s5  }
0x170: {  	p4 =	sgt.s32 @!p2 s9, $0x0;
	s3 =	sshll.u32 @!p2 s2, $0xA;
	s2 =	sadd.s32 @!p2 $0x1, s2  }
0x171: {  	p4 =	por !p4, p2;
	s3 =	sshra.s32 @!p2 s3, $0x2;
	s2 =	smov.u32 @p2 s11  }
0x172: {  	s9 =	simm.s32 @p4 $0x0;
	s10 =	sadd.s32 @!p2 $0x7308, s3;
	s3 =	sadd.s32 @!p2 $0x7388, s3  }
.Ltmp24:
0x173: {  	s9 =	smin.u32 @!p2 s9, $0x4E170;
	(pc) =	sbr.rel @!p3 .LBB3_16-.Ltmp24, $4  }
0x174: {  	s11 =	sand.u32 @!p2 $0x7FFF8, s9;
	s14 =	sadd.s32 @!p2 $0x80, s9  }
0x175: {  	s9 =	sand.u32 @!p2 $0x7, s9;
	s11 =	sadd.s32 @!p2 s1, s11;
	s14 =	sand.u32 @!p2 $0xFFFF8, s14  }
0x176: {  	[tilespmem:s10], [sflag:$0x2] =	stream.linear.gather @!p2 [hbm4b:s11+s9], $0x80, $0x38;
	[tilespmem:$0x1E678] =	vst v63  }
0x177: {  	s4 =	sadd.s32 $0x1, s4;
	s10 =	sadd.s32 @!p2 s1, s14  }
.LBB3_17:
0x178: {  	[tilespmem:s3], [sflag:$0x2] =	stream.linear.gather @!p2 [hbm4b:s10+s9], $0x80, $0x38;
	[tilespmem:$0x1E678] =	vst v63  }
0x179: {  	s0 =	sshll.u32 s2, $0x8  }
.Ltmp25:
0x17a: {  	s14 =	simm.s32 $0x2;
	s0 =	sand.u32 $0x3FFFFF00, s0;
	(pc) =	sbr.rel .LBB3_18-.Ltmp25, $4  }
0x17b: {  	_ =	swait.ge [sflag:s14], s0  }
0x17c: {  	s0 =	ssub.s32 $0x0, s0;
	[sflag:s14] =	ssyncset.done $0x0  }
0x17d: {  	s4 =	simm.s32 $0x0;
	s11 =	smov.u32 s7;
	[sflag:s14] =	ssyncadd.s32 s0  }
0x17e: {  	s14 =	smov.u32 s15;
	s15 =	smov.u32 s17;
	s17 =	simm.s32 $0xC  }
.LBB3_19:
0x17f: {  	v1 =	vld [tilespmem:s28+$0xFFFFFF80];
	_ =	sdelay $0x4  }
0x180: {  	[tilespmem:s5+$0x208] =	vst.add.f32.msk $0xffff, v1  }
0x181: {  	v1 =	vld [tilespmem:s28+$0xFFFFFF90];
	_ =	sdelay $0x4  }
0x182: {  	[tilespmem:s5+$0x218] =	vst.add.f32.msk $0xffff, v1  }
0x183: {  	v1 =	vld [tilespmem:s28+$0xFFFFFFA0];
	_ =	sdelay $0x4  }
0x184: {  	[tilespmem:s5+$0x228] =	vst.add.f32.msk $0xffff, v1  }
0x185: {  	v1 =	vld [tilespmem:s28+$0xFFFFFFB0];
	_ =	sdelay $0x4  }
0x186: {  	[tilespmem:s5+$0x238] =	vst.add.f32.msk $0xffff, v1  }
0x187: {  	v1 =	vld [tilespmem:s28+$0xFFFFFFC0];
	_ =	sdelay $0x4  }
0x188: {  	[tilespmem:s5+$0x248] =	vst.add.f32.msk $0xffff, v1  }
0x189: {  	v1 =	vld [tilespmem:s28+$0xFFFFFFD0];
	_ =	sdelay $0x4  }
0x18a: {  	[tilespmem:s5+$0x258] =	vst.add.f32.msk $0xffff, v1  }
0x18b: {  	v1 =	vld [tilespmem:s28+$0xFFFFFFE0];
	_ =	sdelay $0x4  }
0x18c: {  	[tilespmem:s5+$0x268] =	vst.add.f32.msk $0xffff, v1  }
0x18d: {  	v1 =	vld [tilespmem:s28+$0xFFFFFFF0];
	_ =	sdelay $0x4  }
0x18e: {  	[tilespmem:s5+$0x278] =	vst.add.f32.msk $0xffff, v1  }
0x18f: {  	v1 =	vld [tilespmem:s28+$0x0];
	_ =	sdelay $0x4  }
0x190: {  	[tilespmem:s5+$0x288] =	vst.add.f32.msk $0xffff, v1  }
0x191: {  	v1 =	vld [tilespmem:s28+$0x10];
	_ =	sdelay $0x4  }
0x192: {  	[tilespmem:s5+$0x298] =	vst.add.f32.msk $0xffff, v1  }
0x193: {  	v1 =	vld [tilespmem:s28+$0x20];
	_ =	sdelay $0x4  }
0x194: {  	[tilespmem:s5+$0x2A8] =	vst.add.f32.msk $0xffff, v1  }
0x195: {  	v1 =	vld [tilespmem:s28+$0x30];
	_ =	sdelay $0x4  }
0x196: {  	[tilespmem:s5+$0x2B8] =	vst.add.f32.msk $0xffff, v1  }
0x197: {  	v1 =	vld [tilespmem:s28+$0x40];
	_ =	sdelay $0x4  }
0x198: {  	[tilespmem:s5+$0x2C8] =	vst.add.f32.msk $0xffff, v1  }
0x199: {  	v1 =	vld [tilespmem:s28+$0x50];
	_ =	sdelay $0x4  }
0x19a: {  	[tilespmem:s5+$0x2D8] =	vst.add.f32.msk $0xffff, v1  }
0x19b: {  	v1 =	vld [tilespmem:s28+$0x60];
	_ =	sdelay $0x4  }
0x19c: {  	[tilespmem:s5+$0x2E8] =	vst.add.f32.msk $0xffff, v1  }
0x19d: {  	v1 =	vld [tilespmem:s28+$0x70];
	_ =	sdelay $0x4  }
0x19e: {  	[tilespmem:s5+$0x2F8] =	vst.add.f32.msk $0xffff, v1  }
.LBB3_23:
0x19f: {  	s29 =	sadd.s32 $0x1, s29  }
0x1a0: {  	p2 =	seq.s32 s29, $0x0  }
.Ltmp26:
0x1a1: {  	_ = 	snop;
	(pc) =	sbr.rel @p2 .LBB3_24-.Ltmp26, $2  }
0x1a2: {  	_ =	sdelay $0x2  }
0x1a3: {  	s25 =	sadd.s32 $0x1, s25;
	s28 =	sadd.s32 $0x100, s28;
	s31 =	smov.u32 s0  }
.LBB3_18:
0x1a4: {  	v1 =	vld.msk [tilespmem:s25+$0x0], $0x1;
	_ =	sdelay $0x4  }
0x1a5: {  	(v2sf) =	vpush v1, $0x0;
	_ =	sdelay $0xe  }
0x1a6: {  	s0 =	spop (v2sf)  }
0x1a7: {  	p2 =	sne.s32 s31, s0  }
.Ltmp27:
0x1a8: {  	_ = 	snop;
	(pc) =	sbr.rel @!p2 .LBB3_19-.Ltmp27, $3  }
0x1a9: {  	_ =	sdelay $0x1  }
0x1aa: {  	s2 =	sshll.u32 s24, $0xA  }
0x1ab: {  	s5 =	sshra.s32 s2, $0x2  }
0x1ac: {  	p2 =	seq.s32 s31, s26  }
.Ltmp28:
0x1ad: {  	_ = 	snop;
	(pc) =	sbr.rel @!p2 .LBB3_21-.Ltmp28, $1  }
0x1ae: {  	_ =	sdelay $0x3  }
.Ltmp29:
0x1af: {  	s2 =	sadd.s32 $0x208, s5;
	(pc) =	sbr.rel .LBB3_22-.Ltmp29, $4  }
0x1b0: {  	[spmem:s16] =	stream.linear.scatter [tilespmem:s2], [sflag:$0x1], $0x100, $0x38;
	[tilespmem:$0x1E678] =	vst v63  }
0x1b1: {  	_ =	swait.ge [sflag:s12], $0x100  }
0x1b2: {  	[sflag:s12] =	ssyncset.done $0x0  }
0x1b3: {  	[sflag:s12] =	ssyncadd.s32 $0xFFFFFF00  }
.LBB3_21:
0x1b4: {  	s2 =	sshll.u32 s30, $0xA  }
0x1b5: {  	s2 =	sshra.s32 s2, $0x2  }
0x1b6: {  	v1 =	vld [tilespmem:s2+$0x7308];
	_ =	sdelay $0x4  }
0x1b7: {  	[tilespmem:s5+$0x208] =	vst.add.f32.msk $0xffff, v1  }
0x1b8: {  	v1 =	vld [tilespmem:s2+$0x7318];
	_ =	sdelay $0x4  }
0x1b9: {  	[tilespmem:s5+$0x218] =	vst.add.f32.msk $0xffff, v1  }
0x1ba: {  	v1 =	vld [tilespmem:s2+$0x7328];
	_ =	sdelay $0x4  }
0x1bb: {  	[tilespmem:s5+$0x228] =	vst.add.f32.msk $0xffff, v1  }
0x1bc: {  	v1 =	vld [tilespmem:s2+$0x7338];
	_ =	sdelay $0x4  }
0x1bd: {  	[tilespmem:s5+$0x238] =	vst.add.f32.msk $0xffff, v1  }
0x1be: {  	v1 =	vld [tilespmem:s2+$0x7348];
	_ =	sdelay $0x4  }
0x1bf: {  	[tilespmem:s5+$0x248] =	vst.add.f32.msk $0xffff, v1  }
0x1c0: {  	v1 =	vld [tilespmem:s2+$0x7358];
	_ =	sdelay $0x4  }
0x1c1: {  	[tilespmem:s5+$0x258] =	vst.add.f32.msk $0xffff, v1  }
0x1c2: {  	v1 =	vld [tilespmem:s2+$0x7368];
	_ =	sdelay $0x4  }
0x1c3: {  	[tilespmem:s5+$0x268] =	vst.add.f32.msk $0xffff, v1  }
0x1c4: {  	v1 =	vld [tilespmem:s2+$0x7378];
	_ =	sdelay $0x4  }
0x1c5: {  	[tilespmem:s5+$0x278] =	vst.add.f32.msk $0xffff, v1  }
0x1c6: {  	v1 =	vld [tilespmem:s2+$0x7388];
	_ =	sdelay $0x4  }
0x1c7: {  	[tilespmem:s5+$0x288] =	vst.add.f32.msk $0xffff, v1  }
0x1c8: {  	v1 =	vld [tilespmem:s2+$0x7398];
	_ =	sdelay $0x4  }
0x1c9: {  	[tilespmem:s5+$0x298] =	vst.add.f32.msk $0xffff, v1  }
0x1ca: {  	v1 =	vld [tilespmem:s2+$0x73A8];
	_ =	sdelay $0x4  }
0x1cb: {  	[tilespmem:s5+$0x2A8] =	vst.add.f32.msk $0xffff, v1  }
0x1cc: {  	v1 =	vld [tilespmem:s2+$0x73B8];
	_ =	sdelay $0x4  }
0x1cd: {  	[tilespmem:s5+$0x2B8] =	vst.add.f32.msk $0xffff, v1  }
0x1ce: {  	v1 =	vld [tilespmem:s2+$0x73C8];
	_ =	sdelay $0x4  }
0x1cf: {  	[tilespmem:s5+$0x2C8] =	vst.add.f32.msk $0xffff, v1  }
0x1d0: {  	v1 =	vld [tilespmem:s2+$0x73D8];
	_ =	sdelay $0x4  }
0x1d1: {  	[tilespmem:s5+$0x2D8] =	vst.add.f32.msk $0xffff, v1  }
0x1d2: {  	v1 =	vld [tilespmem:s2+$0x73E8];
	_ =	sdelay $0x4  }
0x1d3: {  	[tilespmem:s5+$0x2E8] =	vst.add.f32.msk $0xffff, v1  }
0x1d4: {  	v1 =	vld [tilespmem:s2+$0x73F8];
	_ =	sdelay $0x2  }
0x1d5: {  	p2 =	sgt.u32 s31, $0x4E170  }
0x1d6: {  	s2 =	sand.u32 @!p2 $0x7FFF8, s31  }
0x1d7: {  	s3 =	sadd.s32 $0x208, s5;
	s9 =	sand.u32 @!p2 $0x7, s31;
	s2 =	sadd.s32 @!p2 s1, s2;
	[tilespmem:s5+$0x2F8] =	vst.add.f32.msk $0xffff, v1  }
0x1d8: {  	[hbm4b:s2+s9] =	stream.linear.scatter @!p2 [tilespmem:s3], [sflag:$0xC], $0x80, $0x38;
	[tilespmem:$0x1E678] =	vst v63  }
0x1d9: {  	s2 =	sadd.s32 @!p2 $0x80, s31  }
0x1da: {  	s2 =	sand.u32 @!p2 $0xFFFF8, s2  }
0x1db: {  	s3 =	sadd.s32 $0x288, s5;
	s2 =	sadd.s32 @!p2 s1, s2  }
0x1dc: {  	[hbm4b:s2+s9] =	stream.linear.scatter @!p2 [tilespmem:s3], [sflag:$0xC], $0x80, $0x38;
	[tilespmem:$0x1E678] =	vst v63  }
0x1dd: {  	s2 =	simm.s32 $0x0  }
0x1de: {  	s2 =	simm.s32 @!p2 $0x400  }
0x1df: {  	s4 =	sadd.s32 s2, s4  }
.LBB3_22:
0x1e0: {  	s2 =	sadd.s32 $0x1, s24  }
0x1e1: {  	s3 =	sshrl.u32 s2, $0x4  }
0x1e2: {  	s3 =	smulhi.u32 $0x24924925, s3  }
0x1e3: {  	v1 =	vld [tilespmem:s28+$0xFFFFFF80]  }
0x1e4: {  	s3 =	smul.u32 $0x70, s3;
	_ =	sdelay $0x1  }
0x1e5: {  	s24 =	ssub.s32 s2, s3  }
0x1e6: {  	s2 =	sshll.u32 s24, $0x8  }
0x1e7: {  	[tilespmem:s2+$0x208] =	vst v1  }
0x1e8: {  	v1 =	vld [tilespmem:s28+$0xFFFFFF90];
	_ =	sdelay $0x4  }
0x1e9: {  	[tilespmem:s2+$0x218] =	vst v1  }
0x1ea: {  	v1 =	vld [tilespmem:s28+$0xFFFFFFA0];
	_ =	sdelay $0x4  }
0x1eb: {  	[tilespmem:s2+$0x228] =	vst v1  }
0x1ec: {  	v1 =	vld [tilespmem:s28+$0xFFFFFFB0];
	_ =	sdelay $0x4  }
0x1ed: {  	[tilespmem:s2+$0x238] =	vst v1  }
0x1ee: {  	v1 =	vld [tilespmem:s28+$0xFFFFFFC0];
	_ =	sdelay $0x4  }
0x1ef: {  	[tilespmem:s2+$0x248] =	vst v1  }
0x1f0: {  	v1 =	vld [tilespmem:s28+$0xFFFFFFD0];
	_ =	sdelay $0x4  }
0x1f1: {  	[tilespmem:s2+$0x258] =	vst v1  }
0x1f2: {  	v1 =	vld [tilespmem:s28+$0xFFFFFFE0];
	_ =	sdelay $0x4  }
0x1f3: {  	[tilespmem:s2+$0x268] =	vst v1  }
0x1f4: {  	v1 =	vld [tilespmem:s28+$0xFFFFFFF0];
	_ =	sdelay $0x4  }
0x1f5: {  	[tilespmem:s2+$0x278] =	vst v1  }
0x1f6: {  	v1 =	vld [tilespmem:s28+$0x0];
	_ =	sdelay $0x4  }
0x1f7: {  	[tilespmem:s2+$0x288] =	vst v1  }
0x1f8: {  	v1 =	vld [tilespmem:s28+$0x10];
	_ =	sdelay $0x4  }
0x1f9: {  	[tilespmem:s2+$0x298] =	vst v1  }
0x1fa: {  	v1 =	vld [tilespmem:s28+$0x20];
	_ =	sdelay $0x4  }
0x1fb: {  	[tilespmem:s2+$0x2A8] =	vst v1  }
0x1fc: {  	v1 =	vld [tilespmem:s28+$0x30];
	_ =	sdelay $0x4  }
0x1fd: {  	[tilespmem:s2+$0x2B8] =	vst v1  }
0x1fe: {  	v1 =	vld [tilespmem:s28+$0x40];
	_ =	sdelay $0x4  }
0x1ff: {  	[tilespmem:s2+$0x2C8] =	vst v1  }
0x200: {  	v1 =	vld [tilespmem:s28+$0x50];
	_ =	sdelay $0x4  }
0x201: {  	[tilespmem:s2+$0x2D8] =	vst v1  }
0x202: {  	v1 =	vld [tilespmem:s28+$0x60];
	_ =	sdelay $0x4  }
0x203: {  	[tilespmem:s2+$0x2E8] =	vst v1  }
0x204: {  	v1 =	vld [tilespmem:s28+$0x70]  }
.Ltmp30:
0x205: {  	_ = 	snop;
	(pc) =	sbr.rel .LBB3_23-.Ltmp30, $2  }
0x206: {  	_ =	sdelay $0x2  }
0x207: {  	s30 =	sadd.s32 $0x1, s30;
	[tilespmem:s2+$0x2F8] =	vst v1  }
.LBB3_25:
.Ltmp31:
0x208: {  	(pc) =	sbr.rel .LBB3_26-.Ltmp31, $4  }
0x209: {  	_ = 	snop  }
0x20a: {  	s0 =	simm.s32 $0x2  }
0x20b: {  	_ =	swait.ge [sflag:s0], $0x0  }
0x20c: {  	s2 =	simm.s32 $0x0;
	[sflag:s0] =	ssyncset.done $0x0;
	s0 =	smov.u32 s31  }
.LBB3_28:
0x20d: {  	_ =	sfence.sel $0x180000  }
0x20e: {  	s0 =	simm.s32 $0x9;
	[bflag:$0x0] =	sbarrier.arrive $0xFFFF  }
0x20f: {  	s24 =	simm.s32 $0xA;
	[sflag:s0] =	ssyncpa.u1 $0x1  }
0x210: {  	s25 =	simm.s32 $0xB;
	[sflag:s24] =	ssyncpa.u1 $0x1  }
0x211: {  	s26 =	simm.s32 $0x2;
	[sflag:s25] =	ssyncpa.u1 $0x1  }
0x212: {  	[sflag:s26] =	ssyncpa.u1 $0x1  }
0x213: {  	v0 =	vld [tilespmem:$0xE408];
	_ =	sdelay $0x4  }
0x214: {  	(v2sf) =	vpush v0, $0x0  }
0x215: {  	(v2sf) =	vpush v0, $0x1;
	_ =	sdelay $0x1  }
0x216: {  	(v2sf) =	vpush v0, $0x2;
	_ =	sdelay $0xb  }
0x217: {  	s0 =	spop (v2sf)  }
0x218: {  	s2 =	spop (v2sf)  }
0x219: {  	s3 =	smov.u32 s0;
	p0 =	sne.s32 s0, s2  }
0x21a: {  	s4 =	spop (v2sf);
	s3 =	simm.s32 @!p0 $0xFFFFFFFF  }
0x21b: {  	v2 =	vimm.s32 $0x1;
	v3 =	vlaneseq.u32;
	p0 =	seq.s32 s4, $0xFFFFFFFF;
	v1 =	vmov s3  }
0x21c: {  	s15 =	stileid.u32;
	v0 =	vperm.xlane v0, v2;
	p1 =	sne.s32 @!p0 s0, s2;
	v1 =	vperm.xlane v1, v3  }
0x21d: {  	vm0 =	vcmask $0x3F04;
	s6 =	simm.s32 $0xE408;
	s0 =	simm.s32 @!p0 $0x1;
	p1 =	por !p1, p0  }
0x21e: {  	s3 =	sshll.u32 s15, $0x1;
	s2 =	sshll.u32 @!p0 s4, $0xA;
	s0 =	simm.s32 @p1 $0x0;
	v0 =	vsel vm0, v1, v0  }
0x21f: {  	s5 =	sor.u32 $0x2000, s3;
	s2 =	sshra.s32 @!p0 s2, $0x2;
	s0 =	sor.u32 @!p0 s0, s3;
	[tilespmem:$0xE408] =	vst v0  }
0x220: {  	[spmem:s5] =	stream.linear.scatter [tilespmem:s6], [sflag:$0x1], $0x2, $0x38;
	[tilespmem:$0x1E678] =	vst v63  }
0x221: {  	s2 =	sadd.s32 @!p0 $0x208, s2;
	s0 =	sshll.u32 @!p0 s0, $0x8  }
0x222: {  	[spmem:s0] =	stream.linear.scatter @!p0 [tilespmem:s2], [sflag:$0x1], $0x100, $0x38;
	[tilespmem:$0x1E678] =	vst v63  }
0x223: {  	s0 =	simm.s32 @!p0 $0x102  }
0x224: {  	s28 =	simm.s32 $0x1;
	s0 =	simm.s32 @p0 $0x2  }
0x225: {  	_ =	swait.ge [sflag:s28], s0  }
0x226: {  	s0 =	ssub.s32 $0x0, s0;
	[sflag:s28] =	ssyncset.done $0x0  }
0x227: {  	p0 =	sne.s32 s15, $0x0;
	[sflag:s28] =	ssyncadd.s32 s0  }
.Ltmp32:
0x228: {  	_ =	sfence.stream.spmem;
	(pc) =	sbr.rel @p0 .LBB3_45-.Ltmp32, $4  }
0x229: {  	s29 =	simm.s32 $0x3;
	[bflag:$0x0] =	sbarrier.arrive $0xFFFF  }
0x22a: {  	s30 =	simm.s32 $0x4;
	[sflag:s29] =	ssyncpa.u1 $0x1  }
0x22b: {  	s31 =	simm.s32 $0x3C;
	[sflag:s30] =	ssyncpa.u1 $0x1  }
0x22c: {  	s14 =	rddreg [dreg:$0x4];
	[sflag:s31] =	ssyncpa.u1 $0x1  }
0x22d: {  	_ =	sfence.stream.spmem;
	s0 =	simm.s32 $0x5  }
0x22e: {  	s2 =	simm.s32 $0x2000;
	s3 =	simm.s32 $0xE418;
	[sflag:s0] =	ssyncpa.u1 $0x0  }
0x22f: {  	[tilespmem:s3], [sflag:$0x5] =	stream.linear.gather [spmem:s2], $0x20, $0x38;
	[tilespmem:$0x1E678] =	vst v63  }
0x230: {  	s26 =	simm.s32 $0x0;
	s28 =	simm.s32 $0xE438  }
0x231: {  	[tilespmem:s28], [sflag:$0x5] =	stream.linear.gather [spmem:s26], $0x2000, $0x38;
	[tilespmem:$0x1E678] =	vst v63  }
0x232: {  	_ =	swait.ge [sflag:s0], $0x2020  }
0x233: {  	[sflag:s0] =	ssyncset.done $0x0  }
0x234: {  	s29 =	simm.s32 $0x0;
	[sflag:s0] =	ssyncadd.s32 $0xFFFFDFE0  }
0x235: {  	v0 =	vld.msk [tilespmem:s29+$0xE418], $0x1;
	_ =	sdelay $0x1  }
0x236: {  	s30 =	simm.s32 $0x1  }
0x237: {  	v1 =	vld.msk [tilespmem:s30+$0xE418], $0x1;
	_ =	sdelay $0x1  }
0x238: {  	(v2sf) =	vpush v0, $0x0;
	_ =	sdelay $0x2  }
0x239: {  	(v2sf) =	vpush v1, $0x0;
	_ =	sdelay $0x2  }
0x23a: {  	s31 =	simm.s32 $0x2  }
0x23b: {  	v0 =	vld.msk [tilespmem:s31+$0xE418], $0x1;
	_ =	sdelay $0x2  }
0x23c: {  	s2 =	simm.s32 $0xFFFFFFFF;
	s3 =	simm.s32 $0xFFFFFFFF;
	s0 =	simm.s32 $0xC  }
.LBB3_30:
0x23d: {  	s4 =	smov.u32 s3;
	s5 =	smov.u32 s2  }
0x23e: {  	s2 =	sshra.s32 s0, $0x2;
	p1 =	sne.s32 s0, $0x7C;
	s0 =	sadd.s32 $0x4, s0;
	(v2sf) =	vpush v0, $0x0  }
0x23f: {  	v0 =	vld.msk [tilespmem:s2+$0xE418], $0x1  }
.Ltmp33:
0x240: {  	(pc) =	sbr.rel @p1 .LBB3_30-.Ltmp33, $4  }
0x241: {  	s3 =	spop (v2sf)  }
0x242: {  	p2 =	sne.s32 s5, $0xFFFFFFFF;
	s2 =	smov.u32 s3  }
0x243: {  	p3 =	seq.s32 s3, $0xFFFFFFFF;
	s2 =	smov.u32 @p2 s5  }
0x244: {  	s3 =	smov.u32 @p3 s4;
	s2 =	smov.u32 @p3 s5  }
0x245: {  	(v2sf) =	vpush v0, $0x0;
	_ =	sdelay $0x8  }
0x246: {  	s0 =	spop (v2sf)  }
0x247: {  	p1 =	sne.s32 s2, $0xFFFFFFFF;
	s9 =	simm.s32 $0x6;
	s4 =	smov.u32 s0  }
0x248: {  	s6 =	simm.s32 $0x0;
	p2 =	seq.s32 s0, $0xFFFFFFFF;
	s4 =	smov.u32 @p1 s2  }
0x249: {  	s10 =	simm.s32 $0xE308;
	s4 =	smov.u32 @p2 s2;
	s2 =	spop (v2sf)  }
0x24a: {  	s0 =	smov.u32 @p2 s3;
	p1 =	sne.s32 s4, $0xFFFFFFFF;
	s5 =	smov.u32 s2  }
.Ltmp34:
0x24b: {  	p2 =	seq.s32 s2, $0xFFFFFFFF;
	s5 =	smov.u32 @p1 s4;
	(pc) =	sbr.rel .LBB3_32-.Ltmp34, $4  }
0x24c: {  	s11 =	simm.s32 $0xE388;
	s5 =	smov.u32 @p2 s4;
	s7 =	spop (v2sf)  }
0x24d: {  	s12 =	simm.s32 $0x0;
	p1 =	sne.s32 s5, $0xFFFFFFFF;
	s8 =	smov.u32 s7  }
0x24e: {  	s2 =	smov.u32 @p2 s0;
	p2 =	seq.s32 s7, $0xFFFFFFFF;
	s8 =	smov.u32 @p1 s5  }
0x24f: {  	[sflag:s9] =	ssyncpa.u1 $0x0;
	s7 =	smov.u32 @p2 s2;
	s8 =	smov.u32 @p2 s5  }
.LBB3_38:
0x250: {  	p1 =	sgt.u32 s0, $0x4E170  }
0x251: {  	p2 =	seq.s32 @!p1 s0, s8  }
0x252: {  	p1 =	por p1, p2  }
0x253: {  	p2 =	sne.s32 @!p1 s0, s7  }
0x254: {  	p1 =	por p1, !p2  }
0x255: {  	s0 =	sshll.u32 @p1 s12, $0xA  }
0x256: {  	s2 =	sand.u32 @!p1 $0x7FFF8, s0;
	s3 =	sand.u32 @!p1 $0x7, s0;
	s0 =	sadd.s32 @!p1 $0x80, s0  }
0x257: {  	s2 =	sadd.s32 @!p1 s1, s2;
	s0 =	sand.u32 @!p1 $0xFFFF8, s0  }
0x258: {  	[tilespmem:s10], [sflag:$0x6] =	stream.linear.gather @!p1 [hbm4b:s2+s3], $0x80, $0x38;
	[tilespmem:$0x1E678] =	vst v63  }
0x259: {  	s0 =	sadd.s32 @!p1 s1, s0  }
0x25a: {  	[tilespmem:s11], [sflag:$0x6] =	stream.linear.gather @!p1 [hbm4b:s0+s3], $0x80, $0x38;
	[tilespmem:$0x1E678] =	vst v63  }
0x25b: {  	_ =	swait.ge @!p1 [sflag:s9], $0x100  }
0x25c: {  	[sflag:s9] =	ssyncset.done @!p1 $0x0  }
0x25d: {  	[sflag:s9] =	ssyncadd.s32 @!p1 $0xFFFFFF00  }
0x25e: {  	v1 =	vld @!p1 [tilespmem:$0xE308];
	_ =	sdelay $0x2  }
0x25f: {  	s0 =	sshll.u32 @!p1 s12, $0xA  }
0x260: {  	s2 =	sshrl.u32 @!p1 s0, $0x2  }
0x261: {  	[tilespmem:s2+$0xE438] =	vst.add.f32.msk @!p1 $0xffff, v1  }
0x262: {  	v1 =	vld @!p1 [tilespmem:$0xE318];
	_ =	sdelay $0x4  }
0x263: {  	[tilespmem:s2+$0xE448] =	vst.add.f32.msk @!p1 $0xffff, v1  }
0x264: {  	v1 =	vld @!p1 [tilespmem:$0xE328];
	_ =	sdelay $0x4  }
0x265: {  	[tilespmem:s2+$0xE458] =	vst.add.f32.msk @!p1 $0xffff, v1  }
0x266: {  	v1 =	vld @!p1 [tilespmem:$0xE338];
	_ =	sdelay $0x4  }
0x267: {  	[tilespmem:s2+$0xE468] =	vst.add.f32.msk @!p1 $0xffff, v1  }
0x268: {  	v1 =	vld @!p1 [tilespmem:$0xE348];
	_ =	sdelay $0x4  }
0x269: {  	[tilespmem:s2+$0xE478] =	vst.add.f32.msk @!p1 $0xffff, v1  }
0x26a: {  	v1 =	vld @!p1 [tilespmem:$0xE358];
	_ =	sdelay $0x4  }
0x26b: {  	[tilespmem:s2+$0xE488] =	vst.add.f32.msk @!p1 $0xffff, v1  }
0x26c: {  	v1 =	vld @!p1 [tilespmem:$0xE368];
	_ =	sdelay $0x4  }
0x26d: {  	[tilespmem:s2+$0xE498] =	vst.add.f32.msk @!p1 $0xffff, v1  }
0x26e: {  	v1 =	vld @!p1 [tilespmem:$0xE378];
	_ =	sdelay $0x4  }
0x26f: {  	[tilespmem:s2+$0xE4A8] =	vst.add.f32.msk @!p1 $0xffff, v1  }
0x270: {  	v1 =	vld @!p1 [tilespmem:$0xE388];
	_ =	sdelay $0x4  }
0x271: {  	[tilespmem:s2+$0xE4B8] =	vst.add.f32.msk @!p1 $0xffff, v1  }
0x272: {  	v1 =	vld @!p1 [tilespmem:$0xE398];
	_ =	sdelay $0x4  }
0x273: {  	[tilespmem:s2+$0xE4C8] =	vst.add.f32.msk @!p1 $0xffff, v1  }
0x274: {  	v1 =	vld @!p1 [tilespmem:$0xE3A8];
	_ =	sdelay $0x4  }
0x275: {  	[tilespmem:s2+$0xE4D8] =	vst.add.f32.msk @!p1 $0xffff, v1  }
0x276: {  	v1 =	vld @!p1 [tilespmem:$0xE3B8];
	_ =	sdelay $0x4  }
0x277: {  	[tilespmem:s2+$0xE4E8] =	vst.add.f32.msk @!p1 $0xffff, v1  }
0x278: {  	v1 =	vld @!p1 [tilespmem:$0xE3C8];
	_ =	sdelay $0x4  }
0x279: {  	[tilespmem:s2+$0xE4F8] =	vst.add.f32.msk @!p1 $0xffff, v1  }
0x27a: {  	v1 =	vld @!p1 [tilespmem:$0xE3D8];
	_ =	sdelay $0x4  }
0x27b: {  	[tilespmem:s2+$0xE508] =	vst.add.f32.msk @!p1 $0xffff, v1  }
0x27c: {  	v1 =	vld @!p1 [tilespmem:$0xE3E8];
	_ =	sdelay $0x4  }
0x27d: {  	[tilespmem:s2+$0xE518] =	vst.add.f32.msk @!p1 $0xffff, v1  }
0x27e: {  	v1 =	vld @!p1 [tilespmem:$0xE3F8];
	_ =	sdelay $0x4  }
0x27f: {  	[tilespmem:s2+$0xE528] =	vst.add.f32.msk @!p1 $0xffff, v1  }
0x280: {  	s0 =	sshrl.u32 s0, $0x2;
	[tilespmem:s6+$0xE418] =	vst.msk $0x1, v0  }
0x281: {  	v0 =	vld [tilespmem:s0+$0xE438];
	_ =	sdelay $0x2  }
0x282: {  	s31 =	sshll.u32 s6, $0xA  }
0x283: {  	s2 =	sshra.s32 s31, $0x2  }
0x284: {  	[tilespmem:s2+$0xE438] =	vst v0  }
0x285: {  	v0 =	vld [tilespmem:s0+$0xE448];
	_ =	sdelay $0x4  }
0x286: {  	[tilespmem:s2+$0xE448] =	vst v0  }
0x287: {  	v0 =	vld [tilespmem:s0+$0xE458];
	_ =	sdelay $0x4  }
0x288: {  	[tilespmem:s2+$0xE458] =	vst v0  }
0x289: {  	v0 =	vld [tilespmem:s0+$0xE468];
	_ =	sdelay $0x4  }
0x28a: {  	[tilespmem:s2+$0xE468] =	vst v0  }
0x28b: {  	v0 =	vld [tilespmem:s0+$0xE478];
	_ =	sdelay $0x4  }
0x28c: {  	[tilespmem:s2+$0xE478] =	vst v0  }
0x28d: {  	v0 =	vld [tilespmem:s0+$0xE488];
	_ =	sdelay $0x4  }
0x28e: {  	[tilespmem:s2+$0xE488] =	vst v0  }
0x28f: {  	v0 =	vld [tilespmem:s0+$0xE498];
	_ =	sdelay $0x4  }
0x290: {  	[tilespmem:s2+$0xE498] =	vst v0  }
0x291: {  	v0 =	vld [tilespmem:s0+$0xE4A8];
	_ =	sdelay $0x4  }
0x292: {  	[tilespmem:s2+$0xE4A8] =	vst v0  }
0x293: {  	v0 =	vld [tilespmem:s0+$0xE4B8];
	_ =	sdelay $0x4  }
0x294: {  	[tilespmem:s2+$0xE4B8] =	vst v0  }
0x295: {  	v0 =	vld [tilespmem:s0+$0xE4C8];
	_ =	sdelay $0x4  }
0x296: {  	[tilespmem:s2+$0xE4C8] =	vst v0  }
0x297: {  	v0 =	vld [tilespmem:s0+$0xE4D8];
	_ =	sdelay $0x4  }
0x298: {  	[tilespmem:s2+$0xE4D8] =	vst v0  }
0x299: {  	v0 =	vld [tilespmem:s0+$0xE4E8];
	_ =	sdelay $0x4  }
0x29a: {  	[tilespmem:s2+$0xE4E8] =	vst v0  }
0x29b: {  	v0 =	vld [tilespmem:s0+$0xE4F8];
	_ =	sdelay $0x4  }
0x29c: {  	[tilespmem:s2+$0xE4F8] =	vst v0  }
0x29d: {  	v0 =	vld [tilespmem:s0+$0xE508];
	_ =	sdelay $0x4  }
0x29e: {  	[tilespmem:s2+$0xE508] =	vst v0  }
0x29f: {  	v0 =	vld [tilespmem:s0+$0xE518];
	_ =	sdelay $0x4  }
0x2a0: {  	[tilespmem:s2+$0xE518] =	vst v0  }
0x2a1: {  	v0 =	vld [tilespmem:s0+$0xE528];
	_ =	sdelay $0x4  }
0x2a2: {  	s6 =	sadd.s32 $0x1, s6;
	[tilespmem:s2+$0xE528] =	vst v0  }
.LBB3_39:
0x2a3: {  	s12 =	sadd.s32 $0x1, s12  }
0x2a4: {  	p1 =	sne.s32 s12, $0x20  }
.Ltmp35:
0x2a5: {  	_ = 	snop;
	(pc) =	sbr.rel @!p1 .LBB3_40-.Ltmp35, $1  }
0x2a6: {  	_ =	sdelay $0x3  }
.LBB3_32:
0x2a7: {  	v0 =	vld.msk [tilespmem:s12+$0xE418], $0x1;
	_ =	sdelay $0x4  }
0x2a8: {  	(v2sf) =	vpush v0, $0x0;
	_ =	sdelay $0xe  }
0x2a9: {  	s0 =	spop (v2sf)  }
0x2aa: {  	p1 =	seq.s32 s0, $0xFFFFFFFF  }
.Ltmp36:
0x2ab: {  	_ = 	snop;
	(pc) =	sbr.rel @p1 .LBB3_39-.Ltmp36, $1  }
0x2ac: {  	_ =	sdelay $0x3  }
0x2ad: {  	p1 =	slt.s32 s6, $0x1  }
.Ltmp37:
0x2ae: {  	_ = 	snop;
	(pc) =	sbr.rel @p1 .LBB3_38-.Ltmp37, $1  }
0x2af: {  	_ =	sdelay $0x3  }
0x2b0: {  	s4 =	simm.s32 $0xE418;
	p1 =	por $0x0, $0x0  }
0x2b1: {  	v1 =	vld.msk @!p1 [tilespmem:s4+$0x0], $0x1;
	_ =	sdelay $0x4  }
0x2b2: {  	(v2sf) =	vpush @!p1 v1, $0x0;
	_ =	sdelay $0xd  }
0x2b3: {  	p3 =	sne.s32 s6, $0x1  }
.Ltmp38:
0x2b4: {  	s2 =	spop @!p1 (v2sf);
	(pc) =	sbr.rel @!p3 .LBB3_36-.Ltmp38, $4  }
0x2b5: {  	p2 =	seq.s32 @!p1 s0, s2  }
0x2b6: {  	s5 =	simm.s32 $0x0;
	p2 =	por !p2, p1  }
0x2b7: {  	s2 =	simm.s32 $0xFFFFFFFF;
	s5 =	simm.s32 @p2 $0xFFFFFFFF  }
0x2b8: {  	s13 =	simm.s32 $0x1;
	s5 =	smov.u32 @p1 s2  }
.LBB3_35:
0x2b9: {  	s2 =	smov.u32 s5;
	p1 =	sne.s32 s5, $0xFFFFFFFF  }
0x2ba: {  	s4 =	sadd.s32 $0x1, s4;
	s5 =	smov.u32 s13;
	s13 =	sadd.s32 $0x1, s13  }
0x2bb: {  	p2 =	sne.s32 s6, s13;
	v1 =	vld.msk @!p1 [tilespmem:s4+$0x0], $0x1;
	_ =	sdelay $0x4  }
0x2bc: {  	(v2sf) =	vpush @!p1 v1, $0x0;
	_ =	sdelay $0xe  }
.Ltmp39:
0x2bd: {  	s3 =	spop @!p1 (v2sf);
	(pc) =	sbr.rel @p2 .LBB3_35-.Ltmp39, $4  }
0x2be: {  	p3 =	seq.s32 @!p1 s0, s3  }
0x2bf: {  	p3 =	por !p3, p1  }
0x2c0: {  	s5 =	simm.s32 @p3 $0xFFFFFFFF  }
0x2c1: {  	s5 =	smov.u32 @p1 s2  }
.LBB3_36:
0x2c2: {  	p1 =	seq.s32 s5, $0xFFFFFFFF  }
.Ltmp40:
0x2c3: {  	_ = 	snop;
	(pc) =	sbr.rel @p1 .LBB3_38-.Ltmp40, $1  }
0x2c4: {  	_ =	sdelay $0x3  }
0x2c5: {  	s0 =	sshll.u32 s12, $0x8  }
0x2c6: {  	s0 =	sand.u32 $0x3FFFFF00, s0  }
0x2c7: {  	v0 =	vld [tilespmem:s0+$0xE438];
	_ =	sdelay $0x2  }
0x2c8: {  	s2 =	sshll.u32 s5, $0xA  }
0x2c9: {  	s2 =	sshra.s32 s2, $0x2  }
0x2ca: {  	[tilespmem:s2+$0xE438] =	vst.add.f32.msk $0xffff, v0  }
0x2cb: {  	v0 =	vld [tilespmem:s0+$0xE448];
	_ =	sdelay $0x4  }
0x2cc: {  	[tilespmem:s2+$0xE448] =	vst.add.f32.msk $0xffff, v0  }
0x2cd: {  	v0 =	vld [tilespmem:s0+$0xE458];
	_ =	sdelay $0x4  }
0x2ce: {  	[tilespmem:s2+$0xE458] =	vst.add.f32.msk $0xffff, v0  }
0x2cf: {  	v0 =	vld [tilespmem:s0+$0xE468];
	_ =	sdelay $0x4  }
0x2d0: {  	[tilespmem:s2+$0xE468] =	vst.add.f32.msk $0xffff, v0  }
0x2d1: {  	v0 =	vld [tilespmem:s0+$0xE478];
	_ =	sdelay $0x4  }
0x2d2: {  	[tilespmem:s2+$0xE478] =	vst.add.f32.msk $0xffff, v0  }
0x2d3: {  	v0 =	vld [tilespmem:s0+$0xE488];
	_ =	sdelay $0x4  }
0x2d4: {  	[tilespmem:s2+$0xE488] =	vst.add.f32.msk $0xffff, v0  }
0x2d5: {  	v0 =	vld [tilespmem:s0+$0xE498];
	_ =	sdelay $0x4  }
0x2d6: {  	[tilespmem:s2+$0xE498] =	vst.add.f32.msk $0xffff, v0  }
0x2d7: {  	v0 =	vld [tilespmem:s0+$0xE4A8];
	_ =	sdelay $0x4  }
0x2d8: {  	[tilespmem:s2+$0xE4A8] =	vst.add.f32.msk $0xffff, v0  }
0x2d9: {  	v0 =	vld [tilespmem:s0+$0xE4B8];
	_ =	sdelay $0x4  }
0x2da: {  	[tilespmem:s2+$0xE4B8] =	vst.add.f32.msk $0xffff, v0  }
0x2db: {  	v0 =	vld [tilespmem:s0+$0xE4C8];
	_ =	sdelay $0x4  }
0x2dc: {  	[tilespmem:s2+$0xE4C8] =	vst.add.f32.msk $0xffff, v0  }
0x2dd: {  	v0 =	vld [tilespmem:s0+$0xE4D8];
	_ =	sdelay $0x4  }
0x2de: {  	[tilespmem:s2+$0xE4D8] =	vst.add.f32.msk $0xffff, v0  }
0x2df: {  	v0 =	vld [tilespmem:s0+$0xE4E8];
	_ =	sdelay $0x4  }
0x2e0: {  	[tilespmem:s2+$0xE4E8] =	vst.add.f32.msk $0xffff, v0  }
0x2e1: {  	v0 =	vld [tilespmem:s0+$0xE4F8];
	_ =	sdelay $0x4  }
0x2e2: {  	[tilespmem:s2+$0xE4F8] =	vst.add.f32.msk $0xffff, v0  }
0x2e3: {  	v0 =	vld [tilespmem:s0+$0xE508];
	_ =	sdelay $0x4  }
0x2e4: {  	[tilespmem:s2+$0xE508] =	vst.add.f32.msk $0xffff, v0  }
0x2e5: {  	v0 =	vld [tilespmem:s0+$0xE518];
	_ =	sdelay $0x4  }
0x2e6: {  	[tilespmem:s2+$0xE518] =	vst.add.f32.msk $0xffff, v0  }
0x2e7: {  	v0 =	vld [tilespmem:s0+$0xE528]  }
.Ltmp41:
0x2e8: {  	_ = 	snop;
	(pc) =	sbr.rel .LBB3_39-.Ltmp41, $2  }
0x2e9: {  	_ =	sdelay $0x2  }
0x2ea: {  	[tilespmem:s2+$0xE528] =	vst.add.f32.msk $0xffff, v0  }
.LBB3_40:
0x2eb: {  	s0 =	simm.s32 $0x6;
	p1 =	seq.s32 s6, $0x0  }
0x2ec: {  	[sflag:s0] =	ssyncpa.u1 $0x1;
	v0 =	vimm.s32 @p1 $0xFFFFFFFF  }
0x2ed: {  	s0 =	sadd.s32 $0xFFFFFFFF, s6;
	[tilespmem:$0x10438] =	vst @p1 v0  }
0x2ee: {  	v0 =	vld.msk @!p1 [tilespmem:s0+$0xE418], $0x1;
	_ =	sdelay $0x1  }
0x2ef: {  	v1 =	vld.msk @!p1 [tilespmem:$0xE418], $0x1;
	_ =	sdelay $0x2  }
0x2f0: {  	p2 =	seq.s32 @!p1 s0, $0x0;
	v0 =	vbroadcast @!p1 v0, $0x0  }
0x2f1: {  	vm0 =	vmmov @!p1 $0x1;
	p2 =	por !p2, p1  }
0x2f2: {  	v1 =	vnsel @!p1 vm0, $0xFFFFFFFF, v1;
	vm0 =	vcmask @!p1 $0x308;
	v0 =	vpsel !p2, $0xFFFFFFFF, v0  }
0x2f3: {  	p2 =	sne.s32 @!p1 s8, s7;
	v0 =	vsel @!p1 vm0, v1, v0  }
0x2f4: {  	s2 =	simm.s32 @!p1 $0xE438;
	s3 =	simm.s32 @!p1 $0x0;
	p3 =	por !p2, p1;
	[tilespmem:$0x10438] =	vst @!p1 v0  }
0x2f5: {  	[spmem:s3] =	stream.linear.scatter @!p1 [tilespmem:s2], [sflag:$0x1], $0x100, $0x38;
	[tilespmem:$0x1E678] =	vst v63  }
0x2f6: {  	s2 =	sshll.u32 @!p3 s0, $0xA  }
0x2f7: {  	s2 =	sshra.s32 @!p3 s2, $0x2  }
0x2f8: {  	s3 =	simm.s32 @!p3 $0x100;
	s2 =	sadd.s32 @!p3 $0xE438, s2  }
0x2f9: {  	[spmem:s3] =	stream.linear.scatter @!p3 [tilespmem:s2], [sflag:$0x1], $0x100, $0x38;
	[tilespmem:$0x1E678] =	vst v63  }
0x2fa: {  	s2 =	simm.s32 @!p3 $0x1  }
0x2fb: {  	_ =	swait.ge @!p3 [sflag:s2], $0x200  }
0x2fc: {  	p1 =	por p2, p1;
	[sflag:s2] =	ssyncset.done @!p3 $0x0  }
0x2fd: {  	[sflag:s2] =	ssyncadd.s32 @!p3 $0xFFFFFE00;
	s2 =	simm.s32 @!p1 $0x1  }
0x2fe: {  	_ =	swait.ge @!p1 [sflag:s2], $0x100  }
0x2ff: {  	s29 =	simm.s32 $0x10438;
	[sflag:s2] =	ssyncset.done @!p1 $0x0  }
0x300: {  	s30 =	simm.s32 $0x2000;
	s31 =	simm.s32 $0x1;
	[sflag:s2] =	ssyncadd.s32 @!p1 $0xFFFFFF00  }
0x301: {  	[spmem:s30] =	stream.linear.scatter [tilespmem:s29], [sflag:$0x1], $0x10, $0x38;
	[tilespmem:$0x1E678] =	vst v63  }
0x302: {  	_ =	swait.ge [sflag:s31], $0x10  }
0x303: {  	[sflag:s31] =	ssyncset.done $0x0  }
0x304: {  	p1 =	seq.s32 s14, $0x0;
	s9 =	rddreg [dreg:$0x1];
	[sflag:s31] =	ssyncadd.s32 $0xFFFFFFF0  }
0x305: {  	s3 =	sshll.u32 @p1 s9, $0xE;
	s8 =	rddreg [dreg:$0x2]  }
0x306: {  	s2 =	sadd.s32 @p1 $0x15C3C, s3;
	s3 =	sshll.u32 @p1 s8, $0x11  }
0x307: {  	_ =	sfence.stream.spmem;
	s2 =	sor.u32 @p1 s3, s2  }
0x308: {  	[sflag:s2] =	ssyncadd.remote.s32 @p1 $0x1;
	s2 =	simm.s32 @p1 $0x4  }
0x309: {  	s4 =	simm.s32 @!p1 $0x3C;
	s3 =	sand.u32 $0xFFFFFFFE, s9;
	_ =	swait.ge @p1 [sflag:s2], $0x42  }
0x30a: {  	s5 =	simm.s32 @!p1 $0x0;
	s3 =	sadd.s32 @!p1 $0x4, s3;
	[sflag:s2] =	ssyncset.done @p1 $0x0  }
0x30b: {  	s7 =	simm.s32 @!p1 $0x200;
	[sflag:s2] =	ssyncadd.s32 @p1 $0xFFFFFFBE;
	s2 =	sshll.u32 @!p1 s3, $0x1A  }
0x30c: {  	s3 =	sshll.u32 @!p1 s3, $0xD;
	s2 =	sor.u32 @!p1 s2, s8;
	_ =	swait.eq @!p1 [sflag:s4], $0x1  }
0x30d: {  	s3 =	sor.u32 @!p1 $0x1C04, s3;
	s4 =	simm.s32 @!p1 $0x1C03;
	s2 =	sor.u32 @!p1 $0x80004000, s2  }
0x30e: {  	[spmem:s7], [sflag:s3] =	dma.general @!p1 [spmem:s5], [sflag:s4], length:$0x40, [dreg:$0x0], stride_count:$0x0, ici_dest:s2, dma_misc:DstOpCode:WRITE  }
0x30f: {  	p2 =	slt.s32 s0, $0x2;
	s5 =	simm.s32 @!p1 $0x400;
	s7 =	simm.s32 @!p1 $0x402  }
0x310: {  	[spmem:s7], [sflag:s3] =	dma.general @!p1 [spmem:s5], [sflag:s4], length:$0x2, [dreg:$0x0], stride_count:$0x0, ici_dest:s2, dma_misc:DstOpCode:WRITE  }
.Ltmp42:
0x311: {  	s2 =	simm.s32 @!p1 $0x3;
	(pc) =	sbr.rel @p2 .LBB3_44-.Ltmp42, $4  }
0x312: {  	s3 =	sshll.u32 @!p1 s9, $0xE;
	_ =	swait.ge @!p1 [sflag:s2], $0x42  }
0x313: {  	s4 =	sshll.u32 @!p1 s8, $0x11;
	s3 =	sadd.s32 @!p1 $0x11C3C, s3;
	[sflag:s2] =	ssyncset.done @!p1 $0x0  }
0x314: {  	[sflag:s2] =	ssyncadd.s32 @!p1 $0xFFFFFFBE;
	s2 =	sor.u32 @!p1 s4, s3  }
0x315: {  	s0 =	simm.s32 $0x0;
	[sflag:s2] =	ssyncadd.remote.s32 @!p1 $0xFFFFFFFF  }
0x316: {  	s0 =	simm.s32 $0xE419  }
0x317: {  	v0 =	vld.msk [tilespmem:s0+$0x0], $0x1;
	_ =	sdelay $0x4  }
0x318: {  	(v2sf) =	vpush v0, $0x0;
	_ =	sdelay $0xd  }
0x319: {  	s31 =	sadd.s32 $0xFFFFFFFE, s6  }
0x31a: {  	s6 =	simm.s32 $0x0;
	s0 =	sadd.s32 $0xFFFFFFFF, s31;
	s2 =	spop (v2sf)  }
0x31b: {  	s3 =	simm.s32 $0xE538;
	p1 =	sne.s32 s0, $0x0;
	p2 =	sgt.u32 s2, $0x4E170  }
.Ltmp43:
0x31c: {  	s4 =	simm.s32 $0xE638;
	s5 =	sand.u32 @!p2 $0x7FFF8, s2;
	(pc) =	sbr.rel @!p1 .LBB3_43-.Ltmp43, $4  }
0x31d: {  	s7 =	sadd.s32 @!p2 $0x80, s2;
	s2 =	sand.u32 @!p2 $0x7, s2;
	s6 =	simm.s32 @!p2 $0x400  }
0x31e: {  	s5 =	sadd.s32 @!p2 s1, s5;
	s7 =	sand.u32 @!p2 $0xFFFF8, s7;
	s6 =	sadd.s32 $0x0, s6  }
0x31f: {  	[hbm4b:s5+s2] =	stream.linear.scatter @!p2 [tilespmem:s3], [sflag:$0x5], $0x80, $0x38;
	[tilespmem:$0x1E678] =	vst v63  }
0x320: {  	s5 =	simm.s32 $0xE41A;
	s3 =	simm.s32 @!p2 $0xE5B8;
	s7 =	sadd.s32 @!p2 s1, s7  }
.LBB3_42:
0x321: {  	[hbm4b:s7+s2] =	stream.linear.scatter @!p2 [tilespmem:s3], [sflag:$0x5], $0x80, $0x38;
	[tilespmem:$0x1E678] =	vst v63  }
0x322: {  	s0 =	sadd.s32 $0xFFFFFFFF, s0;
	s3 =	smov.u32 s4;
	v0 =	vld.msk [tilespmem:s5+$0x0], $0x1  }
0x323: {  	p1 =	sne.s32 s0, $0x0;
	_ =	sdelay $0x3  }
0x324: {  	(v2sf) =	vpush v0, $0x0;
	_ =	sdelay $0xe  }
0x325: {  	s4 =	sadd.s32 $0x100, s4;
	s8 =	simm.s32 $0x0;
	s2 =	spop (v2sf)  }
.Ltmp44:
0x326: {  	s5 =	sadd.s32 $0x1, s5;
	p2 =	sgt.u32 s2, $0x4E170;
	(pc) =	sbr.rel @p1 .LBB3_42-.Ltmp44, $4  }
0x327: {  	s8 =	simm.s32 @!p2 $0x400;
	s7 =	sand.u32 @!p2 $0x7FFF8, s2;
	s9 =	sadd.s32 @!p2 $0x80, s2  }
0x328: {  	s2 =	sand.u32 @!p2 $0x7, s2;
	s7 =	sadd.s32 @!p2 s1, s7;
	s9 =	sand.u32 @!p2 $0xFFFF8, s9  }
0x329: {  	[hbm4b:s7+s2] =	stream.linear.scatter @!p2 [tilespmem:s3], [sflag:$0x5], $0x80, $0x38;
	[tilespmem:$0x1E678] =	vst v63  }
0x32a: {  	s6 =	sadd.s32 s6, s8;
	s3 =	sadd.s32 @!p2 $0x80, s3;
	s7 =	sadd.s32 @!p2 s1, s9  }
.LBB3_43:
0x32b: {  	[hbm4b:s7+s2] =	stream.linear.scatter @!p2 [tilespmem:s3], [sflag:$0x5], $0x80, $0x38;
	[tilespmem:$0x1E678] =	vst v63  }
0x32c: {  	s0 =	sshrl.u32 s6, $0x2  }
.LBB3_44:
0x32d: {  	s2 =	simm.s32 $0x5  }
0x32e: {  	_ =	swait.ge [sflag:s2], s0  }
0x32f: {  	s31 =	ssub.s32 $0x0, s0;
	[sflag:s2] =	ssyncset.done $0x0  }
0x330: {  	[sflag:s2] =	ssyncadd.s32 s31  }
0x331: {  	[sflag:s2] =	ssyncpa.u1 $0x1  }
.LBB3_45:
0x332: {  	s0 =	sor.u32 s14, s15  }
0x333: {  	p1 =	sne.s32 s0, $0x0  }
.Ltmp45:
0x334: {  	_ = 	snop;
	(pc) =	sbr.rel @p1 .LBB3_60-.Ltmp45, $3  }
0x335: {  	_ =	sdelay $0x1  }
0x336: {  	[bflag:$0x0] =	sbarrier.arrive $0xFFFF  }
0x337: {  	_ =	sfence  }
0x338: {  	s0 =	simm.s32 $0x7  }
0x339: {  	s2 =	simm.s32 $0x2000;
	s3 =	simm.s32 $0xE418;
	[sflag:s0] =	ssyncpa.u1 $0x0  }
0x33a: {  	[tilespmem:s3], [sflag:$0x7] =	stream.linear.gather [spmem:s2], $0x20, $0x38;
	[tilespmem:$0x1E678] =	vst v63  }
0x33b: {  	s30 =	simm.s32 $0xE438;
	s2 =	simm.s32 $0x0  }
0x33c: {  	[tilespmem:s30], [sflag:$0x7] =	stream.linear.gather [spmem:s2], $0x2000, $0x38;
	[tilespmem:$0x1E678] =	vst v63  }
.Ltmp46:
0x33d: {  	_ = 	snop;
	(pc) =	sbr.rel .LBB3_47-.Ltmp46, $4  }
0x33e: {  	_ =	swait.ge [sflag:s0], $0x2020  }
0x33f: {  	[sflag:s0] =	ssyncset.done $0x0  }
0x340: {  	s31 =	simm.s32 $0x8;
	[sflag:s0] =	ssyncadd.s32 $0xFFFFDFE0  }
0x341: {  	s3 =	simm.s32 $0x0;
	[sflag:s31] =	ssyncpa.u1 $0x0  }
.LBB3_53:
0x342: {  	p1 =	slt.u32 s0, $0x4E171  }
0x343: {  	s4 =	sand.u32 @p1 $0x7FFF8, s0;
	s5 =	sand.u32 @p1 $0x7, s0;
	s0 =	sadd.s32 @p1 $0x80, s0  }
0x344: {  	s6 =	simm.s32 @p1 $0xE308;
	s4 =	sadd.s32 @p1 s1, s4;
	s0 =	sand.u32 @p1 $0xFFFF8, s0  }
0x345: {  	[tilespmem:s6], [sflag:$0x8] =	stream.linear.gather @p1 [hbm4b:s4+s5], $0x80, $0x38;
	[tilespmem:$0x1E678] =	vst v63  }
0x346: {  	s0 =	sadd.s32 @p1 s1, s0;
	s4 =	simm.s32 @p1 $0xE388  }
0x347: {  	[tilespmem:s4], [sflag:$0x8] =	stream.linear.gather @p1 [hbm4b:s0+s5], $0x80, $0x38;
	[tilespmem:$0x1E678] =	vst v63  }
0x348: {  	s0 =	simm.s32 @p1 $0x8  }
0x349: {  	_ =	swait.ge @p1 [sflag:s0], $0x100  }
0x34a: {  	[sflag:s0] =	ssyncset.done @p1 $0x0  }
0x34b: {  	[sflag:s0] =	ssyncadd.s32 @p1 $0xFFFFFF00  }
0x34c: {  	v1 =	vld @p1 [tilespmem:$0xE308];
	_ =	sdelay $0x2  }
0x34d: {  	s0 =	sshll.u32 @p1 s3, $0xA  }
0x34e: {  	s4 =	sshrl.u32 @p1 s0, $0x2  }
0x34f: {  	[tilespmem:s4+$0xE438] =	vst.add.f32.msk @p1 $0xffff, v1  }
0x350: {  	v1 =	vld @p1 [tilespmem:$0xE318];
	_ =	sdelay $0x4  }
0x351: {  	[tilespmem:s4+$0xE448] =	vst.add.f32.msk @p1 $0xffff, v1  }
0x352: {  	v1 =	vld @p1 [tilespmem:$0xE328];
	_ =	sdelay $0x4  }
0x353: {  	[tilespmem:s4+$0xE458] =	vst.add.f32.msk @p1 $0xffff, v1  }
0x354: {  	v1 =	vld @p1 [tilespmem:$0xE338];
	_ =	sdelay $0x4  }
0x355: {  	[tilespmem:s4+$0xE468] =	vst.add.f32.msk @p1 $0xffff, v1  }
0x356: {  	v1 =	vld @p1 [tilespmem:$0xE348];
	_ =	sdelay $0x4  }
0x357: {  	[tilespmem:s4+$0xE478] =	vst.add.f32.msk @p1 $0xffff, v1  }
0x358: {  	v1 =	vld @p1 [tilespmem:$0xE358];
	_ =	sdelay $0x4  }
0x359: {  	[tilespmem:s4+$0xE488] =	vst.add.f32.msk @p1 $0xffff, v1  }
0x35a: {  	v1 =	vld @p1 [tilespmem:$0xE368];
	_ =	sdelay $0x4  }
0x35b: {  	[tilespmem:s4+$0xE498] =	vst.add.f32.msk @p1 $0xffff, v1  }
0x35c: {  	v1 =	vld @p1 [tilespmem:$0xE378];
	_ =	sdelay $0x4  }
0x35d: {  	[tilespmem:s4+$0xE4A8] =	vst.add.f32.msk @p1 $0xffff, v1  }
0x35e: {  	v1 =	vld @p1 [tilespmem:$0xE388];
	_ =	sdelay $0x4  }
0x35f: {  	[tilespmem:s4+$0xE4B8] =	vst.add.f32.msk @p1 $0xffff, v1  }
0x360: {  	v1 =	vld @p1 [tilespmem:$0xE398];
	_ =	sdelay $0x4  }
0x361: {  	[tilespmem:s4+$0xE4C8] =	vst.add.f32.msk @p1 $0xffff, v1  }
0x362: {  	v1 =	vld @p1 [tilespmem:$0xE3A8];
	_ =	sdelay $0x4  }
0x363: {  	[tilespmem:s4+$0xE4D8] =	vst.add.f32.msk @p1 $0xffff, v1  }
0x364: {  	v1 =	vld @p1 [tilespmem:$0xE3B8];
	_ =	sdelay $0x4  }
0x365: {  	[tilespmem:s4+$0xE4E8] =	vst.add.f32.msk @p1 $0xffff, v1  }
0x366: {  	v1 =	vld @p1 [tilespmem:$0xE3C8];
	_ =	sdelay $0x4  }
0x367: {  	[tilespmem:s4+$0xE4F8] =	vst.add.f32.msk @p1 $0xffff, v1  }
0x368: {  	v1 =	vld @p1 [tilespmem:$0xE3D8];
	_ =	sdelay $0x4  }
0x369: {  	[tilespmem:s4+$0xE508] =	vst.add.f32.msk @p1 $0xffff, v1  }
0x36a: {  	v1 =	vld @p1 [tilespmem:$0xE3E8];
	_ =	sdelay $0x4  }
0x36b: {  	[tilespmem:s4+$0xE518] =	vst.add.f32.msk @p1 $0xffff, v1  }
0x36c: {  	v1 =	vld @p1 [tilespmem:$0xE3F8];
	_ =	sdelay $0x3  }
0x36d: {  	s5 =	sshll.u32 @!p1 s3, $0xA  }
0x36e: {  	s5 =	smov.u32 @p1 s0;
	[tilespmem:s4+$0xE528] =	vst.add.f32.msk @p1 $0xffff, v1  }
0x36f: {  	s0 =	sshrl.u32 s5, $0x2;
	[tilespmem:s2+$0xE418] =	vst.msk $0x1, v0  }
0x370: {  	v0 =	vld [tilespmem:s0+$0xE438];
	_ =	sdelay $0x2  }
0x371: {  	s31 =	sshll.u32 s2, $0xA  }
0x372: {  	s4 =	sshra.s32 s31, $0x2  }
0x373: {  	[tilespmem:s4+$0xE438] =	vst v0  }
0x374: {  	v0 =	vld [tilespmem:s0+$0xE448];
	_ =	sdelay $0x4  }
0x375: {  	[tilespmem:s4+$0xE448] =	vst v0  }
0x376: {  	v0 =	vld [tilespmem:s0+$0xE458];
	_ =	sdelay $0x4  }
0x377: {  	[tilespmem:s4+$0xE458] =	vst v0  }
0x378: {  	v0 =	vld [tilespmem:s0+$0xE468];
	_ =	sdelay $0x4  }
0x379: {  	[tilespmem:s4+$0xE468] =	vst v0  }
0x37a: {  	v0 =	vld [tilespmem:s0+$0xE478];
	_ =	sdelay $0x4  }
0x37b: {  	[tilespmem:s4+$0xE478] =	vst v0  }
0x37c: {  	v0 =	vld [tilespmem:s0+$0xE488];
	_ =	sdelay $0x4  }
0x37d: {  	[tilespmem:s4+$0xE488] =	vst v0  }
0x37e: {  	v0 =	vld [tilespmem:s0+$0xE498];
	_ =	sdelay $0x4  }
0x37f: {  	[tilespmem:s4+$0xE498] =	vst v0  }
0x380: {  	v0 =	vld [tilespmem:s0+$0xE4A8];
	_ =	sdelay $0x4  }
0x381: {  	[tilespmem:s4+$0xE4A8] =	vst v0  }
0x382: {  	v0 =	vld [tilespmem:s0+$0xE4B8];
	_ =	sdelay $0x4  }
0x383: {  	[tilespmem:s4+$0xE4B8] =	vst v0  }
0x384: {  	v0 =	vld [tilespmem:s0+$0xE4C8];
	_ =	sdelay $0x4  }
0x385: {  	[tilespmem:s4+$0xE4C8] =	vst v0  }
0x386: {  	v0 =	vld [tilespmem:s0+$0xE4D8];
	_ =	sdelay $0x4  }
0x387: {  	[tilespmem:s4+$0xE4D8] =	vst v0  }
0x388: {  	v0 =	vld [tilespmem:s0+$0xE4E8];
	_ =	sdelay $0x4  }
0x389: {  	[tilespmem:s4+$0xE4E8] =	vst v0  }
0x38a: {  	v0 =	vld [tilespmem:s0+$0xE4F8];
	_ =	sdelay $0x4  }
0x38b: {  	[tilespmem:s4+$0xE4F8] =	vst v0  }
0x38c: {  	v0 =	vld [tilespmem:s0+$0xE508];
	_ =	sdelay $0x4  }
0x38d: {  	[tilespmem:s4+$0xE508] =	vst v0  }
0x38e: {  	v0 =	vld [tilespmem:s0+$0xE518];
	_ =	sdelay $0x4  }
0x38f: {  	[tilespmem:s4+$0xE518] =	vst v0  }
0x390: {  	v0 =	vld [tilespmem:s0+$0xE528];
	_ =	sdelay $0x4  }
0x391: {  	s2 =	sadd.s32 $0x1, s2;
	[tilespmem:s4+$0xE528] =	vst v0  }
.LBB3_54:
0x392: {  	s3 =	sadd.s32 $0x1, s3  }
0x393: {  	p1 =	sne.s32 s3, $0x20  }
.Ltmp47:
0x394: {  	_ = 	snop;
	(pc) =	sbr.rel @!p1 .LBB3_55-.Ltmp47, $1  }
0x395: {  	_ =	sdelay $0x3  }
.LBB3_47:
0x396: {  	v0 =	vld.msk [tilespmem:s3+$0xE418], $0x1;
	_ =	sdelay $0x4  }
0x397: {  	(v2sf) =	vpush v0, $0x0;
	_ =	sdelay $0xe  }
0x398: {  	s0 =	spop (v2sf)  }
0x399: {  	p1 =	seq.s32 s0, $0xFFFFFFFF  }
.Ltmp48:
0x39a: {  	_ = 	snop;
	(pc) =	sbr.rel @p1 .LBB3_54-.Ltmp48, $1  }
0x39b: {  	_ =	sdelay $0x3  }
0x39c: {  	p1 =	slt.s32 s2, $0x1  }
.Ltmp49:
0x39d: {  	_ = 	snop;
	(pc) =	sbr.rel @p1 .LBB3_53-.Ltmp49, $1  }
0x39e: {  	_ =	sdelay $0x3  }
0x39f: {  	s4 =	simm.s32 $0xE418;
	p1 =	por $0x0, $0x0  }
0x3a0: {  	v1 =	vld.msk @!p1 [tilespmem:s4+$0x0], $0x1;
	_ =	sdelay $0x4  }
0x3a1: {  	(v2sf) =	vpush @!p1 v1, $0x0;
	_ =	sdelay $0xd  }
0x3a2: {  	p3 =	sne.s32 s2, $0x1  }
.Ltmp50:
0x3a3: {  	s5 =	spop @!p1 (v2sf);
	(pc) =	sbr.rel @!p3 .LBB3_51-.Ltmp50, $4  }
0x3a4: {  	p2 =	seq.s32 @!p1 s0, s5  }
0x3a5: {  	s5 =	simm.s32 $0x0;
	p2 =	por !p2, p1  }
0x3a6: {  	s7 =	simm.s32 $0xFFFFFFFF;
	s5 =	simm.s32 @p2 $0xFFFFFFFF  }
0x3a7: {  	s6 =	simm.s32 $0x1;
	s5 =	smov.u32 @p1 s7  }
.LBB3_50:
0x3a8: {  	s7 =	smov.u32 s5;
	p1 =	sne.s32 s5, $0xFFFFFFFF  }
0x3a9: {  	s4 =	sadd.s32 $0x1, s4;
	s5 =	smov.u32 s6;
	s6 =	sadd.s32 $0x1, s6  }
0x3aa: {  	p2 =	sne.s32 s2, s6;
	v1 =	vld.msk @!p1 [tilespmem:s4+$0x0], $0x1;
	_ =	sdelay $0x4  }
0x3ab: {  	(v2sf) =	vpush @!p1 v1, $0x0;
	_ =	sdelay $0xe  }
.Ltmp51:
0x3ac: {  	s8 =	spop @!p1 (v2sf);
	(pc) =	sbr.rel @p2 .LBB3_50-.Ltmp51, $4  }
0x3ad: {  	p3 =	seq.s32 @!p1 s0, s8  }
0x3ae: {  	p3 =	por !p3, p1  }
0x3af: {  	s5 =	simm.s32 @p3 $0xFFFFFFFF  }
0x3b0: {  	s5 =	smov.u32 @p1 s7  }
.LBB3_51:
0x3b1: {  	p1 =	seq.s32 s5, $0xFFFFFFFF  }
.Ltmp52:
0x3b2: {  	_ = 	snop;
	(pc) =	sbr.rel @p1 .LBB3_53-.Ltmp52, $1  }
0x3b3: {  	_ =	sdelay $0x3  }
0x3b4: {  	s0 =	sshll.u32 s3, $0x8  }
0x3b5: {  	s0 =	sand.u32 $0x3FFFFF00, s0  }
0x3b6: {  	v0 =	vld [tilespmem:s0+$0xE438];
	_ =	sdelay $0x2  }
0x3b7: {  	s4 =	sshll.u32 s5, $0xA  }
0x3b8: {  	s4 =	sshra.s32 s4, $0x2  }
0x3b9: {  	[tilespmem:s4+$0xE438] =	vst.add.f32.msk $0xffff, v0  }
0x3ba: {  	v0 =	vld [tilespmem:s0+$0xE448];
	_ =	sdelay $0x4  }
0x3bb: {  	[tilespmem:s4+$0xE448] =	vst.add.f32.msk $0xffff, v0  }
0x3bc: {  	v0 =	vld [tilespmem:s0+$0xE458];
	_ =	sdelay $0x4  }
0x3bd: {  	[tilespmem:s4+$0xE458] =	vst.add.f32.msk $0xffff, v0  }
0x3be: {  	v0 =	vld [tilespmem:s0+$0xE468];
	_ =	sdelay $0x4  }
0x3bf: {  	[tilespmem:s4+$0xE468] =	vst.add.f32.msk $0xffff, v0  }
0x3c0: {  	v0 =	vld [tilespmem:s0+$0xE478];
	_ =	sdelay $0x4  }
0x3c1: {  	[tilespmem:s4+$0xE478] =	vst.add.f32.msk $0xffff, v0  }
0x3c2: {  	v0 =	vld [tilespmem:s0+$0xE488];
	_ =	sdelay $0x4  }
0x3c3: {  	[tilespmem:s4+$0xE488] =	vst.add.f32.msk $0xffff, v0  }
0x3c4: {  	v0 =	vld [tilespmem:s0+$0xE498];
	_ =	sdelay $0x4  }
0x3c5: {  	[tilespmem:s4+$0xE498] =	vst.add.f32.msk $0xffff, v0  }
0x3c6: {  	v0 =	vld [tilespmem:s0+$0xE4A8];
	_ =	sdelay $0x4  }
0x3c7: {  	[tilespmem:s4+$0xE4A8] =	vst.add.f32.msk $0xffff, v0  }
0x3c8: {  	v0 =	vld [tilespmem:s0+$0xE4B8];
	_ =	sdelay $0x4  }
0x3c9: {  	[tilespmem:s4+$0xE4B8] =	vst.add.f32.msk $0xffff, v0  }
0x3ca: {  	v0 =	vld [tilespmem:s0+$0xE4C8];
	_ =	sdelay $0x4  }
0x3cb: {  	[tilespmem:s4+$0xE4C8] =	vst.add.f32.msk $0xffff, v0  }
0x3cc: {  	v0 =	vld [tilespmem:s0+$0xE4D8];
	_ =	sdelay $0x4  }
0x3cd: {  	[tilespmem:s4+$0xE4D8] =	vst.add.f32.msk $0xffff, v0  }
0x3ce: {  	v0 =	vld [tilespmem:s0+$0xE4E8];
	_ =	sdelay $0x4  }
0x3cf: {  	[tilespmem:s4+$0xE4E8] =	vst.add.f32.msk $0xffff, v0  }
0x3d0: {  	v0 =	vld [tilespmem:s0+$0xE4F8];
	_ =	sdelay $0x4  }
0x3d1: {  	[tilespmem:s4+$0xE4F8] =	vst.add.f32.msk $0xffff, v0  }
0x3d2: {  	v0 =	vld [tilespmem:s0+$0xE508];
	_ =	sdelay $0x4  }
0x3d3: {  	[tilespmem:s4+$0xE508] =	vst.add.f32.msk $0xffff, v0  }
0x3d4: {  	v0 =	vld [tilespmem:s0+$0xE518];
	_ =	sdelay $0x4  }
0x3d5: {  	[tilespmem:s4+$0xE518] =	vst.add.f32.msk $0xffff, v0  }
0x3d6: {  	v0 =	vld [tilespmem:s0+$0xE528]  }
.Ltmp53:
0x3d7: {  	_ = 	snop;
	(pc) =	sbr.rel .LBB3_54-.Ltmp53, $2  }
0x3d8: {  	_ =	sdelay $0x2  }
0x3d9: {  	[tilespmem:s4+$0xE528] =	vst.add.f32.msk $0xffff, v0  }
.LBB3_55:
0x3da: {  	p1 =	slt.s32 s2, $0x1  }
.Ltmp54:
0x3db: {  	_ = 	snop;
	(pc) =	sbr.rel @p1 .LBB3_59-.Ltmp54, $3  }
0x3dc: {  	_ =	sdelay $0x1  }
0x3dd: {  	s0 =	simm.s32 $0x8  }
0x3de: {  	s4 =	simm.s32 $0x0;
	[sflag:s0] =	ssyncpa.u1 $0x1  }
0x3df: {  	s0 =	simm.s32 $0xE418  }
0x3e0: {  	v0 =	vld.msk [tilespmem:s0+$0x0], $0x1;
	_ =	sdelay $0x4  }
0x3e1: {  	(v2sf) =	vpush v0, $0x0;
	_ =	sdelay $0xe  }
0x3e2: {  	s0 =	sadd.s32 $0xFFFFFFFF, s2;
	s3 =	spop (v2sf)  }
0x3e3: {  	s6 =	simm.s32 $0xE438;
	p1 =	sne.s32 s0, $0x0;
	p2 =	sgt.u32 s3, $0x4E170  }
.Ltmp55:
0x3e4: {  	s2 =	simm.s32 $0xE538;
	s5 =	sand.u32 @!p2 $0x7FFF8, s3;
	(pc) =	sbr.rel @!p1 .LBB3_58-.Ltmp55, $4  }
0x3e5: {  	s7 =	sadd.s32 @!p2 $0x80, s3;
	s4 =	simm.s32 @!p2 $0x400;
	s8 =	sadd.s32 @!p2 s1, s5  }
0x3e6: {  	s5 =	sand.u32 @!p2 $0x7, s3;
	s3 =	simm.s32 $0xE419;
	s7 =	sand.u32 @!p2 $0xFFFF8, s7  }
0x3e7: {  	[hbm4b:s8+s5] =	stream.linear.scatter @!p2 [tilespmem:s6], [sflag:$0x7], $0x80, $0x38;
	[tilespmem:$0x1E678] =	vst v63  }
0x3e8: {  	s4 =	sadd.s32 $0x0, s4;
	s6 =	simm.s32 @!p2 $0xE4B8;
	s7 =	sadd.s32 @!p2 s1, s7  }
.LBB3_57:
0x3e9: {  	[hbm4b:s7+s5] =	stream.linear.scatter @!p2 [tilespmem:s6], [sflag:$0x7], $0x80, $0x38;
	[tilespmem:$0x1E678] =	vst v63  }
0x3ea: {  	s0 =	sadd.s32 $0xFFFFFFFF, s0;
	s6 =	smov.u32 s2;
	v0 =	vld.msk [tilespmem:s3+$0x0], $0x1  }
0x3eb: {  	p1 =	sne.s32 s0, $0x0;
	_ =	sdelay $0x3  }
0x3ec: {  	(v2sf) =	vpush v0, $0x0;
	_ =	sdelay $0xe  }
0x3ed: {  	s2 =	sadd.s32 $0x100, s2;
	s8 =	simm.s32 $0x0;
	s5 =	spop (v2sf)  }
.Ltmp56:
0x3ee: {  	s3 =	sadd.s32 $0x1, s3;
	p2 =	sgt.u32 s5, $0x4E170;
	(pc) =	sbr.rel @p1 .LBB3_57-.Ltmp56, $4  }
0x3ef: {  	s8 =	simm.s32 @!p2 $0x400;
	s7 =	sand.u32 @!p2 $0x7FFF8, s5;
	s9 =	sadd.s32 @!p2 $0x80, s5  }
0x3f0: {  	s5 =	sand.u32 @!p2 $0x7, s5;
	s7 =	sadd.s32 @!p2 s1, s7;
	s9 =	sand.u32 @!p2 $0xFFFF8, s9  }
0x3f1: {  	[hbm4b:s7+s5] =	stream.linear.scatter @!p2 [tilespmem:s6], [sflag:$0x7], $0x80, $0x38;
	[tilespmem:$0x1E678] =	vst v63  }
0x3f2: {  	s4 =	sadd.s32 s4, s8;
	s6 =	sadd.s32 @!p2 $0x80, s6;
	s7 =	sadd.s32 @!p2 s1, s9  }
.LBB3_58:
0x3f3: {  	[hbm4b:s7+s5] =	stream.linear.scatter @!p2 [tilespmem:s6], [sflag:$0x7], $0x80, $0x38;
	[tilespmem:$0x1E678] =	vst v63  }
0x3f4: {  	s4 =	sshrl.u32 s4, $0x2  }
.LBB3_59:
0x3f5: {  	s0 =	simm.s32 $0x7  }
0x3f6: {  	_ =	swait.ge [sflag:s0], s4  }
0x3f7: {  	s1 =	ssub.s32 $0x0, s4;
	[sflag:s0] =	ssyncset.done $0x0  }
0x3f8: {  	[sflag:s0] =	ssyncadd.s32 s1  }
0x3f9: {  	[sflag:s0] =	ssyncpa.u1 $0x1  }
.LBB3_60:
0x3fa: {  	_ =	sfence;
	s0 =	simm.s32 $0x1  }
0x3fb: {  	[sflag:s0] =	ssyncpa.u1 $0x1  }
0x3fc: {  	_ =	strace $0x90000050  }
0x3fd: {  	[bflag:$0x2] =	sbarrier.arrive $0xFFFF  }
0x3fe: {  	s0 =	rddreg [dreg:$0x3]  }
0x3ff: {  	s0 =	sadd.s32 @!p0 $0x100000, s0  }
0x400: {  	[sflag:s0] =	ssyncadd.tile.s32 @!p0 $0x1;
	_ =	shalt  }
.Lfunc_end3:
_tile_overlayer_lowered:
.L_overlay_start_3:
0x401: {  	(tag) =	ssettag $0x3  }
0x402: {  	s0 =	rddreg [dreg:$0x0];
	s2 =	stileid.u32  }
0x403: {  	s1 =	rddreg [dreg:$0x1];
	p0 =	sne.s32 s2, $0x0  }
0x404: {  	s3 =	rddreg [dreg:$0x2];
	[bflag:$0x3] =	sbarrier.arrive $0xFFFF;
	s2 =	simm.s32 @!p0 $0x1C01  }
0x405: {  	[timem:s3], [sflag:s2] =	dma.local @!p0 [hbm:s0], s1  }
0x406: {  	s0 =	simm.s32 @!p0 $0x1  }
0x407: {  	_ =	swait.ge @!p0 [sflag:s0], s1  }
0x408: {  	s1 =	ssub.s32 @!p0 $0x0, s1;
	[sflag:s0] =	ssyncset.done @!p0 $0x0  }
0x409: {  	[sflag:s0] =	ssyncadd.s32 @!p0 s1  }
0x40a: {  	[bflag:$0x3] =	sbarrier.arrive $0xFFFF  }
0x40b: {  	_ =	shalt  }

// kernel: scatter_offload_async_start.3
scs
__scs_entry_jumppad:
0x0: {  	(pc) =	sbr.rel $0x88, $3  }
0x1: {  	(tag) =	ssettag $0x0;
	lr =	simm.s32 $0x1  }
0x2: {  	[smem:$0x3F7A] =	sst lr;
	_ =	strace $0xD0000000  }
0x3: {  	_ = 	snop  }
0x4: {  	_ = 	snop  }
0x5: {  	_ = 	snop  }
0x6: {  	_ = 	snop  }
0x7: {  	_ = 	snop  }
__scs_overlays_trampoline_lowered:
0x8: {  	[smem:$0x3F89] =	sst s0  }
0x9: {  	[smem:$0x3F8A] =	sst s1  }
0xa: {  	[smem:$0x3F8B] =	sst s2  }
0xb: {  	[smem:$0x3F8C] =	sst s3  }
0xc: {  	[smem:$0x3F8D] =	sst s4  }
0xd: {  	[smem:$0x3F8E] =	sst s5  }
0xe: {  	[smem:$0x3F8F] =	sst s6  }
0xf: {  	[smem:$0x3F90] =	sst s7  }
0x10: {  	[smem:$0x3F91] =	sst s8  }
0x11: {  	[smem:$0x3F92] =	sst s9;
	s0 =	simm.s32 @!p0 $0x0  }
0x12: {  	s1 =	sld [smem:$0x3F78];
	s0 =	simm.s32 @p0 $0x1  }
0x13: {  	[smem:$0x3F93] =	sst s0;
	s0 =	simm.s32 @!p1 $0x0  }
0x14: {  	s2 =	sld [smem:$0x3F77];
	s0 =	simm.s32 @p1 $0x1  }
0x15: {  	[smem:$0x3F94] =	sst s0;
	s0 =	simm.s32 @!p2 $0x0  }
0x16: {  	s3 =	sld [smem:$0x3FDB];
	s0 =	simm.s32 @p2 $0x1  }
0x17: {  	s4 =	simm.s32 $0x1BF5;
	[smem:$0x3F96] =	sst s0  }
0x18: {  	s0 =	sld [smem:$0x3F79];
	_ =	swait.ge [sflag:s4], $0x0  }
0x19: {  	s7 =	sld [smem:$0x3F7A]  }
0x1a: {  	s8 =	sadd.s32 $0xFFFFE003, lr  }
0x1b: {  	s9 =	sadd.s32 $0xFFFFFEF7, lr;
	s5 =	simm.s32 $0xFFFFFFFF;
	p2 =	slt.u32 s8, $0xFFFFF086  }
0x1c: {  	p1 =	slt.u32 s9, $0xF7A;
	s5 =	simm.s32 @!p2 $0x0  }
0x1d: {  	s5 =	simm.s32 @p1 $0x1;
	p0 =	seq.s32 s7, s2  }
0x1e: {  	s7 =	smul.u32 @!p0 $0xF7A, s2;
	p2 =	seq.s32 @!p0 s5, $0x0  }
0x1f: {  	s9 =	smul.u32 $0xF7A, s1;
	s8 =	simm.s32 @!p0 $0x1BF5;
	p2 =	por !p2, p0  }
0x20: {  	[sflag:s8] =	ssyncset.s32 @!p0 $0xFFFFF086;
	s6 =	sadd.s32 @!p0 s3, s7;
	s7 =	simm.s32 @!p0 $0x108  }
0x21: {  	s3 =	sadd.s32 s3, s9;
	s6 =	sadd.s32 @!p0 $0x88, s6;
	s7 =	simm.s32 @p2 $0x1082  }
0x22: {  	[simem:s7], [sflag:s8] =	dma.local @!p0 [hbm:s6], $0xF7A  }
0x23: {  	s9 =	sor.u32 $0xD0000000, s2;
	s6 =	simm.s32 $0x108;
	_ =	swait.ge @!p0 [sflag:s8], $0x0  }
0x24: {  	s3 =	sadd.s32 $0x88, s3;
	s6 =	simm.s32 @!p1 $0x1082;
	[sflag:s4] =	ssyncset.s32 $0xFFFFF086  }
0x25: {  	[simem:s6], [sflag:s4] =	dma.local [hbm:s3], $0xF7A  }
0x26: {  	[smem:$0x3F7A] =	sst s1;
	(tag) =	ssettag s2;
	_ =	strace s9  }
0x27: {  	s1 =	sld [smem:$0x3F8A]  }
0x28: {  	s2 =	sld [smem:$0x3F8B]  }
0x29: {  	s4 =	sld [smem:$0x3F8D]  }
0x2a: {  	p0 =	seq.s32 s5, $0x0;
	s5 =	sld [smem:$0x3F8E]  }
0x2b: {  	s6 =	sld [smem:$0x3F8F]  }
0x2c: {  	s7 =	sld [smem:$0x3F90]  }
0x2d: {  	s3 =	simm.s32 $0x108;
	s8 =	sld [smem:$0x3F91]  }
0x2e: {  	s3 =	simm.s32 @!p0 $0x1082;
	s9 =	sld [smem:$0x3F92]  }
0x2f: {  	lr =	sadd.s32 s0, s3;
	s0 =	sld [smem:$0x3F89]  }
0x30: {  	s3 =	sld [smem:$0x3F8C]  }
0x31: {  	[smem:$0x3F95] =	sst s10  }
0x32: {  	s10 =	sld [smem:$0x3F93];
	_ =	sdelay $0x3  }
0x33: {  	p0 =	seq.s32 s10, $0x1;
	s10 =	sld [smem:$0x3F95];
	_ =	sdelay $0x3  }
0x34: {  	[smem:$0x3F95] =	sst s10  }
0x35: {  	s10 =	sld [smem:$0x3F94];
	_ =	sdelay $0x3  }
0x36: {  	p1 =	seq.s32 s10, $0x1;
	s10 =	sld [smem:$0x3F95];
	_ =	sdelay $0x3  }
0x37: {  	[smem:$0x3F95] =	sst s10  }
0x38: {  	s10 =	sld [smem:$0x3F96]  }
0x39: {  	_ = 	snop;
	(pc) =	sbr.ind lr, $3  }
0x3a: {  	_ = 	snop  }
0x3b: {  	_ = 	snop  }
0x3c: {  	p2 =	seq.s32 s10, $0x1;
	s10 =	sld [smem:$0x3F95]  }
0x3d: {  	_ =	shalt  }
0x3e: {  	_ =	shalt  }
0x3f: {  	_ =	shalt  }
0x40: {  	_ =	shalt  }
0x41: {  	_ =	shalt  }
0x42: {  	_ =	shalt  }
0x43: {  	_ =	shalt  }
0x44: {  	_ =	shalt  }
0x45: {  	_ =	shalt  }
0x46: {  	_ =	shalt  }
0x47: {  	_ =	shalt  }
0x48: {  	_ =	shalt  }
0x49: {  	_ =	shalt  }
0x4a: {  	_ =	shalt  }
0x4b: {  	_ =	shalt  }
0x4c: {  	_ =	shalt  }
0x4d: {  	_ =	shalt  }
0x4e: {  	_ =	shalt  }
0x4f: {  	_ =	shalt  }
0x50: {  	_ =	shalt  }
0x51: {  	_ =	shalt  }
0x52: {  	_ =	shalt  }
0x53: {  	_ =	shalt  }
0x54: {  	_ =	shalt  }
0x55: {  	_ =	shalt  }
0x56: {  	_ =	shalt  }
0x57: {  	_ =	shalt  }
0x58: {  	_ =	shalt  }
0x59: {  	_ =	shalt  }
0x5a: {  	_ =	shalt  }
0x5b: {  	_ =	shalt  }
0x5c: {  	_ =	shalt  }
0x5d: {  	_ =	shalt  }
0x5e: {  	_ =	shalt  }
0x5f: {  	_ =	shalt  }
0x60: {  	_ =	shalt  }
0x61: {  	_ =	shalt  }
0x62: {  	_ =	shalt  }
0x63: {  	_ =	shalt  }
0x64: {  	_ =	shalt  }
0x65: {  	_ =	shalt  }
0x66: {  	_ =	shalt  }
0x67: {  	_ =	shalt  }
0x68: {  	_ =	shalt  }
0x69: {  	_ =	shalt  }
0x6a: {  	_ =	shalt  }
0x6b: {  	_ =	shalt  }
0x6c: {  	_ =	shalt  }
0x6d: {  	_ =	shalt  }
0x6e: {  	_ =	shalt  }
0x6f: {  	_ =	shalt  }
0x70: {  	_ =	shalt  }
0x71: {  	_ =	shalt  }
0x72: {  	_ =	shalt  }
0x73: {  	_ =	shalt  }
0x74: {  	_ =	shalt  }
0x75: {  	_ =	shalt  }
0x76: {  	_ =	shalt  }
0x77: {  	_ =	shalt  }
0x78: {  	_ =	shalt  }
0x79: {  	_ =	shalt  }
0x7a: {  	_ =	shalt  }
0x7b: {  	_ =	shalt  }
0x7c: {  	_ =	shalt  }
0x7d: {  	_ =	shalt  }
0x7e: {  	_ =	shalt  }
0x7f: {  	_ =	shalt  }
0x80: {  	_ =	shalt  }
0x81: {  	_ =	shalt  }
0x82: {  	_ =	shalt  }
0x83: {  	_ =	shalt  }
0x84: {  	_ =	shalt  }
0x85: {  	_ =	shalt  }
0x86: {  	_ =	shalt  }
0x87: {  	_ =	shalt  }
.Lfunc_end0:
.L_simem_size_0:
called_computation.3_lowered:
.L_overlay_start_0:
0x88: {  	s2 =	sld [smem:$0x3FD9]  }
0x89: {  	s3 =	sld [smem:$0x3FFE];
	_ =	sdelay $0x1  }
0x8a: {  	s1 =	srdreg.scid  }
0x8b: {  	s0 =	sand.u32 $0x1, s1  }
0x8c: {  	s15 =	sshll.u32 s0, $0xA;
	s2 =	sadd.s32 s3, s2  }
0x8d: {  	s2 =	sadd.s32 s2, s15  }
0x8e: {  	[smem:$0x3FA1] =	sst s2  }
0x8f: {  	_ = 	snop  }
0x90: {  	(tm) =	ssettm $0x1  }
0x91: {  	s16 =	sld [smem:$0x3FFB];
	_ =	sdelay $0x3  }
0x92: {  	_ =	strace s16  }
0x93: {  	s2 =	sld [smem:$0x3FFC];
	_ =	sdelay $0x3  }
0x94: {  	_ =	strace s2  }
0x95: {  	s2 =	sld [smem:$0x3FFD];
	_ =	sdelay $0x3  }
0x96: {  	_ =	strace s2  }
0x97: {  	_ =	strace $0x8FFFFFFF  }
0x98: {  	s17 =	sld [smem:$0x3FDB];
	_ =	sdelay $0x1  }
0x99: {  	s18 =	simm.s32 $_scs_section_size  }
0x9a: {  	s4 =	simm.s32 $_size__tile_overlayer_lowered;
	s5 =	simm.s32 $_tile_overlayer_lowered  }
0x9b: {  	s6 =	simm.s32 $0x1BFF;
	s19 =	sshll.u32 s5, $0x1;
	s3 =	sadd.s32 s18, s17  }
0x9c: {  	s20 =	simm.s32 $0x0;
	s4 =	sshll.u32 s4, $0x1;
	s5 =	sadd.s32 s19, s3  }
0x9d: {  	[timem:s20], [sflag:s6] =	dma.local [hbm:s5], s4  }
0x9e: {  	_ =	swait.ge [sflag:s6], s4  }
0x9f: {  	s4 =	ssub.s32 $0x0, s4;
	[sflag:s6] =	ssyncset.done $0x0  }
0xa0: {  	[sflag:s6] =	ssyncadd.s32 s4;
	_ =	sdelay $0x1  }
0xa1: {  	s21 =	simm.s32 $0x1B8B  }
0xa2: {  	_ =	swait.ge [sflag:s21], $0x1  }
0xa3: {  	[sflag:s21] =	ssyncset.done $0x0  }
0xa4: {  	s22 =	sld [smem:$0x3FFE];
	[sflag:s21] =	ssyncadd.s32 $0xFFFFFFFF  }
0xa5: {  	s24 =	simm.s32 $0x1B8E;
	s23 =	sld [smem:$0x0]  }
0xa6: {  	s25 =	simm.s32 $execute0_lowered;
	[smem:$0x3FD2] =	sst s24  }
0xa7: {  	s6 =	sshll.u32 s25, $0x1;
	_ =	strace $0x80000052;
	[dreg:$0x1] =	wrdreg $0xFFFFFFFF  }
0xa8: {  	s7 =	simm.s32 $_size_execute0_lowered;
	s6 =	sadd.s32 s3, s6;
	[dreg:$0x0] =	wrdreg $0x0  }
0xa9: {  	s7 =	sshll.u32 s7, $0x1;
	[dreg:$0x2] =	wrdreg s6  }
0xaa: {  	[dreg:$0x3] =	wrdreg s7  }
0xab: {  	[dreg:$0x4] =	wrdreg $0xC0  }
0xac: {  	s26 =	simm.s32 $execute1_lowered;
	_ =	task [dreg:s20], $0x5FFFF  }
0xad: {  	s6 =	sshll.u32 s26, $0x1;
	[dreg:$0x1] =	wrdreg $0xFFFFFFFF  }
0xae: {  	s3 =	sadd.s32 s3, s6;
	[dreg:$0x0] =	wrdreg $0x60  }
0xaf: {  	[dreg:$0x2] =	wrdreg s3  }
0xb0: {  	[dreg:$0x3] =	wrdreg s22  }
0xb1: {  	[dreg:$0x4] =	wrdreg $0x9  }
0xb2: {  	_ =	task.clear_ibuf [dreg:s20], $0x5FFFF;
	_ =	strace $0x90000052  }
0xb3: {  	s28 =	simm.s32 $0x9;
	_ =	strace $0x80000054  }
0xb4: {  	_ =	swait.ge [sflag:s28], $0x1  }
0xb5: {  	[sflag:s28] =	ssyncadd.s32 $0xFFFFFFFF  }
0xb6: {  	_ =	strace $0x90000054  }
0xb7: {  	s3 =	sld [smem:$0x0]  }
0xb8: {  	s6 =	sand.u32 $0xFFFFFFFE, s1  }
0xb9: {  	p0 =	sne.s32 s1, s6  }
0xba: {  	s6 =	sshll.u32 @p0 s6, $0xE  }
0xbb: {  	s6 =	sadd.s32 @p0 $0x11BF3, s6;
	s7 =	sshll.u32 @p0 s3, $0x11  }
0xbc: {  	s6 =	sor.u32 @p0 s7, s6  }
0xbd: {  	[sflag:s6] =	ssyncadd.remote.s32 @p0 $0x1;
	_ =	sdelay $0x1  }
0xbe: {  	s6 =	simm.s32 @p0 $0x1BF3  }
0xbf: {  	_ =	swait.eq @p0 [sflag:s6], $0x1  }
0xc0: {  	[sflag:s6] =	ssyncadd.s32 @p0 $0xFFFFFFFF  }
0xc1: {  	s7 =	sshll.u32 @!p0 s1, $0xE  }
0xc2: {  	s7 =	sor.u32 @!p0 $0x4000, s7;
	s6 =	simm.s32 @!p0 $0x1BF3  }
0xc3: {  	s3 =	sshll.u32 @!p0 s3, $0x11;
	s7 =	sadd.s32 @!p0 $0x11BF3, s7;
	_ =	swait.eq @!p0 [sflag:s6], $0x1  }
0xc4: {  	s3 =	sor.u32 @!p0 s3, s7;
	[sflag:s6] =	ssyncadd.s32 @!p0 $0xFFFFFFFF  }
0xc5: {  	[sflag:s3] =	ssyncadd.remote.s32 @!p0 $0x1  }
0xc6: {  	_ =	strace $0x80000055;
	[dreg:$0x1] =	wrdreg $0xFFFFFFFF  }
0xc7: {  	[dreg:$0x0] =	wrdreg $0x2030  }
0xc8: {  	[dreg:$0x2] =	wrdreg s22  }
0xc9: {  	[dreg:$0x3] =	wrdreg s1  }
0xca: {  	[dreg:$0x4] =	wrdreg s23  }
0xcb: {  	[dreg:$0x5] =	wrdreg $0xA  }
0xcc: {  	_ =	task.clear_ibuf [dreg:s20], $0x6FFFF;
	_ =	strace $0x90000055  }
0xcd: {  	s29 =	simm.s32 $0xA;
	_ =	strace $0x80000057  }
0xce: {  	_ =	swait.ge [sflag:s29], $0x1  }
0xcf: {  	[sflag:s29] =	ssyncadd.s32 $0xFFFFFFFF  }
0xd0: {  	_ =	strace $0x90000057  }
0xd1: {  	_ =	sfence  }
0xd2: {  	s30 =	sld [smem:$0x0];
	_ =	sdelay $0x2  }
0xd3: {  	s31 =	sshll.u32 s1, $0xD;
	s1 =	sshrl.u32 s1, $0x2  }
0xd4: {  	s4 =	sand.u32 $0x4000, s31;
	s1 =	sadd.s32 s1, s30  }
0xd5: {  	s0 =	sor.u32 s4, s0;
	s1 =	sshll.u32 s1, $0x11  }
0xd6: {  	s0 =	sor.u32 s1, s0  }
0xd7: {  	s0 =	sadd.s32 $0x8F2B, s0  }
0xd8: {  	[sflag:s0] =	ssyncadd.remote.s32 $0x1  }
0xd9: {  	_ =	sfence.sel $0xFFFF  }
0xda: {  	[dreg:$0x0] =	wrdreg $0xFFFFFFFF;
	(pc) =	sbr.abs _section_cstart, $3  }
0xdb: {  	[dreg:$0x1] =	wrdreg $0xFFFFFFFF  }
0xdc: {  	_ =	task.clear_ibuf [dreg:s20], $0x2FFFF;
	_ =	strace $0x9FFFFFFF  }
0xdd: {  	(tm) =	ssettm $0x7FFFFFFF  }
tec
execute0_lowered:
.L_overlay_start_1:
0x0: {  	(tag) =	ssettag $0x1  }
0x1: {  	s2 =	rddreg [dreg:$0x0]  }
0x2: {  	s4 =	rddreg [dreg:$0x1]  }
0x3: {  	s3 =	stileid.u32;
	[bflag:$0x3] =	sbarrier.arrive $0xFFFF;
	s1 =	simm.s32 $_size_execute1_lowered  }
0x4: {  	s26 =	srdreg.scid;
	s30 =	simm.s32 $0x1;
	s7 =	simm.s32 $0x2  }
0x5: {  	s12 =	simm.s32 $0x0;
	p0 =	sne.s32 s3, $0x0;
	s0 =	sshll.u32 s1, $0x1  }
0x6: {  	s5 =	simm.s32 @!p0 $0x1C3F;
	s6 =	simm.s32 @!p0 $0x4060;
	[dreg:$0x3] =	wrdreg s0  }
0x7: {  	[timem:s6], [sflag:s5] =	dma.local @!p0 [hbm:s2], s0  }
0x8: {  	s10 =	simm.s32 $0x0;
	s11 =	simm.s32 $0x0;
	s2 =	sshll.u32 s26, $0x6  }
.Ltmp0:
0x9: {  	s3 =	sshll.u32 s3, $0x7;
	s28 =	sand.u32 $0x40, s2;
	(pc) =	sbr.rel .LBB2_1-.Ltmp0, $4  }
0xa: {  	s25 =	sadd.s32 $0x62C00, s4;
	_ =	strace $0x80000053;
	s3 =	sor.u32 s3, s28  }
0xb: {  	s29 =	sadd.s32 $0xFF000, s4;
	[sflag:s30] =	ssyncpa.u1 $0x0;
	s31 =	ssub.s32 $0x2700, s3  }
0xc: {  	[dreg:$0x4] =	wrdreg s29;
	[sflag:s7] =	ssyncpa.u1 $0x0;
	s6 =	sshrl.u32 s31, $0xB  }
0xd: {  	s9 =	smov.u32 s3;
	[dreg:$0x5] =	wrdreg s3;
	s7 =	sadd.s32 $0x2, s6  }
.LBB2_4:
0xe: {  	_ = 	snop  }
.LBB2_9:
0xf: {  	_ =	sdelay $0x3  }
0x10: {  	[tilespmem:v0+s23+$0x0 ss:$0x1] =	vst.idx.msk @p1 $0xffff, v2  }
0x11: {  	s0 =	sor.u32 s29, s28;
	v2 =	vld.idx.msk @p1 [tilespmem:v1+s15+$0x0 ss:$0x1], $0xffff;
	[tilespmem:v0+s22+$0x0 ss:$0x1] =	vst.idx.msk @p1 $0xffff, v3  }
0x12: {  	s1 =	sand.u32 $0x80, s18;
	v3 =	vld.idx.msk @p1 [tilespmem:v1+s16+$0x0 ss:$0x1], $0xffff;
	[tilespmem:v0+s19+$0x0 ss:$0x1] =	vst.idx.msk @p1 $0xffff, v6;
	s2 =	sand.u32 $0x3B00, s0  }
0x13: {  	v6 =	vld.idx.msk @p1 [tilespmem:v1+s17+$0x0 ss:$0x1], $0xffff;
	[tilespmem:v0+s24+$0x0 ss:$0x1] =	vst.idx.msk @p1 $0xffff, v4;
	s0 =	sand.u32 $0x3B80, s0;
	s1 =	sor.u32 s1, s2  }
0x14: {  	[tilespmem:v0+s21+$0x0 ss:$0x1] =	vst.idx.msk @p1 $0xffff, v5;
	s24 =	sor.u32 $0x410, s0;
	v48 =	vld.idx.msk [tilespmem:v1+s1+$0x0 ss:$0x1], $0xffff  }
0x15: {  	s26 =	sor.u32 $0x420, s0;
	[tilespmem:v0+s20+$0x0 ss:$0x1] =	vst.idx.msk @p1 $0xffff, v7;
	v57 =	vld.idx.msk [tilespmem:v1+s24+$0x0 ss:$0x1], $0xffff  }
0x16: {  	s28 =	sor.u32 $0x430, s0;
	v58 =	vld.idx.msk [tilespmem:v1+s26+$0x0 ss:$0x1], $0xffff;
	[tilespmem:v0+s15+$0x0 ss:$0x1] =	vst.idx.msk @p1 $0xffff, v2  }
0x17: {  	s29 =	sor.u32 $0x440, s0;
	v59 =	vld.idx.msk [tilespmem:v1+s28+$0x0 ss:$0x1], $0xffff;
	[tilespmem:v0+s16+$0x0 ss:$0x1] =	vst.idx.msk @p1 $0xffff, v3  }
0x18: {  	s30 =	sor.u32 $0x450, s0;
	v60 =	vld.idx.msk [tilespmem:v1+s29+$0x0 ss:$0x1], $0xffff;
	[tilespmem:v0+s17+$0x0 ss:$0x1] =	vst.idx.msk @p1 $0xffff, v6  }
0x19: {  	s31 =	sor.u32 $0x460, s0;
	v61 =	vld.idx.msk [tilespmem:v1+s30+$0x0 ss:$0x1], $0xffff;
	[tilespmem:v0+s1+$0x0 ss:$0x1] =	vst.idx.msk $0xffff, v48  }
0x1a: {  	s0 =	sor.u32 $0x470, s0;
	v62 =	vld.idx.msk [tilespmem:v1+s31+$0x0 ss:$0x1], $0xffff;
	[tilespmem:v0+s24+$0x0 ss:$0x1] =	vst.idx.msk $0xffff, v57  }
0x1b: {  	s2 =	sor.u32 $0x400, s1;
	v63 =	vld.idx.msk [tilespmem:v1+s0+$0x0 ss:$0x1], $0xffff;
	[tilespmem:v0+s26+$0x0 ss:$0x1] =	vst.idx.msk $0xffff, v58  }
0x1c: {  	s4 =	sor.u32 $0x10, s1;
	v49 =	vld.idx.msk [tilespmem:v1+s2+$0x0 ss:$0x1], $0xffff;
	[tilespmem:v0+s28+$0x0 ss:$0x1] =	vst.idx.msk $0xffff, v59  }
0x1d: {  	s5 =	sor.u32 $0x20, s1;
	v50 =	vld.idx.msk [tilespmem:v1+s4+$0x0 ss:$0x1], $0xffff;
	[tilespmem:v0+s29+$0x0 ss:$0x1] =	vst.idx.msk $0xffff, v60  }
0x1e: {  	s8 =	sor.u32 $0x30, s1;
	v51 =	vld.idx.msk [tilespmem:v1+s5+$0x0 ss:$0x1], $0xffff;
	[tilespmem:v0+s30+$0x0 ss:$0x1] =	vst.idx.msk $0xffff, v61  }
0x1f: {  	s21 =	sor.u32 $0x40, s1;
	v52 =	vld.idx.msk [tilespmem:v1+s8+$0x0 ss:$0x1], $0xffff;
	[tilespmem:v0+s31+$0x0 ss:$0x1] =	vst.idx.msk $0xffff, v62  }
0x20: {  	s22 =	sor.u32 $0x50, s1;
	v53 =	vld.idx.msk [tilespmem:v1+s21+$0x0 ss:$0x1], $0xffff;
	[tilespmem:v0+s0+$0x0 ss:$0x1] =	vst.idx.msk $0xffff, v63  }
0x21: {  	s23 =	sor.u32 $0x60, s1;
	v54 =	vld.idx.msk [tilespmem:v1+s22+$0x0 ss:$0x1], $0xffff;
	[tilespmem:v0+s2+$0x0 ss:$0x1] =	vst.idx.msk $0xffff, v49  }
0x22: {  	v55 =	vld.idx.msk [tilespmem:v1+s23+$0x0 ss:$0x1], $0xffff;
	s1 =	sor.u32 $0x70, s1;
	[tilespmem:v0+s4+$0x0 ss:$0x1] =	vst.idx.msk $0xffff, v50  }
0x23: {  	v56 =	vld.idx.msk [tilespmem:v1+s1+$0x0 ss:$0x1], $0xffff;
	[tilespmem:v0+s5+$0x0 ss:$0x1] =	vst.idx.msk $0xffff, v51  }
0x24: {  	[tilespmem:v0+s8+$0x0 ss:$0x1] =	vst.idx.msk $0xffff, v52  }
0x25: {  	[tilespmem:v0+s21+$0x0 ss:$0x1] =	vst.idx.msk $0xffff, v53  }
0x26: {  	[tilespmem:v0+s22+$0x0 ss:$0x1] =	vst.idx.msk $0xffff, v54  }
0x27: {  	[tilespmem:v0+s23+$0x0 ss:$0x1] =	vst.idx.msk $0xffff, v55  }
0x28: {  	[tilespmem:v0+s1+$0x0 ss:$0x1] =	vst.idx.msk $0xffff, v56  }
.LBB2_10:
0x29: {  	s0 =	sshll.u32 s10, $0x8;
	s1 =	sshll.u32 s10, $0x7  }
0x2a: {  	s0 =	sand.u32 $0xFFFFF800, s0;
	s1 =	sand.u32 $0x300, s1  }
0x2b: {  	s0 =	sor.u32 s1, s0  }
0x2c: {  	s0 =	sshrl.u32 s0, $0x8  }
0x2d: {  	s28 =	smulhi.u32 $0x1A36E3, s0;
	_ =	sdelay $0x1  }
0x2e: {  	s1 =	sshrl.u32 s28, $0x2  }
0x2f: {  	s1 =	smul.u32 $0x2710, s1  }
0x30: {  	s2 =	sshll.u32 s10, $0x4  }
0x31: {  	s30 =	rddreg [dreg:$0x4];
	s29 =	sand.u32 $0x10, s2;
	s0 =	ssub.s32 s0, s1  }
0x32: {  	s1 =	sadd.s32 s30, s29;
	s0 =	sshll.u32 s0, $0x5  }
0x33: {  	s31 =	simm.s32 $0x0;
	s0 =	sadd.s32 s0, s1  }
0x34: {  	[hbm4b:s0+s31] =	stream.linear.scatter [tilespmem:s14], [sflag:$0x2], s13, $0x38;
	[tilespmem:$0x10000] =	vst v63  }
.LBB2_11:
0x35: {  	p1 =	slt.u32 s11, $0x2  }
0x36: {  	p2 =	sgt.s32 @!p1 s12, $0x26D0  }
0x37: {  	s0 =	smov.u32 s12;
	s1 =	sshra.s32 @!p1 s12, $0x1F;
	p2 =	por !p2, p1  }
0x38: {  	s1 =	sand.u32 @!p1 s1, s12;
	s0 =	simm.s32 @p2 $0x26D0  }
0x39: {  	s0 =	ssub.s32 @!p1 s0, s1  }
0x3a: {  	s0 =	sadd.s32 @!p1 $0xFFFFD930, s0  }
0x3b: {  	s1 =	sshll.u32 @!p1 s0, $0xA  }
0x3c: {  	p2 =	sgt.s32 @!p1 s0, $0x3F;
	s0 =	ssub.s32 @!p1 $0x10000, s1  }
0x3d: {  	s2 =	sadd.s32 $0x800, s9;
	p2 =	por !p2, p1;
	s0 =	sshrl.u32 @!p1 s0, $0x2  }
0x3e: {  	s0 =	simm.s32 @!p2 $0x0;
	p2 =	sgt.s32 s2, $0x270F  }
0x3f: {  	s2 =	smov.u32 @p2 s3;
	p2 =	sne.s32 s11, s7  }
.Ltmp1:
0x40: {  	_ = 	snop;
	(pc) =	sbr.rel @!p2 .LBB2_12-.Ltmp1, $4  }
0x41: {  	s1 =	simm.s32 @!p1 $0x2  }
0x42: {  	s12 =	smov.u32 s10;
	_ =	swait.ge @!p1 [sflag:s1], s0  }
0x43: {  	s10 =	smov.u32 s9;
	s0 =	ssub.s32 @!p1 $0x0, s0;
	[sflag:s1] =	ssyncset.done @!p1 $0x0  }
0x44: {  	s11 =	sadd.s32 $0x1, s11;
	s9 =	smov.u32 s2;
	[sflag:s1] =	ssyncadd.s32 @!p1 s0  }
.LBB2_1:
0x45: {  	p1 =	sgt.u32 s11, s6  }
0x46: {  	s13 =	sshll.u32 @!p1 s9, $0x8;
	s14 =	sshll.u32 @!p1 s9, $0x7  }
0x47: {  	s13 =	sand.u32 @!p1 $0xFFFFF800, s13;
	s14 =	sand.u32 @!p1 $0x300, s14  }
0x48: {  	s13 =	sor.u32 @!p1 s14, s13  }
0x49: {  	s15 =	smov.u32 s9;
	p2 =	sgt.s32 @!p1 s9, $0x26D0;
	s13 =	sshrl.u32 @!p1 s13, $0x8  }
0x4a: {  	s16 =	sshra.s32 @!p1 s9, $0x1F;
	p2 =	por !p2, p1;
	s14 =	smulhi.u32 @!p1 $0x1A36E3, s13  }
0x4b: {  	s16 =	sand.u32 @!p1 s16, s9;
	s15 =	simm.s32 @p2 $0x26D0  }
0x4c: {  	s15 =	ssub.s32 @!p1 s15, s16;
	s16 =	sxor.u32 @!p1 $0xFFFFFFFF, s11;
	s14 =	sshrl.u32 @!p1 s14, $0x2  }
0x4d: {  	s15 =	sadd.s32 @!p1 $0xFFFFD930, s15;
	s16 =	sshll.u32 @!p1 s16, $0xE;
	s14 =	smul.u32 @!p1 $0x2710, s14  }
0x4e: {  	p2 =	sgt.s32 @!p1 s15, $0x3F;
	s16 =	sand.u32 @!p1 $0x4000, s16  }
0x4f: {  	s13 =	ssub.s32 @!p1 s13, s14;
	s14 =	sshll.u32 @!p1 s15, $0xA;
	s15 =	sshll.u32 @!p1 s9, $0x4  }
0x50: {  	p2 =	por !p2, p1;
	s14 =	ssub.s32 @!p1 $0x10000, s14;
	s15 =	sand.u32 @!p1 $0x10, s15  }
0x51: {  	s13 =	sshll.u32 @!p1 s13, $0x5;
	s14 =	sshrl.u32 @!p1 s14, $0x2;
	s15 =	sadd.s32 @!p1 s25, s15  }
0x52: {  	s14 =	simm.s32 @!p2 $0x0;
	s13 =	sadd.s32 @!p1 s13, s15;
	s15 =	simm.s32 @!p1 $0x0  }
0x53: {  	[tilespmem:s16], [sflag:$0x1] =	stream.linear.gather @!p1 [hbm4b:s13+s15], s14, $0x38;
	[tilespmem:$0x10000] =	vst v63  }
0x54: {  	p1 =	seq.s32 s11, $0x0  }
0x55: {  	p2 =	sge.u32 @!p1 s11, s7  }
0x56: {  	p1 =	por p1, p2  }
.Ltmp2:
0x57: {  	_ = 	snop;
	(pc) =	sbr.rel @p1 .LBB2_11-.Ltmp2, $1  }
0x58: {  	_ =	sdelay $0x3  }
0x59: {  	p1 =	sgt.s32 s10, $0x26D0;
	s13 =	smov.u32 s10;
	s14 =	sshra.s32 s10, $0x1F  }
0x5a: {  	s13 =	simm.s32 @!p1 $0x26D0;
	s14 =	sand.u32 s14, s10  }
0x5b: {  	s13 =	ssub.s32 s13, s14  }
0x5c: {  	s13 =	sadd.s32 $0xFFFFD930, s13  }
0x5d: {  	s31 =	sshll.u32 s13, $0xA  }
0x5e: {  	s14 =	ssub.s32 $0x10000, s31  }
0x5f: {  	p1 =	sgt.s32 s13, $0x3F;
	s13 =	sshrl.u32 s14, $0x2;
	s14 =	sadd.s32 $0x40, s10  }
0x60: {  	s13 =	simm.s32 @p1 $0x0;
	p1 =	slt.s32 s14, $0x2710  }
0x61: {  	s14 =	simm.s32 @!p1 $0x2710  }
0x62: {  	s15 =	ssub.s32 s14, s10  }
0x63: {  	p1 =	slt.s32 s15, $0x1  }
.Ltmp3:
0x64: {  	_ = 	snop;
	(pc) =	sbr.rel @p1 .LBB2_10-.Ltmp3, $4  }
0x65: {  	s0 =	simm.s32 $0x1  }
0x66: {  	s16 =	sshll.u32 s11, $0xE;
	_ =	swait.ge [sflag:s0], s13  }
0x67: {  	s16 =	sand.u32 $0x4000, s16;
	s17 =	ssub.s32 $0x0, s13;
	[sflag:s0] =	ssyncset.done $0x0  }
0x68: {  	s14 =	sor.u32 $0x8000, s16;
	[sflag:s0] =	ssyncadd.s32 s17  }
0x69: {  	p2 =	sne.s32 s15, $0x1  }
.Ltmp4:
0x6a: {  	v1 =	vmov s16;
	v0 =	vmov s14;
	(pc) =	sbr.rel @!p2 .LBB2_4-.Ltmp4, $3  }
0x6b: {  	_ =	sdelay $0x1  }
0x6c: {  	s18 =	simm.s32 $0x0;
	s26 =	sadd.s32 $0xFFFFFFFF, s15  }
0x6d: {  	p1 =	por $0x0, $0x0;
	s28 =	sand.u32 $0xFFFFF800, s18;
	s29 =	sand.u32 $0x380, s18  }
0x6e: {  	_ = 	snop  }
0x6f: {  	s15 =	sor.u32 s29, s28  }
0x70: {  	s16 =	sand.u32 $0x80, s18;
	s17 =	sand.u32 $0x3B00, s15  }
0x71: {  	s31 =	sand.u32 $0x3B80, s15;
	s16 =	sor.u32 s16, s17  }
0x72: {  	s19 =	sor.u32 $0x410, s31;
	v2 =	vld.idx.msk [tilespmem:v1+s16+$0x0 ss:$0x1], $0xffff  }
0x73: {  	s17 =	sor.u32 $0x400, s16;
	v6 =	vld.idx.msk [tilespmem:v1+s19+$0x0 ss:$0x1], $0xffff  }
0x74: {  	s5 =	sor.u32 $0x10, s16;
	v3 =	vld.idx.msk [tilespmem:v1+s17+$0x0 ss:$0x1], $0xffff  }
0x75: {  	s8 =	sor.u32 $0x20, s16;
	v4 =	vld.idx.msk [tilespmem:v1+s5+$0x0 ss:$0x1], $0xffff  }
0x76: {  	s28 =	sor.u32 $0x30, s16;
	v5 =	vld.idx.msk [tilespmem:v1+s8+$0x0 ss:$0x1], $0xffff  }
0x77: {  	s29 =	sor.u32 $0x40, s16;
	v7 =	vld.idx.msk [tilespmem:v1+s28+$0x0 ss:$0x1], $0xffff  }
0x78: {  	s30 =	sor.u32 $0x50, s16;
	v8 =	vld.idx.msk [tilespmem:v1+s29+$0x0 ss:$0x1], $0xffff;
	[tilespmem:v0+s16+$0x0 ss:$0x1] =	vst.idx.msk $0xffff, v2  }
0x79: {  	s3 =	smov.u32 s6;
	p2 =	sne.s32 s26, $0x1;
	s23 =	sor.u32 $0x60, s16;
	v9 =	vld.idx.msk [tilespmem:v1+s30+$0x0 ss:$0x1], $0xffff;
	[tilespmem:v0+s17+$0x0 ss:$0x1] =	vst.idx.msk $0xffff, v3  }
.Ltmp5:
0x7a: {  	s6 =	smov.u32 s25;
	s22 =	sor.u32 $0x70, s16;
	v2 =	vld.idx.msk [tilespmem:v1+s23+$0x0 ss:$0x1], $0xffff;
	[tilespmem:v0+s5+$0x0 ss:$0x1] =	vst.idx.msk $0xffff, v4;
	(pc) =	sbr.rel @!p2 .LBB2_6-.Ltmp5, $4  }
0x7b: {  	s25 =	simm.s32 $0x100;
	s18 =	simm.s32 $0x80;
	s24 =	sor.u32 $0x420, s31;
	v3 =	vld.idx.msk [tilespmem:v1+s22+$0x0 ss:$0x1], $0xffff;
	[tilespmem:v0+s8+$0x0 ss:$0x1] =	vst.idx.msk $0xffff, v5  }
0x7c: {  	s26 =	sadd.s32 $0xFFFFFFFF, s26;
	p1 =	por $0x1, $0x1;
	s21 =	sor.u32 $0x430, s31;
	[tilespmem:v0+s28+$0x0 ss:$0x1] =	vst.idx.msk $0xffff, v7;
	v4 =	vld.idx.msk [tilespmem:v1+s24+$0x0 ss:$0x1], $0xffff  }
0x7d: {  	s20 =	sor.u32 $0x440, s31;
	s15 =	sor.u32 $0x450, s31;
	s16 =	sor.u32 $0x460, s31;
	[tilespmem:v0+s29+$0x0 ss:$0x1] =	vst.idx.msk $0xffff, v8;
	v5 =	vld.idx.msk [tilespmem:v1+s21+$0x0 ss:$0x1], $0xffff  }
0x7e: {  	s17 =	sor.u32 $0x470, s31;
	s28 =	sand.u32 $0xFFFFF800, s25;
	s29 =	sand.u32 $0x380, s18;
	[tilespmem:v0+s30+$0x0 ss:$0x1] =	vst.idx.msk $0xffff, v9;
	v7 =	vld.idx.msk [tilespmem:v1+s20+$0x0 ss:$0x1], $0xffff  }
.LBB2_7:
0x7f: {  	p2 =	sne.s32 s26, $0x1;
	s28 =	sor.u32 s29, s28;
	[tilespmem:v0+s23+$0x0 ss:$0x1] =	vst.idx.msk $0xffff, v2;
	v2 =	vld.idx.msk [tilespmem:v1+s15+$0x0 ss:$0x1], $0xffff  }
0x80: {  	s23 =	sand.u32 $0x80, s18;
	s29 =	sand.u32 $0x3B00, s28;
	s28 =	sand.u32 $0x3B80, s28;
	[tilespmem:v0+s22+$0x0 ss:$0x1] =	vst.idx.msk $0xffff, v3;
	v3 =	vld.idx.msk [tilespmem:v1+s16+$0x0 ss:$0x1], $0xffff  }
0x81: {  	s29 =	sor.u32 s23, s29;
	s30 =	sor.u32 $0x420, s28;
	[tilespmem:v0+s19+$0x0 ss:$0x1] =	vst.idx.msk $0xffff, v6;
	s19 =	sor.u32 $0x410, s28;
	v6 =	vld.idx.msk [tilespmem:v1+s17+$0x0 ss:$0x1], $0xffff  }
0x82: {  	v8 =	vld.idx.msk [tilespmem:v1+s29+$0x0 ss:$0x1], $0xffff;
	s31 =	sor.u32 $0x10, s29;
	s0 =	sor.u32 $0x20, s29;
	s1 =	sor.u32 $0x400, s29;
	[tilespmem:v0+s24+$0x0 ss:$0x1] =	vst.idx.msk $0xffff, v4  }
0x83: {  	s8 =	sor.u32 $0x30, s29;
	s4 =	sor.u32 $0x40, s29;
	s2 =	sor.u32 $0x50, s29;
	v4 =	vld.idx.msk [tilespmem:v1+s1+$0x0 ss:$0x1], $0xffff;
	[tilespmem:v0+s21+$0x0 ss:$0x1] =	vst.idx.msk $0xffff, v5  }
0x84: {  	s23 =	sor.u32 $0x60, s29;
	s22 =	sor.u32 $0x70, s29;
	s21 =	sor.u32 $0x430, s28;
	v5 =	vld.idx.msk [tilespmem:v1+s31+$0x0 ss:$0x1], $0xffff;
	[tilespmem:v0+s20+$0x0 ss:$0x1] =	vst.idx.msk $0xffff, v7  }
0x85: {  	s5 =	sor.u32 $0x460, s28;
	s20 =	sor.u32 $0x440, s28;
	v7 =	vld.idx.msk [tilespmem:v1+s0+$0x0 ss:$0x1], $0xffff;
	[tilespmem:v0+s15+$0x0 ss:$0x1] =	vst.idx.msk $0xffff, v2;
	s15 =	sor.u32 $0x450, s28  }
0x86: {  	s24 =	smov.u32 s30;
	s28 =	sor.u32 $0x470, s28;
	v9 =	vld.idx.msk [tilespmem:v1+s8+$0x0 ss:$0x1], $0xffff;
	[tilespmem:v0+s16+$0x0 ss:$0x1] =	vst.idx.msk $0xffff, v3;
	s16 =	smov.u32 s5  }
0x87: {  	v10 =	vld.idx.msk [tilespmem:v1+s4+$0x0 ss:$0x1], $0xffff;
	[tilespmem:v0+s17+$0x0 ss:$0x1] =	vst.idx.msk $0xffff, v6;
	s17 =	smov.u32 s28  }
0x88: {  	[tilespmem:v0+s29+$0x0 ss:$0x1] =	vst.idx.msk $0xffff, v8;
	v8 =	vld.idx.msk [tilespmem:v1+s2+$0x0 ss:$0x1], $0xffff  }
0x89: {  	v2 =	vld.idx.msk [tilespmem:v1+s23+$0x0 ss:$0x1], $0xffff;
	[tilespmem:v0+s1+$0x0 ss:$0x1] =	vst.idx.msk $0xffff, v4  }
.Ltmp6:
0x8a: {  	[tilespmem:v0+s31+$0x0 ss:$0x1] =	vst.idx.msk $0xffff, v5;
	v3 =	vld.idx.msk [tilespmem:v1+s22+$0x0 ss:$0x1], $0xffff;
	(pc) =	sbr.rel @p2 .LBB2_7-.Ltmp6, $4  }
0x8b: {  	[tilespmem:v0+s0+$0x0 ss:$0x1] =	vst.idx.msk $0xffff, v7;
	v6 =	vld.idx.msk [tilespmem:v1+s19+$0x0 ss:$0x1], $0xffff  }
0x8c: {  	[tilespmem:v0+s8+$0x0 ss:$0x1] =	vst.idx.msk $0xffff, v9;
	v4 =	vld.idx.msk [tilespmem:v1+s24+$0x0 ss:$0x1], $0xffff  }
0x8d: {  	s18 =	sadd.s32 $0x80, s18;
	s25 =	sadd.s32 $0x100, s25;
	[tilespmem:v0+s4+$0x0 ss:$0x1] =	vst.idx.msk $0xffff, v10;
	v5 =	vld.idx.msk [tilespmem:v1+s21+$0x0 ss:$0x1], $0xffff  }
0x8e: {  	s26 =	sadd.s32 $0xFFFFFFFF, s26;
	s28 =	sand.u32 $0xFFFFF800, s25;
	s29 =	sand.u32 $0x380, s18;
	[tilespmem:v0+s2+$0x0 ss:$0x1] =	vst.idx.msk $0xffff, v8;
	v7 =	vld.idx.msk [tilespmem:v1+s20+$0x0 ss:$0x1], $0xffff  }
.Ltmp7:
0x8f: {  	(pc) =	sbr.rel .LBB2_9-.Ltmp7, $2  }
0x90: {  	_ =	sdelay $0x2  }
0x91: {  	s25 =	smov.u32 s6;
	s6 =	smov.u32 s3;
	s3 =	rddreg [dreg:$0x5]  }
.LBB2_6:
.Ltmp8:
0x92: {  	(pc) =	sbr.rel .LBB2_9-.Ltmp8, $2  }
0x93: {  	_ =	sdelay $0x2  }
0x94: {  	s25 =	smov.u32 s6;
	s6 =	smov.u32 s3;
	s3 =	rddreg [dreg:$0x5]  }
.LBB2_12:
0x95: {  	_ =	sfence.sel $0x180000  }
0x96: {  	s0 =	simm.s32 $0x1;
	[bflag:$0x0] =	sbarrier.arrive $0xFFFF  }
0x97: {  	s31 =	simm.s32 $0x2;
	[sflag:s0] =	ssyncpa.u1 $0x1  }
0x98: {  	[sflag:s31] =	ssyncpa.u1 $0x1  }
0x99: {  	_ =	strace $0x90000053  }
0x9a: {  	[bflag:$0x2] =	sbarrier.arrive $0xFFFF  }
0x9b: {  	s0 =	rddreg [dreg:$0x2]  }
0x9c: {  	s0 =	sadd.s32 @!p0 $0x100000, s0  }
0x9d: {  	s1 =	rddreg [dreg:$0x3];
	[sflag:s0] =	ssyncadd.tile.s32 @!p0 $0x1;
	s0 =	simm.s32 @!p0 $0x3F  }
0x9e: {  	_ =	swait.ge @!p0 [sflag:s0], s1  }
0x9f: {  	s1 =	ssub.s32 @!p0 $0x0, s1;
	[sflag:s0] =	ssyncset.done @!p0 $0x0  }
0xa0: {  	[sflag:s0] =	ssyncadd.s32 @!p0 s1  }
0xa1: {  	[bflag:$0x3] =	sbarrier.arrive $0xFFFF  }
0xa2: {  	_ =	shalt  }
.Lfunc_end2:
execute1_lowered:
.L_overlay_start_2:
0xa3: {  	(tag) =	ssettag $0x2  }
0xa4: {  	s2 =	rddreg [dreg:$0x0]  }
0xa5: {  	s3 =	rddreg [dreg:$0x1];
	_ =	strace $0x80000056;
	s0 =	simm.s32 $0x1  }
0xa6: {  	s5 =	simm.s32 $0x208;
	v0 =	vimm.s32 $0x0;
	[sflag:s0] =	ssyncpa.u1 $0x0  }
0xa7: {  	[tilespmem:s5+$0x70] =	vst v0  }
0xa8: {  	[tilespmem:s5+$0x60] =	vst v0  }
0xa9: {  	[tilespmem:s5+$0x50] =	vst v0  }
0xaa: {  	[tilespmem:s5+$0x40] =	vst v0  }
0xab: {  	[tilespmem:s5+$0x30] =	vst v0  }
0xac: {  	s1 =	sadd.s32 $0xFF000, s2;
	s0 =	sadd.s32 $0xAA00, s2;
	s6 =	sadd.s32 $0x2DE400, s2;
	[tilespmem:s5+$0x20] =	vst v0  }
0xad: {  	s4 =	sadd.s32 $0xFA00, s2;
	s10 =	sand.u32 $0x1, s3;
	s2 =	simm.s32 $0x40;
	[tilespmem:s5+$0x10] =	vst v0  }
.LBB3_1:
0xae: {  	s2 =	sadd.s32 $0x40, s2;
	[tilespmem:s5+$0x0] =	vst v0;
	s5 =	sadd.s32 $0x80, s5  }
0xaf: {  	p0 =	slt.u32 s2, $0x3880;
	[tilespmem:s5+$0x70] =	vst v0  }
0xb0: {  	[tilespmem:s5+$0x60] =	vst v0  }
.Ltmp9:
0xb1: {  	[tilespmem:s5+$0x50] =	vst v0;
	(pc) =	sbr.rel @p0 .LBB3_1-.Ltmp9, $4  }
0xb2: {  	[tilespmem:s5+$0x40] =	vst v0  }
0xb3: {  	[tilespmem:s5+$0x30] =	vst v0  }
0xb4: {  	[tilespmem:s5+$0x20] =	vst v0  }
0xb5: {  	[tilespmem:s5+$0x10] =	vst v0  }
0xb6: {  	s11 =	stileid.u32  }
0xb7: {  	s2 =	smul.u32 $0x2C, s11  }
0xb8: {  	s3 =	smin.u32 s11, $0xB  }
0xb9: {  	s2 =	sadd.s32 s3, s2  }
0xba: {  	p0 =	slt.u32 s11, $0xB;
	s20 =	smul.u32 $0x70, s2;
	s2 =	simm.s32 $0x13B0  }
0xbb: {  	s2 =	simm.s32 @!p0 $0x1340  }
0xbc: {  	s2 =	sadd.s32 s2, s20  }
0xbd: {  	s8 =	smin.u32 s2, $0x13880  }
0xbe: {  	s26 =	simm.s32 $0x2;
	s2 =	ssub.s32 s8, s20  }
0xbf: {  	s9 =	simm.s32 $0x9;
	s29 =	simm.s32 $0xA;
	p0 =	sgt.s32 s2, $0x0  }
0xc0: {  	s30 =	simm.s32 $0xB;
	s31 =	smul.u32 $0x2710, s10;
	s2 =	simm.s32 @!p0 $0x0  }
0xc1: {  	[dreg:$0x4] =	wrdreg s10;
	s12 =	simm.s32 $0x1;
	s25 =	smulhi.u32 $0x92492493, s2  }
0xc2: {  	s24 =	simm.s32 $0x0;
	p1 =	por $0x0, $0x0;
	s18 =	simm.s32 $0x80  }
0xc3: {  	s19 =	simm.s32 $0x400;
	s17 =	simm.s32 $0xC;
	s3 =	sshrl.u32 s25, $0x6  }
0xc4: {  	s21 =	simm.s32 $0x0;
	s23 =	simm.s32 $0x0;
	s28 =	smul.u32 $0x70, s3  }
.Ltmp10:
0xc5: {  	[tilespmem:s5+$0x0] =	vst v0;
	v0 =	vimm.s32 $0xFFFFFFFF;
	[sflag:s26] =	ssyncpa.u1 $0x0;
	s16 =	sshll.u32 s11, $0x9;
	(pc) =	sbr.rel .LBB3_3-.Ltmp10, $4  }
0xc6: {  	[tilespmem:$0xE408] =	vst v0;
	[sflag:s9] =	ssyncpa.u1 $0x0;
	p0 =	sne.s32 s2, s28;
	s2 =	simm.s32 $0x1  }
0xc7: {  	s14 =	sadd.s32 s31, s4;
	[sflag:s29] =	ssyncpa.u1 $0x0;
	s2 =	simm.s32 @!p0 $0x0  }
0xc8: {  	s15 =	sadd.s32 s31, s0;
	[sflag:s30] =	ssyncpa.u1 $0x0;
	s13 =	sadd.s32 s2, s3  }
0xc9: {  	v0 =	vlaneseq.u32;
	s22 =	smov.u32 s20;
	p0 =	por $0x1, $0x1;
	s11 =	sadd.s32 $0x1, s13  }
.LBB3_24:
0xca: {  	s2 =	sshrl.u32 s4, $0x2  }
.LBB3_26:
0xcb: {  	_ =	swait.ge [sflag:s17], s2  }
0xcc: {  	s31 =	ssub.s32 $0x0, s2;
	v1 =	vmov s26;
	vm0 =	veq.s32 v0, $0x0;
	[sflag:s17] =	ssyncset.done $0x0  }
0xcd: {  	vm15 =	veq.s32 v0, $0x2;
	v1 =	vsel vm0, s0, v1;
	[sflag:s17] =	ssyncadd.s32 s31  }
0xce: {  	v1 =	vsel vm15, s24, v1;
	[sflag:s17] =	ssyncpa.u1 $0x1  }
0xcf: {  	[tilespmem:$0xE408] =	vst v1  }
.LBB3_27:
0xd0: {  	s0 =	sadd.s32 $0x70, s22  }
0xd1: {  	s2 =	smov.u32 s20;
	p2 =	slt.s32 s0, s8  }
0xd2: {  	s2 =	smov.u32 @p2 s0;
	p2 =	sne.s32 s23, s11  }
.Ltmp11:
0xd3: {  	_ = 	snop;
	(pc) =	sbr.rel @!p2 .LBB3_28-.Ltmp11, $4  }
0xd4: {  	_ = 	snop  }
0xd5: {  	s24 =	smov.u32 s21  }
0xd6: {  	s31 =	sadd.s32 $0x1, s23;
	s21 =	smov.u32 s22;
	p0 =	por !p0, !p0  }
0xd7: {  	p1 =	por !p1, !p1;
	s23 =	smov.u32 s31;
	s22 =	smov.u32 s2  }
.LBB3_3:
0xd8: {  	p2 =	sge.u32 s23, s13  }
0xd9: {  	s0 =	smulhi.u32 @!p2 $0xAAAAAAAB, s23  }
0xda: {  	s2 =	smov.u32 s22;
	p3 =	sgt.s32 @!p2 s22, $0x13810  }
0xdb: {  	s3 =	sshra.s32 @!p2 s22, $0x1F;
	p3 =	por !p3, p2;
	s0 =	sshrl.u32 @!p2 s0, $0x1  }
0xdc: {  	s3 =	sand.u32 @!p2 s3, s22;
	s2 =	simm.s32 @p3 $0x13810;
	s0 =	smul.u32 @!p2 $0x3, s0  }
0xdd: {  	s2 =	ssub.s32 @!p2 s2, s3  }
0xde: {  	s2 =	sadd.s32 @!p2 $0xFFFEC7F0, s2;
	s0 =	ssub.s32 @!p2 s23, s0  }
0xdf: {  	s3 =	sshll.u32 @!p2 s2, $0x2;
	p3 =	sgt.s32 @!p2 s2, $0x6F;
	s0 =	smul.u32 @!p2 $0x1C0, s0  }
0xe0: {  	s4 =	sand.u32 @!p2 $0x7, s22;
	s2 =	ssub.s32 @!p2 $0x1C0, s3;
	p3 =	por !p3, p2  }
0xe1: {  	s3 =	sshrl.u32 @!p2 s22, $0x3;
	s2 =	sshrl.u32 @!p2 s2, $0x2;
	s0 =	sshrl.u32 @!p2 s0, $0x2  }
0xe2: {  	s3 =	sadd.s32 @!p2 s3, s14;
	s2 =	simm.s32 @!p3 $0x0;
	s0 =	sadd.s32 @!p2 $0x10448, s0  }
0xe3: {  	[tilespmem:s0], [sflag:$0xA] =	stream.linear.gather @!p2 [hbm4b:s3+s4], s2, $0x38;
	[tilespmem:$0x1E678] =	vst v63  }
0xe4: {  	s2 =	sadd.s32 $0xFFFFFFFF, s23  }
0xe5: {  	p2 =	sge.u32 s2, s13  }
0xe6: {  	p3 =	sgt.s32 @!p2 s21, $0x13810  }
0xe7: {  	s0 =	smov.u32 s21;
	s3 =	sshra.s32 @!p2 s21, $0x1F;
	p3 =	por !p3, p2  }
0xe8: {  	s3 =	sand.u32 @!p2 s3, s21;
	s0 =	simm.s32 @p3 $0x13810  }
0xe9: {  	s0 =	ssub.s32 @!p2 s0, s3  }
0xea: {  	s0 =	sadd.s32 @!p2 $0xFFFEC7F0, s0  }
0xeb: {  	s3 =	sshll.u32 @!p2 s0, $0x2  }
0xec: {  	p3 =	sgt.s32 @!p2 s0, $0x6F;
	s0 =	ssub.s32 @!p2 $0x1C0, s3  }
0xed: {  	p3 =	por !p3, p2;
	s0 =	sshrl.u32 @!p2 s0, $0x2  }
0xee: {  	s4 =	simm.s32 @!p2 $0xA;
	s3 =	sand.u32 @!p2 $0x1, s2;
	s0 =	simm.s32 @!p3 $0x0  }
0xef: {  	s3 =	smul.u32 @!p2 $0x1C0, s3;
	_ =	swait.ge @!p2 [sflag:s4], s0  }
0xf0: {  	s5 =	ssub.s32 @!p2 $0x0, s0;
	[sflag:s4] =	ssyncset.done @!p2 $0x0  }
0xf1: {  	s3 =	sshrl.u32 @!p2 s3, $0x2;
	[sflag:s4] =	ssyncadd.s32 @!p2 s5;
	s4 =	sshrl.u32 @!p2 s21, $0x3  }
0xf2: {  	s3 =	sadd.s32 @!p2 $0x10598, s3;
	s5 =	sand.u32 @!p2 $0x7, s21;
	s4 =	sadd.s32 @!p2 s4, s15  }
0xf3: {  	[tilespmem:s3], [sflag:$0xB] =	stream.linear.gather @!p2 [hbm4b:s4+s5], s0, $0x38;
	[tilespmem:$0x1E678] =	vst v63  }
0xf4: {  	s0 =	ssub.s32 @!p2 $0x13880, s21  }
0xf5: {  	p3 =	slt.s32 @!p2 s0, $0x1  }
0xf6: {  	p3 =	por p2, p3  }
.Ltmp12:
0xf7: {  	_ = 	snop;
	(pc) =	sbr.rel @p3 .LBB3_9-.Ltmp12, $1  }
0xf8: {  	_ =	sdelay $0x3  }
0xf9: {  	s3 =	smulhi.u32 $0xAAAAAAAB, s2;
	_ =	sdelay $0x1  }
0xfa: {  	s3 =	sshrl.u32 s3, $0x1  }
0xfb: {  	s3 =	smul.u32 $0x3, s3;
	_ =	sdelay $0x1  }
0xfc: {  	s30 =	ssub.s32 s2, s3  }
0xfd: {  	s4 =	simm.s32 $0x1;
	s2 =	smul.u32 $0x1C0, s30  }
.Ltmp13:
0xfe: {  	s4 =	simm.s32 @!p0 $0x0;
	(pc) =	sbr.rel .LBB3_6-.Ltmp13, $4  }
0xff: {  	s31 =	smul.u32 $0x1C000, s4  }
0x100: {  	p3 =	slt.s32 @!p2 s0, $0x70;
	s2 =	sshrl.u32 s2, $0x2  }
0x101: {  	p2 =	por !p3, p2;
	s3 =	sshrl.u32 s31, $0x2;
	s5 =	sadd.s32 $0x10448, s2  }
0x102: {  	s0 =	simm.s32 @p2 $0x70;
	s4 =	sor.u32 $0x10678, s3;
	s2 =	simm.s32 $0x0;
	v1 =	vmov s5  }
.LBB3_5:
0x103: {  	p2 =	sge.s32 s2, s0  }
.Ltmp14:
0x104: {  	_ = 	snop;
	(pc) =	sbr.rel @p2 .LBB3_9-.Ltmp14, $2  }
0x105: {  	_ =	sdelay $0x2  }
0x106: {  	s4 =	sadd.s32 $0x1000, s4  }
.LBB3_6:
0x107: {  	p2 =	sle.s32 s0, s2  }
.Ltmp15:
0x108: {  	_ = 	snop;
	(pc) =	sbr.rel @p2 .LBB3_5-.Ltmp15, $2  }
0x109: {  	_ =	sdelay $0x2  }
0x10a: {  	s5 =	smov.u32 s2;
	s2 =	sadd.s32 $0x10, s2  }
0x10b: {  	s3 =	ssub.s32 s0, s5  }
0x10c: {  	p2 =	slt.s32 s3, $0x10  }
0x10d: {  	s3 =	simm.s32 @!p2 $0x10  }
0x10e: {  	v2 =	vmov s3  }
0x10f: {  	vm0 =	vgt.s32 v2, v0;
	_ =	sdelay $0x5  }
0x110: {  	v2 =	vld.idx.msk [tilespmem:v1+s5+$0x0 ss:$0x1], vm0;
	_ =	sdelay $0x2  }
0x111: {  	p2 =	slt.s32 s2, s0;
	s3 =	smov.u32 s0  }
0x112: {  	s9 =	smov.u32 s4;
	s25 =	simm.s32 $0x0;
	s3 =	smov.u32 @p2 s2  }
.LBB3_8:
0x113: {  	(v2sf) =	vpush v2, s25;
	_ =	sdelay $0xe  }
0x114: {  	s25 =	sadd.s32 $0x1, s25;
	s10 =	spop (v2sf)  }
0x115: {  	s31 =	sadd.s32 s25, s5;
	s26 =	sshll.u32 s10, $0x8;
	s10 =	sshll.u32 s10, $0x7  }
0x116: {  	p2 =	slt.s32 s31, s3;
	s26 =	sand.u32 $0xFFFFF800, s26;
	s10 =	sand.u32 $0x380, s10  }
.Ltmp16:
0x117: {  	s10 =	sor.u32 s10, s26;
	(pc) =	sbr.rel @p2 .LBB3_8-.Ltmp16, $4  }
0x118: {  	s10 =	sshrl.u32 s10, $0x3  }
0x119: {  	s10 =	sadd.s32 s6, s10  }
0x11a: {  	[tilespmem:s9], [sflag:$0x9] =	stream.strided.gather [hbm4b:s10+s18], $0x100, s19, s18, $0x38;
	[tilespmem:$0x1E678] =	vst v63  }
0x11b: {  	s9 =	sadd.s32 $0x100, s9  }
.Ltmp17:
0x11c: {  	_ = 	snop;
	(pc) =	sbr.rel .LBB3_5-.Ltmp17, $1  }
0x11d: {  	_ =	sdelay $0x3  }
.LBB3_9:
0x11e: {  	p2 =	slt.u32 s23, $0x2  }
.Ltmp18:
0x11f: {  	_ = 	snop;
	(pc) =	sbr.rel @p2 .LBB3_27-.Ltmp18, $1  }
0x120: {  	_ =	sdelay $0x3  }
0x121: {  	p2 =	sgt.s32 s24, $0x13810  }
0x122: {  	s0 =	smov.u32 s24;
	s2 =	sshra.s32 s24, $0x1F;
	s3 =	ssub.s32 $0x13880, s24  }
0x123: {  	s0 =	simm.s32 @!p2 $0x13810;
	s2 =	sand.u32 s2, s24;
	p2 =	slt.s32 s3, $0x70  }
0x124: {  	s0 =	ssub.s32 s0, s2;
	s3 =	simm.s32 @!p2 $0x70  }
0x125: {  	s0 =	sadd.s32 $0xFFFEC7F0, s0;
	s9 =	sshll.u32 s3, $0x8  }
0x126: {  	s26 =	simm.s32 $0x9;
	s10 =	sshll.u32 s0, $0x2;
	s2 =	sand.u32 $0x3FFFFF00, s9  }
0x127: {  	p2 =	sgt.s32 s0, $0x6F;
	s25 =	ssub.s32 $0x1C0, s10;
	_ =	swait.ge [sflag:s26], s2  }
0x128: {  	s2 =	ssub.s32 $0x0, s2;
	[sflag:s26] =	ssyncset.done $0x0;
	s0 =	sshrl.u32 s25, $0x2  }
0x129: {  	s29 =	simm.s32 $0xB;
	[sflag:s26] =	ssyncadd.s32 s2;
	s0 =	simm.s32 @p2 $0x0  }
0x12a: {  	_ =	swait.ge [sflag:s29], s0  }
0x12b: {  	s0 =	ssub.s32 $0x0, s0;
	[sflag:s29] =	ssyncset.done $0x0  }
0x12c: {  	[sflag:s29] =	ssyncadd.s32 s0  }
0x12d: {  	v1 =	vld [tilespmem:$0xE408];
	_ =	sdelay $0x4  }
0x12e: {  	(v2sf) =	vpush v1, $0x0  }
0x12f: {  	(v2sf) =	vpush v1, $0x1  }
0x130: {  	(v2sf) =	vpush v1, $0x2;
	_ =	sdelay $0x3  }
0x131: {  	s0 =	sadd.s32 $0x70, s24  }
0x132: {  	s2 =	ssub.s32 $0x27100, s24;
	p2 =	slt.s32 s8, s0  }
0x133: {  	s0 =	smov.u32 @p2 s8;
	p2 =	sgt.s32 s2, $0x0  }
0x134: {  	s0 =	ssub.s32 s0, s24;
	s2 =	simm.s32 @!p2 $0x0  }
0x135: {  	p2 =	slt.s32 s2, s0  }
0x136: {  	s0 =	smov.u32 @p2 s2  }
0x137: {  	s4 =	simm.s32 $0x1;
	p2 =	slt.s32 s0, $0x1  }
.Ltmp19:
0x138: {  	s4 =	simm.s32 @!p1 $0x0;
	(pc) =	sbr.rel @p2 .LBB3_14-.Ltmp19, $4  }
0x139: {  	s30 =	smul.u32 $0x1C0, s4  }
0x13a: {  	s5 =	spop (v2sf)  }
0x13b: {  	s31 =	sshrl.u32 s30, $0x2;
	s28 =	spop (v2sf)  }
0x13c: {  	s25 =	sadd.s32 $0x10598, s31;
	s24 =	spop (v2sf)  }
0x13d: {  	s2 =	smin.u32 s0, $0x10  }
0x13e: {  	v1 =	vmov s2  }
0x13f: {  	vm1 =	vgt.u32 v1, v0  }
0x140: {  	p3 =	sgt.s32 s0, $0x10  }
.Ltmp20:
0x141: {  	_ = 	snop;
	(pc) =	sbr.rel @!p3 .LBB3_13-.Ltmp20, $2  }
0x142: {  	_ =	sdelay $0x2  }
0x143: {  	s26 =	simm.s32 $0x10;
	s29 =	sadd.s32 $0xFFFFFFF0, s0;
	s2 =	smov.u32 s25;
	vm0 =	vmmov vm1;
	v1 =	vld.msk [tilespmem:s25+$0x0 ss:$0x1], vm1  }
.LBB3_12:
0x144: {  	s3 =	smin.u32 s29, $0x10;
	s26 =	sadd.s32 $0x10, s26  }
0x145: {  	v2 =	vmov s3;
	p3 =	slt.s32 s26, s0  }
0x146: {  	vm1 =	vgt.u32 v2, v0;
	_ =	sdelay $0x1  }
0x147: {  	v2 =	vshll.u32 v1, $0x5;
	v1 =	vshll.u32 v1, $0x4  }
.Ltmp21:
0x148: {  	v2 =	vand.u32 $0xFFFFFF00, v2;
	v1 =	vand.u32 $0x70, v1;
	(pc) =	sbr.rel @p3 .LBB3_12-.Ltmp21, $4  }
0x149: {  	v1 =	vor.u32 v1, v2  }
0x14a: {  	[tilespmem:s2+$0x0] =	vst.msk vm0, v1;
	s2 =	sadd.s32 $0x10, s2;
	vm0 =	vmmov vm1  }
0x14b: {  	v1 =	vld.msk [tilespmem:s2+$0x0 ss:$0x1], vm1  }
0x14c: {  	s29 =	sadd.s32 $0xFFFFFFF0, s29  }
.LBB3_13:
0x14d: {  	_ =	sdelay $0x3  }
0x14e: {  	v2 =	vshll.u32 v1, $0x5;
	v1 =	vshll.u32 v1, $0x4  }
0x14f: {  	v2 =	vand.u32 $0xFFFFFF00, v2;
	v1 =	vand.u32 $0x70, v1  }
0x150: {  	v1 =	vor.u32 v1, v2  }
0x151: {  	[tilespmem:s2+$0x0] =	vst.msk vm0, v1  }
.LBB3_14:
0x152: {  	s2 =	sand.u32 $0x1, s23  }
0x153: {  	s2 =	smul.u32 $0x70, s2  }
0x154: {  	p3 =	sne.s32 s28, $0xFFFFFFFF  }
0x155: {  	v1 =	vld.msk @!p3 [tilespmem:s2+$0x10598], $0x1;
	_ =	sdelay $0x4  }
0x156: {  	(v2sf) =	vpush @!p3 v1, $0x0;
	_ =	sdelay $0xc  }
.Ltmp22:
0x157: {  	_ = 	snop;
	(pc) =	sbr.rel @p2 .LBB3_25-.Ltmp22, $4  }
0x158: {  	_ = 	snop  }
0x159: {  	s31 =	spop @!p3 (v2sf)  }
0x15a: {  	s24 =	simm.s32 @!p3 $0x0;
	s26 =	smov.u32 s31  }
0x15b: {  	[sflag:s17] =	ssyncpa.u1 $0x0;
	s31 =	smov.u32 @p3 s5;
	s26 =	smov.u32 @p3 s28  }
0x15c: {  	v1 =	vld.msk [tilespmem:s25+$0x0], $0x1;
	_ =	sdelay $0x4  }
0x15d: {  	(v2sf) =	vpush v1, $0x0;
	_ =	sdelay $0xe  }
0x15e: {  	s7 =	smov.u32 s11;
	s5 =	spop (v2sf)  }
0x15f: {  	s17 =	smov.u32 s15;
	s2 =	smul.u32 $0x1C000, s4;
	p2 =	seq.s32 s31, s5  }
0x160: {  	s3 =	smov.u32 s31;
	s29 =	ssub.s32 $0x0, s0;
	p3 =	sgt.s32 @!p2 s31, $0x0  }
0x161: {  	s30 =	simm.s32 $0x0;
	s2 =	sshrl.u32 s2, $0x2;
	p3 =	por !p3, p2  }
0x162: {  	s0 =	sadd.s32 $0x1, s29;
	s28 =	sor.u32 $0x106F8, s2;
	s3 =	simm.s32 @p3 $0x0  }
0x163: {  	s2 =	simm.s32 @!p2 $0x1;
	p3 =	seq.s32 s0, $0x0;
	s3 =	smin.u32 @!p2 s3, $0x4E170  }
.Ltmp23:
0x164: {  	s4 =	simm.s32 @!p2 $0x7308;
	s9 =	sand.u32 @!p2 $0x7FFF8, s3;
	(pc) =	sbr.rel @p3 .LBB3_17-.Ltmp23, $4  }
0x165: {  	s10 =	sadd.s32 @!p2 $0x80, s3;
	s11 =	sadd.s32 @!p2 s1, s9;
	s9 =	sand.u32 @!p2 $0x7, s3  }
0x166: {  	[tilespmem:s4], [sflag:$0x2] =	stream.linear.gather @!p2 [hbm4b:s11+s9], $0x80, $0x38;
	[tilespmem:$0x1E678] =	vst v63  }
0x167: {  	s15 =	smov.u32 s14;
	s2 =	smov.u32 @p2 s30;
	s4 =	sand.u32 @!p2 $0xFFFF8, s10  }
0x168: {  	s3 =	simm.s32 @!p2 $0x7388;
	s10 =	sadd.s32 @!p2 s1, s4;
	s4 =	sadd.s32 $0x1, s25  }
.LBB3_16:
0x169: {  	s11 =	smov.u32 s2  }
0x16a: {  	[tilespmem:s3], [sflag:$0x2] =	stream.linear.gather @!p2 [hbm4b:s10+s9], $0x80, $0x38;
	[tilespmem:$0x1E678] =	vst v63  }
0x16b: {  	s0 =	sadd.s32 $0x1, s0;
	s9 =	smov.u32 s5;
	v1 =	vld.msk [tilespmem:s4+$0x0], $0x1  }
0x16c: {  	p3 =	seq.s32 s0, $0x0;
	_ =	sdelay $0x3  }
0x16d: {  	(v2sf) =	vpush v1, $0x0;
	_ =	sdelay $0xe  }
0x16e: {  	s5 =	spop (v2sf)  }
0x16f: {  	p2 =	seq.s32 s9, s5  }
0x170: {  	p4 =	sgt.s32 @!p2 s9, $0x0;
	s3 =	sshll.u32 @!p2 s2, $0xA;
	s2 =	sadd.s32 @!p2 $0x1, s2  }
0x171: {  	p4 =	por !p4, p2;
	s3 =	sshra.s32 @!p2 s3, $0x2;
	s2 =	smov.u32 @p2 s11  }
0x172: {  	s9 =	simm.s32 @p4 $0x0;
	s10 =	sadd.s32 @!p2 $0x7308, s3;
	s3 =	sadd.s32 @!p2 $0x7388, s3  }
.Ltmp24:
0x173: {  	s9 =	smin.u32 @!p2 s9, $0x4E170;
	(pc) =	sbr.rel @!p3 .LBB3_16-.Ltmp24, $4  }
0x174: {  	s11 =	sand.u32 @!p2 $0x7FFF8, s9;
	s14 =	sadd.s32 @!p2 $0x80, s9  }
0x175: {  	s9 =	sand.u32 @!p2 $0x7, s9;
	s11 =	sadd.s32 @!p2 s1, s11;
	s14 =	sand.u32 @!p2 $0xFFFF8, s14  }
0x176: {  	[tilespmem:s10], [sflag:$0x2] =	stream.linear.gather @!p2 [hbm4b:s11+s9], $0x80, $0x38;
	[tilespmem:$0x1E678] =	vst v63  }
0x177: {  	s4 =	sadd.s32 $0x1, s4;
	s10 =	sadd.s32 @!p2 s1, s14  }
.LBB3_17:
0x178: {  	[tilespmem:s3], [sflag:$0x2] =	stream.linear.gather @!p2 [hbm4b:s10+s9], $0x80, $0x38;
	[tilespmem:$0x1E678] =	vst v63  }
0x179: {  	s0 =	sshll.u32 s2, $0x8  }
.Ltmp25:
0x17a: {  	s14 =	simm.s32 $0x2;
	s0 =	sand.u32 $0x3FFFFF00, s0;
	(pc) =	sbr.rel .LBB3_18-.Ltmp25, $4  }
0x17b: {  	_ =	swait.ge [sflag:s14], s0  }
0x17c: {  	s0 =	ssub.s32 $0x0, s0;
	[sflag:s14] =	ssyncset.done $0x0  }
0x17d: {  	s4 =	simm.s32 $0x0;
	s11 =	smov.u32 s7;
	[sflag:s14] =	ssyncadd.s32 s0  }
0x17e: {  	s14 =	smov.u32 s15;
	s15 =	smov.u32 s17;
	s17 =	simm.s32 $0xC  }
.LBB3_19:
0x17f: {  	v1 =	vld [tilespmem:s28+$0xFFFFFF80];
	_ =	sdelay $0x4  }
0x180: {  	[tilespmem:s5+$0x208] =	vst.add.f32.msk $0xffff, v1  }
0x181: {  	v1 =	vld [tilespmem:s28+$0xFFFFFF90];
	_ =	sdelay $0x4  }
0x182: {  	[tilespmem:s5+$0x218] =	vst.add.f32.msk $0xffff, v1  }
0x183: {  	v1 =	vld [tilespmem:s28+$0xFFFFFFA0];
	_ =	sdelay $0x4  }
0x184: {  	[tilespmem:s5+$0x228] =	vst.add.f32.msk $0xffff, v1  }
0x185: {  	v1 =	vld [tilespmem:s28+$0xFFFFFFB0];
	_ =	sdelay $0x4  }
0x186: {  	[tilespmem:s5+$0x238] =	vst.add.f32.msk $0xffff, v1  }
0x187: {  	v1 =	vld [tilespmem:s28+$0xFFFFFFC0];
	_ =	sdelay $0x4  }
0x188: {  	[tilespmem:s5+$0x248] =	vst.add.f32.msk $0xffff, v1  }
0x189: {  	v1 =	vld [tilespmem:s28+$0xFFFFFFD0];
	_ =	sdelay $0x4  }
0x18a: {  	[tilespmem:s5+$0x258] =	vst.add.f32.msk $0xffff, v1  }
0x18b: {  	v1 =	vld [tilespmem:s28+$0xFFFFFFE0];
	_ =	sdelay $0x4  }
0x18c: {  	[tilespmem:s5+$0x268] =	vst.add.f32.msk $0xffff, v1  }
0x18d: {  	v1 =	vld [tilespmem:s28+$0xFFFFFFF0];
	_ =	sdelay $0x4  }
0x18e: {  	[tilespmem:s5+$0x278] =	vst.add.f32.msk $0xffff, v1  }
0x18f: {  	v1 =	vld [tilespmem:s28+$0x0];
	_ =	sdelay $0x4  }
0x190: {  	[tilespmem:s5+$0x288] =	vst.add.f32.msk $0xffff, v1  }
0x191: {  	v1 =	vld [tilespmem:s28+$0x10];
	_ =	sdelay $0x4  }
0x192: {  	[tilespmem:s5+$0x298] =	vst.add.f32.msk $0xffff, v1  }
0x193: {  	v1 =	vld [tilespmem:s28+$0x20];
	_ =	sdelay $0x4  }
0x194: {  	[tilespmem:s5+$0x2A8] =	vst.add.f32.msk $0xffff, v1  }
0x195: {  	v1 =	vld [tilespmem:s28+$0x30];
	_ =	sdelay $0x4  }
0x196: {  	[tilespmem:s5+$0x2B8] =	vst.add.f32.msk $0xffff, v1  }
0x197: {  	v1 =	vld [tilespmem:s28+$0x40];
	_ =	sdelay $0x4  }
0x198: {  	[tilespmem:s5+$0x2C8] =	vst.add.f32.msk $0xffff, v1  }
0x199: {  	v1 =	vld [tilespmem:s28+$0x50];
	_ =	sdelay $0x4  }
0x19a: {  	[tilespmem:s5+$0x2D8] =	vst.add.f32.msk $0xffff, v1  }
0x19b: {  	v1 =	vld [tilespmem:s28+$0x60];
	_ =	sdelay $0x4  }
0x19c: {  	[tilespmem:s5+$0x2E8] =	vst.add.f32.msk $0xffff, v1  }
0x19d: {  	v1 =	vld [tilespmem:s28+$0x70];
	_ =	sdelay $0x4  }
0x19e: {  	[tilespmem:s5+$0x2F8] =	vst.add.f32.msk $0xffff, v1  }
.LBB3_23:
0x19f: {  	s29 =	sadd.s32 $0x1, s29  }
0x1a0: {  	p2 =	seq.s32 s29, $0x0  }
.Ltmp26:
0x1a1: {  	_ = 	snop;
	(pc) =	sbr.rel @p2 .LBB3_24-.Ltmp26, $2  }
0x1a2: {  	_ =	sdelay $0x2  }
0x1a3: {  	s25 =	sadd.s32 $0x1, s25;
	s28 =	sadd.s32 $0x100, s28;
	s31 =	smov.u32 s0  }
.LBB3_18:
0x1a4: {  	v1 =	vld.msk [tilespmem:s25+$0x0], $0x1;
	_ =	sdelay $0x4  }
0x1a5: {  	(v2sf) =	vpush v1, $0x0;
	_ =	sdelay $0xe  }
0x1a6: {  	s0 =	spop (v2sf)  }
0x1a7: {  	p2 =	sne.s32 s31, s0  }
.Ltmp27:
0x1a8: {  	_ = 	snop;
	(pc) =	sbr.rel @!p2 .LBB3_19-.Ltmp27, $3  }
0x1a9: {  	_ =	sdelay $0x1  }
0x1aa: {  	s2 =	sshll.u32 s24, $0xA  }
0x1ab: {  	s5 =	sshra.s32 s2, $0x2  }
0x1ac: {  	p2 =	seq.s32 s31, s26  }
.Ltmp28:
0x1ad: {  	_ = 	snop;
	(pc) =	sbr.rel @!p2 .LBB3_21-.Ltmp28, $1  }
0x1ae: {  	_ =	sdelay $0x3  }
.Ltmp29:
0x1af: {  	s2 =	sadd.s32 $0x208, s5;
	(pc) =	sbr.rel .LBB3_22-.Ltmp29, $4  }
0x1b0: {  	[spmem:s16] =	stream.linear.scatter [tilespmem:s2], [sflag:$0x1], $0x100, $0x38;
	[tilespmem:$0x1E678] =	vst v63  }
0x1b1: {  	_ =	swait.ge [sflag:s12], $0x100  }
0x1b2: {  	[sflag:s12] =	ssyncset.done $0x0  }
0x1b3: {  	[sflag:s12] =	ssyncadd.s32 $0xFFFFFF00  }
.LBB3_21:
0x1b4: {  	s2 =	sshll.u32 s30, $0xA  }
0x1b5: {  	s2 =	sshra.s32 s2, $0x2  }
0x1b6: {  	v1 =	vld [tilespmem:s2+$0x7308];
	_ =	sdelay $0x4  }
0x1b7: {  	[tilespmem:s5+$0x208] =	vst.add.f32.msk $0xffff, v1  }
0x1b8: {  	v1 =	vld [tilespmem:s2+$0x7318];
	_ =	sdelay $0x4  }
0x1b9: {  	[tilespmem:s5+$0x218] =	vst.add.f32.msk $0xffff, v1  }
0x1ba: {  	v1 =	vld [tilespmem:s2+$0x7328];
	_ =	sdelay $0x4  }
0x1bb: {  	[tilespmem:s5+$0x228] =	vst.add.f32.msk $0xffff, v1  }
0x1bc: {  	v1 =	vld [tilespmem:s2+$0x7338];
	_ =	sdelay $0x4  }
0x1bd: {  	[tilespmem:s5+$0x238] =	vst.add.f32.msk $0xffff, v1  }
0x1be: {  	v1 =	vld [tilespmem:s2+$0x7348];
	_ =	sdelay $0x4  }
0x1bf: {  	[tilespmem:s5+$0x248] =	vst.add.f32.msk $0xffff, v1  }
0x1c0: {  	v1 =	vld [tilespmem:s2+$0x7358];
	_ =	sdelay $0x4  }
0x1c1: {  	[tilespmem:s5+$0x258] =	vst.add.f32.msk $0xffff, v1  }
0x1c2: {  	v1 =	vld [tilespmem:s2+$0x7368];
	_ =	sdelay $0x4  }
0x1c3: {  	[tilespmem:s5+$0x268] =	vst.add.f32.msk $0xffff, v1  }
0x1c4: {  	v1 =	vld [tilespmem:s2+$0x7378];
	_ =	sdelay $0x4  }
0x1c5: {  	[tilespmem:s5+$0x278] =	vst.add.f32.msk $0xffff, v1  }
0x1c6: {  	v1 =	vld [tilespmem:s2+$0x7388];
	_ =	sdelay $0x4  }
0x1c7: {  	[tilespmem:s5+$0x288] =	vst.add.f32.msk $0xffff, v1  }
0x1c8: {  	v1 =	vld [tilespmem:s2+$0x7398];
	_ =	sdelay $0x4  }
0x1c9: {  	[tilespmem:s5+$0x298] =	vst.add.f32.msk $0xffff, v1  }
0x1ca: {  	v1 =	vld [tilespmem:s2+$0x73A8];
	_ =	sdelay $0x4  }
0x1cb: {  	[tilespmem:s5+$0x2A8] =	vst.add.f32.msk $0xffff, v1  }
0x1cc: {  	v1 =	vld [tilespmem:s2+$0x73B8];
	_ =	sdelay $0x4  }
0x1cd: {  	[tilespmem:s5+$0x2B8] =	vst.add.f32.msk $0xffff, v1  }
0x1ce: {  	v1 =	vld [tilespmem:s2+$0x73C8];
	_ =	sdelay $0x4  }
0x1cf: {  	[tilespmem:s5+$0x2C8] =	vst.add.f32.msk $0xffff, v1  }
0x1d0: {  	v1 =	vld [tilespmem:s2+$0x73D8];
	_ =	sdelay $0x4  }
0x1d1: {  	[tilespmem:s5+$0x2D8] =	vst.add.f32.msk $0xffff, v1  }
0x1d2: {  	v1 =	vld [tilespmem:s2+$0x73E8];
	_ =	sdelay $0x4  }
0x1d3: {  	[tilespmem:s5+$0x2E8] =	vst.add.f32.msk $0xffff, v1  }
0x1d4: {  	v1 =	vld [tilespmem:s2+$0x73F8];
	_ =	sdelay $0x2  }
0x1d5: {  	p2 =	sgt.u32 s31, $0x4E170  }
0x1d6: {  	s2 =	sand.u32 @!p2 $0x7FFF8, s31  }
0x1d7: {  	s3 =	sadd.s32 $0x208, s5;
	s9 =	sand.u32 @!p2 $0x7, s31;
	s2 =	sadd.s32 @!p2 s1, s2;
	[tilespmem:s5+$0x2F8] =	vst.add.f32.msk $0xffff, v1  }
0x1d8: {  	[hbm4b:s2+s9] =	stream.linear.scatter @!p2 [tilespmem:s3], [sflag:$0xC], $0x80, $0x38;
	[tilespmem:$0x1E678] =	vst v63  }
0x1d9: {  	s2 =	sadd.s32 @!p2 $0x80, s31  }
0x1da: {  	s2 =	sand.u32 @!p2 $0xFFFF8, s2  }
0x1db: {  	s3 =	sadd.s32 $0x288, s5;
	s2 =	sadd.s32 @!p2 s1, s2  }
0x1dc: {  	[hbm4b:s2+s9] =	stream.linear.scatter @!p2 [tilespmem:s3], [sflag:$0xC], $0x80, $0x38;
	[tilespmem:$0x1E678] =	vst v63  }
0x1dd: {  	s2 =	simm.s32 $0x0  }
0x1de: {  	s2 =	simm.s32 @!p2 $0x400  }
0x1df: {  	s4 =	sadd.s32 s2, s4  }
.LBB3_22:
0x1e0: {  	s2 =	sadd.s32 $0x1, s24  }
0x1e1: {  	s3 =	sshrl.u32 s2, $0x4  }
0x1e2: {  	s3 =	smulhi.u32 $0x24924925, s3  }
0x1e3: {  	v1 =	vld [tilespmem:s28+$0xFFFFFF80]  }
0x1e4: {  	s3 =	smul.u32 $0x70, s3;
	_ =	sdelay $0x1  }
0x1e5: {  	s24 =	ssub.s32 s2, s3  }
0x1e6: {  	s2 =	sshll.u32 s24, $0x8  }
0x1e7: {  	[tilespmem:s2+$0x208] =	vst v1  }
0x1e8: {  	v1 =	vld [tilespmem:s28+$0xFFFFFF90];
	_ =	sdelay $0x4  }
0x1e9: {  	[tilespmem:s2+$0x218] =	vst v1  }
0x1ea: {  	v1 =	vld [tilespmem:s28+$0xFFFFFFA0];
	_ =	sdelay $0x4  }
0x1eb: {  	[tilespmem:s2+$0x228] =	vst v1  }
0x1ec: {  	v1 =	vld [tilespmem:s28+$0xFFFFFFB0];
	_ =	sdelay $0x4  }
0x1ed: {  	[tilespmem:s2+$0x238] =	vst v1  }
0x1ee: {  	v1 =	vld [tilespmem:s28+$0xFFFFFFC0];
	_ =	sdelay $0x4  }
0x1ef: {  	[tilespmem:s2+$0x248] =	vst v1  }
0x1f0: {  	v1 =	vld [tilespmem:s28+$0xFFFFFFD0];
	_ =	sdelay $0x4  }
0x1f1: {  	[tilespmem:s2+$0x258] =	vst v1  }
0x1f2: {  	v1 =	vld [tilespmem:s28+$0xFFFFFFE0];
	_ =	sdelay $0x4  }
0x1f3: {  	[tilespmem:s2+$0x268] =	vst v1  }
0x1f4: {  	v1 =	vld [tilespmem:s28+$0xFFFFFFF0];
	_ =	sdelay $0x4  }
0x1f5: {  	[tilespmem:s2+$0x278] =	vst v1  }
0x1f6: {  	v1 =	vld [tilespmem:s28+$0x0];
	_ =	sdelay $0x4  }
0x1f7: {  	[tilespmem:s2+$0x288] =	vst v1  }
0x1f8: {  	v1 =	vld [tilespmem:s28+$0x10];
	_ =	sdelay $0x4  }
0x1f9: {  	[tilespmem:s2+$0x298] =	vst v1  }
0x1fa: {  	v1 =	vld [tilespmem:s28+$0x20];
	_ =	sdelay $0x4  }
0x1fb: {  	[tilespmem:s2+$0x2A8] =	vst v1  }
0x1fc: {  	v1 =	vld [tilespmem:s28+$0x30];
	_ =	sdelay $0x4  }
0x1fd: {  	[tilespmem:s2+$0x2B8] =	vst v1  }
0x1fe: {  	v1 =	vld [tilespmem:s28+$0x40];
	_ =	sdelay $0x4  }
0x1ff: {  	[tilespmem:s2+$0x2C8] =	vst v1  }
0x200: {  	v1 =	vld [tilespmem:s28+$0x50];
	_ =	sdelay $0x4  }
0x201: {  	[tilespmem:s2+$0x2D8] =	vst v1  }
0x202: {  	v1 =	vld [tilespmem:s28+$0x60];
	_ =	sdelay $0x4  }
0x203: {  	[tilespmem:s2+$0x2E8] =	vst v1  }
0x204: {  	v1 =	vld [tilespmem:s28+$0x70]  }
.Ltmp30:
0x205: {  	_ = 	snop;
	(pc) =	sbr.rel .LBB3_23-.Ltmp30, $2  }
0x206: {  	_ =	sdelay $0x2  }
0x207: {  	s30 =	sadd.s32 $0x1, s30;
	[tilespmem:s2+$0x2F8] =	vst v1  }
.LBB3_25:
.Ltmp31:
0x208: {  	(pc) =	sbr.rel .LBB3_26-.Ltmp31, $4  }
0x209: {  	_ = 	snop  }
0x20a: {  	s0 =	simm.s32 $0x2  }
0x20b: {  	_ =	swait.ge [sflag:s0], $0x0  }
0x20c: {  	s2 =	simm.s32 $0x0;
	[sflag:s0] =	ssyncset.done $0x0;
	s0 =	smov.u32 s31  }
.LBB3_28:
0x20d: {  	_ =	sfence.sel $0x180000  }
0x20e: {  	s0 =	simm.s32 $0x9;
	[bflag:$0x0] =	sbarrier.arrive $0xFFFF  }
0x20f: {  	s24 =	simm.s32 $0xA;
	[sflag:s0] =	ssyncpa.u1 $0x1  }
0x210: {  	s25 =	simm.s32 $0xB;
	[sflag:s24] =	ssyncpa.u1 $0x1  }
0x211: {  	s26 =	simm.s32 $0x2;
	[sflag:s25] =	ssyncpa.u1 $0x1  }
0x212: {  	[sflag:s26] =	ssyncpa.u1 $0x1  }
0x213: {  	v0 =	vld [tilespmem:$0xE408];
	_ =	sdelay $0x4  }
0x214: {  	(v2sf) =	vpush v0, $0x0  }
0x215: {  	(v2sf) =	vpush v0, $0x1;
	_ =	sdelay $0x1  }
0x216: {  	(v2sf) =	vpush v0, $0x2;
	_ =	sdelay $0xb  }
0x217: {  	s0 =	spop (v2sf)  }
0x218: {  	s2 =	spop (v2sf)  }
0x219: {  	s3 =	smov.u32 s0;
	p0 =	sne.s32 s0, s2  }
0x21a: {  	s4 =	spop (v2sf);
	s3 =	simm.s32 @!p0 $0xFFFFFFFF  }
0x21b: {  	v2 =	vimm.s32 $0x1;
	v3 =	vlaneseq.u32;
	p0 =	seq.s32 s4, $0xFFFFFFFF;
	v1 =	vmov s3  }
0x21c: {  	s15 =	stileid.u32;
	v0 =	vperm.xlane v0, v2;
	p1 =	sne.s32 @!p0 s0, s2;
	v1 =	vperm.xlane v1, v3  }
0x21d: {  	vm0 =	vcmask $0x3F04;
	s6 =	simm.s32 $0xE408;
	s0 =	simm.s32 @!p0 $0x1;
	p1 =	por !p1, p0  }
0x21e: {  	s3 =	sshll.u32 s15, $0x1;
	s2 =	sshll.u32 @!p0 s4, $0xA;
	s0 =	simm.s32 @p1 $0x0;
	v0 =	vsel vm0, v1, v0  }
0x21f: {  	s5 =	sor.u32 $0x2000, s3;
	s2 =	sshra.s32 @!p0 s2, $0x2;
	s0 =	sor.u32 @!p0 s0, s3;
	[tilespmem:$0xE408] =	vst v0  }
0x220: {  	[spmem:s5] =	stream.linear.scatter [tilespmem:s6], [sflag:$0x1], $0x2, $0x38;
	[tilespmem:$0x1E678] =	vst v63  }
0x221: {  	s2 =	sadd.s32 @!p0 $0x208, s2;
	s0 =	sshll.u32 @!p0 s0, $0x8  }
0x222: {  	[spmem:s0] =	stream.linear.scatter @!p0 [tilespmem:s2], [sflag:$0x1], $0x100, $0x38;
	[tilespmem:$0x1E678] =	vst v63  }
0x223: {  	s0 =	simm.s32 @!p0 $0x102  }
0x224: {  	s28 =	simm.s32 $0x1;
	s0 =	simm.s32 @p0 $0x2  }
0x225: {  	_ =	swait.ge [sflag:s28], s0  }
0x226: {  	s0 =	ssub.s32 $0x0, s0;
	[sflag:s28] =	ssyncset.done $0x0  }
0x227: {  	p0 =	sne.s32 s15, $0x0;
	[sflag:s28] =	ssyncadd.s32 s0  }
.Ltmp32:
0x228: {  	_ =	sfence.stream.spmem;
	(pc) =	sbr.rel @p0 .LBB3_45-.Ltmp32, $4  }
0x229: {  	s29 =	simm.s32 $0x3;
	[bflag:$0x0] =	sbarrier.arrive $0xFFFF  }
0x22a: {  	s30 =	simm.s32 $0x4;
	[sflag:s29] =	ssyncpa.u1 $0x1  }
0x22b: {  	s31 =	simm.s32 $0x3C;
	[sflag:s30] =	ssyncpa.u1 $0x1  }
0x22c: {  	s14 =	rddreg [dreg:$0x4];
	[sflag:s31] =	ssyncpa.u1 $0x1  }
0x22d: {  	_ =	sfence.stream.spmem;
	s0 =	simm.s32 $0x5  }
0x22e: {  	s2 =	simm.s32 $0x2000;
	s3 =	simm.s32 $0xE418;
	[sflag:s0] =	ssyncpa.u1 $0x0  }
0x22f: {  	[tilespmem:s3], [sflag:$0x5] =	stream.linear.gather [spmem:s2], $0x20, $0x38;
	[tilespmem:$0x1E678] =	vst v63  }
0x230: {  	s26 =	simm.s32 $0x0;
	s28 =	simm.s32 $0xE438  }
0x231: {  	[tilespmem:s28], [sflag:$0x5] =	stream.linear.gather [spmem:s26], $0x2000, $0x38;
	[tilespmem:$0x1E678] =	vst v63  }
0x232: {  	_ =	swait.ge [sflag:s0], $0x2020  }
0x233: {  	[sflag:s0] =	ssyncset.done $0x0  }
0x234: {  	s29 =	simm.s32 $0x0;
	[sflag:s0] =	ssyncadd.s32 $0xFFFFDFE0  }
0x235: {  	v0 =	vld.msk [tilespmem:s29+$0xE418], $0x1;
	_ =	sdelay $0x1  }
0x236: {  	s30 =	simm.s32 $0x1  }
0x237: {  	v1 =	vld.msk [tilespmem:s30+$0xE418], $0x1;
	_ =	sdelay $0x1  }
0x238: {  	(v2sf) =	vpush v0, $0x0;
	_ =	sdelay $0x2  }
0x239: {  	(v2sf) =	vpush v1, $0x0;
	_ =	sdelay $0x2  }
0x23a: {  	s31 =	simm.s32 $0x2  }
0x23b: {  	v0 =	vld.msk [tilespmem:s31+$0xE418], $0x1;
	_ =	sdelay $0x2  }
0x23c: {  	s2 =	simm.s32 $0xFFFFFFFF;
	s3 =	simm.s32 $0xFFFFFFFF;
	s0 =	simm.s32 $0xC  }
.LBB3_30:
0x23d: {  	s4 =	smov.u32 s3;
	s5 =	smov.u32 s2  }
0x23e: {  	s2 =	sshra.s32 s0, $0x2;
	p1 =	sne.s32 s0, $0x7C;
	s0 =	sadd.s32 $0x4, s0;
	(v2sf) =	vpush v0, $0x0  }
0x23f: {  	v0 =	vld.msk [tilespmem:s2+$0xE418], $0x1  }
.Ltmp33:
0x240: {  	(pc) =	sbr.rel @p1 .LBB3_30-.Ltmp33, $4  }
0x241: {  	s3 =	spop (v2sf)  }
0x242: {  	p2 =	sne.s32 s5, $0xFFFFFFFF;
	s2 =	smov.u32 s3  }
0x243: {  	p3 =	seq.s32 s3, $0xFFFFFFFF;
	s2 =	smov.u32 @p2 s5  }
0x244: {  	s3 =	smov.u32 @p3 s4;
	s2 =	smov.u32 @p3 s5  }
0x245: {  	(v2sf) =	vpush v0, $0x0;
	_ =	sdelay $0x8  }
0x246: {  	s0 =	spop (v2sf)  }
0x247: {  	p1 =	sne.s32 s2, $0xFFFFFFFF;
	s9 =	simm.s32 $0x6;
	s4 =	smov.u32 s0  }
0x248: {  	s6 =	simm.s32 $0x0;
	p2 =	seq.s32 s0, $0xFFFFFFFF;
	s4 =	smov.u32 @p1 s2  }
0x249: {  	s10 =	simm.s32 $0xE308;
	s4 =	smov.u32 @p2 s2;
	s2 =	spop (v2sf)  }
0x24a: {  	s0 =	smov.u32 @p2 s3;
	p1 =	sne.s32 s4, $0xFFFFFFFF;
	s5 =	smov.u32 s2  }
.Ltmp34:
0x24b: {  	p2 =	seq.s32 s2, $0xFFFFFFFF;
	s5 =	smov.u32 @p1 s4;
	(pc) =	sbr.rel .LBB3_32-.Ltmp34, $4  }
0x24c: {  	s11 =	simm.s32 $0xE388;
	s5 =	smov.u32 @p2 s4;
	s7 =	spop (v2sf)  }
0x24d: {  	s12 =	simm.s32 $0x0;
	p1 =	sne.s32 s5, $0xFFFFFFFF;
	s8 =	smov.u32 s7  }
0x24e: {  	s2 =	smov.u32 @p2 s0;
	p2 =	seq.s32 s7, $0xFFFFFFFF;
	s8 =	smov.u32 @p1 s5  }
0x24f: {  	[sflag:s9] =	ssyncpa.u1 $0x0;
	s7 =	smov.u32 @p2 s2;
	s8 =	smov.u32 @p2 s5  }
.LBB3_38:
0x250: {  	p1 =	sgt.u32 s0, $0x4E170  }
0x251: {  	p2 =	seq.s32 @!p1 s0, s8  }
0x252: {  	p1 =	por p1, p2  }
0x253: {  	p2 =	sne.s32 @!p1 s0, s7  }
0x254: {  	p1 =	por p1, !p2  }
0x255: {  	s0 =	sshll.u32 @p1 s12, $0xA  }
0x256: {  	s2 =	sand.u32 @!p1 $0x7FFF8, s0;
	s3 =	sand.u32 @!p1 $0x7, s0;
	s0 =	sadd.s32 @!p1 $0x80, s0  }
0x257: {  	s2 =	sadd.s32 @!p1 s1, s2;
	s0 =	sand.u32 @!p1 $0xFFFF8, s0  }
0x258: {  	[tilespmem:s10], [sflag:$0x6] =	stream.linear.gather @!p1 [hbm4b:s2+s3], $0x80, $0x38;
	[tilespmem:$0x1E678] =	vst v63  }
0x259: {  	s0 =	sadd.s32 @!p1 s1, s0  }
0x25a: {  	[tilespmem:s11], [sflag:$0x6] =	stream.linear.gather @!p1 [hbm4b:s0+s3], $0x80, $0x38;
	[tilespmem:$0x1E678] =	vst v63  }
0x25b: {  	_ =	swait.ge @!p1 [sflag:s9], $0x100  }
0x25c: {  	[sflag:s9] =	ssyncset.done @!p1 $0x0  }
0x25d: {  	[sflag:s9] =	ssyncadd.s32 @!p1 $0xFFFFFF00  }
0x25e: {  	v1 =	vld @!p1 [tilespmem:$0xE308];
	_ =	sdelay $0x2  }
0x25f: {  	s0 =	sshll.u32 @!p1 s12, $0xA  }
0x260: {  	s2 =	sshrl.u32 @!p1 s0, $0x2  }
0x261: {  	[tilespmem:s2+$0xE438] =	vst.add.f32.msk @!p1 $0xffff, v1  }
0x262: {  	v1 =	vld @!p1 [tilespmem:$0xE318];
	_ =	sdelay $0x4  }
0x263: {  	[tilespmem:s2+$0xE448] =	vst.add.f32.msk @!p1 $0xffff, v1  }
0x264: {  	v1 =	vld @!p1 [tilespmem:$0xE328];
	_ =	sdelay $0x4  }
0x265: {  	[tilespmem:s2+$0xE458] =	vst.add.f32.msk @!p1 $0xffff, v1  }
0x266: {  	v1 =	vld @!p1 [tilespmem:$0xE338];
	_ =	sdelay $0x4  }
0x267: {  	[tilespmem:s2+$0xE468] =	vst.add.f32.msk @!p1 $0xffff, v1  }
0x268: {  	v1 =	vld @!p1 [tilespmem:$0xE348];
	_ =	sdelay $0x4  }
0x269: {  	[tilespmem:s2+$0xE478] =	vst.add.f32.msk @!p1 $0xffff, v1  }
0x26a: {  	v1 =	vld @!p1 [tilespmem:$0xE358];
	_ =	sdelay $0x4  }
0x26b: {  	[tilespmem:s2+$0xE488] =	vst.add.f32.msk @!p1 $0xffff, v1  }
0x26c: {  	v1 =	vld @!p1 [tilespmem:$0xE368];
	_ =	sdelay $0x4  }
0x26d: {  	[tilespmem:s2+$0xE498] =	vst.add.f32.msk @!p1 $0xffff, v1  }
0x26e: {  	v1 =	vld @!p1 [tilespmem:$0xE378];
	_ =	sdelay $0x4  }
0x26f: {  	[tilespmem:s2+$0xE4A8] =	vst.add.f32.msk @!p1 $0xffff, v1  }
0x270: {  	v1 =	vld @!p1 [tilespmem:$0xE388];
	_ =	sdelay $0x4  }
0x271: {  	[tilespmem:s2+$0xE4B8] =	vst.add.f32.msk @!p1 $0xffff, v1  }
0x272: {  	v1 =	vld @!p1 [tilespmem:$0xE398];
	_ =	sdelay $0x4  }
0x273: {  	[tilespmem:s2+$0xE4C8] =	vst.add.f32.msk @!p1 $0xffff, v1  }
0x274: {  	v1 =	vld @!p1 [tilespmem:$0xE3A8];
	_ =	sdelay $0x4  }
0x275: {  	[tilespmem:s2+$0xE4D8] =	vst.add.f32.msk @!p1 $0xffff, v1  }
0x276: {  	v1 =	vld @!p1 [tilespmem:$0xE3B8];
	_ =	sdelay $0x4  }
0x277: {  	[tilespmem:s2+$0xE4E8] =	vst.add.f32.msk @!p1 $0xffff, v1  }
0x278: {  	v1 =	vld @!p1 [tilespmem:$0xE3C8];
	_ =	sdelay $0x4  }
0x279: {  	[tilespmem:s2+$0xE4F8] =	vst.add.f32.msk @!p1 $0xffff, v1  }
0x27a: {  	v1 =	vld @!p1 [tilespmem:$0xE3D8];
	_ =	sdelay $0x4  }
0x27b: {  	[tilespmem:s2+$0xE508] =	vst.add.f32.msk @!p1 $0xffff, v1  }
0x27c: {  	v1 =	vld @!p1 [tilespmem:$0xE3E8];
	_ =	sdelay $0x4  }
0x27d: {  	[tilespmem:s2+$0xE518] =	vst.add.f32.msk @!p1 $0xffff, v1  }
0x27e: {  	v1 =	vld @!p1 [tilespmem:$0xE3F8];
	_ =	sdelay $0x4  }
0x27f: {  	[tilespmem:s2+$0xE528] =	vst.add.f32.msk @!p1 $0xffff, v1  }
0x280: {  	s0 =	sshrl.u32 s0, $0x2;
	[tilespmem:s6+$0xE418] =	vst.msk $0x1, v0  }
0x281: {  	v0 =	vld [tilespmem:s0+$0xE438];
	_ =	sdelay $0x2  }
0x282: {  	s31 =	sshll.u32 s6, $0xA  }
0x283: {  	s2 =	sshra.s32 s31, $0x2  }
0x284: {  	[tilespmem:s2+$0xE438] =	vst v0  }
0x285: {  	v0 =	vld [tilespmem:s0+$0xE448];
	_ =	sdelay $0x4  }
0x286: {  	[tilespmem:s2+$0xE448] =	vst v0  }
0x287: {  	v0 =	vld [tilespmem:s0+$0xE458];
	_ =	sdelay $0x4  }
0x288: {  	[tilespmem:s2+$0xE458] =	vst v0  }
0x289: {  	v0 =	vld [tilespmem:s0+$0xE468];
	_ =	sdelay $0x4  }
0x28a: {  	[tilespmem:s2+$0xE468] =	vst v0  }
0x28b: {  	v0 =	vld [tilespmem:s0+$0xE478];
	_ =	sdelay $0x4  }
0x28c: {  	[tilespmem:s2+$0xE478] =	vst v0  }
0x28d: {  	v0 =	vld [tilespmem:s0+$0xE488];
	_ =	sdelay $0x4  }
0x28e: {  	[tilespmem:s2+$0xE488] =	vst v0  }
0x28f: {  	v0 =	vld [tilespmem:s0+$0xE498];
	_ =	sdelay $0x4  }
0x290: {  	[tilespmem:s2+$0xE498] =	vst v0  }
0x291: {  	v0 =	vld [tilespmem:s0+$0xE4A8];
	_ =	sdelay $0x4  }
0x292: {  	[tilespmem:s2+$0xE4A8] =	vst v0  }
0x293: {  	v0 =	vld [tilespmem:s0+$0xE4B8];
	_ =	sdelay $0x4  }
0x294: {  	[tilespmem:s2+$0xE4B8] =	vst v0  }
0x295: {  	v0 =	vld [tilespmem:s0+$0xE4C8];
	_ =	sdelay $0x4  }
0x296: {  	[tilespmem:s2+$0xE4C8] =	vst v0  }
0x297: {  	v0 =	vld [tilespmem:s0+$0xE4D8];
	_ =	sdelay $0x4  }
0x298: {  	[tilespmem:s2+$0xE4D8] =	vst v0  }
0x299: {  	v0 =	vld [tilespmem:s0+$0xE4E8];
	_ =	sdelay $0x4  }
0x29a: {  	[tilespmem:s2+$0xE4E8] =	vst v0  }
0x29b: {  	v0 =	vld [tilespmem:s0+$0xE4F8];
	_ =	sdelay $0x4  }
0x29c: {  	[tilespmem:s2+$0xE4F8] =	vst v0  }
0x29d: {  	v0 =	vld [tilespmem:s0+$0xE508];
	_ =	sdelay $0x4  }
0x29e: {  	[tilespmem:s2+$0xE508] =	vst v0  }
0x29f: {  	v0 =	vld [tilespmem:s0+$0xE518];
	_ =	sdelay $0x4  }
0x2a0: {  	[tilespmem:s2+$0xE518] =	vst v0  }
0x2a1: {  	v0 =	vld [tilespmem:s0+$0xE528];
	_ =	sdelay $0x4  }
0x2a2: {  	s6 =	sadd.s32 $0x1, s6;
	[tilespmem:s2+$0xE528] =	vst v0  }
.LBB3_39:
0x2a3: {  	s12 =	sadd.s32 $0x1, s12  }
0x2a4: {  	p1 =	sne.s32 s12, $0x20  }
.Ltmp35:
0x2a5: {  	_ = 	snop;
	(pc) =	sbr.rel @!p1 .LBB3_40-.Ltmp35, $1  }
0x2a6: {  	_ =	sdelay $0x3  }
.LBB3_32:
0x2a7: {  	v0 =	vld.msk [tilespmem:s12+$0xE418], $0x1;
	_ =	sdelay $0x4  }
0x2a8: {  	(v2sf) =	vpush v0, $0x0;
	_ =	sdelay $0xe  }
0x2a9: {  	s0 =	spop (v2sf)  }
0x2aa: {  	p1 =	seq.s32 s0, $0xFFFFFFFF  }
.Ltmp36:
0x2ab: {  	_ = 	snop;
	(pc) =	sbr.rel @p1 .LBB3_39-.Ltmp36, $1  }
0x2ac: {  	_ =	sdelay $0x3  }
0x2ad: {  	p1 =	slt.s32 s6, $0x1  }
.Ltmp37:
0x2ae: {  	_ = 	snop;
	(pc) =	sbr.rel @p1 .LBB3_38-.Ltmp37, $1  }
0x2af: {  	_ =	sdelay $0x3  }
0x2b0: {  	s4 =	simm.s32 $0xE418;
	p1 =	por $0x0, $0x0  }
0x2b1: {  	v1 =	vld.msk @!p1 [tilespmem:s4+$0x0], $0x1;
	_ =	sdelay $0x4  }
0x2b2: {  	(v2sf) =	vpush @!p1 v1, $0x0;
	_ =	sdelay $0xd  }
0x2b3: {  	p3 =	sne.s32 s6, $0x1  }
.Ltmp38:
0x2b4: {  	s2 =	spop @!p1 (v2sf);
	(pc) =	sbr.rel @!p3 .LBB3_36-.Ltmp38, $4  }
0x2b5: {  	p2 =	seq.s32 @!p1 s0, s2  }
0x2b6: {  	s5 =	simm.s32 $0x0;
	p2 =	por !p2, p1  }
0x2b7: {  	s2 =	simm.s32 $0xFFFFFFFF;
	s5 =	simm.s32 @p2 $0xFFFFFFFF  }
0x2b8: {  	s13 =	simm.s32 $0x1;
	s5 =	smov.u32 @p1 s2  }
.LBB3_35:
0x2b9: {  	s2 =	smov.u32 s5;
	p1 =	sne.s32 s5, $0xFFFFFFFF  }
0x2ba: {  	s4 =	sadd.s32 $0x1, s4;
	s5 =	smov.u32 s13;
	s13 =	sadd.s32 $0x1, s13  }
0x2bb: {  	p2 =	sne.s32 s6, s13;
	v1 =	vld.msk @!p1 [tilespmem:s4+$0x0], $0x1;
	_ =	sdelay $0x4  }
0x2bc: {  	(v2sf) =	vpush @!p1 v1, $0x0;
	_ =	sdelay $0xe  }
.Ltmp39:
0x2bd: {  	s3 =	spop @!p1 (v2sf);
	(pc) =	sbr.rel @p2 .LBB3_35-.Ltmp39, $4  }
0x2be: {  	p3 =	seq.s32 @!p1 s0, s3  }
0x2bf: {  	p3 =	por !p3, p1  }
0x2c0: {  	s5 =	simm.s32 @p3 $0xFFFFFFFF  }
0x2c1: {  	s5 =	smov.u32 @p1 s2  }
.LBB3_36:
0x2c2: {  	p1 =	seq.s32 s5, $0xFFFFFFFF  }
.Ltmp40:
0x2c3: {  	_ = 	snop;
	(pc) =	sbr.rel @p1 .LBB3_38-.Ltmp40, $1  }
0x2c4: {  	_ =	sdelay $0x3  }
0x2c5: {  	s0 =	sshll.u32 s12, $0x8  }
0x2c6: {  	s0 =	sand.u32 $0x3FFFFF00, s0  }
0x2c7: {  	v0 =	vld [tilespmem:s0+$0xE438];
	_ =	sdelay $0x2  }
0x2c8: {  	s2 =	sshll.u32 s5, $0xA  }
0x2c9: {  	s2 =	sshra.s32 s2, $0x2  }
0x2ca: {  	[tilespmem:s2+$0xE438] =	vst.add.f32.msk $0xffff, v0  }
0x2cb: {  	v0 =	vld [tilespmem:s0+$0xE448];
	_ =	sdelay $0x4  }
0x2cc: {  	[tilespmem:s2+$0xE448] =	vst.add.f32.msk $0xffff, v0  }
0x2cd: {  	v0 =	vld [tilespmem:s0+$0xE458];
	_ =	sdelay $0x4  }
0x2ce: {  	[tilespmem:s2+$0xE458] =	vst.add.f32.msk $0xffff, v0  }
0x2cf: {  	v0 =	vld [tilespmem:s0+$0xE468];
	_ =	sdelay $0x4  }
0x2d0: {  	[tilespmem:s2+$0xE468] =	vst.add.f32.msk $0xffff, v0  }
0x2d1: {  	v0 =	vld [tilespmem:s0+$0xE478];
	_ =	sdelay $0x4  }
0x2d2: {  	[tilespmem:s2+$0xE478] =	vst.add.f32.msk $0xffff, v0  }
0x2d3: {  	v0 =	vld [tilespmem:s0+$0xE488];
	_ =	sdelay $0x4  }
0x2d4: {  	[tilespmem:s2+$0xE488] =	vst.add.f32.msk $0xffff, v0  }
0x2d5: {  	v0 =	vld [tilespmem:s0+$0xE498];
	_ =	sdelay $0x4  }
0x2d6: {  	[tilespmem:s2+$0xE498] =	vst.add.f32.msk $0xffff, v0  }
0x2d7: {  	v0 =	vld [tilespmem:s0+$0xE4A8];
	_ =	sdelay $0x4  }
0x2d8: {  	[tilespmem:s2+$0xE4A8] =	vst.add.f32.msk $0xffff, v0  }
0x2d9: {  	v0 =	vld [tilespmem:s0+$0xE4B8];
	_ =	sdelay $0x4  }
0x2da: {  	[tilespmem:s2+$0xE4B8] =	vst.add.f32.msk $0xffff, v0  }
0x2db: {  	v0 =	vld [tilespmem:s0+$0xE4C8];
	_ =	sdelay $0x4  }
0x2dc: {  	[tilespmem:s2+$0xE4C8] =	vst.add.f32.msk $0xffff, v0  }
0x2dd: {  	v0 =	vld [tilespmem:s0+$0xE4D8];
	_ =	sdelay $0x4  }
0x2de: {  	[tilespmem:s2+$0xE4D8] =	vst.add.f32.msk $0xffff, v0  }
0x2df: {  	v0 =	vld [tilespmem:s0+$0xE4E8];
	_ =	sdelay $0x4  }
0x2e0: {  	[tilespmem:s2+$0xE4E8] =	vst.add.f32.msk $0xffff, v0  }
0x2e1: {  	v0 =	vld [tilespmem:s0+$0xE4F8];
	_ =	sdelay $0x4  }
0x2e2: {  	[tilespmem:s2+$0xE4F8] =	vst.add.f32.msk $0xffff, v0  }
0x2e3: {  	v0 =	vld [tilespmem:s0+$0xE508];
	_ =	sdelay $0x4  }
0x2e4: {  	[tilespmem:s2+$0xE508] =	vst.add.f32.msk $0xffff, v0  }
0x2e5: {  	v0 =	vld [tilespmem:s0+$0xE518];
	_ =	sdelay $0x4  }
0x2e6: {  	[tilespmem:s2+$0xE518] =	vst.add.f32.msk $0xffff, v0  }
0x2e7: {  	v0 =	vld [tilespmem:s0+$0xE528]  }
.Ltmp41:
0x2e8: {  	_ = 	snop;
	(pc) =	sbr.rel .LBB3_39-.Ltmp41, $2  }
0x2e9: {  	_ =	sdelay $0x2  }
0x2ea: {  	[tilespmem:s2+$0xE528] =	vst.add.f32.msk $0xffff, v0  }
.LBB3_40:
0x2eb: {  	s0 =	simm.s32 $0x6;
	p1 =	seq.s32 s6, $0x0  }
0x2ec: {  	[sflag:s0] =	ssyncpa.u1 $0x1;
	v0 =	vimm.s32 @p1 $0xFFFFFFFF  }
0x2ed: {  	s0 =	sadd.s32 $0xFFFFFFFF, s6;
	[tilespmem:$0x10438] =	vst @p1 v0  }
0x2ee: {  	v0 =	vld.msk @!p1 [tilespmem:s0+$0xE418], $0x1;
	_ =	sdelay $0x1  }
0x2ef: {  	v1 =	vld.msk @!p1 [tilespmem:$0xE418], $0x1;
	_ =	sdelay $0x2  }
0x2f0: {  	p2 =	seq.s32 @!p1 s0, $0x0;
	v0 =	vbroadcast @!p1 v0, $0x0  }
0x2f1: {  	vm0 =	vmmov @!p1 $0x1;
	p2 =	por !p2, p1  }
0x2f2: {  	v1 =	vnsel @!p1 vm0, $0xFFFFFFFF, v1;
	vm0 =	vcmask @!p1 $0x308;
	v0 =	vpsel !p2, $0xFFFFFFFF, v0  }
0x2f3: {  	p2 =	sne.s32 @!p1 s8, s7;
	v0 =	vsel @!p1 vm0, v1, v0  }
0x2f4: {  	s2 =	simm.s32 @!p1 $0xE438;
	s3 =	simm.s32 @!p1 $0x0;
	p3 =	por !p2, p1;
	[tilespmem:$0x10438] =	vst @!p1 v0  }
0x2f5: {  	[spmem:s3] =	stream.linear.scatter @!p1 [tilespmem:s2], [sflag:$0x1], $0x100, $0x38;
	[tilespmem:$0x1E678] =	vst v63  }
0x2f6: {  	s2 =	sshll.u32 @!p3 s0, $0xA  }
0x2f7: {  	s2 =	sshra.s32 @!p3 s2, $0x2  }
0x2f8: {  	s3 =	simm.s32 @!p3 $0x100;
	s2 =	sadd.s32 @!p3 $0xE438, s2  }
0x2f9: {  	[spmem:s3] =	stream.linear.scatter @!p3 [tilespmem:s2], [sflag:$0x1], $0x100, $0x38;
	[tilespmem:$0x1E678] =	vst v63  }
0x2fa: {  	s2 =	simm.s32 @!p3 $0x1  }
0x2fb: {  	_ =	swait.ge @!p3 [sflag:s2], $0x200  }
0x2fc: {  	p1 =	por p2, p1;
	[sflag:s2] =	ssyncset.done @!p3 $0x0  }
0x2fd: {  	[sflag:s2] =	ssyncadd.s32 @!p3 $0xFFFFFE00;
	s2 =	simm.s32 @!p1 $0x1  }
0x2fe: {  	_ =	swait.ge @!p1 [sflag:s2], $0x100  }
0x2ff: {  	s29 =	simm.s32 $0x10438;
	[sflag:s2] =	ssyncset.done @!p1 $0x0  }
0x300: {  	s30 =	simm.s32 $0x2000;
	s31 =	simm.s32 $0x1;
	[sflag:s2] =	ssyncadd.s32 @!p1 $0xFFFFFF00  }
0x301: {  	[spmem:s30] =	stream.linear.scatter [tilespmem:s29], [sflag:$0x1], $0x10, $0x38;
	[tilespmem:$0x1E678] =	vst v63  }
0x302: {  	_ =	swait.ge [sflag:s31], $0x10  }
0x303: {  	[sflag:s31] =	ssyncset.done $0x0  }
0x304: {  	p1 =	seq.s32 s14, $0x0;
	s9 =	rddreg [dreg:$0x1];
	[sflag:s31] =	ssyncadd.s32 $0xFFFFFFF0  }
0x305: {  	s3 =	sshll.u32 @p1 s9, $0xE;
	s8 =	rddreg [dreg:$0x2]  }
0x306: {  	s2 =	sadd.s32 @p1 $0x15C3C, s3;
	s3 =	sshll.u32 @p1 s8, $0x11  }
0x307: {  	_ =	sfence.stream.spmem;
	s2 =	sor.u32 @p1 s3, s2  }
0x308: {  	[sflag:s2] =	ssyncadd.remote.s32 @p1 $0x1;
	s2 =	simm.s32 @p1 $0x4  }
0x309: {  	s4 =	simm.s32 @!p1 $0x3C;
	s3 =	sand.u32 $0xFFFFFFFE, s9;
	_ =	swait.ge @p1 [sflag:s2], $0x42  }
0x30a: {  	s5 =	simm.s32 @!p1 $0x0;
	s3 =	sadd.s32 @!p1 $0x4, s3;
	[sflag:s2] =	ssyncset.done @p1 $0x0  }
0x30b: {  	s7 =	simm.s32 @!p1 $0x200;
	[sflag:s2] =	ssyncadd.s32 @p1 $0xFFFFFFBE;
	s2 =	sshll.u32 @!p1 s3, $0x1A  }
0x30c: {  	s3 =	sshll.u32 @!p1 s3, $0xD;
	s2 =	sor.u32 @!p1 s2, s8;
	_ =	swait.eq @!p1 [sflag:s4], $0x1  }
0x30d: {  	s3 =	sor.u32 @!p1 $0x1C04, s3;
	s4 =	simm.s32 @!p1 $0x1C03;
	s2 =	sor.u32 @!p1 $0x80004000, s2  }
0x30e: {  	[spmem:s7], [sflag:s3] =	dma.general @!p1 [spmem:s5], [sflag:s4], length:$0x40, [dreg:$0x0], stride_count:$0x0, ici_dest:s2, dma_misc:DstOpCode:WRITE  }
0x30f: {  	p2 =	slt.s32 s0, $0x2;
	s5 =	simm.s32 @!p1 $0x400;
	s7 =	simm.s32 @!p1 $0x402  }
0x310: {  	[spmem:s7], [sflag:s3] =	dma.general @!p1 [spmem:s5], [sflag:s4], length:$0x2, [dreg:$0x0], stride_count:$0x0, ici_dest:s2, dma_misc:DstOpCode:WRITE  }
.Ltmp42:
0x311: {  	s2 =	simm.s32 @!p1 $0x3;
	(pc) =	sbr.rel @p2 .LBB3_44-.Ltmp42, $4  }
0x312: {  	s3 =	sshll.u32 @!p1 s9, $0xE;
	_ =	swait.ge @!p1 [sflag:s2], $0x42  }
0x313: {  	s4 =	sshll.u32 @!p1 s8, $0x11;
	s3 =	sadd.s32 @!p1 $0x11C3C, s3;
	[sflag:s2] =	ssyncset.done @!p1 $0x0  }
0x314: {  	[sflag:s2] =	ssyncadd.s32 @!p1 $0xFFFFFFBE;
	s2 =	sor.u32 @!p1 s4, s3  }
0x315: {  	s0 =	simm.s32 $0x0;
	[sflag:s2] =	ssyncadd.remote.s32 @!p1 $0xFFFFFFFF  }
0x316: {  	s0 =	simm.s32 $0xE419  }
0x317: {  	v0 =	vld.msk [tilespmem:s0+$0x0], $0x1;
	_ =	sdelay $0x4  }
0x318: {  	(v2sf) =	vpush v0, $0x0;
	_ =	sdelay $0xd  }
0x319: {  	s31 =	sadd.s32 $0xFFFFFFFE, s6  }
0x31a: {  	s6 =	simm.s32 $0x0;
	s0 =	sadd.s32 $0xFFFFFFFF, s31;
	s2 =	spop (v2sf)  }
0x31b: {  	s3 =	simm.s32 $0xE538;
	p1 =	sne.s32 s0, $0x0;
	p2 =	sgt.u32 s2, $0x4E170  }
.Ltmp43:
0x31c: {  	s4 =	simm.s32 $0xE638;
	s5 =	sand.u32 @!p2 $0x7FFF8, s2;
	(pc) =	sbr.rel @!p1 .LBB3_43-.Ltmp43, $4  }
0x31d: {  	s7 =	sadd.s32 @!p2 $0x80, s2;
	s2 =	sand.u32 @!p2 $0x7, s2;
	s6 =	simm.s32 @!p2 $0x400  }
0x31e: {  	s5 =	sadd.s32 @!p2 s1, s5;
	s7 =	sand.u32 @!p2 $0xFFFF8, s7;
	s6 =	sadd.s32 $0x0, s6  }
0x31f: {  	[hbm4b:s5+s2] =	stream.linear.scatter @!p2 [tilespmem:s3], [sflag:$0x5], $0x80, $0x38;
	[tilespmem:$0x1E678] =	vst v63  }
0x320: {  	s5 =	simm.s32 $0xE41A;
	s3 =	simm.s32 @!p2 $0xE5B8;
	s7 =	sadd.s32 @!p2 s1, s7  }
.LBB3_42:
0x321: {  	[hbm4b:s7+s2] =	stream.linear.scatter @!p2 [tilespmem:s3], [sflag:$0x5], $0x80, $0x38;
	[tilespmem:$0x1E678] =	vst v63  }
0x322: {  	s0 =	sadd.s32 $0xFFFFFFFF, s0;
	s3 =	smov.u32 s4;
	v0 =	vld.msk [tilespmem:s5+$0x0], $0x1  }
0x323: {  	p1 =	sne.s32 s0, $0x0;
	_ =	sdelay $0x3  }
0x324: {  	(v2sf) =	vpush v0, $0x0;
	_ =	sdelay $0xe  }
0x325: {  	s4 =	sadd.s32 $0x100, s4;
	s8 =	simm.s32 $0x0;
	s2 =	spop (v2sf)  }
.Ltmp44:
0x326: {  	s5 =	sadd.s32 $0x1, s5;
	p2 =	sgt.u32 s2, $0x4E170;
	(pc) =	sbr.rel @p1 .LBB3_42-.Ltmp44, $4  }
0x327: {  	s8 =	simm.s32 @!p2 $0x400;
	s7 =	sand.u32 @!p2 $0x7FFF8, s2;
	s9 =	sadd.s32 @!p2 $0x80, s2  }
0x328: {  	s2 =	sand.u32 @!p2 $0x7, s2;
	s7 =	sadd.s32 @!p2 s1, s7;
	s9 =	sand.u32 @!p2 $0xFFFF8, s9  }
0x329: {  	[hbm4b:s7+s2] =	stream.linear.scatter @!p2 [tilespmem:s3], [sflag:$0x5], $0x80, $0x38;
	[tilespmem:$0x1E678] =	vst v63  }
0x32a: {  	s6 =	sadd.s32 s6, s8;
	s3 =	sadd.s32 @!p2 $0x80, s3;
	s7 =	sadd.s32 @!p2 s1, s9  }
.LBB3_43:
0x32b: {  	[hbm4b:s7+s2] =	stream.linear.scatter @!p2 [tilespmem:s3], [sflag:$0x5], $0x80, $0x38;
	[tilespmem:$0x1E678] =	vst v63  }
0x32c: {  	s0 =	sshrl.u32 s6, $0x2  }
.LBB3_44:
0x32d: {  	s2 =	simm.s32 $0x5  }
0x32e: {  	_ =	swait.ge [sflag:s2], s0  }
0x32f: {  	s31 =	ssub.s32 $0x0, s0;
	[sflag:s2] =	ssyncset.done $0x0  }
0x330: {  	[sflag:s2] =	ssyncadd.s32 s31  }
0x331: {  	[sflag:s2] =	ssyncpa.u1 $0x1  }
.LBB3_45:
0x332: {  	s0 =	sor.u32 s14, s15  }
0x333: {  	p1 =	sne.s32 s0, $0x0  }
.Ltmp45:
0x334: {  	_ = 	snop;
	(pc) =	sbr.rel @p1 .LBB3_60-.Ltmp45, $3  }
0x335: {  	_ =	sdelay $0x1  }
0x336: {  	[bflag:$0x0] =	sbarrier.arrive $0xFFFF  }
0x337: {  	_ =	sfence  }
0x338: {  	s0 =	simm.s32 $0x7  }
0x339: {  	s2 =	simm.s32 $0x2000;
	s3 =	simm.s32 $0xE418;
	[sflag:s0] =	ssyncpa.u1 $0x0  }
0x33a: {  	[tilespmem:s3], [sflag:$0x7] =	stream.linear.gather [spmem:s2], $0x20, $0x38;
	[tilespmem:$0x1E678] =	vst v63  }
0x33b: {  	s30 =	simm.s32 $0xE438;
	s2 =	simm.s32 $0x0  }
0x33c: {  	[tilespmem:s30], [sflag:$0x7] =	stream.linear.gather [spmem:s2], $0x2000, $0x38;
	[tilespmem:$0x1E678] =	vst v63  }
.Ltmp46:
0x33d: {  	_ = 	snop;
	(pc) =	sbr.rel .LBB3_47-.Ltmp46, $4  }
0x33e: {  	_ =	swait.ge [sflag:s0], $0x2020  }
0x33f: {  	[sflag:s0] =	ssyncset.done $0x0  }
0x340: {  	s31 =	simm.s32 $0x8;
	[sflag:s0] =	ssyncadd.s32 $0xFFFFDFE0  }
0x341: {  	s3 =	simm.s32 $0x0;
	[sflag:s31] =	ssyncpa.u1 $0x0  }
.LBB3_53:
0x342: {  	p1 =	slt.u32 s0, $0x4E171  }
0x343: {  	s4 =	sand.u32 @p1 $0x7FFF8, s0;
	s5 =	sand.u32 @p1 $0x7, s0;
	s0 =	sadd.s32 @p1 $0x80, s0  }
0x344: {  	s6 =	simm.s32 @p1 $0xE308;
	s4 =	sadd.s32 @p1 s1, s4;
	s0 =	sand.u32 @p1 $0xFFFF8, s0  }
0x345: {  	[tilespmem:s6], [sflag:$0x8] =	stream.linear.gather @p1 [hbm4b:s4+s5], $0x80, $0x38;
	[tilespmem:$0x1E678] =	vst v63  }
0x346: {  	s0 =	sadd.s32 @p1 s1, s0;
	s4 =	simm.s32 @p1 $0xE388  }
0x347: {  	[tilespmem:s4], [sflag:$0x8] =	stream.linear.gather @p1 [hbm4b:s0+s5], $0x80, $0x38;
	[tilespmem:$0x1E678] =	vst v63  }
0x348: {  	s0 =	simm.s32 @p1 $0x8  }
0x349: {  	_ =	swait.ge @p1 [sflag:s0], $0x100  }
0x34a: {  	[sflag:s0] =	ssyncset.done @p1 $0x0  }
0x34b: {  	[sflag:s0] =	ssyncadd.s32 @p1 $0xFFFFFF00  }
0x34c: {  	v1 =	vld @p1 [tilespmem:$0xE308];
	_ =	sdelay $0x2  }
0x34d: {  	s0 =	sshll.u32 @p1 s3, $0xA  }
0x34e: {  	s4 =	sshrl.u32 @p1 s0, $0x2  }
0x34f: {  	[tilespmem:s4+$0xE438] =	vst.add.f32.msk @p1 $0xffff, v1  }
0x350: {  	v1 =	vld @p1 [tilespmem:$0xE318];
	_ =	sdelay $0x4  }
0x351: {  	[tilespmem:s4+$0xE448] =	vst.add.f32.msk @p1 $0xffff, v1  }
0x352: {  	v1 =	vld @p1 [tilespmem:$0xE328];
	_ =	sdelay $0x4  }
0x353: {  	[tilespmem:s4+$0xE458] =	vst.add.f32.msk @p1 $0xffff, v1  }
0x354: {  	v1 =	vld @p1 [tilespmem:$0xE338];
	_ =	sdelay $0x4  }
0x355: {  	[tilespmem:s4+$0xE468] =	vst.add.f32.msk @p1 $0xffff, v1  }
0x356: {  	v1 =	vld @p1 [tilespmem:$0xE348];
	_ =	sdelay $0x4  }
0x357: {  	[tilespmem:s4+$0xE478] =	vst.add.f32.msk @p1 $0xffff, v1  }
0x358: {  	v1 =	vld @p1 [tilespmem:$0xE358];
	_ =	sdelay $0x4  }
0x359: {  	[tilespmem:s4+$0xE488] =	vst.add.f32.msk @p1 $0xffff, v1  }
0x35a: {  	v1 =	vld @p1 [tilespmem:$0xE368];
	_ =	sdelay $0x4  }
0x35b: {  	[tilespmem:s4+$0xE498] =	vst.add.f32.msk @p1 $0xffff, v1  }
0x35c: {  	v1 =	vld @p1 [tilespmem:$0xE378];
	_ =	sdelay $0x4  }
0x35d: {  	[tilespmem:s4+$0xE4A8] =	vst.add.f32.msk @p1 $0xffff, v1  }
0x35e: {  	v1 =	vld @p1 [tilespmem:$0xE388];
	_ =	sdelay $0x4  }
0x35f: {  	[tilespmem:s4+$0xE4B8] =	vst.add.f32.msk @p1 $0xffff, v1  }
0x360: {  	v1 =	vld @p1 [tilespmem:$0xE398];
	_ =	sdelay $0x4  }
0x361: {  	[tilespmem:s4+$0xE4C8] =	vst.add.f32.msk @p1 $0xffff, v1  }
0x362: {  	v1 =	vld @p1 [tilespmem:$0xE3A8];
	_ =	sdelay $0x4  }
0x363: {  	[tilespmem:s4+$0xE4D8] =	vst.add.f32.msk @p1 $0xffff, v1  }
0x364: {  	v1 =	vld @p1 [tilespmem:$0xE3B8];
	_ =	sdelay $0x4  }
0x365: {  	[tilespmem:s4+$0xE4E8] =	vst.add.f32.msk @p1 $0xffff, v1  }
0x366: {  	v1 =	vld @p1 [tilespmem:$0xE3C8];
	_ =	sdelay $0x4  }
0x367: {  	[tilespmem:s4+$0xE4F8] =	vst.add.f32.msk @p1 $0xffff, v1  }
0x368: {  	v1 =	vld @p1 [tilespmem:$0xE3D8];
	_ =	sdelay $0x4  }
0x369: {  	[tilespmem:s4+$0xE508] =	vst.add.f32.msk @p1 $0xffff, v1  }
0x36a: {  	v1 =	vld @p1 [tilespmem:$0xE3E8];
	_ =	sdelay $0x4  }
0x36b: {  	[tilespmem:s4+$0xE518] =	vst.add.f32.msk @p1 $0xffff, v1  }
0x36c: {  	v1 =	vld @p1 [tilespmem:$0xE3F8];
	_ =	sdelay $0x3  }
0x36d: {  	s5 =	sshll.u32 @!p1 s3, $0xA  }
0x36e: {  	s5 =	smov.u32 @p1 s0;
	[tilespmem:s4+$0xE528] =	vst.add.f32.msk @p1 $0xffff, v1  }
0x36f: {  	s0 =	sshrl.u32 s5, $0x2;
	[tilespmem:s2+$0xE418] =	vst.msk $0x1, v0  }
0x370: {  	v0 =	vld [tilespmem:s0+$0xE438];
	_ =	sdelay $0x2  }
0x371: {  	s31 =	sshll.u32 s2, $0xA  }
0x372: {  	s4 =	sshra.s32 s31, $0x2  }
0x373: {  	[tilespmem:s4+$0xE438] =	vst v0  }
0x374: {  	v0 =	vld [tilespmem:s0+$0xE448];
	_ =	sdelay $0x4  }
0x375: {  	[tilespmem:s4+$0xE448] =	vst v0  }
0x376: {  	v0 =	vld [tilespmem:s0+$0xE458];
	_ =	sdelay $0x4  }
0x377: {  	[tilespmem:s4+$0xE458] =	vst v0  }
0x378: {  	v0 =	vld [tilespmem:s0+$0xE468];
	_ =	sdelay $0x4  }
0x379: {  	[tilespmem:s4+$0xE468] =	vst v0  }
0x37a: {  	v0 =	vld [tilespmem:s0+$0xE478];
	_ =	sdelay $0x4  }
0x37b: {  	[tilespmem:s4+$0xE478] =	vst v0  }
0x37c: {  	v0 =	vld [tilespmem:s0+$0xE488];
	_ =	sdelay $0x4  }
0x37d: {  	[tilespmem:s4+$0xE488] =	vst v0  }
0x37e: {  	v0 =	vld [tilespmem:s0+$0xE498];
	_ =	sdelay $0x4  }
0x37f: {  	[tilespmem:s4+$0xE498] =	vst v0  }
0x380: {  	v0 =	vld [tilespmem:s0+$0xE4A8];
	_ =	sdelay $0x4  }
0x381: {  	[tilespmem:s4+$0xE4A8] =	vst v0  }
0x382: {  	v0 =	vld [tilespmem:s0+$0xE4B8];
	_ =	sdelay $0x4  }
0x383: {  	[tilespmem:s4+$0xE4B8] =	vst v0  }
0x384: {  	v0 =	vld [tilespmem:s0+$0xE4C8];
	_ =	sdelay $0x4  }
0x385: {  	[tilespmem:s4+$0xE4C8] =	vst v0  }
0x386: {  	v0 =	vld [tilespmem:s0+$0xE4D8];
	_ =	sdelay $0x4  }
0x387: {  	[tilespmem:s4+$0xE4D8] =	vst v0  }
0x388: {  	v0 =	vld [tilespmem:s0+$0xE4E8];
	_ =	sdelay $0x4  }
0x389: {  	[tilespmem:s4+$0xE4E8] =	vst v0  }
0x38a: {  	v0 =	vld [tilespmem:s0+$0xE4F8];
	_ =	sdelay $0x4  }
0x38b: {  	[tilespmem:s4+$0xE4F8] =	vst v0  }
0x38c: {  	v0 =	vld [tilespmem:s0+$0xE508];
	_ =	sdelay $0x4  }
0x38d: {  	[tilespmem:s4+$0xE508] =	vst v0  }
0x38e: {  	v0 =	vld [tilespmem:s0+$0xE518];
	_ =	sdelay $0x4  }
0x38f: {  	[tilespmem:s4+$0xE518] =	vst v0  }
0x390: {  	v0 =	vld [tilespmem:s0+$0xE528];
	_ =	sdelay $0x4  }
0x391: {  	s2 =	sadd.s32 $0x1, s2;
	[tilespmem:s4+$0xE528] =	vst v0  }
.LBB3_54:
0x392: {  	s3 =	sadd.s32 $0x1, s3  }
0x393: {  	p1 =	sne.s32 s3, $0x20  }
.Ltmp47:
0x394: {  	_ = 	snop;
	(pc) =	sbr.rel @!p1 .LBB3_55-.Ltmp47, $1  }
0x395: {  	_ =	sdelay $0x3  }
.LBB3_47:
0x396: {  	v0 =	vld.msk [tilespmem:s3+$0xE418], $0x1;
	_ =	sdelay $0x4  }
0x397: {  	(v2sf) =	vpush v0, $0x0;
	_ =	sdelay $0xe  }
0x398: {  	s0 =	spop (v2sf)  }
0x399: {  	p1 =	seq.s32 s0, $0xFFFFFFFF  }
.Ltmp48:
0x39a: {  	_ = 	snop;
	(pc) =	sbr.rel @p1 .LBB3_54-.Ltmp48, $1  }
0x39b: {  	_ =	sdelay $0x3  }
0x39c: {  	p1 =	slt.s32 s2, $0x1  }
.Ltmp49:
0x39d: {  	_ = 	snop;
	(pc) =	sbr.rel @p1 .LBB3_53-.Ltmp49, $1  }
0x39e: {  	_ =	sdelay $0x3  }
0x39f: {  	s4 =	simm.s32 $0xE418;
	p1 =	por $0x0, $0x0  }
0x3a0: {  	v1 =	vld.msk @!p1 [tilespmem:s4+$0x0], $0x1;
	_ =	sdelay $0x4  }
0x3a1: {  	(v2sf) =	vpush @!p1 v1, $0x0;
	_ =	sdelay $0xd  }
0x3a2: {  	p3 =	sne.s32 s2, $0x1  }
.Ltmp50:
0x3a3: {  	s5 =	spop @!p1 (v2sf);
	(pc) =	sbr.rel @!p3 .LBB3_51-.Ltmp50, $4  }
0x3a4: {  	p2 =	seq.s32 @!p1 s0, s5  }
0x3a5: {  	s5 =	simm.s32 $0x0;
	p2 =	por !p2, p1  }
0x3a6: {  	s7 =	simm.s32 $0xFFFFFFFF;
	s5 =	simm.s32 @p2 $0xFFFFFFFF  }
0x3a7: {  	s6 =	simm.s32 $0x1;
	s5 =	smov.u32 @p1 s7  }
.LBB3_50:
0x3a8: {  	s7 =	smov.u32 s5;
	p1 =	sne.s32 s5, $0xFFFFFFFF  }
0x3a9: {  	s4 =	sadd.s32 $0x1, s4;
	s5 =	smov.u32 s6;
	s6 =	sadd.s32 $0x1, s6  }
0x3aa: {  	p2 =	sne.s32 s2, s6;
	v1 =	vld.msk @!p1 [tilespmem:s4+$0x0], $0x1;
	_ =	sdelay $0x4  }
0x3ab: {  	(v2sf) =	vpush @!p1 v1, $0x0;
	_ =	sdelay $0xe  }
.Ltmp51:
0x3ac: {  	s8 =	spop @!p1 (v2sf);
	(pc) =	sbr.rel @p2 .LBB3_50-.Ltmp51, $4  }
0x3ad: {  	p3 =	seq.s32 @!p1 s0, s8  }
0x3ae: {  	p3 =	por !p3, p1  }
0x3af: {  	s5 =	simm.s32 @p3 $0xFFFFFFFF  }
0x3b0: {  	s5 =	smov.u32 @p1 s7  }
.LBB3_51:
0x3b1: {  	p1 =	seq.s32 s5, $0xFFFFFFFF  }
.Ltmp52:
0x3b2: {  	_ = 	snop;
	(pc) =	sbr.rel @p1 .LBB3_53-.Ltmp52, $1  }
0x3b3: {  	_ =	sdelay $0x3  }
0x3b4: {  	s0 =	sshll.u32 s3, $0x8  }
0x3b5: {  	s0 =	sand.u32 $0x3FFFFF00, s0  }
0x3b6: {  	v0 =	vld [tilespmem:s0+$0xE438];
	_ =	sdelay $0x2  }
0x3b7: {  	s4 =	sshll.u32 s5, $0xA  }
0x3b8: {  	s4 =	sshra.s32 s4, $0x2  }
0x3b9: {  	[tilespmem:s4+$0xE438] =	vst.add.f32.msk $0xffff, v0  }
0x3ba: {  	v0 =	vld [tilespmem:s0+$0xE448];
	_ =	sdelay $0x4  }
0x3bb: {  	[tilespmem:s4+$0xE448] =	vst.add.f32.msk $0xffff, v0  }
0x3bc: {  	v0 =	vld [tilespmem:s0+$0xE458];
	_ =	sdelay $0x4  }
0x3bd: {  	[tilespmem:s4+$0xE458] =	vst.add.f32.msk $0xffff, v0  }
0x3be: {  	v0 =	vld [tilespmem:s0+$0xE468];
	_ =	sdelay $0x4  }
0x3bf: {  	[tilespmem:s4+$0xE468] =	vst.add.f32.msk $0xffff, v0  }
0x3c0: {  	v0 =	vld [tilespmem:s0+$0xE478];
	_ =	sdelay $0x4  }
0x3c1: {  	[tilespmem:s4+$0xE478] =	vst.add.f32.msk $0xffff, v0  }
0x3c2: {  	v0 =	vld [tilespmem:s0+$0xE488];
	_ =	sdelay $0x4  }
0x3c3: {  	[tilespmem:s4+$0xE488] =	vst.add.f32.msk $0xffff, v0  }
0x3c4: {  	v0 =	vld [tilespmem:s0+$0xE498];
	_ =	sdelay $0x4  }
0x3c5: {  	[tilespmem:s4+$0xE498] =	vst.add.f32.msk $0xffff, v0  }
0x3c6: {  	v0 =	vld [tilespmem:s0+$0xE4A8];
	_ =	sdelay $0x4  }
0x3c7: {  	[tilespmem:s4+$0xE4A8] =	vst.add.f32.msk $0xffff, v0  }
0x3c8: {  	v0 =	vld [tilespmem:s0+$0xE4B8];
	_ =	sdelay $0x4  }
0x3c9: {  	[tilespmem:s4+$0xE4B8] =	vst.add.f32.msk $0xffff, v0  }
0x3ca: {  	v0 =	vld [tilespmem:s0+$0xE4C8];
	_ =	sdelay $0x4  }
0x3cb: {  	[tilespmem:s4+$0xE4C8] =	vst.add.f32.msk $0xffff, v0  }
0x3cc: {  	v0 =	vld [tilespmem:s0+$0xE4D8];
	_ =	sdelay $0x4  }
0x3cd: {  	[tilespmem:s4+$0xE4D8] =	vst.add.f32.msk $0xffff, v0  }
0x3ce: {  	v0 =	vld [tilespmem:s0+$0xE4E8];
	_ =	sdelay $0x4  }
0x3cf: {  	[tilespmem:s4+$0xE4E8] =	vst.add.f32.msk $0xffff, v0  }
0x3d0: {  	v0 =	vld [tilespmem:s0+$0xE4F8];
	_ =	sdelay $0x4  }
0x3d1: {  	[tilespmem:s4+$0xE4F8] =	vst.add.f32.msk $0xffff, v0  }
0x3d2: {  	v0 =	vld [tilespmem:s0+$0xE508];
	_ =	sdelay $0x4  }
0x3d3: {  	[tilespmem:s4+$0xE508] =	vst.add.f32.msk $0xffff, v0  }
0x3d4: {  	v0 =	vld [tilespmem:s0+$0xE518];
	_ =	sdelay $0x4  }
0x3d5: {  	[tilespmem:s4+$0xE518] =	vst.add.f32.msk $0xffff, v0  }
0x3d6: {  	v0 =	vld [tilespmem:s0+$0xE528]  }
.Ltmp53:
0x3d7: {  	_ = 	snop;
	(pc) =	sbr.rel .LBB3_54-.Ltmp53, $2  }
0x3d8: {  	_ =	sdelay $0x2  }
0x3d9: {  	[tilespmem:s4+$0xE528] =	vst.add.f32.msk $0xffff, v0  }
.LBB3_55:
0x3da: {  	p1 =	slt.s32 s2, $0x1  }
.Ltmp54:
0x3db: {  	_ = 	snop;
	(pc) =	sbr.rel @p1 .LBB3_59-.Ltmp54, $3  }
0x3dc: {  	_ =	sdelay $0x1  }
0x3dd: {  	s0 =	simm.s32 $0x8  }
0x3de: {  	s4 =	simm.s32 $0x0;
	[sflag:s0] =	ssyncpa.u1 $0x1  }
0x3df: {  	s0 =	simm.s32 $0xE418  }
0x3e0: {  	v0 =	vld.msk [tilespmem:s0+$0x0], $0x1;
	_ =	sdelay $0x4  }
0x3e1: {  	(v2sf) =	vpush v0, $0x0;
	_ =	sdelay $0xe  }
0x3e2: {  	s0 =	sadd.s32 $0xFFFFFFFF, s2;
	s3 =	spop (v2sf)  }
0x3e3: {  	s6 =	simm.s32 $0xE438;
	p1 =	sne.s32 s0, $0x0;
	p2 =	sgt.u32 s3, $0x4E170  }
.Ltmp55:
0x3e4: {  	s2 =	simm.s32 $0xE538;
	s5 =	sand.u32 @!p2 $0x7FFF8, s3;
	(pc) =	sbr.rel @!p1 .LBB3_58-.Ltmp55, $4  }
0x3e5: {  	s7 =	sadd.s32 @!p2 $0x80, s3;
	s4 =	simm.s32 @!p2 $0x400;
	s8 =	sadd.s32 @!p2 s1, s5  }
0x3e6: {  	s5 =	sand.u32 @!p2 $0x7, s3;
	s3 =	simm.s32 $0xE419;
	s7 =	sand.u32 @!p2 $0xFFFF8, s7  }
0x3e7: {  	[hbm4b:s8+s5] =	stream.linear.scatter @!p2 [tilespmem:s6], [sflag:$0x7], $0x80, $0x38;
	[tilespmem:$0x1E678] =	vst v63  }
0x3e8: {  	s4 =	sadd.s32 $0x0, s4;
	s6 =	simm.s32 @!p2 $0xE4B8;
	s7 =	sadd.s32 @!p2 s1, s7  }
.LBB3_57:
0x3e9: {  	[hbm4b:s7+s5] =	stream.linear.scatter @!p2 [tilespmem:s6], [sflag:$0x7], $0x80, $0x38;
	[tilespmem:$0x1E678] =	vst v63  }
0x3ea: {  	s0 =	sadd.s32 $0xFFFFFFFF, s0;
	s6 =	smov.u32 s2;
	v0 =	vld.msk [tilespmem:s3+$0x0], $0x1  }
0x3eb: {  	p1 =	sne.s32 s0, $0x0;
	_ =	sdelay $0x3  }
0x3ec: {  	(v2sf) =	vpush v0, $0x0;
	_ =	sdelay $0xe  }
0x3ed: {  	s2 =	sadd.s32 $0x100, s2;
	s8 =	simm.s32 $0x0;
	s5 =	spop (v2sf)  }
.Ltmp56:
0x3ee: {  	s3 =	sadd.s32 $0x1, s3;
	p2 =	sgt.u32 s5, $0x4E170;
	(pc) =	sbr.rel @p1 .LBB3_57-.Ltmp56, $4  }
0x3ef: {  	s8 =	simm.s32 @!p2 $0x400;
	s7 =	sand.u32 @!p2 $0x7FFF8, s5;
	s9 =	sadd.s32 @!p2 $0x80, s5  }
0x3f0: {  	s5 =	sand.u32 @!p2 $0x7, s5;
	s7 =	sadd.s32 @!p2 s1, s7;
	s9 =	sand.u32 @!p2 $0xFFFF8, s9  }
0x3f1: {  	[hbm4b:s7+s5] =	stream.linear.scatter @!p2 [tilespmem:s6], [sflag:$0x7], $0x80, $0x38;
	[tilespmem:$0x1E678] =	vst v63  }
0x3f2: {  	s4 =	sadd.s32 s4, s8;
	s6 =	sadd.s32 @!p2 $0x80, s6;
	s7 =	sadd.s32 @!p2 s1, s9  }
.LBB3_58:
0x3f3: {  	[hbm4b:s7+s5] =	stream.linear.scatter @!p2 [tilespmem:s6], [sflag:$0x7], $0x80, $0x38;
	[tilespmem:$0x1E678] =	vst v63  }
0x3f4: {  	s4 =	sshrl.u32 s4, $0x2  }
.LBB3_59:
0x3f5: {  	s0 =	simm.s32 $0x7  }
0x3f6: {  	_ =	swait.ge [sflag:s0], s4  }
0x3f7: {  	s1 =	ssub.s32 $0x0, s4;
	[sflag:s0] =	ssyncset.done $0x0  }
0x3f8: {  	[sflag:s0] =	ssyncadd.s32 s1  }
0x3f9: {  	[sflag:s0] =	ssyncpa.u1 $0x1  }
.LBB3_60:
0x3fa: {  	_ =	sfence;
	s0 =	simm.s32 $0x1  }
0x3fb: {  	[sflag:s0] =	ssyncpa.u1 $0x1  }
0x3fc: {  	_ =	strace $0x90000056  }
0x3fd: {  	[bflag:$0x2] =	sbarrier.arrive $0xFFFF  }
0x3fe: {  	s0 =	rddreg [dreg:$0x3]  }
0x3ff: {  	s0 =	sadd.s32 @!p0 $0x100000, s0  }
0x400: {  	[sflag:s0] =	ssyncadd.tile.s32 @!p0 $0x1;
	_ =	shalt  }
.Lfunc_end3:
_tile_overlayer_lowered:
.L_overlay_start_3:
0x401: {  	(tag) =	ssettag $0x3  }
0x402: {  	s0 =	rddreg [dreg:$0x0];
	s2 =	stileid.u32  }
0x403: {  	s1 =	rddreg [dreg:$0x1];
	p0 =	sne.s32 s2, $0x0  }
0x404: {  	s3 =	rddreg [dreg:$0x2];
	[bflag:$0x3] =	sbarrier.arrive $0xFFFF;
	s2 =	simm.s32 @!p0 $0x1C01  }
0x405: {  	[timem:s3], [sflag:s2] =	dma.local @!p0 [hbm:s0], s1  }
0x406: {  	s0 =	simm.s32 @!p0 $0x1  }
0x407: {  	_ =	swait.ge @!p0 [sflag:s0], s1  }
0x408: {  	s1 =	ssub.s32 @!p0 $0x0, s1;
	[sflag:s0] =	ssyncset.done @!p0 $0x0  }
0x409: {  	[sflag:s0] =	ssyncadd.s32 @!p0 s1  }
0x40a: {  	[bflag:$0x3] =	sbarrier.arrive $0xFFFF  }
0x40b: {  	_ =	shalt  }

// kernel: scatter_offload_async_start.4
scs
__scs_entry_jumppad:
0x0: {  	(pc) =	sbr.rel $0x88, $3  }
0x1: {  	(tag) =	ssettag $0x0;
	lr =	simm.s32 $0x1  }
0x2: {  	[smem:$0x3F7A] =	sst lr;
	_ =	strace $0xD0000000  }
0x3: {  	_ = 	snop  }
0x4: {  	_ = 	snop  }
0x5: {  	_ = 	snop  }
0x6: {  	_ = 	snop  }
0x7: {  	_ = 	snop  }
__scs_overlays_trampoline_lowered:
0x8: {  	[smem:$0x3F89] =	sst s0  }
0x9: {  	[smem:$0x3F8A] =	sst s1  }
0xa: {  	[smem:$0x3F8B] =	sst s2  }
0xb: {  	[smem:$0x3F8C] =	sst s3  }
0xc: {  	[smem:$0x3F8D] =	sst s4  }
0xd: {  	[smem:$0x3F8E] =	sst s5  }
0xe: {  	[smem:$0x3F8F] =	sst s6  }
0xf: {  	[smem:$0x3F90] =	sst s7  }
0x10: {  	[smem:$0x3F91] =	sst s8  }
0x11: {  	[smem:$0x3F92] =	sst s9;
	s0 =	simm.s32 @!p0 $0x0  }
0x12: {  	s1 =	sld [smem:$0x3F78];
	s0 =	simm.s32 @p0 $0x1  }
0x13: {  	[smem:$0x3F93] =	sst s0;
	s0 =	simm.s32 @!p1 $0x0  }
0x14: {  	s2 =	sld [smem:$0x3F77];
	s0 =	simm.s32 @p1 $0x1  }
0x15: {  	[smem:$0x3F94] =	sst s0;
	s0 =	simm.s32 @!p2 $0x0  }
0x16: {  	s3 =	sld [smem:$0x3FDB];
	s0 =	simm.s32 @p2 $0x1  }
0x17: {  	s4 =	simm.s32 $0x1BF5;
	[smem:$0x3F96] =	sst s0  }
0x18: {  	s0 =	sld [smem:$0x3F79];
	_ =	swait.ge [sflag:s4], $0x0  }
0x19: {  	s7 =	sld [smem:$0x3F7A]  }
0x1a: {  	s8 =	sadd.s32 $0xFFFFE003, lr  }
0x1b: {  	s9 =	sadd.s32 $0xFFFFFEF7, lr;
	s5 =	simm.s32 $0xFFFFFFFF;
	p2 =	slt.u32 s8, $0xFFFFF086  }
0x1c: {  	p1 =	slt.u32 s9, $0xF7A;
	s5 =	simm.s32 @!p2 $0x0  }
0x1d: {  	s5 =	simm.s32 @p1 $0x1;
	p0 =	seq.s32 s7, s2  }
0x1e: {  	s7 =	smul.u32 @!p0 $0xF7A, s2;
	p2 =	seq.s32 @!p0 s5, $0x0  }
0x1f: {  	s9 =	smul.u32 $0xF7A, s1;
	s8 =	simm.s32 @!p0 $0x1BF5;
	p2 =	por !p2, p0  }
0x20: {  	[sflag:s8] =	ssyncset.s32 @!p0 $0xFFFFF086;
	s6 =	sadd.s32 @!p0 s3, s7;
	s7 =	simm.s32 @!p0 $0x108  }
0x21: {  	s3 =	sadd.s32 s3, s9;
	s6 =	sadd.s32 @!p0 $0x88, s6;
	s7 =	simm.s32 @p2 $0x1082  }
0x22: {  	[simem:s7], [sflag:s8] =	dma.local @!p0 [hbm:s6], $0xF7A  }
0x23: {  	s9 =	sor.u32 $0xD0000000, s2;
	s6 =	simm.s32 $0x108;
	_ =	swait.ge @!p0 [sflag:s8], $0x0  }
0x24: {  	s3 =	sadd.s32 $0x88, s3;
	s6 =	simm.s32 @!p1 $0x1082;
	[sflag:s4] =	ssyncset.s32 $0xFFFFF086  }
0x25: {  	[simem:s6], [sflag:s4] =	dma.local [hbm:s3], $0xF7A  }
0x26: {  	[smem:$0x3F7A] =	sst s1;
	(tag) =	ssettag s2;
	_ =	strace s9  }
0x27: {  	s1 =	sld [smem:$0x3F8A]  }
0x28: {  	s2 =	sld [smem:$0x3F8B]  }
0x29: {  	s4 =	sld [smem:$0x3F8D]  }
0x2a: {  	p0 =	seq.s32 s5, $0x0;
	s5 =	sld [smem:$0x3F8E]  }
0x2b: {  	s6 =	sld [smem:$0x3F8F]  }
0x2c: {  	s7 =	sld [smem:$0x3F90]  }
0x2d: {  	s3 =	simm.s32 $0x108;
	s8 =	sld [smem:$0x3F91]  }
0x2e: {  	s3 =	simm.s32 @!p0 $0x1082;
	s9 =	sld [smem:$0x3F92]  }
0x2f: {  	lr =	sadd.s32 s0, s3;
	s0 =	sld [smem:$0x3F89]  }
0x30: {  	s3 =	sld [smem:$0x3F8C]  }
0x31: {  	[smem:$0x3F95] =	sst s10  }
0x32: {  	s10 =	sld [smem:$0x3F93];
	_ =	sdelay $0x3  }
0x33: {  	p0 =	seq.s32 s10, $0x1;
	s10 =	sld [smem:$0x3F95];
	_ =	sdelay $0x3  }
0x34: {  	[smem:$0x3F95] =	sst s10  }
0x35: {  	s10 =	sld [smem:$0x3F94];
	_ =	sdelay $0x3  }
0x36: {  	p1 =	seq.s32 s10, $0x1;
	s10 =	sld [smem:$0x3F95];
	_ =	sdelay $0x3  }
0x37: {  	[smem:$0x3F95] =	sst s10  }
0x38: {  	s10 =	sld [smem:$0x3F96]  }
0x39: {  	_ = 	snop;
	(pc) =	sbr.ind lr, $3  }
0x3a: {  	_ = 	snop  }
0x3b: {  	_ = 	snop  }
0x3c: {  	p2 =	seq.s32 s10, $0x1;
	s10 =	sld [smem:$0x3F95]  }
0x3d: {  	_ =	shalt  }
0x3e: {  	_ =	shalt  }
0x3f: {  	_ =	shalt  }
0x40: {  	_ =	shalt  }
0x41: {  	_ =	shalt  }
0x42: {  	_ =	shalt  }
0x43: {  	_ =	shalt  }
0x44: {  	_ =	shalt  }
0x45: {  	_ =	shalt  }
0x46: {  	_ =	shalt  }
0x47: {  	_ =	shalt  }
0x48: {  	_ =	shalt  }
0x49: {  	_ =	shalt  }
0x4a: {  	_ =	shalt  }
0x4b: {  	_ =	shalt  }
0x4c: {  	_ =	shalt  }
0x4d: {  	_ =	shalt  }
0x4e: {  	_ =	shalt  }
0x4f: {  	_ =	shalt  }
0x50: {  	_ =	shalt  }
0x51: {  	_ =	shalt  }
0x52: {  	_ =	shalt  }
0x53: {  	_ =	shalt  }
0x54: {  	_ =	shalt  }
0x55: {  	_ =	shalt  }
0x56: {  	_ =	shalt  }
0x57: {  	_ =	shalt  }
0x58: {  	_ =	shalt  }
0x59: {  	_ =	shalt  }
0x5a: {  	_ =	shalt  }
0x5b: {  	_ =	shalt  }
0x5c: {  	_ =	shalt  }
0x5d: {  	_ =	shalt  }
0x5e: {  	_ =	shalt  }
0x5f: {  	_ =	shalt  }
0x60: {  	_ =	shalt  }
0x61: {  	_ =	shalt  }
0x62: {  	_ =	shalt  }
0x63: {  	_ =	shalt  }
0x64: {  	_ =	shalt  }
0x65: {  	_ =	shalt  }
0x66: {  	_ =	shalt  }
0x67: {  	_ =	shalt  }
0x68: {  	_ =	shalt  }
0x69: {  	_ =	shalt  }
0x6a: {  	_ =	shalt  }
0x6b: {  	_ =	shalt  }
0x6c: {  	_ =	shalt  }
0x6d: {  	_ =	shalt  }
0x6e: {  	_ =	shalt  }
0x6f: {  	_ =	shalt  }
0x70: {  	_ =	shalt  }
0x71: {  	_ =	shalt  }
0x72: {  	_ =	shalt  }
0x73: {  	_ =	shalt  }
0x74: {  	_ =	shalt  }
0x75: {  	_ =	shalt  }
0x76: {  	_ =	shalt  }
0x77: {  	_ =	shalt  }
0x78: {  	_ =	shalt  }
0x79: {  	_ =	shalt  }
0x7a: {  	_ =	shalt  }
0x7b: {  	_ =	shalt  }
0x7c: {  	_ =	shalt  }
0x7d: {  	_ =	shalt  }
0x7e: {  	_ =	shalt  }
0x7f: {  	_ =	shalt  }
0x80: {  	_ =	shalt  }
0x81: {  	_ =	shalt  }
0x82: {  	_ =	shalt  }
0x83: {  	_ =	shalt  }
0x84: {  	_ =	shalt  }
0x85: {  	_ =	shalt  }
0x86: {  	_ =	shalt  }
0x87: {  	_ =	shalt  }
.Lfunc_end0:
.L_simem_size_0:
called_computation.4_lowered:
.L_overlay_start_0:
0x88: {  	s2 =	sld [smem:$0x3FD9]  }
0x89: {  	s3 =	sld [smem:$0x3FFE];
	_ =	sdelay $0x1  }
0x8a: {  	s1 =	srdreg.scid  }
0x8b: {  	s0 =	sand.u32 $0x1, s1  }
0x8c: {  	s15 =	sshll.u32 s0, $0xA;
	s2 =	sadd.s32 s3, s2  }
0x8d: {  	s2 =	sadd.s32 s2, s15  }
0x8e: {  	[smem:$0x3FA1] =	sst s2  }
0x8f: {  	_ = 	snop  }
0x90: {  	(tm) =	ssettm $0x1  }
0x91: {  	s16 =	sld [smem:$0x3FFB];
	_ =	sdelay $0x3  }
0x92: {  	_ =	strace s16  }
0x93: {  	s2 =	sld [smem:$0x3FFC];
	_ =	sdelay $0x3  }
0x94: {  	_ =	strace s2  }
0x95: {  	s2 =	sld [smem:$0x3FFD];
	_ =	sdelay $0x3  }
0x96: {  	_ =	strace s2  }
0x97: {  	_ =	strace $0x8FFFFFFF  }
0x98: {  	s17 =	sld [smem:$0x3FDB];
	_ =	sdelay $0x1  }
0x99: {  	s18 =	simm.s32 $_scs_section_size  }
0x9a: {  	s4 =	simm.s32 $_size__tile_overlayer_lowered;
	s5 =	simm.s32 $_tile_overlayer_lowered  }
0x9b: {  	s21 =	simm.s32 $0x1BFF;
	s20 =	sshll.u32 s5, $0x1;
	s2 =	sadd.s32 s18, s17  }
0x9c: {  	s6 =	simm.s32 $0x0;
	s19 =	sshll.u32 s4, $0x1;
	s4 =	sadd.s32 s20, s2  }
0x9d: {  	[timem:s6], [sflag:s21] =	dma.local [hbm:s4], s19  }
0x9e: {  	_ =	swait.ge [sflag:s21], s19  }
0x9f: {  	s3 =	ssub.s32 $0x0, s19;
	[sflag:s21] =	ssyncset.done $0x0  }
0xa0: {  	[sflag:s21] =	ssyncadd.s32 s3;
	_ =	sdelay $0x1  }
0xa1: {  	s22 =	simm.s32 $0x1B8B  }
0xa2: {  	_ =	swait.ge [sflag:s22], $0x1  }
0xa3: {  	[sflag:s22] =	ssyncset.done $0x0  }
0xa4: {  	s23 =	sld [smem:$0x3FFE];
	[sflag:s22] =	ssyncadd.s32 $0xFFFFFFFF  }
0xa5: {  	s25 =	simm.s32 $0x1B8E;
	s24 =	sld [smem:$0x0]  }
0xa6: {  	s26 =	simm.s32 $execute0_lowered;
	[smem:$0x3FD2] =	sst s25  }
0xa7: {  	s5 =	sshll.u32 s26, $0x1;
	_ =	strace $0x80000058;
	[dreg:$0x1] =	wrdreg $0xFFFFFFFF  }
0xa8: {  	s28 =	simm.s32 $_size_execute0_lowered;
	s2 =	sadd.s32 s2, s5;
	[dreg:$0x0] =	wrdreg $0x0  }
0xa9: {  	s5 =	sshll.u32 s28, $0x1;
	[dreg:$0x2] =	wrdreg s2  }
0xaa: {  	[dreg:$0x3] =	wrdreg s5  }
0xab: {  	[dreg:$0x4] =	wrdreg $0xC0  }
0xac: {  	_ =	task [dreg:s6], $0x5FFFF  }
0xad: {  	[dreg:$0x1] =	wrdreg $0xFFFFFFFF  }
0xae: {  	[dreg:$0x0] =	wrdreg $0x60  }
0xaf: {  	[dreg:$0x2] =	wrdreg s23  }
0xb0: {  	[dreg:$0x3] =	wrdreg s1  }
0xb1: {  	[dreg:$0x4] =	wrdreg s24  }
0xb2: {  	[dreg:$0x5] =	wrdreg $0x9  }
0xb3: {  	_ =	task.clear_ibuf [dreg:s6], $0x6FFFF;
	_ =	strace $0x90000058  }
0xb4: {  	s29 =	simm.s32 $0x9;
	_ =	strace $0x8000005A  }
0xb5: {  	_ =	swait.ge [sflag:s29], $0x1  }
0xb6: {  	[sflag:s29] =	ssyncadd.s32 $0xFFFFFFFF  }
0xb7: {  	_ =	strace $0x9000005A  }
0xb8: {  	_ =	sfence  }
0xb9: {  	s30 =	sld [smem:$0x0];
	_ =	sdelay $0x2  }
0xba: {  	s31 =	sshll.u32 s1, $0xD;
	s1 =	sshrl.u32 s1, $0x2  }
0xbb: {  	s3 =	sand.u32 $0x4000, s31;
	s1 =	sadd.s32 s1, s30  }
0xbc: {  	s0 =	sor.u32 s3, s0;
	s1 =	sshll.u32 s1, $0x11  }
0xbd: {  	s0 =	sor.u32 s1, s0  }
0xbe: {  	s0 =	sadd.s32 $0x8F2B, s0  }
0xbf: {  	[sflag:s0] =	ssyncadd.remote.s32 $0x1  }
0xc0: {  	_ =	sfence.sel $0xFFFF  }
0xc1: {  	[dreg:$0x0] =	wrdreg $0xFFFFFFFF;
	(pc) =	sbr.abs _section_cstart, $3  }
0xc2: {  	[dreg:$0x1] =	wrdreg $0xFFFFFFFF  }
0xc3: {  	_ =	task.clear_ibuf [dreg:s6], $0x2FFFF;
	_ =	strace $0x9FFFFFFF  }
0xc4: {  	(tm) =	ssettm $0x7FFFFFFF  }
0xc5: {  	_ =	shalt  }
tec
execute0_lowered:
.L_overlay_start_1:
0x0: {  	(tag) =	ssettag $0x1  }
0x1: {  	s2 =	rddreg [dreg:$0x0]  }
0x2: {  	s3 =	rddreg [dreg:$0x1];
	_ =	strace $0x80000059;
	s0 =	simm.s32 $0x1  }
0x3: {  	s5 =	simm.s32 $0x208;
	v0 =	vimm.s32 $0x0;
	[sflag:s0] =	ssyncpa.u1 $0x0  }
0x4: {  	[tilespmem:s5+$0x70] =	vst v0  }
0x5: {  	[tilespmem:s5+$0x60] =	vst v0  }
0x6: {  	[tilespmem:s5+$0x50] =	vst v0  }
0x7: {  	[tilespmem:s5+$0x40] =	vst v0  }
0x8: {  	[tilespmem:s5+$0x30] =	vst v0  }
0x9: {  	s1 =	sadd.s32 $0x62C00, s2;
	s0 =	sadd.s32 $0xAA00, s2;
	s6 =	sadd.s32 $0x2DE400, s2;
	[tilespmem:s5+$0x20] =	vst v0  }
0xa: {  	s4 =	sadd.s32 $0xFA00, s2;
	s10 =	sand.u32 $0x1, s3;
	s2 =	simm.s32 $0x40;
	[tilespmem:s5+$0x10] =	vst v0  }
.LBB2_1:
0xb: {  	s2 =	sadd.s32 $0x40, s2;
	[tilespmem:s5+$0x0] =	vst v0;
	s5 =	sadd.s32 $0x80, s5  }
0xc: {  	p0 =	slt.u32 s2, $0x3880;
	[tilespmem:s5+$0x70] =	vst v0  }
0xd: {  	[tilespmem:s5+$0x60] =	vst v0  }
.Ltmp0:
0xe: {  	[tilespmem:s5+$0x50] =	vst v0;
	(pc) =	sbr.rel @p0 .LBB2_1-.Ltmp0, $4  }
0xf: {  	[tilespmem:s5+$0x40] =	vst v0  }
0x10: {  	[tilespmem:s5+$0x30] =	vst v0  }
0x11: {  	[tilespmem:s5+$0x20] =	vst v0  }
0x12: {  	[tilespmem:s5+$0x10] =	vst v0  }
0x13: {  	s11 =	stileid.u32  }
0x14: {  	s2 =	smul.u32 $0x2C, s11  }
0x15: {  	s3 =	smin.u32 s11, $0xB  }
0x16: {  	s2 =	sadd.s32 s3, s2  }
0x17: {  	p0 =	slt.u32 s11, $0xB;
	s20 =	smul.u32 $0x70, s2;
	s2 =	simm.s32 $0x13B0  }
0x18: {  	s2 =	simm.s32 @!p0 $0x1340  }
0x19: {  	s2 =	sadd.s32 s2, s20  }
0x1a: {  	s8 =	smin.u32 s2, $0x13880  }
0x1b: {  	s26 =	simm.s32 $0x2;
	s2 =	ssub.s32 s8, s20  }
0x1c: {  	s9 =	simm.s32 $0x9;
	s29 =	simm.s32 $0xA;
	p0 =	sgt.s32 s2, $0x0  }
0x1d: {  	s30 =	simm.s32 $0xB;
	s31 =	smul.u32 $0x2710, s10;
	s2 =	simm.s32 @!p0 $0x0  }
0x1e: {  	[dreg:$0x4] =	wrdreg s10;
	s12 =	simm.s32 $0x1;
	s25 =	smulhi.u32 $0x92492493, s2  }
0x1f: {  	s24 =	simm.s32 $0x0;
	p1 =	por $0x0, $0x0;
	s18 =	simm.s32 $0x80  }
0x20: {  	s19 =	simm.s32 $0x400;
	s17 =	simm.s32 $0xC;
	s3 =	sshrl.u32 s25, $0x6  }
0x21: {  	s21 =	simm.s32 $0x0;
	s23 =	simm.s32 $0x0;
	s28 =	smul.u32 $0x70, s3  }
.Ltmp1:
0x22: {  	[tilespmem:s5+$0x0] =	vst v0;
	v0 =	vimm.s32 $0xFFFFFFFF;
	[sflag:s26] =	ssyncpa.u1 $0x0;
	s16 =	sshll.u32 s11, $0x9;
	(pc) =	sbr.rel .LBB2_3-.Ltmp1, $4  }
0x23: {  	[tilespmem:$0xE408] =	vst v0;
	[sflag:s9] =	ssyncpa.u1 $0x0;
	p0 =	sne.s32 s2, s28;
	s2 =	simm.s32 $0x1  }
0x24: {  	s14 =	sadd.s32 s31, s4;
	[sflag:s29] =	ssyncpa.u1 $0x0;
	s2 =	simm.s32 @!p0 $0x0  }
0x25: {  	s15 =	sadd.s32 s31, s0;
	[sflag:s30] =	ssyncpa.u1 $0x0;
	s13 =	sadd.s32 s2, s3  }
0x26: {  	v0 =	vlaneseq.u32;
	s22 =	smov.u32 s20;
	p0 =	por $0x1, $0x1;
	s11 =	sadd.s32 $0x1, s13  }
.LBB2_24:
0x27: {  	s2 =	sshrl.u32 s4, $0x2  }
.LBB2_26:
0x28: {  	_ =	swait.ge [sflag:s17], s2  }
0x29: {  	s31 =	ssub.s32 $0x0, s2;
	v1 =	vmov s26;
	vm0 =	veq.s32 v0, $0x0;
	[sflag:s17] =	ssyncset.done $0x0  }
0x2a: {  	vm15 =	veq.s32 v0, $0x2;
	v1 =	vsel vm0, s0, v1;
	[sflag:s17] =	ssyncadd.s32 s31  }
0x2b: {  	v1 =	vsel vm15, s24, v1;
	[sflag:s17] =	ssyncpa.u1 $0x1  }
0x2c: {  	[tilespmem:$0xE408] =	vst v1  }
.LBB2_27:
0x2d: {  	s0 =	sadd.s32 $0x70, s22  }
0x2e: {  	s2 =	smov.u32 s20;
	p2 =	slt.s32 s0, s8  }
0x2f: {  	s2 =	smov.u32 @p2 s0;
	p2 =	sne.s32 s23, s11  }
.Ltmp2:
0x30: {  	_ = 	snop;
	(pc) =	sbr.rel @!p2 .LBB2_28-.Ltmp2, $4  }
0x31: {  	_ = 	snop  }
0x32: {  	s24 =	smov.u32 s21  }
0x33: {  	s31 =	sadd.s32 $0x1, s23;
	s21 =	smov.u32 s22;
	p0 =	por !p0, !p0  }
0x34: {  	p1 =	por !p1, !p1;
	s23 =	smov.u32 s31;
	s22 =	smov.u32 s2  }
.LBB2_3:
0x35: {  	p2 =	sge.u32 s23, s13  }
0x36: {  	s0 =	smulhi.u32 @!p2 $0xAAAAAAAB, s23  }
0x37: {  	s2 =	smov.u32 s22;
	p3 =	sgt.s32 @!p2 s22, $0x13810  }
0x38: {  	s3 =	sshra.s32 @!p2 s22, $0x1F;
	p3 =	por !p3, p2;
	s0 =	sshrl.u32 @!p2 s0, $0x1  }
0x39: {  	s3 =	sand.u32 @!p2 s3, s22;
	s2 =	simm.s32 @p3 $0x13810;
	s0 =	smul.u32 @!p2 $0x3, s0  }
0x3a: {  	s2 =	ssub.s32 @!p2 s2, s3  }
0x3b: {  	s2 =	sadd.s32 @!p2 $0xFFFEC7F0, s2;
	s0 =	ssub.s32 @!p2 s23, s0  }
0x3c: {  	s3 =	sshll.u32 @!p2 s2, $0x2;
	p3 =	sgt.s32 @!p2 s2, $0x6F;
	s0 =	smul.u32 @!p2 $0x1C0, s0  }
0x3d: {  	s4 =	sand.u32 @!p2 $0x7, s22;
	s2 =	ssub.s32 @!p2 $0x1C0, s3;
	p3 =	por !p3, p2  }
0x3e: {  	s3 =	sshrl.u32 @!p2 s22, $0x3;
	s2 =	sshrl.u32 @!p2 s2, $0x2;
	s0 =	sshrl.u32 @!p2 s0, $0x2  }
0x3f: {  	s3 =	sadd.s32 @!p2 s3, s14;
	s2 =	simm.s32 @!p3 $0x0;
	s0 =	sadd.s32 @!p2 $0x10448, s0  }
0x40: {  	[tilespmem:s0], [sflag:$0xA] =	stream.linear.gather @!p2 [hbm4b:s3+s4], s2, $0x38;
	[tilespmem:$0x1E678] =	vst v63  }
0x41: {  	s2 =	sadd.s32 $0xFFFFFFFF, s23  }
0x42: {  	p2 =	sge.u32 s2, s13  }
0x43: {  	p3 =	sgt.s32 @!p2 s21, $0x13810  }
0x44: {  	s0 =	smov.u32 s21;
	s3 =	sshra.s32 @!p2 s21, $0x1F;
	p3 =	por !p3, p2  }
0x45: {  	s3 =	sand.u32 @!p2 s3, s21;
	s0 =	simm.s32 @p3 $0x13810  }
0x46: {  	s0 =	ssub.s32 @!p2 s0, s3  }
0x47: {  	s0 =	sadd.s32 @!p2 $0xFFFEC7F0, s0  }
0x48: {  	s3 =	sshll.u32 @!p2 s0, $0x2  }
0x49: {  	p3 =	sgt.s32 @!p2 s0, $0x6F;
	s0 =	ssub.s32 @!p2 $0x1C0, s3  }
0x4a: {  	p3 =	por !p3, p2;
	s0 =	sshrl.u32 @!p2 s0, $0x2  }
0x4b: {  	s4 =	simm.s32 @!p2 $0xA;
	s3 =	sand.u32 @!p2 $0x1, s2;
	s0 =	simm.s32 @!p3 $0x0  }
0x4c: {  	s3 =	smul.u32 @!p2 $0x1C0, s3;
	_ =	swait.ge @!p2 [sflag:s4], s0  }
0x4d: {  	s5 =	ssub.s32 @!p2 $0x0, s0;
	[sflag:s4] =	ssyncset.done @!p2 $0x0  }
0x4e: {  	s3 =	sshrl.u32 @!p2 s3, $0x2;
	[sflag:s4] =	ssyncadd.s32 @!p2 s5;
	s4 =	sshrl.u32 @!p2 s21, $0x3  }
0x4f: {  	s3 =	sadd.s32 @!p2 $0x10598, s3;
	s5 =	sand.u32 @!p2 $0x7, s21;
	s4 =	sadd.s32 @!p2 s4, s15  }
0x50: {  	[tilespmem:s3], [sflag:$0xB] =	stream.linear.gather @!p2 [hbm4b:s4+s5], s0, $0x38;
	[tilespmem:$0x1E678] =	vst v63  }
0x51: {  	s0 =	ssub.s32 @!p2 $0x13880, s21  }
0x52: {  	p3 =	slt.s32 @!p2 s0, $0x1  }
0x53: {  	p3 =	por p2, p3  }
.Ltmp3:
0x54: {  	_ = 	snop;
	(pc) =	sbr.rel @p3 .LBB2_9-.Ltmp3, $1  }
0x55: {  	_ =	sdelay $0x3  }
0x56: {  	s3 =	smulhi.u32 $0xAAAAAAAB, s2;
	_ =	sdelay $0x1  }
0x57: {  	s3 =	sshrl.u32 s3, $0x1  }
0x58: {  	s3 =	smul.u32 $0x3, s3;
	_ =	sdelay $0x1  }
0x59: {  	s30 =	ssub.s32 s2, s3  }
0x5a: {  	s4 =	simm.s32 $0x1;
	s2 =	smul.u32 $0x1C0, s30  }
.Ltmp4:
0x5b: {  	s4 =	simm.s32 @!p0 $0x0;
	(pc) =	sbr.rel .LBB2_6-.Ltmp4, $4  }
0x5c: {  	s31 =	smul.u32 $0x1C000, s4  }
0x5d: {  	p3 =	slt.s32 @!p2 s0, $0x70;
	s2 =	sshrl.u32 s2, $0x2  }
0x5e: {  	p2 =	por !p3, p2;
	s3 =	sshrl.u32 s31, $0x2;
	s5 =	sadd.s32 $0x10448, s2  }
0x5f: {  	s0 =	simm.s32 @p2 $0x70;
	s4 =	sor.u32 $0x10678, s3;
	s2 =	simm.s32 $0x0;
	v1 =	vmov s5  }
.LBB2_5:
0x60: {  	p2 =	sge.s32 s2, s0  }
.Ltmp5:
0x61: {  	_ = 	snop;
	(pc) =	sbr.rel @p2 .LBB2_9-.Ltmp5, $2  }
0x62: {  	_ =	sdelay $0x2  }
0x63: {  	s4 =	sadd.s32 $0x1000, s4  }
.LBB2_6:
0x64: {  	p2 =	sle.s32 s0, s2  }
.Ltmp6:
0x65: {  	_ = 	snop;
	(pc) =	sbr.rel @p2 .LBB2_5-.Ltmp6, $2  }
0x66: {  	_ =	sdelay $0x2  }
0x67: {  	s5 =	smov.u32 s2;
	s2 =	sadd.s32 $0x10, s2  }
0x68: {  	s3 =	ssub.s32 s0, s5  }
0x69: {  	p2 =	slt.s32 s3, $0x10  }
0x6a: {  	s3 =	simm.s32 @!p2 $0x10  }
0x6b: {  	v2 =	vmov s3  }
0x6c: {  	vm0 =	vgt.s32 v2, v0;
	_ =	sdelay $0x5  }
0x6d: {  	v2 =	vld.idx.msk [tilespmem:v1+s5+$0x0 ss:$0x1], vm0;
	_ =	sdelay $0x2  }
0x6e: {  	p2 =	slt.s32 s2, s0;
	s3 =	smov.u32 s0  }
0x6f: {  	s9 =	smov.u32 s4;
	s25 =	simm.s32 $0x0;
	s3 =	smov.u32 @p2 s2  }
.LBB2_8:
0x70: {  	(v2sf) =	vpush v2, s25;
	_ =	sdelay $0xe  }
0x71: {  	s25 =	sadd.s32 $0x1, s25;
	s10 =	spop (v2sf)  }
0x72: {  	s31 =	sadd.s32 s25, s5;
	s26 =	sshll.u32 s10, $0x8;
	s10 =	sshll.u32 s10, $0x7  }
0x73: {  	p2 =	slt.s32 s31, s3;
	s26 =	sand.u32 $0xFFFFF800, s26;
	s10 =	sand.u32 $0x380, s10  }
.Ltmp7:
0x74: {  	s10 =	sor.u32 s10, s26;
	(pc) =	sbr.rel @p2 .LBB2_8-.Ltmp7, $4  }
0x75: {  	s10 =	sshrl.u32 s10, $0x3  }
0x76: {  	s10 =	sadd.s32 s6, s10  }
0x77: {  	[tilespmem:s9], [sflag:$0x9] =	stream.strided.gather [hbm4b:s10+s18], $0x100, s19, s18, $0x38;
	[tilespmem:$0x1E678] =	vst v63  }
0x78: {  	s9 =	sadd.s32 $0x100, s9  }
.Ltmp8:
0x79: {  	_ = 	snop;
	(pc) =	sbr.rel .LBB2_5-.Ltmp8, $1  }
0x7a: {  	_ =	sdelay $0x3  }
.LBB2_9:
0x7b: {  	p2 =	slt.u32 s23, $0x2  }
.Ltmp9:
0x7c: {  	_ = 	snop;
	(pc) =	sbr.rel @p2 .LBB2_27-.Ltmp9, $1  }
0x7d: {  	_ =	sdelay $0x3  }
0x7e: {  	p2 =	sgt.s32 s24, $0x13810  }
0x7f: {  	s0 =	smov.u32 s24;
	s2 =	sshra.s32 s24, $0x1F;
	s3 =	ssub.s32 $0x13880, s24  }
0x80: {  	s0 =	simm.s32 @!p2 $0x13810;
	s2 =	sand.u32 s2, s24;
	p2 =	slt.s32 s3, $0x70  }
0x81: {  	s0 =	ssub.s32 s0, s2;
	s3 =	simm.s32 @!p2 $0x70  }
0x82: {  	s0 =	sadd.s32 $0xFFFEC7F0, s0;
	s9 =	sshll.u32 s3, $0x8  }
0x83: {  	s26 =	simm.s32 $0x9;
	s10 =	sshll.u32 s0, $0x2;
	s2 =	sand.u32 $0x3FFFFF00, s9  }
0x84: {  	p2 =	sgt.s32 s0, $0x6F;
	s25 =	ssub.s32 $0x1C0, s10;
	_ =	swait.ge [sflag:s26], s2  }
0x85: {  	s2 =	ssub.s32 $0x0, s2;
	[sflag:s26] =	ssyncset.done $0x0;
	s0 =	sshrl.u32 s25, $0x2  }
0x86: {  	s29 =	simm.s32 $0xB;
	[sflag:s26] =	ssyncadd.s32 s2;
	s0 =	simm.s32 @p2 $0x0  }
0x87: {  	_ =	swait.ge [sflag:s29], s0  }
0x88: {  	s0 =	ssub.s32 $0x0, s0;
	[sflag:s29] =	ssyncset.done $0x0  }
0x89: {  	[sflag:s29] =	ssyncadd.s32 s0  }
0x8a: {  	v1 =	vld [tilespmem:$0xE408];
	_ =	sdelay $0x4  }
0x8b: {  	(v2sf) =	vpush v1, $0x0  }
0x8c: {  	(v2sf) =	vpush v1, $0x1  }
0x8d: {  	(v2sf) =	vpush v1, $0x2;
	_ =	sdelay $0x3  }
0x8e: {  	s0 =	sadd.s32 $0x70, s24  }
0x8f: {  	s2 =	ssub.s32 $0x27100, s24;
	p2 =	slt.s32 s8, s0  }
0x90: {  	s0 =	smov.u32 @p2 s8;
	p2 =	sgt.s32 s2, $0x0  }
0x91: {  	s0 =	ssub.s32 s0, s24;
	s2 =	simm.s32 @!p2 $0x0  }
0x92: {  	p2 =	slt.s32 s2, s0  }
0x93: {  	s0 =	smov.u32 @p2 s2  }
0x94: {  	s4 =	simm.s32 $0x1;
	p2 =	slt.s32 s0, $0x1  }
.Ltmp10:
0x95: {  	s4 =	simm.s32 @!p1 $0x0;
	(pc) =	sbr.rel @p2 .LBB2_14-.Ltmp10, $4  }
0x96: {  	s30 =	smul.u32 $0x1C0, s4  }
0x97: {  	s5 =	spop (v2sf)  }
0x98: {  	s31 =	sshrl.u32 s30, $0x2;
	s28 =	spop (v2sf)  }
0x99: {  	s25 =	sadd.s32 $0x10598, s31;
	s24 =	spop (v2sf)  }
0x9a: {  	s2 =	smin.u32 s0, $0x10  }
0x9b: {  	v1 =	vmov s2  }
0x9c: {  	vm1 =	vgt.u32 v1, v0  }
0x9d: {  	p3 =	sgt.s32 s0, $0x10  }
.Ltmp11:
0x9e: {  	_ = 	snop;
	(pc) =	sbr.rel @!p3 .LBB2_13-.Ltmp11, $2  }
0x9f: {  	_ =	sdelay $0x2  }
0xa0: {  	s26 =	simm.s32 $0x10;
	s29 =	sadd.s32 $0xFFFFFFF0, s0;
	s2 =	smov.u32 s25;
	vm0 =	vmmov vm1;
	v1 =	vld.msk [tilespmem:s25+$0x0 ss:$0x1], vm1  }
.LBB2_12:
0xa1: {  	s3 =	smin.u32 s29, $0x10;
	s26 =	sadd.s32 $0x10, s26  }
0xa2: {  	v2 =	vmov s3;
	p3 =	slt.s32 s26, s0  }
0xa3: {  	vm1 =	vgt.u32 v2, v0;
	_ =	sdelay $0x1  }
0xa4: {  	v2 =	vshll.u32 v1, $0x5;
	v1 =	vshll.u32 v1, $0x4  }
.Ltmp12:
0xa5: {  	v2 =	vand.u32 $0xFFFFFF00, v2;
	v1 =	vand.u32 $0x70, v1;
	(pc) =	sbr.rel @p3 .LBB2_12-.Ltmp12, $4  }
0xa6: {  	v1 =	vor.u32 v1, v2  }
0xa7: {  	[tilespmem:s2+$0x0] =	vst.msk vm0, v1;
	s2 =	sadd.s32 $0x10, s2;
	vm0 =	vmmov vm1  }
0xa8: {  	v1 =	vld.msk [tilespmem:s2+$0x0 ss:$0x1], vm1  }
0xa9: {  	s29 =	sadd.s32 $0xFFFFFFF0, s29  }
.LBB2_13:
0xaa: {  	_ =	sdelay $0x3  }
0xab: {  	v2 =	vshll.u32 v1, $0x5;
	v1 =	vshll.u32 v1, $0x4  }
0xac: {  	v2 =	vand.u32 $0xFFFFFF00, v2;
	v1 =	vand.u32 $0x70, v1  }
0xad: {  	v1 =	vor.u32 v1, v2  }
0xae: {  	[tilespmem:s2+$0x0] =	vst.msk vm0, v1  }
.LBB2_14:
0xaf: {  	s2 =	sand.u32 $0x1, s23  }
0xb0: {  	s2 =	smul.u32 $0x70, s2  }
0xb1: {  	p3 =	sne.s32 s28, $0xFFFFFFFF  }
0xb2: {  	v1 =	vld.msk @!p3 [tilespmem:s2+$0x10598], $0x1;
	_ =	sdelay $0x4  }
0xb3: {  	(v2sf) =	vpush @!p3 v1, $0x0;
	_ =	sdelay $0xc  }
.Ltmp13:
0xb4: {  	_ = 	snop;
	(pc) =	sbr.rel @p2 .LBB2_25-.Ltmp13, $4  }
0xb5: {  	_ = 	snop  }
0xb6: {  	s31 =	spop @!p3 (v2sf)  }
0xb7: {  	s24 =	simm.s32 @!p3 $0x0;
	s26 =	smov.u32 s31  }
0xb8: {  	[sflag:s17] =	ssyncpa.u1 $0x0;
	s31 =	smov.u32 @p3 s5;
	s26 =	smov.u32 @p3 s28  }
0xb9: {  	v1 =	vld.msk [tilespmem:s25+$0x0], $0x1;
	_ =	sdelay $0x4  }
0xba: {  	(v2sf) =	vpush v1, $0x0;
	_ =	sdelay $0xe  }
0xbb: {  	s7 =	smov.u32 s11;
	s5 =	spop (v2sf)  }
0xbc: {  	s17 =	smov.u32 s15;
	s2 =	smul.u32 $0x1C000, s4;
	p2 =	seq.s32 s31, s5  }
0xbd: {  	s3 =	smov.u32 s31;
	s29 =	ssub.s32 $0x0, s0;
	p3 =	sgt.s32 @!p2 s31, $0x0  }
0xbe: {  	s30 =	simm.s32 $0x0;
	s2 =	sshrl.u32 s2, $0x2;
	p3 =	por !p3, p2  }
0xbf: {  	s0 =	sadd.s32 $0x1, s29;
	s28 =	sor.u32 $0x106F8, s2;
	s3 =	simm.s32 @p3 $0x0  }
0xc0: {  	s2 =	simm.s32 @!p2 $0x1;
	p3 =	seq.s32 s0, $0x0;
	s3 =	smin.u32 @!p2 s3, $0x4E170  }
.Ltmp14:
0xc1: {  	s4 =	simm.s32 @!p2 $0x7308;
	s9 =	sand.u32 @!p2 $0x7FFF8, s3;
	(pc) =	sbr.rel @p3 .LBB2_17-.Ltmp14, $4  }
0xc2: {  	s10 =	sadd.s32 @!p2 $0x80, s3;
	s11 =	sadd.s32 @!p2 s1, s9;
	s9 =	sand.u32 @!p2 $0x7, s3  }
0xc3: {  	[tilespmem:s4], [sflag:$0x2] =	stream.linear.gather @!p2 [hbm4b:s11+s9], $0x80, $0x38;
	[tilespmem:$0x1E678] =	vst v63  }
0xc4: {  	s15 =	smov.u32 s14;
	s2 =	smov.u32 @p2 s30;
	s4 =	sand.u32 @!p2 $0xFFFF8, s10  }
0xc5: {  	s3 =	simm.s32 @!p2 $0x7388;
	s10 =	sadd.s32 @!p2 s1, s4;
	s4 =	sadd.s32 $0x1, s25  }
.LBB2_16:
0xc6: {  	s11 =	smov.u32 s2  }
0xc7: {  	[tilespmem:s3], [sflag:$0x2] =	stream.linear.gather @!p2 [hbm4b:s10+s9], $0x80, $0x38;
	[tilespmem:$0x1E678] =	vst v63  }
0xc8: {  	s0 =	sadd.s32 $0x1, s0;
	s9 =	smov.u32 s5;
	v1 =	vld.msk [tilespmem:s4+$0x0], $0x1  }
0xc9: {  	p3 =	seq.s32 s0, $0x0;
	_ =	sdelay $0x3  }
0xca: {  	(v2sf) =	vpush v1, $0x0;
	_ =	sdelay $0xe  }
0xcb: {  	s5 =	spop (v2sf)  }
0xcc: {  	p2 =	seq.s32 s9, s5  }
0xcd: {  	p4 =	sgt.s32 @!p2 s9, $0x0;
	s3 =	sshll.u32 @!p2 s2, $0xA;
	s2 =	sadd.s32 @!p2 $0x1, s2  }
0xce: {  	p4 =	por !p4, p2;
	s3 =	sshra.s32 @!p2 s3, $0x2;
	s2 =	smov.u32 @p2 s11  }
0xcf: {  	s9 =	simm.s32 @p4 $0x0;
	s10 =	sadd.s32 @!p2 $0x7308, s3;
	s3 =	sadd.s32 @!p2 $0x7388, s3  }
.Ltmp15:
0xd0: {  	s9 =	smin.u32 @!p2 s9, $0x4E170;
	(pc) =	sbr.rel @!p3 .LBB2_16-.Ltmp15, $4  }
0xd1: {  	s11 =	sand.u32 @!p2 $0x7FFF8, s9;
	s14 =	sadd.s32 @!p2 $0x80, s9  }
0xd2: {  	s9 =	sand.u32 @!p2 $0x7, s9;
	s11 =	sadd.s32 @!p2 s1, s11;
	s14 =	sand.u32 @!p2 $0xFFFF8, s14  }
0xd3: {  	[tilespmem:s10], [sflag:$0x2] =	stream.linear.gather @!p2 [hbm4b:s11+s9], $0x80, $0x38;
	[tilespmem:$0x1E678] =	vst v63  }
0xd4: {  	s4 =	sadd.s32 $0x1, s4;
	s10 =	sadd.s32 @!p2 s1, s14  }
.LBB2_17:
0xd5: {  	[tilespmem:s3], [sflag:$0x2] =	stream.linear.gather @!p2 [hbm4b:s10+s9], $0x80, $0x38;
	[tilespmem:$0x1E678] =	vst v63  }
0xd6: {  	s0 =	sshll.u32 s2, $0x8  }
.Ltmp16:
0xd7: {  	s14 =	simm.s32 $0x2;
	s0 =	sand.u32 $0x3FFFFF00, s0;
	(pc) =	sbr.rel .LBB2_18-.Ltmp16, $4  }
0xd8: {  	_ =	swait.ge [sflag:s14], s0  }
0xd9: {  	s0 =	ssub.s32 $0x0, s0;
	[sflag:s14] =	ssyncset.done $0x0  }
0xda: {  	s4 =	simm.s32 $0x0;
	s11 =	smov.u32 s7;
	[sflag:s14] =	ssyncadd.s32 s0  }
0xdb: {  	s14 =	smov.u32 s15;
	s15 =	smov.u32 s17;
	s17 =	simm.s32 $0xC  }
.LBB2_19:
0xdc: {  	v1 =	vld [tilespmem:s28+$0xFFFFFF80];
	_ =	sdelay $0x4  }
0xdd: {  	[tilespmem:s5+$0x208] =	vst.add.f32.msk $0xffff, v1  }
0xde: {  	v1 =	vld [tilespmem:s28+$0xFFFFFF90];
	_ =	sdelay $0x4  }
0xdf: {  	[tilespmem:s5+$0x218] =	vst.add.f32.msk $0xffff, v1  }
0xe0: {  	v1 =	vld [tilespmem:s28+$0xFFFFFFA0];
	_ =	sdelay $0x4  }
0xe1: {  	[tilespmem:s5+$0x228] =	vst.add.f32.msk $0xffff, v1  }
0xe2: {  	v1 =	vld [tilespmem:s28+$0xFFFFFFB0];
	_ =	sdelay $0x4  }
0xe3: {  	[tilespmem:s5+$0x238] =	vst.add.f32.msk $0xffff, v1  }
0xe4: {  	v1 =	vld [tilespmem:s28+$0xFFFFFFC0];
	_ =	sdelay $0x4  }
0xe5: {  	[tilespmem:s5+$0x248] =	vst.add.f32.msk $0xffff, v1  }
0xe6: {  	v1 =	vld [tilespmem:s28+$0xFFFFFFD0];
	_ =	sdelay $0x4  }
0xe7: {  	[tilespmem:s5+$0x258] =	vst.add.f32.msk $0xffff, v1  }
0xe8: {  	v1 =	vld [tilespmem:s28+$0xFFFFFFE0];
	_ =	sdelay $0x4  }
0xe9: {  	[tilespmem:s5+$0x268] =	vst.add.f32.msk $0xffff, v1  }
0xea: {  	v1 =	vld [tilespmem:s28+$0xFFFFFFF0];
	_ =	sdelay $0x4  }
0xeb: {  	[tilespmem:s5+$0x278] =	vst.add.f32.msk $0xffff, v1  }
0xec: {  	v1 =	vld [tilespmem:s28+$0x0];
	_ =	sdelay $0x4  }
0xed: {  	[tilespmem:s5+$0x288] =	vst.add.f32.msk $0xffff, v1  }
0xee: {  	v1 =	vld [tilespmem:s28+$0x10];
	_ =	sdelay $0x4  }
0xef: {  	[tilespmem:s5+$0x298] =	vst.add.f32.msk $0xffff, v1  }
0xf0: {  	v1 =	vld [tilespmem:s28+$0x20];
	_ =	sdelay $0x4  }
0xf1: {  	[tilespmem:s5+$0x2A8] =	vst.add.f32.msk $0xffff, v1  }
0xf2: {  	v1 =	vld [tilespmem:s28+$0x30];
	_ =	sdelay $0x4  }
0xf3: {  	[tilespmem:s5+$0x2B8] =	vst.add.f32.msk $0xffff, v1  }
0xf4: {  	v1 =	vld [tilespmem:s28+$0x40];
	_ =	sdelay $0x4  }
0xf5: {  	[tilespmem:s5+$0x2C8] =	vst.add.f32.msk $0xffff, v1  }
0xf6: {  	v1 =	vld [tilespmem:s28+$0x50];
	_ =	sdelay $0x4  }
0xf7: {  	[tilespmem:s5+$0x2D8] =	vst.add.f32.msk $0xffff, v1  }
0xf8: {  	v1 =	vld [tilespmem:s28+$0x60];
	_ =	sdelay $0x4  }
0xf9: {  	[tilespmem:s5+$0x2E8] =	vst.add.f32.msk $0xffff, v1  }
0xfa: {  	v1 =	vld [tilespmem:s28+$0x70];
	_ =	sdelay $0x4  }
0xfb: {  	[tilespmem:s5+$0x2F8] =	vst.add.f32.msk $0xffff, v1  }
.LBB2_23:
0xfc: {  	s29 =	sadd.s32 $0x1, s29  }
0xfd: {  	p2 =	seq.s32 s29, $0x0  }
.Ltmp17:
0xfe: {  	_ = 	snop;
	(pc) =	sbr.rel @p2 .LBB2_24-.Ltmp17, $2  }
0xff: {  	_ =	sdelay $0x2  }
0x100: {  	s25 =	sadd.s32 $0x1, s25;
	s28 =	sadd.s32 $0x100, s28;
	s31 =	smov.u32 s0  }
.LBB2_18:
0x101: {  	v1 =	vld.msk [tilespmem:s25+$0x0], $0x1;
	_ =	sdelay $0x4  }
0x102: {  	(v2sf) =	vpush v1, $0x0;
	_ =	sdelay $0xe  }
0x103: {  	s0 =	spop (v2sf)  }
0x104: {  	p2 =	sne.s32 s31, s0  }
.Ltmp18:
0x105: {  	_ = 	snop;
	(pc) =	sbr.rel @!p2 .LBB2_19-.Ltmp18, $3  }
0x106: {  	_ =	sdelay $0x1  }
0x107: {  	s2 =	sshll.u32 s24, $0xA  }
0x108: {  	s5 =	sshra.s32 s2, $0x2  }
0x109: {  	p2 =	seq.s32 s31, s26  }
.Ltmp19:
0x10a: {  	_ = 	snop;
	(pc) =	sbr.rel @!p2 .LBB2_21-.Ltmp19, $1  }
0x10b: {  	_ =	sdelay $0x3  }
.Ltmp20:
0x10c: {  	s2 =	sadd.s32 $0x208, s5;
	(pc) =	sbr.rel .LBB2_22-.Ltmp20, $4  }
0x10d: {  	[spmem:s16] =	stream.linear.scatter [tilespmem:s2], [sflag:$0x1], $0x100, $0x38;
	[tilespmem:$0x1E678] =	vst v63  }
0x10e: {  	_ =	swait.ge [sflag:s12], $0x100  }
0x10f: {  	[sflag:s12] =	ssyncset.done $0x0  }
0x110: {  	[sflag:s12] =	ssyncadd.s32 $0xFFFFFF00  }
.LBB2_21:
0x111: {  	s2 =	sshll.u32 s30, $0xA  }
0x112: {  	s2 =	sshra.s32 s2, $0x2  }
0x113: {  	v1 =	vld [tilespmem:s2+$0x7308];
	_ =	sdelay $0x4  }
0x114: {  	[tilespmem:s5+$0x208] =	vst.add.f32.msk $0xffff, v1  }
0x115: {  	v1 =	vld [tilespmem:s2+$0x7318];
	_ =	sdelay $0x4  }
0x116: {  	[tilespmem:s5+$0x218] =	vst.add.f32.msk $0xffff, v1  }
0x117: {  	v1 =	vld [tilespmem:s2+$0x7328];
	_ =	sdelay $0x4  }
0x118: {  	[tilespmem:s5+$0x228] =	vst.add.f32.msk $0xffff, v1  }
0x119: {  	v1 =	vld [tilespmem:s2+$0x7338];
	_ =	sdelay $0x4  }
0x11a: {  	[tilespmem:s5+$0x238] =	vst.add.f32.msk $0xffff, v1  }
0x11b: {  	v1 =	vld [tilespmem:s2+$0x7348];
	_ =	sdelay $0x4  }
0x11c: {  	[tilespmem:s5+$0x248] =	vst.add.f32.msk $0xffff, v1  }
0x11d: {  	v1 =	vld [tilespmem:s2+$0x7358];
	_ =	sdelay $0x4  }
0x11e: {  	[tilespmem:s5+$0x258] =	vst.add.f32.msk $0xffff, v1  }
0x11f: {  	v1 =	vld [tilespmem:s2+$0x7368];
	_ =	sdelay $0x4  }
0x120: {  	[tilespmem:s5+$0x268] =	vst.add.f32.msk $0xffff, v1  }
0x121: {  	v1 =	vld [tilespmem:s2+$0x7378];
	_ =	sdelay $0x4  }
0x122: {  	[tilespmem:s5+$0x278] =	vst.add.f32.msk $0xffff, v1  }
0x123: {  	v1 =	vld [tilespmem:s2+$0x7388];
	_ =	sdelay $0x4  }
0x124: {  	[tilespmem:s5+$0x288] =	vst.add.f32.msk $0xffff, v1  }
0x125: {  	v1 =	vld [tilespmem:s2+$0x7398];
	_ =	sdelay $0x4  }
0x126: {  	[tilespmem:s5+$0x298] =	vst.add.f32.msk $0xffff, v1  }
0x127: {  	v1 =	vld [tilespmem:s2+$0x73A8];
	_ =	sdelay $0x4  }
0x128: {  	[tilespmem:s5+$0x2A8] =	vst.add.f32.msk $0xffff, v1  }
0x129: {  	v1 =	vld [tilespmem:s2+$0x73B8];
	_ =	sdelay $0x4  }
0x12a: {  	[tilespmem:s5+$0x2B8] =	vst.add.f32.msk $0xffff, v1  }
0x12b: {  	v1 =	vld [tilespmem:s2+$0x73C8];
	_ =	sdelay $0x4  }
0x12c: {  	[tilespmem:s5+$0x2C8] =	vst.add.f32.msk $0xffff, v1  }
0x12d: {  	v1 =	vld [tilespmem:s2+$0x73D8];
	_ =	sdelay $0x4  }
0x12e: {  	[tilespmem:s5+$0x2D8] =	vst.add.f32.msk $0xffff, v1  }
0x12f: {  	v1 =	vld [tilespmem:s2+$0x73E8];
	_ =	sdelay $0x4  }
0x130: {  	[tilespmem:s5+$0x2E8] =	vst.add.f32.msk $0xffff, v1  }
0x131: {  	v1 =	vld [tilespmem:s2+$0x73F8];
	_ =	sdelay $0x2  }
0x132: {  	p2 =	sgt.u32 s31, $0x4E170  }
0x133: {  	s2 =	sand.u32 @!p2 $0x7FFF8, s31  }
0x134: {  	s3 =	sadd.s32 $0x208, s5;
	s9 =	sand.u32 @!p2 $0x7, s31;
	s2 =	sadd.s32 @!p2 s1, s2;
	[tilespmem:s5+$0x2F8] =	vst.add.f32.msk $0xffff, v1  }
0x135: {  	[hbm4b:s2+s9] =	stream.linear.scatter @!p2 [tilespmem:s3], [sflag:$0xC], $0x80, $0x38;
	[tilespmem:$0x1E678] =	vst v63  }
0x136: {  	s2 =	sadd.s32 @!p2 $0x80, s31  }
0x137: {  	s2 =	sand.u32 @!p2 $0xFFFF8, s2  }
0x138: {  	s3 =	sadd.s32 $0x288, s5;
	s2 =	sadd.s32 @!p2 s1, s2  }
0x139: {  	[hbm4b:s2+s9] =	stream.linear.scatter @!p2 [tilespmem:s3], [sflag:$0xC], $0x80, $0x38;
	[tilespmem:$0x1E678] =	vst v63  }
0x13a: {  	s2 =	simm.s32 $0x0  }
0x13b: {  	s2 =	simm.s32 @!p2 $0x400  }
0x13c: {  	s4 =	sadd.s32 s2, s4  }
.LBB2_22:
0x13d: {  	s2 =	sadd.s32 $0x1, s24  }
0x13e: {  	s3 =	sshrl.u32 s2, $0x4  }
0x13f: {  	s3 =	smulhi.u32 $0x24924925, s3  }
0x140: {  	v1 =	vld [tilespmem:s28+$0xFFFFFF80]  }
0x141: {  	s3 =	smul.u32 $0x70, s3;
	_ =	sdelay $0x1  }
0x142: {  	s24 =	ssub.s32 s2, s3  }
0x143: {  	s2 =	sshll.u32 s24, $0x8  }
0x144: {  	[tilespmem:s2+$0x208] =	vst v1  }
0x145: {  	v1 =	vld [tilespmem:s28+$0xFFFFFF90];
	_ =	sdelay $0x4  }
0x146: {  	[tilespmem:s2+$0x218] =	vst v1  }
0x147: {  	v1 =	vld [tilespmem:s28+$0xFFFFFFA0];
	_ =	sdelay $0x4  }
0x148: {  	[tilespmem:s2+$0x228] =	vst v1  }
0x149: {  	v1 =	vld [tilespmem:s28+$0xFFFFFFB0];
	_ =	sdelay $0x4  }
0x14a: {  	[tilespmem:s2+$0x238] =	vst v1  }
0x14b: {  	v1 =	vld [tilespmem:s28+$0xFFFFFFC0];
	_ =	sdelay $0x4  }
0x14c: {  	[tilespmem:s2+$0x248] =	vst v1  }
0x14d: {  	v1 =	vld [tilespmem:s28+$0xFFFFFFD0];
	_ =	sdelay $0x4  }
0x14e: {  	[tilespmem:s2+$0x258] =	vst v1  }
0x14f: {  	v1 =	vld [tilespmem:s28+$0xFFFFFFE0];
	_ =	sdelay $0x4  }
0x150: {  	[tilespmem:s2+$0x268] =	vst v1  }
0x151: {  	v1 =	vld [tilespmem:s28+$0xFFFFFFF0];
	_ =	sdelay $0x4  }
0x152: {  	[tilespmem:s2+$0x278] =	vst v1  }
0x153: {  	v1 =	vld [tilespmem:s28+$0x0];
	_ =	sdelay $0x4  }
0x154: {  	[tilespmem:s2+$0x288] =	vst v1  }
0x155: {  	v1 =	vld [tilespmem:s28+$0x10];
	_ =	sdelay $0x4  }
0x156: {  	[tilespmem:s2+$0x298] =	vst v1  }
0x157: {  	v1 =	vld [tilespmem:s28+$0x20];
	_ =	sdelay $0x4  }
0x158: {  	[tilespmem:s2+$0x2A8] =	vst v1  }
0x159: {  	v1 =	vld [tilespmem:s28+$0x30];
	_ =	sdelay $0x4  }
0x15a: {  	[tilespmem:s2+$0x2B8] =	vst v1  }
0x15b: {  	v1 =	vld [tilespmem:s28+$0x40];
	_ =	sdelay $0x4  }
0x15c: {  	[tilespmem:s2+$0x2C8] =	vst v1  }
0x15d: {  	v1 =	vld [tilespmem:s28+$0x50];
	_ =	sdelay $0x4  }
0x15e: {  	[tilespmem:s2+$0x2D8] =	vst v1  }
0x15f: {  	v1 =	vld [tilespmem:s28+$0x60];
	_ =	sdelay $0x4  }
0x160: {  	[tilespmem:s2+$0x2E8] =	vst v1  }
0x161: {  	v1 =	vld [tilespmem:s28+$0x70]  }
.Ltmp21:
0x162: {  	_ = 	snop;
	(pc) =	sbr.rel .LBB2_23-.Ltmp21, $2  }
0x163: {  	_ =	sdelay $0x2  }
0x164: {  	s30 =	sadd.s32 $0x1, s30;
	[tilespmem:s2+$0x2F8] =	vst v1  }
.LBB2_25:
.Ltmp22:
0x165: {  	(pc) =	sbr.rel .LBB2_26-.Ltmp22, $4  }
0x166: {  	_ = 	snop  }
0x167: {  	s0 =	simm.s32 $0x2  }
0x168: {  	_ =	swait.ge [sflag:s0], $0x0  }
0x169: {  	s2 =	simm.s32 $0x0;
	[sflag:s0] =	ssyncset.done $0x0;
	s0 =	smov.u32 s31  }
.LBB2_28:
0x16a: {  	_ =	sfence.sel $0x180000  }
0x16b: {  	s0 =	simm.s32 $0x9;
	[bflag:$0x0] =	sbarrier.arrive $0xFFFF  }
0x16c: {  	s24 =	simm.s32 $0xA;
	[sflag:s0] =	ssyncpa.u1 $0x1  }
0x16d: {  	s25 =	simm.s32 $0xB;
	[sflag:s24] =	ssyncpa.u1 $0x1  }
0x16e: {  	s26 =	simm.s32 $0x2;
	[sflag:s25] =	ssyncpa.u1 $0x1  }
0x16f: {  	[sflag:s26] =	ssyncpa.u1 $0x1  }
0x170: {  	v0 =	vld [tilespmem:$0xE408];
	_ =	sdelay $0x4  }
0x171: {  	(v2sf) =	vpush v0, $0x0  }
0x172: {  	(v2sf) =	vpush v0, $0x1;
	_ =	sdelay $0x1  }
0x173: {  	(v2sf) =	vpush v0, $0x2;
	_ =	sdelay $0xb  }
0x174: {  	s0 =	spop (v2sf)  }
0x175: {  	s2 =	spop (v2sf)  }
0x176: {  	s3 =	smov.u32 s0;
	p0 =	sne.s32 s0, s2  }
0x177: {  	s4 =	spop (v2sf);
	s3 =	simm.s32 @!p0 $0xFFFFFFFF  }
0x178: {  	v2 =	vimm.s32 $0x1;
	v3 =	vlaneseq.u32;
	p0 =	seq.s32 s4, $0xFFFFFFFF;
	v1 =	vmov s3  }
0x179: {  	s15 =	stileid.u32;
	v0 =	vperm.xlane v0, v2;
	p1 =	sne.s32 @!p0 s0, s2;
	v1 =	vperm.xlane v1, v3  }
0x17a: {  	vm0 =	vcmask $0x3F04;
	s6 =	simm.s32 $0xE408;
	s0 =	simm.s32 @!p0 $0x1;
	p1 =	por !p1, p0  }
0x17b: {  	s3 =	sshll.u32 s15, $0x1;
	s2 =	sshll.u32 @!p0 s4, $0xA;
	s0 =	simm.s32 @p1 $0x0;
	v0 =	vsel vm0, v1, v0  }
0x17c: {  	s5 =	sor.u32 $0x2000, s3;
	s2 =	sshra.s32 @!p0 s2, $0x2;
	s0 =	sor.u32 @!p0 s0, s3;
	[tilespmem:$0xE408] =	vst v0  }
0x17d: {  	[spmem:s5] =	stream.linear.scatter [tilespmem:s6], [sflag:$0x1], $0x2, $0x38;
	[tilespmem:$0x1E678] =	vst v63  }
0x17e: {  	s2 =	sadd.s32 @!p0 $0x208, s2;
	s0 =	sshll.u32 @!p0 s0, $0x8  }
0x17f: {  	[spmem:s0] =	stream.linear.scatter @!p0 [tilespmem:s2], [sflag:$0x1], $0x100, $0x38;
	[tilespmem:$0x1E678] =	vst v63  }
0x180: {  	s0 =	simm.s32 @!p0 $0x102  }
0x181: {  	s28 =	simm.s32 $0x1;
	s0 =	simm.s32 @p0 $0x2  }
0x182: {  	_ =	swait.ge [sflag:s28], s0  }
0x183: {  	s0 =	ssub.s32 $0x0, s0;
	[sflag:s28] =	ssyncset.done $0x0  }
0x184: {  	p0 =	sne.s32 s15, $0x0;
	[sflag:s28] =	ssyncadd.s32 s0  }
.Ltmp23:
0x185: {  	_ =	sfence.stream.spmem;
	(pc) =	sbr.rel @p0 .LBB2_45-.Ltmp23, $4  }
0x186: {  	s29 =	simm.s32 $0x3;
	[bflag:$0x0] =	sbarrier.arrive $0xFFFF  }
0x187: {  	s30 =	simm.s32 $0x4;
	[sflag:s29] =	ssyncpa.u1 $0x1  }
0x188: {  	s31 =	simm.s32 $0x3C;
	[sflag:s30] =	ssyncpa.u1 $0x1  }
0x189: {  	s14 =	rddreg [dreg:$0x4];
	[sflag:s31] =	ssyncpa.u1 $0x1  }
0x18a: {  	_ =	sfence.stream.spmem;
	s0 =	simm.s32 $0x5  }
0x18b: {  	s2 =	simm.s32 $0x2000;
	s3 =	simm.s32 $0xE418;
	[sflag:s0] =	ssyncpa.u1 $0x0  }
0x18c: {  	[tilespmem:s3], [sflag:$0x5] =	stream.linear.gather [spmem:s2], $0x20, $0x38;
	[tilespmem:$0x1E678] =	vst v63  }
0x18d: {  	s26 =	simm.s32 $0x0;
	s28 =	simm.s32 $0xE438  }
0x18e: {  	[tilespmem:s28], [sflag:$0x5] =	stream.linear.gather [spmem:s26], $0x2000, $0x38;
	[tilespmem:$0x1E678] =	vst v63  }
0x18f: {  	_ =	swait.ge [sflag:s0], $0x2020  }
0x190: {  	[sflag:s0] =	ssyncset.done $0x0  }
0x191: {  	s29 =	simm.s32 $0x0;
	[sflag:s0] =	ssyncadd.s32 $0xFFFFDFE0  }
0x192: {  	v0 =	vld.msk [tilespmem:s29+$0xE418], $0x1;
	_ =	sdelay $0x1  }
0x193: {  	s30 =	simm.s32 $0x1  }
0x194: {  	v1 =	vld.msk [tilespmem:s30+$0xE418], $0x1;
	_ =	sdelay $0x1  }
0x195: {  	(v2sf) =	vpush v0, $0x0;
	_ =	sdelay $0x2  }
0x196: {  	(v2sf) =	vpush v1, $0x0;
	_ =	sdelay $0x2  }
0x197: {  	s31 =	simm.s32 $0x2  }
0x198: {  	v0 =	vld.msk [tilespmem:s31+$0xE418], $0x1;
	_ =	sdelay $0x2  }
0x199: {  	s2 =	simm.s32 $0xFFFFFFFF;
	s3 =	simm.s32 $0xFFFFFFFF;
	s0 =	simm.s32 $0xC  }
.LBB2_30:
0x19a: {  	s4 =	smov.u32 s3;
	s5 =	smov.u32 s2  }
0x19b: {  	s2 =	sshra.s32 s0, $0x2;
	p1 =	sne.s32 s0, $0x7C;
	s0 =	sadd.s32 $0x4, s0;
	(v2sf) =	vpush v0, $0x0  }
0x19c: {  	v0 =	vld.msk [tilespmem:s2+$0xE418], $0x1  }
.Ltmp24:
0x19d: {  	(pc) =	sbr.rel @p1 .LBB2_30-.Ltmp24, $4  }
0x19e: {  	s3 =	spop (v2sf)  }
0x19f: {  	p2 =	sne.s32 s5, $0xFFFFFFFF;
	s2 =	smov.u32 s3  }
0x1a0: {  	p3 =	seq.s32 s3, $0xFFFFFFFF;
	s2 =	smov.u32 @p2 s5  }
0x1a1: {  	s3 =	smov.u32 @p3 s4;
	s2 =	smov.u32 @p3 s5  }
0x1a2: {  	(v2sf) =	vpush v0, $0x0;
	_ =	sdelay $0x8  }
0x1a3: {  	s0 =	spop (v2sf)  }
0x1a4: {  	p1 =	sne.s32 s2, $0xFFFFFFFF;
	s9 =	simm.s32 $0x6;
	s4 =	smov.u32 s0  }
0x1a5: {  	s6 =	simm.s32 $0x0;
	p2 =	seq.s32 s0, $0xFFFFFFFF;
	s4 =	smov.u32 @p1 s2  }
0x1a6: {  	s10 =	simm.s32 $0xE308;
	s4 =	smov.u32 @p2 s2;
	s2 =	spop (v2sf)  }
0x1a7: {  	s0 =	smov.u32 @p2 s3;
	p1 =	sne.s32 s4, $0xFFFFFFFF;
	s5 =	smov.u32 s2  }
.Ltmp25:
0x1a8: {  	p2 =	seq.s32 s2, $0xFFFFFFFF;
	s5 =	smov.u32 @p1 s4;
	(pc) =	sbr.rel .LBB2_32-.Ltmp25, $4  }
0x1a9: {  	s11 =	simm.s32 $0xE388;
	s5 =	smov.u32 @p2 s4;
	s7 =	spop (v2sf)  }
0x1aa: {  	s12 =	simm.s32 $0x0;
	p1 =	sne.s32 s5, $0xFFFFFFFF;
	s8 =	smov.u32 s7  }
0x1ab: {  	s2 =	smov.u32 @p2 s0;
	p2 =	seq.s32 s7, $0xFFFFFFFF;
	s8 =	smov.u32 @p1 s5  }
0x1ac: {  	[sflag:s9] =	ssyncpa.u1 $0x0;
	s7 =	smov.u32 @p2 s2;
	s8 =	smov.u32 @p2 s5  }
.LBB2_38:
0x1ad: {  	p1 =	sgt.u32 s0, $0x4E170  }
0x1ae: {  	p2 =	seq.s32 @!p1 s0, s8  }
0x1af: {  	p1 =	por p1, p2  }
0x1b0: {  	p2 =	sne.s32 @!p1 s0, s7  }
0x1b1: {  	p1 =	por p1, !p2  }
0x1b2: {  	s0 =	sshll.u32 @p1 s12, $0xA  }
0x1b3: {  	s2 =	sand.u32 @!p1 $0x7FFF8, s0;
	s3 =	sand.u32 @!p1 $0x7, s0;
	s0 =	sadd.s32 @!p1 $0x80, s0  }
0x1b4: {  	s2 =	sadd.s32 @!p1 s1, s2;
	s0 =	sand.u32 @!p1 $0xFFFF8, s0  }
0x1b5: {  	[tilespmem:s10], [sflag:$0x6] =	stream.linear.gather @!p1 [hbm4b:s2+s3], $0x80, $0x38;
	[tilespmem:$0x1E678] =	vst v63  }
0x1b6: {  	s0 =	sadd.s32 @!p1 s1, s0  }
0x1b7: {  	[tilespmem:s11], [sflag:$0x6] =	stream.linear.gather @!p1 [hbm4b:s0+s3], $0x80, $0x38;
	[tilespmem:$0x1E678] =	vst v63  }
0x1b8: {  	_ =	swait.ge @!p1 [sflag:s9], $0x100  }
0x1b9: {  	[sflag:s9] =	ssyncset.done @!p1 $0x0  }
0x1ba: {  	[sflag:s9] =	ssyncadd.s32 @!p1 $0xFFFFFF00  }
0x1bb: {  	v1 =	vld @!p1 [tilespmem:$0xE308];
	_ =	sdelay $0x2  }
0x1bc: {  	s0 =	sshll.u32 @!p1 s12, $0xA  }
0x1bd: {  	s2 =	sshrl.u32 @!p1 s0, $0x2  }
0x1be: {  	[tilespmem:s2+$0xE438] =	vst.add.f32.msk @!p1 $0xffff, v1  }
0x1bf: {  	v1 =	vld @!p1 [tilespmem:$0xE318];
	_ =	sdelay $0x4  }
0x1c0: {  	[tilespmem:s2+$0xE448] =	vst.add.f32.msk @!p1 $0xffff, v1  }
0x1c1: {  	v1 =	vld @!p1 [tilespmem:$0xE328];
	_ =	sdelay $0x4  }
0x1c2: {  	[tilespmem:s2+$0xE458] =	vst.add.f32.msk @!p1 $0xffff, v1  }
0x1c3: {  	v1 =	vld @!p1 [tilespmem:$0xE338];
	_ =	sdelay $0x4  }
0x1c4: {  	[tilespmem:s2+$0xE468] =	vst.add.f32.msk @!p1 $0xffff, v1  }
0x1c5: {  	v1 =	vld @!p1 [tilespmem:$0xE348];
	_ =	sdelay $0x4  }
0x1c6: {  	[tilespmem:s2+$0xE478] =	vst.add.f32.msk @!p1 $0xffff, v1  }
0x1c7: {  	v1 =	vld @!p1 [tilespmem:$0xE358];
	_ =	sdelay $0x4  }
0x1c8: {  	[tilespmem:s2+$0xE488] =	vst.add.f32.msk @!p1 $0xffff, v1  }
0x1c9: {  	v1 =	vld @!p1 [tilespmem:$0xE368];
	_ =	sdelay $0x4  }
0x1ca: {  	[tilespmem:s2+$0xE498] =	vst.add.f32.msk @!p1 $0xffff, v1  }
0x1cb: {  	v1 =	vld @!p1 [tilespmem:$0xE378];
	_ =	sdelay $0x4  }
0x1cc: {  	[tilespmem:s2+$0xE4A8] =	vst.add.f32.msk @!p1 $0xffff, v1  }
0x1cd: {  	v1 =	vld @!p1 [tilespmem:$0xE388];
	_ =	sdelay $0x4  }
0x1ce: {  	[tilespmem:s2+$0xE4B8] =	vst.add.f32.msk @!p1 $0xffff, v1  }
0x1cf: {  	v1 =	vld @!p1 [tilespmem:$0xE398];
	_ =	sdelay $0x4  }
0x1d0: {  	[tilespmem:s2+$0xE4C8] =	vst.add.f32.msk @!p1 $0xffff, v1  }
0x1d1: {  	v1 =	vld @!p1 [tilespmem:$0xE3A8];
	_ =	sdelay $0x4  }
0x1d2: {  	[tilespmem:s2+$0xE4D8] =	vst.add.f32.msk @!p1 $0xffff, v1  }
0x1d3: {  	v1 =	vld @!p1 [tilespmem:$0xE3B8];
	_ =	sdelay $0x4  }
0x1d4: {  	[tilespmem:s2+$0xE4E8] =	vst.add.f32.msk @!p1 $0xffff, v1  }
0x1d5: {  	v1 =	vld @!p1 [tilespmem:$0xE3C8];
	_ =	sdelay $0x4  }
0x1d6: {  	[tilespmem:s2+$0xE4F8] =	vst.add.f32.msk @!p1 $0xffff, v1  }
0x1d7: {  	v1 =	vld @!p1 [tilespmem:$0xE3D8];
	_ =	sdelay $0x4  }
0x1d8: {  	[tilespmem:s2+$0xE508] =	vst.add.f32.msk @!p1 $0xffff, v1  }
0x1d9: {  	v1 =	vld @!p1 [tilespmem:$0xE3E8];
	_ =	sdelay $0x4  }
0x1da: {  	[tilespmem:s2+$0xE518] =	vst.add.f32.msk @!p1 $0xffff, v1  }
0x1db: {  	v1 =	vld @!p1 [tilespmem:$0xE3F8];
	_ =	sdelay $0x4  }
0x1dc: {  	[tilespmem:s2+$0xE528] =	vst.add.f32.msk @!p1 $0xffff, v1  }
0x1dd: {  	s0 =	sshrl.u32 s0, $0x2;
	[tilespmem:s6+$0xE418] =	vst.msk $0x1, v0  }
0x1de: {  	v0 =	vld [tilespmem:s0+$0xE438];
	_ =	sdelay $0x2  }
0x1df: {  	s31 =	sshll.u32 s6, $0xA  }
0x1e0: {  	s2 =	sshra.s32 s31, $0x2  }
0x1e1: {  	[tilespmem:s2+$0xE438] =	vst v0  }
0x1e2: {  	v0 =	vld [tilespmem:s0+$0xE448];
	_ =	sdelay $0x4  }
0x1e3: {  	[tilespmem:s2+$0xE448] =	vst v0  }
0x1e4: {  	v0 =	vld [tilespmem:s0+$0xE458];
	_ =	sdelay $0x4  }
0x1e5: {  	[tilespmem:s2+$0xE458] =	vst v0  }
0x1e6: {  	v0 =	vld [tilespmem:s0+$0xE468];
	_ =	sdelay $0x4  }
0x1e7: {  	[tilespmem:s2+$0xE468] =	vst v0  }
0x1e8: {  	v0 =	vld [tilespmem:s0+$0xE478];
	_ =	sdelay $0x4  }
0x1e9: {  	[tilespmem:s2+$0xE478] =	vst v0  }
0x1ea: {  	v0 =	vld [tilespmem:s0+$0xE488];
	_ =	sdelay $0x4  }
0x1eb: {  	[tilespmem:s2+$0xE488] =	vst v0  }
0x1ec: {  	v0 =	vld [tilespmem:s0+$0xE498];
	_ =	sdelay $0x4  }
0x1ed: {  	[tilespmem:s2+$0xE498] =	vst v0  }
0x1ee: {  	v0 =	vld [tilespmem:s0+$0xE4A8];
	_ =	sdelay $0x4  }
0x1ef: {  	[tilespmem:s2+$0xE4A8] =	vst v0  }
0x1f0: {  	v0 =	vld [tilespmem:s0+$0xE4B8];
	_ =	sdelay $0x4  }
0x1f1: {  	[tilespmem:s2+$0xE4B8] =	vst v0  }
0x1f2: {  	v0 =	vld [tilespmem:s0+$0xE4C8];
	_ =	sdelay $0x4  }
0x1f3: {  	[tilespmem:s2+$0xE4C8] =	vst v0  }
0x1f4: {  	v0 =	vld [tilespmem:s0+$0xE4D8];
	_ =	sdelay $0x4  }
0x1f5: {  	[tilespmem:s2+$0xE4D8] =	vst v0  }
0x1f6: {  	v0 =	vld [tilespmem:s0+$0xE4E8];
	_ =	sdelay $0x4  }
0x1f7: {  	[tilespmem:s2+$0xE4E8] =	vst v0  }
0x1f8: {  	v0 =	vld [tilespmem:s0+$0xE4F8];
	_ =	sdelay $0x4  }
0x1f9: {  	[tilespmem:s2+$0xE4F8] =	vst v0  }
0x1fa: {  	v0 =	vld [tilespmem:s0+$0xE508];
	_ =	sdelay $0x4  }
0x1fb: {  	[tilespmem:s2+$0xE508] =	vst v0  }
0x1fc: {  	v0 =	vld [tilespmem:s0+$0xE518];
	_ =	sdelay $0x4  }
0x1fd: {  	[tilespmem:s2+$0xE518] =	vst v0  }
0x1fe: {  	v0 =	vld [tilespmem:s0+$0xE528];
	_ =	sdelay $0x4  }
0x1ff: {  	s6 =	sadd.s32 $0x1, s6;
	[tilespmem:s2+$0xE528] =	vst v0  }
.LBB2_39:
0x200: {  	s12 =	sadd.s32 $0x1, s12  }
0x201: {  	p1 =	sne.s32 s12, $0x20  }
.Ltmp26:
0x202: {  	_ = 	snop;
	(pc) =	sbr.rel @!p1 .LBB2_40-.Ltmp26, $1  }
0x203: {  	_ =	sdelay $0x3  }
.LBB2_32:
0x204: {  	v0 =	vld.msk [tilespmem:s12+$0xE418], $0x1;
	_ =	sdelay $0x4  }
0x205: {  	(v2sf) =	vpush v0, $0x0;
	_ =	sdelay $0xe  }
0x206: {  	s0 =	spop (v2sf)  }
0x207: {  	p1 =	seq.s32 s0, $0xFFFFFFFF  }
.Ltmp27:
0x208: {  	_ = 	snop;
	(pc) =	sbr.rel @p1 .LBB2_39-.Ltmp27, $1  }
0x209: {  	_ =	sdelay $0x3  }
0x20a: {  	p1 =	slt.s32 s6, $0x1  }
.Ltmp28:
0x20b: {  	_ = 	snop;
	(pc) =	sbr.rel @p1 .LBB2_38-.Ltmp28, $1  }
0x20c: {  	_ =	sdelay $0x3  }
0x20d: {  	s4 =	simm.s32 $0xE418;
	p1 =	por $0x0, $0x0  }
0x20e: {  	v1 =	vld.msk @!p1 [tilespmem:s4+$0x0], $0x1;
	_ =	sdelay $0x4  }
0x20f: {  	(v2sf) =	vpush @!p1 v1, $0x0;
	_ =	sdelay $0xd  }
0x210: {  	p3 =	sne.s32 s6, $0x1  }
.Ltmp29:
0x211: {  	s2 =	spop @!p1 (v2sf);
	(pc) =	sbr.rel @!p3 .LBB2_36-.Ltmp29, $4  }
0x212: {  	p2 =	seq.s32 @!p1 s0, s2  }
0x213: {  	s5 =	simm.s32 $0x0;
	p2 =	por !p2, p1  }
0x214: {  	s2 =	simm.s32 $0xFFFFFFFF;
	s5 =	simm.s32 @p2 $0xFFFFFFFF  }
0x215: {  	s13 =	simm.s32 $0x1;
	s5 =	smov.u32 @p1 s2  }
.LBB2_35:
0x216: {  	s2 =	smov.u32 s5;
	p1 =	sne.s32 s5, $0xFFFFFFFF  }
0x217: {  	s4 =	sadd.s32 $0x1, s4;
	s5 =	smov.u32 s13;
	s13 =	sadd.s32 $0x1, s13  }
0x218: {  	p2 =	sne.s32 s6, s13;
	v1 =	vld.msk @!p1 [tilespmem:s4+$0x0], $0x1;
	_ =	sdelay $0x4  }
0x219: {  	(v2sf) =	vpush @!p1 v1, $0x0;
	_ =	sdelay $0xe  }
.Ltmp30:
0x21a: {  	s3 =	spop @!p1 (v2sf);
	(pc) =	sbr.rel @p2 .LBB2_35-.Ltmp30, $4  }
0x21b: {  	p3 =	seq.s32 @!p1 s0, s3  }
0x21c: {  	p3 =	por !p3, p1  }
0x21d: {  	s5 =	simm.s32 @p3 $0xFFFFFFFF  }
0x21e: {  	s5 =	smov.u32 @p1 s2  }
.LBB2_36:
0x21f: {  	p1 =	seq.s32 s5, $0xFFFFFFFF  }
.Ltmp31:
0x220: {  	_ = 	snop;
	(pc) =	sbr.rel @p1 .LBB2_38-.Ltmp31, $1  }
0x221: {  	_ =	sdelay $0x3  }
0x222: {  	s0 =	sshll.u32 s12, $0x8  }
0x223: {  	s0 =	sand.u32 $0x3FFFFF00, s0  }
0x224: {  	v0 =	vld [tilespmem:s0+$0xE438];
	_ =	sdelay $0x2  }
0x225: {  	s2 =	sshll.u32 s5, $0xA  }
0x226: {  	s2 =	sshra.s32 s2, $0x2  }
0x227: {  	[tilespmem:s2+$0xE438] =	vst.add.f32.msk $0xffff, v0  }
0x228: {  	v0 =	vld [tilespmem:s0+$0xE448];
	_ =	sdelay $0x4  }
0x229: {  	[tilespmem:s2+$0xE448] =	vst.add.f32.msk $0xffff, v0  }
0x22a: {  	v0 =	vld [tilespmem:s0+$0xE458];
	_ =	sdelay $0x4  }
0x22b: {  	[tilespmem:s2+$0xE458] =	vst.add.f32.msk $0xffff, v0  }
0x22c: {  	v0 =	vld [tilespmem:s0+$0xE468];
	_ =	sdelay $0x4  }
0x22d: {  	[tilespmem:s2+$0xE468] =	vst.add.f32.msk $0xffff, v0  }
0x22e: {  	v0 =	vld [tilespmem:s0+$0xE478];
	_ =	sdelay $0x4  }
0x22f: {  	[tilespmem:s2+$0xE478] =	vst.add.f32.msk $0xffff, v0  }
0x230: {  	v0 =	vld [tilespmem:s0+$0xE488];
	_ =	sdelay $0x4  }
0x231: {  	[tilespmem:s2+$0xE488] =	vst.add.f32.msk $0xffff, v0  }
0x232: {  	v0 =	vld [tilespmem:s0+$0xE498];
	_ =	sdelay $0x4  }
0x233: {  	[tilespmem:s2+$0xE498] =	vst.add.f32.msk $0xffff, v0  }
0x234: {  	v0 =	vld [tilespmem:s0+$0xE4A8];
	_ =	sdelay $0x4  }
0x235: {  	[tilespmem:s2+$0xE4A8] =	vst.add.f32.msk $0xffff, v0  }
0x236: {  	v0 =	vld [tilespmem:s0+$0xE4B8];
	_ =	sdelay $0x4  }
0x237: {  	[tilespmem:s2+$0xE4B8] =	vst.add.f32.msk $0xffff, v0  }
0x238: {  	v0 =	vld [tilespmem:s0+$0xE4C8];
	_ =	sdelay $0x4  }
0x239: {  	[tilespmem:s2+$0xE4C8] =	vst.add.f32.msk $0xffff, v0  }
0x23a: {  	v0 =	vld [tilespmem:s0+$0xE4D8];
	_ =	sdelay $0x4  }
0x23b: {  	[tilespmem:s2+$0xE4D8] =	vst.add.f32.msk $0xffff, v0  }
0x23c: {  	v0 =	vld [tilespmem:s0+$0xE4E8];
	_ =	sdelay $0x4  }
0x23d: {  	[tilespmem:s2+$0xE4E8] =	vst.add.f32.msk $0xffff, v0  }
0x23e: {  	v0 =	vld [tilespmem:s0+$0xE4F8];
	_ =	sdelay $0x4  }
0x23f: {  	[tilespmem:s2+$0xE4F8] =	vst.add.f32.msk $0xffff, v0  }
0x240: {  	v0 =	vld [tilespmem:s0+$0xE508];
	_ =	sdelay $0x4  }
0x241: {  	[tilespmem:s2+$0xE508] =	vst.add.f32.msk $0xffff, v0  }
0x242: {  	v0 =	vld [tilespmem:s0+$0xE518];
	_ =	sdelay $0x4  }
0x243: {  	[tilespmem:s2+$0xE518] =	vst.add.f32.msk $0xffff, v0  }
0x244: {  	v0 =	vld [tilespmem:s0+$0xE528]  }
.Ltmp32:
0x245: {  	_ = 	snop;
	(pc) =	sbr.rel .LBB2_39-.Ltmp32, $2  }
0x246: {  	_ =	sdelay $0x2  }
0x247: {  	[tilespmem:s2+$0xE528] =	vst.add.f32.msk $0xffff, v0  }
.LBB2_40:
0x248: {  	s0 =	simm.s32 $0x6;
	p1 =	seq.s32 s6, $0x0  }
0x249: {  	[sflag:s0] =	ssyncpa.u1 $0x1;
	v0 =	vimm.s32 @p1 $0xFFFFFFFF  }
0x24a: {  	s0 =	sadd.s32 $0xFFFFFFFF, s6;
	[tilespmem:$0x10438] =	vst @p1 v0  }
0x24b: {  	v0 =	vld.msk @!p1 [tilespmem:s0+$0xE418], $0x1;
	_ =	sdelay $0x1  }
0x24c: {  	v1 =	vld.msk @!p1 [tilespmem:$0xE418], $0x1;
	_ =	sdelay $0x2  }
0x24d: {  	p2 =	seq.s32 @!p1 s0, $0x0;
	v0 =	vbroadcast @!p1 v0, $0x0  }
0x24e: {  	vm0 =	vmmov @!p1 $0x1;
	p2 =	por !p2, p1  }
0x24f: {  	v1 =	vnsel @!p1 vm0, $0xFFFFFFFF, v1;
	vm0 =	vcmask @!p1 $0x308;
	v0 =	vpsel !p2, $0xFFFFFFFF, v0  }
0x250: {  	p2 =	sne.s32 @!p1 s8, s7;
	v0 =	vsel @!p1 vm0, v1, v0  }
0x251: {  	s2 =	simm.s32 @!p1 $0xE438;
	s3 =	simm.s32 @!p1 $0x0;
	p3 =	por !p2, p1;
	[tilespmem:$0x10438] =	vst @!p1 v0  }
0x252: {  	[spmem:s3] =	stream.linear.scatter @!p1 [tilespmem:s2], [sflag:$0x1], $0x100, $0x38;
	[tilespmem:$0x1E678] =	vst v63  }
0x253: {  	s2 =	sshll.u32 @!p3 s0, $0xA  }
0x254: {  	s2 =	sshra.s32 @!p3 s2, $0x2  }
0x255: {  	s3 =	simm.s32 @!p3 $0x100;
	s2 =	sadd.s32 @!p3 $0xE438, s2  }
0x256: {  	[spmem:s3] =	stream.linear.scatter @!p3 [tilespmem:s2], [sflag:$0x1], $0x100, $0x38;
	[tilespmem:$0x1E678] =	vst v63  }
0x257: {  	s2 =	simm.s32 @!p3 $0x1  }
0x258: {  	_ =	swait.ge @!p3 [sflag:s2], $0x200  }
0x259: {  	p1 =	por p2, p1;
	[sflag:s2] =	ssyncset.done @!p3 $0x0  }
0x25a: {  	[sflag:s2] =	ssyncadd.s32 @!p3 $0xFFFFFE00;
	s2 =	simm.s32 @!p1 $0x1  }
0x25b: {  	_ =	swait.ge @!p1 [sflag:s2], $0x100  }
0x25c: {  	s29 =	simm.s32 $0x10438;
	[sflag:s2] =	ssyncset.done @!p1 $0x0  }
0x25d: {  	s30 =	simm.s32 $0x2000;
	s31 =	simm.s32 $0x1;
	[sflag:s2] =	ssyncadd.s32 @!p1 $0xFFFFFF00  }
0x25e: {  	[spmem:s30] =	stream.linear.scatter [tilespmem:s29], [sflag:$0x1], $0x10, $0x38;
	[tilespmem:$0x1E678] =	vst v63  }
0x25f: {  	_ =	swait.ge [sflag:s31], $0x10  }
0x260: {  	[sflag:s31] =	ssyncset.done $0x0  }
0x261: {  	p1 =	seq.s32 s14, $0x0;
	s9 =	rddreg [dreg:$0x1];
	[sflag:s31] =	ssyncadd.s32 $0xFFFFFFF0  }
0x262: {  	s3 =	sshll.u32 @p1 s9, $0xE;
	s8 =	rddreg [dreg:$0x2]  }
0x263: {  	s2 =	sadd.s32 @p1 $0x15C3C, s3;
	s3 =	sshll.u32 @p1 s8, $0x11  }
0x264: {  	_ =	sfence.stream.spmem;
	s2 =	sor.u32 @p1 s3, s2  }
0x265: {  	[sflag:s2] =	ssyncadd.remote.s32 @p1 $0x1;
	s2 =	simm.s32 @p1 $0x4  }
0x266: {  	s4 =	simm.s32 @!p1 $0x3C;
	s3 =	sand.u32 $0xFFFFFFFE, s9;
	_ =	swait.ge @p1 [sflag:s2], $0x42  }
0x267: {  	s5 =	simm.s32 @!p1 $0x0;
	s3 =	sadd.s32 @!p1 $0x4, s3;
	[sflag:s2] =	ssyncset.done @p1 $0x0  }
0x268: {  	s7 =	simm.s32 @!p1 $0x200;
	[sflag:s2] =	ssyncadd.s32 @p1 $0xFFFFFFBE;
	s2 =	sshll.u32 @!p1 s3, $0x1A  }
0x269: {  	s3 =	sshll.u32 @!p1 s3, $0xD;
	s2 =	sor.u32 @!p1 s2, s8;
	_ =	swait.eq @!p1 [sflag:s4], $0x1  }
0x26a: {  	s3 =	sor.u32 @!p1 $0x1C04, s3;
	s4 =	simm.s32 @!p1 $0x1C03;
	s2 =	sor.u32 @!p1 $0x80004000, s2  }
0x26b: {  	[spmem:s7], [sflag:s3] =	dma.general @!p1 [spmem:s5], [sflag:s4], length:$0x40, [dreg:$0x0], stride_count:$0x0, ici_dest:s2, dma_misc:DstOpCode:WRITE  }
0x26c: {  	p2 =	slt.s32 s0, $0x2;
	s5 =	simm.s32 @!p1 $0x400;
	s7 =	simm.s32 @!p1 $0x402  }
0x26d: {  	[spmem:s7], [sflag:s3] =	dma.general @!p1 [spmem:s5], [sflag:s4], length:$0x2, [dreg:$0x0], stride_count:$0x0, ici_dest:s2, dma_misc:DstOpCode:WRITE  }
.Ltmp33:
0x26e: {  	s2 =	simm.s32 @!p1 $0x3;
	(pc) =	sbr.rel @p2 .LBB2_44-.Ltmp33, $4  }
0x26f: {  	s3 =	sshll.u32 @!p1 s9, $0xE;
	_ =	swait.ge @!p1 [sflag:s2], $0x42  }
0x270: {  	s4 =	sshll.u32 @!p1 s8, $0x11;
	s3 =	sadd.s32 @!p1 $0x11C3C, s3;
	[sflag:s2] =	ssyncset.done @!p1 $0x0  }
0x271: {  	[sflag:s2] =	ssyncadd.s32 @!p1 $0xFFFFFFBE;
	s2 =	sor.u32 @!p1 s4, s3  }
0x272: {  	s0 =	simm.s32 $0x0;
	[sflag:s2] =	ssyncadd.remote.s32 @!p1 $0xFFFFFFFF  }
0x273: {  	s0 =	simm.s32 $0xE419  }
0x274: {  	v0 =	vld.msk [tilespmem:s0+$0x0], $0x1;
	_ =	sdelay $0x4  }
0x275: {  	(v2sf) =	vpush v0, $0x0;
	_ =	sdelay $0xd  }
0x276: {  	s31 =	sadd.s32 $0xFFFFFFFE, s6  }
0x277: {  	s6 =	simm.s32 $0x0;
	s0 =	sadd.s32 $0xFFFFFFFF, s31;
	s2 =	spop (v2sf)  }
0x278: {  	s3 =	simm.s32 $0xE538;
	p1 =	sne.s32 s0, $0x0;
	p2 =	sgt.u32 s2, $0x4E170  }
.Ltmp34:
0x279: {  	s4 =	simm.s32 $0xE638;
	s5 =	sand.u32 @!p2 $0x7FFF8, s2;
	(pc) =	sbr.rel @!p1 .LBB2_43-.Ltmp34, $4  }
0x27a: {  	s7 =	sadd.s32 @!p2 $0x80, s2;
	s2 =	sand.u32 @!p2 $0x7, s2;
	s6 =	simm.s32 @!p2 $0x400  }
0x27b: {  	s5 =	sadd.s32 @!p2 s1, s5;
	s7 =	sand.u32 @!p2 $0xFFFF8, s7;
	s6 =	sadd.s32 $0x0, s6  }
0x27c: {  	[hbm4b:s5+s2] =	stream.linear.scatter @!p2 [tilespmem:s3], [sflag:$0x5], $0x80, $0x38;
	[tilespmem:$0x1E678] =	vst v63  }
0x27d: {  	s5 =	simm.s32 $0xE41A;
	s3 =	simm.s32 @!p2 $0xE5B8;
	s7 =	sadd.s32 @!p2 s1, s7  }
.LBB2_42:
0x27e: {  	[hbm4b:s7+s2] =	stream.linear.scatter @!p2 [tilespmem:s3], [sflag:$0x5], $0x80, $0x38;
	[tilespmem:$0x1E678] =	vst v63  }
0x27f: {  	s0 =	sadd.s32 $0xFFFFFFFF, s0;
	s3 =	smov.u32 s4;
	v0 =	vld.msk [tilespmem:s5+$0x0], $0x1  }
0x280: {  	p1 =	sne.s32 s0, $0x0;
	_ =	sdelay $0x3  }
0x281: {  	(v2sf) =	vpush v0, $0x0;
	_ =	sdelay $0xe  }
0x282: {  	s4 =	sadd.s32 $0x100, s4;
	s8 =	simm.s32 $0x0;
	s2 =	spop (v2sf)  }
.Ltmp35:
0x283: {  	s5 =	sadd.s32 $0x1, s5;
	p2 =	sgt.u32 s2, $0x4E170;
	(pc) =	sbr.rel @p1 .LBB2_42-.Ltmp35, $4  }
0x284: {  	s8 =	simm.s32 @!p2 $0x400;
	s7 =	sand.u32 @!p2 $0x7FFF8, s2;
	s9 =	sadd.s32 @!p2 $0x80, s2  }
0x285: {  	s2 =	sand.u32 @!p2 $0x7, s2;
	s7 =	sadd.s32 @!p2 s1, s7;
	s9 =	sand.u32 @!p2 $0xFFFF8, s9  }
0x286: {  	[hbm4b:s7+s2] =	stream.linear.scatter @!p2 [tilespmem:s3], [sflag:$0x5], $0x80, $0x38;
	[tilespmem:$0x1E678] =	vst v63  }
0x287: {  	s6 =	sadd.s32 s6, s8;
	s3 =	sadd.s32 @!p2 $0x80, s3;
	s7 =	sadd.s32 @!p2 s1, s9  }
.LBB2_43:
0x288: {  	[hbm4b:s7+s2] =	stream.linear.scatter @!p2 [tilespmem:s3], [sflag:$0x5], $0x80, $0x38;
	[tilespmem:$0x1E678] =	vst v63  }
0x289: {  	s0 =	sshrl.u32 s6, $0x2  }
.LBB2_44:
0x28a: {  	s2 =	simm.s32 $0x5  }
0x28b: {  	_ =	swait.ge [sflag:s2], s0  }
0x28c: {  	s31 =	ssub.s32 $0x0, s0;
	[sflag:s2] =	ssyncset.done $0x0  }
0x28d: {  	[sflag:s2] =	ssyncadd.s32 s31  }
0x28e: {  	[sflag:s2] =	ssyncpa.u1 $0x1  }
.LBB2_45:
0x28f: {  	s0 =	sor.u32 s14, s15  }
0x290: {  	p1 =	sne.s32 s0, $0x0  }
.Ltmp36:
0x291: {  	_ = 	snop;
	(pc) =	sbr.rel @p1 .LBB2_60-.Ltmp36, $3  }
0x292: {  	_ =	sdelay $0x1  }
0x293: {  	[bflag:$0x0] =	sbarrier.arrive $0xFFFF  }
0x294: {  	_ =	sfence  }
0x295: {  	s0 =	simm.s32 $0x7  }
0x296: {  	s2 =	simm.s32 $0x2000;
	s3 =	simm.s32 $0xE418;
	[sflag:s0] =	ssyncpa.u1 $0x0  }
0x297: {  	[tilespmem:s3], [sflag:$0x7] =	stream.linear.gather [spmem:s2], $0x20, $0x38;
	[tilespmem:$0x1E678] =	vst v63  }
0x298: {  	s30 =	simm.s32 $0xE438;
	s2 =	simm.s32 $0x0  }
0x299: {  	[tilespmem:s30], [sflag:$0x7] =	stream.linear.gather [spmem:s2], $0x2000, $0x38;
	[tilespmem:$0x1E678] =	vst v63  }
.Ltmp37:
0x29a: {  	_ = 	snop;
	(pc) =	sbr.rel .LBB2_47-.Ltmp37, $4  }
0x29b: {  	_ =	swait.ge [sflag:s0], $0x2020  }
0x29c: {  	[sflag:s0] =	ssyncset.done $0x0  }
0x29d: {  	s31 =	simm.s32 $0x8;
	[sflag:s0] =	ssyncadd.s32 $0xFFFFDFE0  }
0x29e: {  	s3 =	simm.s32 $0x0;
	[sflag:s31] =	ssyncpa.u1 $0x0  }
.LBB2_53:
0x29f: {  	p1 =	slt.u32 s0, $0x4E171  }
0x2a0: {  	s4 =	sand.u32 @p1 $0x7FFF8, s0;
	s5 =	sand.u32 @p1 $0x7, s0;
	s0 =	sadd.s32 @p1 $0x80, s0  }
0x2a1: {  	s6 =	simm.s32 @p1 $0xE308;
	s4 =	sadd.s32 @p1 s1, s4;
	s0 =	sand.u32 @p1 $0xFFFF8, s0  }
0x2a2: {  	[tilespmem:s6], [sflag:$0x8] =	stream.linear.gather @p1 [hbm4b:s4+s5], $0x80, $0x38;
	[tilespmem:$0x1E678] =	vst v63  }
0x2a3: {  	s0 =	sadd.s32 @p1 s1, s0;
	s4 =	simm.s32 @p1 $0xE388  }
0x2a4: {  	[tilespmem:s4], [sflag:$0x8] =	stream.linear.gather @p1 [hbm4b:s0+s5], $0x80, $0x38;
	[tilespmem:$0x1E678] =	vst v63  }
0x2a5: {  	s0 =	simm.s32 @p1 $0x8  }
0x2a6: {  	_ =	swait.ge @p1 [sflag:s0], $0x100  }
0x2a7: {  	[sflag:s0] =	ssyncset.done @p1 $0x0  }
0x2a8: {  	[sflag:s0] =	ssyncadd.s32 @p1 $0xFFFFFF00  }
0x2a9: {  	v1 =	vld @p1 [tilespmem:$0xE308];
	_ =	sdelay $0x2  }
0x2aa: {  	s0 =	sshll.u32 @p1 s3, $0xA  }
0x2ab: {  	s4 =	sshrl.u32 @p1 s0, $0x2  }
0x2ac: {  	[tilespmem:s4+$0xE438] =	vst.add.f32.msk @p1 $0xffff, v1  }
0x2ad: {  	v1 =	vld @p1 [tilespmem:$0xE318];
	_ =	sdelay $0x4  }
0x2ae: {  	[tilespmem:s4+$0xE448] =	vst.add.f32.msk @p1 $0xffff, v1  }
0x2af: {  	v1 =	vld @p1 [tilespmem:$0xE328];
	_ =	sdelay $0x4  }
0x2b0: {  	[tilespmem:s4+$0xE458] =	vst.add.f32.msk @p1 $0xffff, v1  }
0x2b1: {  	v1 =	vld @p1 [tilespmem:$0xE338];
	_ =	sdelay $0x4  }
0x2b2: {  	[tilespmem:s4+$0xE468] =	vst.add.f32.msk @p1 $0xffff, v1  }
0x2b3: {  	v1 =	vld @p1 [tilespmem:$0xE348];
	_ =	sdelay $0x4  }
0x2b4: {  	[tilespmem:s4+$0xE478] =	vst.add.f32.msk @p1 $0xffff, v1  }
0x2b5: {  	v1 =	vld @p1 [tilespmem:$0xE358];
	_ =	sdelay $0x4  }
0x2b6: {  	[tilespmem:s4+$0xE488] =	vst.add.f32.msk @p1 $0xffff, v1  }
0x2b7: {  	v1 =	vld @p1 [tilespmem:$0xE368];
	_ =	sdelay $0x4  }
0x2b8: {  	[tilespmem:s4+$0xE498] =	vst.add.f32.msk @p1 $0xffff, v1  }
0x2b9: {  	v1 =	vld @p1 [tilespmem:$0xE378];
	_ =	sdelay $0x4  }
0x2ba: {  	[tilespmem:s4+$0xE4A8] =	vst.add.f32.msk @p1 $0xffff, v1  }
0x2bb: {  	v1 =	vld @p1 [tilespmem:$0xE388];
	_ =	sdelay $0x4  }
0x2bc: {  	[tilespmem:s4+$0xE4B8] =	vst.add.f32.msk @p1 $0xffff, v1  }
0x2bd: {  	v1 =	vld @p1 [tilespmem:$0xE398];
	_ =	sdelay $0x4  }
0x2be: {  	[tilespmem:s4+$0xE4C8] =	vst.add.f32.msk @p1 $0xffff, v1  }
0x2bf: {  	v1 =	vld @p1 [tilespmem:$0xE3A8];
	_ =	sdelay $0x4  }
0x2c0: {  	[tilespmem:s4+$0xE4D8] =	vst.add.f32.msk @p1 $0xffff, v1  }
0x2c1: {  	v1 =	vld @p1 [tilespmem:$0xE3B8];
	_ =	sdelay $0x4  }
0x2c2: {  	[tilespmem:s4+$0xE4E8] =	vst.add.f32.msk @p1 $0xffff, v1  }
0x2c3: {  	v1 =	vld @p1 [tilespmem:$0xE3C8];
	_ =	sdelay $0x4  }
0x2c4: {  	[tilespmem:s4+$0xE4F8] =	vst.add.f32.msk @p1 $0xffff, v1  }
0x2c5: {  	v1 =	vld @p1 [tilespmem:$0xE3D8];
	_ =	sdelay $0x4  }
0x2c6: {  	[tilespmem:s4+$0xE508] =	vst.add.f32.msk @p1 $0xffff, v1  }
0x2c7: {  	v1 =	vld @p1 [tilespmem:$0xE3E8];
	_ =	sdelay $0x4  }
0x2c8: {  	[tilespmem:s4+$0xE518] =	vst.add.f32.msk @p1 $0xffff, v1  }
0x2c9: {  	v1 =	vld @p1 [tilespmem:$0xE3F8];
	_ =	sdelay $0x3  }
0x2ca: {  	s5 =	sshll.u32 @!p1 s3, $0xA  }
0x2cb: {  	s5 =	smov.u32 @p1 s0;
	[tilespmem:s4+$0xE528] =	vst.add.f32.msk @p1 $0xffff, v1  }
0x2cc: {  	s0 =	sshrl.u32 s5, $0x2;
	[tilespmem:s2+$0xE418] =	vst.msk $0x1, v0  }
0x2cd: {  	v0 =	vld [tilespmem:s0+$0xE438];
	_ =	sdelay $0x2  }
0x2ce: {  	s31 =	sshll.u32 s2, $0xA  }
0x2cf: {  	s4 =	sshra.s32 s31, $0x2  }
0x2d0: {  	[tilespmem:s4+$0xE438] =	vst v0  }
0x2d1: {  	v0 =	vld [tilespmem:s0+$0xE448];
	_ =	sdelay $0x4  }
0x2d2: {  	[tilespmem:s4+$0xE448] =	vst v0  }
0x2d3: {  	v0 =	vld [tilespmem:s0+$0xE458];
	_ =	sdelay $0x4  }
0x2d4: {  	[tilespmem:s4+$0xE458] =	vst v0  }
0x2d5: {  	v0 =	vld [tilespmem:s0+$0xE468];
	_ =	sdelay $0x4  }
0x2d6: {  	[tilespmem:s4+$0xE468] =	vst v0  }
0x2d7: {  	v0 =	vld [tilespmem:s0+$0xE478];
	_ =	sdelay $0x4  }
0x2d8: {  	[tilespmem:s4+$0xE478] =	vst v0  }
0x2d9: {  	v0 =	vld [tilespmem:s0+$0xE488];
	_ =	sdelay $0x4  }
0x2da: {  	[tilespmem:s4+$0xE488] =	vst v0  }
0x2db: {  	v0 =	vld [tilespmem:s0+$0xE498];
	_ =	sdelay $0x4  }
0x2dc: {  	[tilespmem:s4+$0xE498] =	vst v0  }
0x2dd: {  	v0 =	vld [tilespmem:s0+$0xE4A8];
	_ =	sdelay $0x4  }
0x2de: {  	[tilespmem:s4+$0xE4A8] =	vst v0  }
0x2df: {  	v0 =	vld [tilespmem:s0+$0xE4B8];
	_ =	sdelay $0x4  }
0x2e0: {  	[tilespmem:s4+$0xE4B8] =	vst v0  }
0x2e1: {  	v0 =	vld [tilespmem:s0+$0xE4C8];
	_ =	sdelay $0x4  }
0x2e2: {  	[tilespmem:s4+$0xE4C8] =	vst v0  }
0x2e3: {  	v0 =	vld [tilespmem:s0+$0xE4D8];
	_ =	sdelay $0x4  }
0x2e4: {  	[tilespmem:s4+$0xE4D8] =	vst v0  }
0x2e5: {  	v0 =	vld [tilespmem:s0+$0xE4E8];
	_ =	sdelay $0x4  }
0x2e6: {  	[tilespmem:s4+$0xE4E8] =	vst v0  }
0x2e7: {  	v0 =	vld [tilespmem:s0+$0xE4F8];
	_ =	sdelay $0x4  }
0x2e8: {  	[tilespmem:s4+$0xE4F8] =	vst v0  }
0x2e9: {  	v0 =	vld [tilespmem:s0+$0xE508];
	_ =	sdelay $0x4  }
0x2ea: {  	[tilespmem:s4+$0xE508] =	vst v0  }
0x2eb: {  	v0 =	vld [tilespmem:s0+$0xE518];
	_ =	sdelay $0x4  }
0x2ec: {  	[tilespmem:s4+$0xE518] =	vst v0  }
0x2ed: {  	v0 =	vld [tilespmem:s0+$0xE528];
	_ =	sdelay $0x4  }
0x2ee: {  	s2 =	sadd.s32 $0x1, s2;
	[tilespmem:s4+$0xE528] =	vst v0  }
.LBB2_54:
0x2ef: {  	s3 =	sadd.s32 $0x1, s3  }
0x2f0: {  	p1 =	sne.s32 s3, $0x20  }
.Ltmp38:
0x2f1: {  	_ = 	snop;
	(pc) =	sbr.rel @!p1 .LBB2_55-.Ltmp38, $1  }
0x2f2: {  	_ =	sdelay $0x3  }
.LBB2_47:
0x2f3: {  	v0 =	vld.msk [tilespmem:s3+$0xE418], $0x1;
	_ =	sdelay $0x4  }
0x2f4: {  	(v2sf) =	vpush v0, $0x0;
	_ =	sdelay $0xe  }
0x2f5: {  	s0 =	spop (v2sf)  }
0x2f6: {  	p1 =	seq.s32 s0, $0xFFFFFFFF  }
.Ltmp39:
0x2f7: {  	_ = 	snop;
	(pc) =	sbr.rel @p1 .LBB2_54-.Ltmp39, $1  }
0x2f8: {  	_ =	sdelay $0x3  }
0x2f9: {  	p1 =	slt.s32 s2, $0x1  }
.Ltmp40:
0x2fa: {  	_ = 	snop;
	(pc) =	sbr.rel @p1 .LBB2_53-.Ltmp40, $1  }
0x2fb: {  	_ =	sdelay $0x3  }
0x2fc: {  	s4 =	simm.s32 $0xE418;
	p1 =	por $0x0, $0x0  }
0x2fd: {  	v1 =	vld.msk @!p1 [tilespmem:s4+$0x0], $0x1;
	_ =	sdelay $0x4  }
0x2fe: {  	(v2sf) =	vpush @!p1 v1, $0x0;
	_ =	sdelay $0xd  }
0x2ff: {  	p3 =	sne.s32 s2, $0x1  }
.Ltmp41:
0x300: {  	s5 =	spop @!p1 (v2sf);
	(pc) =	sbr.rel @!p3 .LBB2_51-.Ltmp41, $4  }
0x301: {  	p2 =	seq.s32 @!p1 s0, s5  }
0x302: {  	s5 =	simm.s32 $0x0;
	p2 =	por !p2, p1  }
0x303: {  	s7 =	simm.s32 $0xFFFFFFFF;
	s5 =	simm.s32 @p2 $0xFFFFFFFF  }
0x304: {  	s6 =	simm.s32 $0x1;
	s5 =	smov.u32 @p1 s7  }
.LBB2_50:
0x305: {  	s7 =	smov.u32 s5;
	p1 =	sne.s32 s5, $0xFFFFFFFF  }
0x306: {  	s4 =	sadd.s32 $0x1, s4;
	s5 =	smov.u32 s6;
	s6 =	sadd.s32 $0x1, s6  }
0x307: {  	p2 =	sne.s32 s2, s6;
	v1 =	vld.msk @!p1 [tilespmem:s4+$0x0], $0x1;
	_ =	sdelay $0x4  }
0x308: {  	(v2sf) =	vpush @!p1 v1, $0x0;
	_ =	sdelay $0xe  }
.Ltmp42:
0x309: {  	s8 =	spop @!p1 (v2sf);
	(pc) =	sbr.rel @p2 .LBB2_50-.Ltmp42, $4  }
0x30a: {  	p3 =	seq.s32 @!p1 s0, s8  }
0x30b: {  	p3 =	por !p3, p1  }
0x30c: {  	s5 =	simm.s32 @p3 $0xFFFFFFFF  }
0x30d: {  	s5 =	smov.u32 @p1 s7  }
.LBB2_51:
0x30e: {  	p1 =	seq.s32 s5, $0xFFFFFFFF  }
.Ltmp43:
0x30f: {  	_ = 	snop;
	(pc) =	sbr.rel @p1 .LBB2_53-.Ltmp43, $1  }
0x310: {  	_ =	sdelay $0x3  }
0x311: {  	s0 =	sshll.u32 s3, $0x8  }
0x312: {  	s0 =	sand.u32 $0x3FFFFF00, s0  }
0x313: {  	v0 =	vld [tilespmem:s0+$0xE438];
	_ =	sdelay $0x2  }
0x314: {  	s4 =	sshll.u32 s5, $0xA  }
0x315: {  	s4 =	sshra.s32 s4, $0x2  }
0x316: {  	[tilespmem:s4+$0xE438] =	vst.add.f32.msk $0xffff, v0  }
0x317: {  	v0 =	vld [tilespmem:s0+$0xE448];
	_ =	sdelay $0x4  }
0x318: {  	[tilespmem:s4+$0xE448] =	vst.add.f32.msk $0xffff, v0  }
0x319: {  	v0 =	vld [tilespmem:s0+$0xE458];
	_ =	sdelay $0x4  }
0x31a: {  	[tilespmem:s4+$0xE458] =	vst.add.f32.msk $0xffff, v0  }
0x31b: {  	v0 =	vld [tilespmem:s0+$0xE468];
	_ =	sdelay $0x4  }
0x31c: {  	[tilespmem:s4+$0xE468] =	vst.add.f32.msk $0xffff, v0  }
0x31d: {  	v0 =	vld [tilespmem:s0+$0xE478];
	_ =	sdelay $0x4  }
0x31e: {  	[tilespmem:s4+$0xE478] =	vst.add.f32.msk $0xffff, v0  }
0x31f: {  	v0 =	vld [tilespmem:s0+$0xE488];
	_ =	sdelay $0x4  }
0x320: {  	[tilespmem:s4+$0xE488] =	vst.add.f32.msk $0xffff, v0  }
0x321: {  	v0 =	vld [tilespmem:s0+$0xE498];
	_ =	sdelay $0x4  }
0x322: {  	[tilespmem:s4+$0xE498] =	vst.add.f32.msk $0xffff, v0  }
0x323: {  	v0 =	vld [tilespmem:s0+$0xE4A8];
	_ =	sdelay $0x4  }
0x324: {  	[tilespmem:s4+$0xE4A8] =	vst.add.f32.msk $0xffff, v0  }
0x325: {  	v0 =	vld [tilespmem:s0+$0xE4B8];
	_ =	sdelay $0x4  }
0x326: {  	[tilespmem:s4+$0xE4B8] =	vst.add.f32.msk $0xffff, v0  }
0x327: {  	v0 =	vld [tilespmem:s0+$0xE4C8];
	_ =	sdelay $0x4  }
0x328: {  	[tilespmem:s4+$0xE4C8] =	vst.add.f32.msk $0xffff, v0  }
0x329: {  	v0 =	vld [tilespmem:s0+$0xE4D8];
	_ =	sdelay $0x4  }
0x32a: {  	[tilespmem:s4+$0xE4D8] =	vst.add.f32.msk $0xffff, v0  }
0x32b: {  	v0 =	vld [tilespmem:s0+$0xE4E8];
	_ =	sdelay $0x4  }
0x32c: {  	[tilespmem:s4+$0xE4E8] =	vst.add.f32.msk $0xffff, v0  }
0x32d: {  	v0 =	vld [tilespmem:s0+$0xE4F8];
	_ =	sdelay $0x4  }
0x32e: {  	[tilespmem:s4+$0xE4F8] =	vst.add.f32.msk $0xffff, v0  }
0x32f: {  	v0 =	vld [tilespmem:s0+$0xE508];
	_ =	sdelay $0x4  }
0x330: {  	[tilespmem:s4+$0xE508] =	vst.add.f32.msk $0xffff, v0  }
0x331: {  	v0 =	vld [tilespmem:s0+$0xE518];
	_ =	sdelay $0x4  }
0x332: {  	[tilespmem:s4+$0xE518] =	vst.add.f32.msk $0xffff, v0  }
0x333: {  	v0 =	vld [tilespmem:s0+$0xE528]  }
.Ltmp44:
0x334: {  	_ = 	snop;
	(pc) =	sbr.rel .LBB2_54-.Ltmp44, $2  }
0x335: {  	_ =	sdelay $0x2  }
0x336: {  	[tilespmem:s4+$0xE528] =	vst.add.f32.msk $0xffff, v0  }
.LBB2_55:
0x337: {  	p1 =	slt.s32 s2, $0x1  }
.Ltmp45:
0x338: {  	_ = 	snop;
	(pc) =	sbr.rel @p1 .LBB2_59-.Ltmp45, $3  }
0x339: {  	_ =	sdelay $0x1  }
0x33a: {  	s0 =	simm.s32 $0x8  }
0x33b: {  	s4 =	simm.s32 $0x0;
	[sflag:s0] =	ssyncpa.u1 $0x1  }
0x33c: {  	s0 =	simm.s32 $0xE418  }
0x33d: {  	v0 =	vld.msk [tilespmem:s0+$0x0], $0x1;
	_ =	sdelay $0x4  }
0x33e: {  	(v2sf) =	vpush v0, $0x0;
	_ =	sdelay $0xe  }
0x33f: {  	s0 =	sadd.s32 $0xFFFFFFFF, s2;
	s3 =	spop (v2sf)  }
0x340: {  	s6 =	simm.s32 $0xE438;
	p1 =	sne.s32 s0, $0x0;
	p2 =	sgt.u32 s3, $0x4E170  }
.Ltmp46:
0x341: {  	s2 =	simm.s32 $0xE538;
	s5 =	sand.u32 @!p2 $0x7FFF8, s3;
	(pc) =	sbr.rel @!p1 .LBB2_58-.Ltmp46, $4  }
0x342: {  	s7 =	sadd.s32 @!p2 $0x80, s3;
	s4 =	simm.s32 @!p2 $0x400;
	s8 =	sadd.s32 @!p2 s1, s5  }
0x343: {  	s5 =	sand.u32 @!p2 $0x7, s3;
	s3 =	simm.s32 $0xE419;
	s7 =	sand.u32 @!p2 $0xFFFF8, s7  }
0x344: {  	[hbm4b:s8+s5] =	stream.linear.scatter @!p2 [tilespmem:s6], [sflag:$0x7], $0x80, $0x38;
	[tilespmem:$0x1E678] =	vst v63  }
0x345: {  	s4 =	sadd.s32 $0x0, s4;
	s6 =	simm.s32 @!p2 $0xE4B8;
	s7 =	sadd.s32 @!p2 s1, s7  }
.LBB2_57:
0x346: {  	[hbm4b:s7+s5] =	stream.linear.scatter @!p2 [tilespmem:s6], [sflag:$0x7], $0x80, $0x38;
	[tilespmem:$0x1E678] =	vst v63  }
0x347: {  	s0 =	sadd.s32 $0xFFFFFFFF, s0;
	s6 =	smov.u32 s2;
	v0 =	vld.msk [tilespmem:s3+$0x0], $0x1  }
0x348: {  	p1 =	sne.s32 s0, $0x0;
	_ =	sdelay $0x3  }
0x349: {  	(v2sf) =	vpush v0, $0x0;
	_ =	sdelay $0xe  }
0x34a: {  	s2 =	sadd.s32 $0x100, s2;
	s8 =	simm.s32 $0x0;
	s5 =	spop (v2sf)  }
.Ltmp47:
0x34b: {  	s3 =	sadd.s32 $0x1, s3;
	p2 =	sgt.u32 s5, $0x4E170;
	(pc) =	sbr.rel @p1 .LBB2_57-.Ltmp47, $4  }
0x34c: {  	s8 =	simm.s32 @!p2 $0x400;
	s7 =	sand.u32 @!p2 $0x7FFF8, s5;
	s9 =	sadd.s32 @!p2 $0x80, s5  }
0x34d: {  	s5 =	sand.u32 @!p2 $0x7, s5;
	s7 =	sadd.s32 @!p2 s1, s7;
	s9 =	sand.u32 @!p2 $0xFFFF8, s9  }
0x34e: {  	[hbm4b:s7+s5] =	stream.linear.scatter @!p2 [tilespmem:s6], [sflag:$0x7], $0x80, $0x38;
	[tilespmem:$0x1E678] =	vst v63  }
0x34f: {  	s4 =	sadd.s32 s4, s8;
	s6 =	sadd.s32 @!p2 $0x80, s6;
	s7 =	sadd.s32 @!p2 s1, s9  }
.LBB2_58:
0x350: {  	[hbm4b:s7+s5] =	stream.linear.scatter @!p2 [tilespmem:s6], [sflag:$0x7], $0x80, $0x38;
	[tilespmem:$0x1E678] =	vst v63  }
0x351: {  	s4 =	sshrl.u32 s4, $0x2  }
.LBB2_59:
0x352: {  	s0 =	simm.s32 $0x7  }
0x353: {  	_ =	swait.ge [sflag:s0], s4  }
0x354: {  	s1 =	ssub.s32 $0x0, s4;
	[sflag:s0] =	ssyncset.done $0x0  }
0x355: {  	[sflag:s0] =	ssyncadd.s32 s1  }
0x356: {  	[sflag:s0] =	ssyncpa.u1 $0x1  }
.LBB2_60:
0x357: {  	_ =	sfence;
	s0 =	simm.s32 $0x1  }
0x358: {  	[sflag:s0] =	ssyncpa.u1 $0x1  }
0x359: {  	_ =	strace $0x90000059  }
0x35a: {  	[bflag:$0x2] =	sbarrier.arrive $0xFFFF  }
0x35b: {  	s0 =	rddreg [dreg:$0x3]  }
0x35c: {  	s0 =	sadd.s32 @!p0 $0x100000, s0  }
0x35d: {  	[sflag:s0] =	ssyncadd.tile.s32 @!p0 $0x1;
	_ =	shalt  }
.Lfunc_end2:
_tile_overlayer_lowered:
.L_overlay_start_2:
0x35e: {  	(tag) =	ssettag $0x2  }
0x35f: {  	s0 =	rddreg [dreg:$0x0];
	s2 =	stileid.u32  }
0x360: {  	s1 =	rddreg [dreg:$0x1];
	p0 =	sne.s32 s2, $0x0  }
0x361: {  	s3 =	rddreg [dreg:$0x2];
	[bflag:$0x3] =	sbarrier.arrive $0xFFFF;
	s2 =	simm.s32 @!p0 $0x1C01  }
0x362: {  	[timem:s3], [sflag:s2] =	dma.local @!p0 [hbm:s0], s1  }
0x363: {  	s0 =	simm.s32 @!p0 $0x1  }
0x364: {  	_ =	swait.ge @!p0 [sflag:s0], s1  }
0x365: {  	s1 =	ssub.s32 @!p0 $0x0, s1;
	[sflag:s0] =	ssyncset.done @!p0 $0x0  }
0x366: {  	[sflag:s0] =	ssyncadd.s32 @!p0 s1  }
0x367: {  	[bflag:$0x3] =	sbarrier.arrive $0xFFFF  }
0x368: {  	_ =	shalt  }

// kernel: scatter_offload_async_start
scs
__scs_entry_jumppad:
0x0: {  	(pc) =	sbr.rel $0x88, $3  }
0x1: {  	(tag) =	ssettag $0x0;
	lr =	simm.s32 $0x1  }
0x2: {  	[smem:$0x3F7A] =	sst lr;
	_ =	strace $0xD0000000  }
0x3: {  	_ = 	snop  }
0x4: {  	_ = 	snop  }
0x5: {  	_ = 	snop  }
0x6: {  	_ = 	snop  }
0x7: {  	_ = 	snop  }
__scs_overlays_trampoline_lowered:
0x8: {  	[smem:$0x3F89] =	sst s0  }
0x9: {  	[smem:$0x3F8A] =	sst s1  }
0xa: {  	[smem:$0x3F8B] =	sst s2  }
0xb: {  	[smem:$0x3F8C] =	sst s3  }
0xc: {  	[smem:$0x3F8D] =	sst s4  }
0xd: {  	[smem:$0x3F8E] =	sst s5  }
0xe: {  	[smem:$0x3F8F] =	sst s6  }
0xf: {  	[smem:$0x3F90] =	sst s7  }
0x10: {  	[smem:$0x3F91] =	sst s8  }
0x11: {  	[smem:$0x3F92] =	sst s9;
	s0 =	simm.s32 @!p0 $0x0  }
0x12: {  	s1 =	sld [smem:$0x3F78];
	s0 =	simm.s32 @p0 $0x1  }
0x13: {  	[smem:$0x3F93] =	sst s0;
	s0 =	simm.s32 @!p1 $0x0  }
0x14: {  	s2 =	sld [smem:$0x3F77];
	s0 =	simm.s32 @p1 $0x1  }
0x15: {  	[smem:$0x3F94] =	sst s0;
	s0 =	simm.s32 @!p2 $0x0  }
0x16: {  	s3 =	sld [smem:$0x3FDB];
	s0 =	simm.s32 @p2 $0x1  }
0x17: {  	s4 =	simm.s32 $0x1BF5;
	[smem:$0x3F96] =	sst s0  }
0x18: {  	s0 =	sld [smem:$0x3F79];
	_ =	swait.ge [sflag:s4], $0x0  }
0x19: {  	s7 =	sld [smem:$0x3F7A]  }
0x1a: {  	s8 =	sadd.s32 $0xFFFFE003, lr  }
0x1b: {  	s9 =	sadd.s32 $0xFFFFFEF7, lr;
	s5 =	simm.s32 $0xFFFFFFFF;
	p2 =	slt.u32 s8, $0xFFFFF086  }
0x1c: {  	p1 =	slt.u32 s9, $0xF7A;
	s5 =	simm.s32 @!p2 $0x0  }
0x1d: {  	s5 =	simm.s32 @p1 $0x1;
	p0 =	seq.s32 s7, s2  }
0x1e: {  	s7 =	smul.u32 @!p0 $0xF7A, s2;
	p2 =	seq.s32 @!p0 s5, $0x0  }
0x1f: {  	s9 =	smul.u32 $0xF7A, s1;
	s8 =	simm.s32 @!p0 $0x1BF5;
	p2 =	por !p2, p0  }
0x20: {  	[sflag:s8] =	ssyncset.s32 @!p0 $0xFFFFF086;
	s6 =	sadd.s32 @!p0 s3, s7;
	s7 =	simm.s32 @!p0 $0x108  }
0x21: {  	s3 =	sadd.s32 s3, s9;
	s6 =	sadd.s32 @!p0 $0x88, s6;
	s7 =	simm.s32 @p2 $0x1082  }
0x22: {  	[simem:s7], [sflag:s8] =	dma.local @!p0 [hbm:s6], $0xF7A  }
0x23: {  	s9 =	sor.u32 $0xD0000000, s2;
	s6 =	simm.s32 $0x108;
	_ =	swait.ge @!p0 [sflag:s8], $0x0  }
0x24: {  	s3 =	sadd.s32 $0x88, s3;
	s6 =	simm.s32 @!p1 $0x1082;
	[sflag:s4] =	ssyncset.s32 $0xFFFFF086  }
0x25: {  	[simem:s6], [sflag:s4] =	dma.local [hbm:s3], $0xF7A  }
0x26: {  	[smem:$0x3F7A] =	sst s1;
	(tag) =	ssettag s2;
	_ =	strace s9  }
0x27: {  	s1 =	sld [smem:$0x3F8A]  }
0x28: {  	s2 =	sld [smem:$0x3F8B]  }
0x29: {  	s4 =	sld [smem:$0x3F8D]  }
0x2a: {  	p0 =	seq.s32 s5, $0x0;
	s5 =	sld [smem:$0x3F8E]  }
0x2b: {  	s6 =	sld [smem:$0x3F8F]  }
0x2c: {  	s7 =	sld [smem:$0x3F90]  }
0x2d: {  	s3 =	simm.s32 $0x108;
	s8 =	sld [smem:$0x3F91]  }
0x2e: {  	s3 =	simm.s32 @!p0 $0x1082;
	s9 =	sld [smem:$0x3F92]  }
0x2f: {  	lr =	sadd.s32 s0, s3;
	s0 =	sld [smem:$0x3F89]  }
0x30: {  	s3 =	sld [smem:$0x3F8C]  }
0x31: {  	[smem:$0x3F95] =	sst s10  }
0x32: {  	s10 =	sld [smem:$0x3F93];
	_ =	sdelay $0x3  }
0x33: {  	p0 =	seq.s32 s10, $0x1;
	s10 =	sld [smem:$0x3F95];
	_ =	sdelay $0x3  }
0x34: {  	[smem:$0x3F95] =	sst s10  }
0x35: {  	s10 =	sld [smem:$0x3F94];
	_ =	sdelay $0x3  }
0x36: {  	p1 =	seq.s32 s10, $0x1;
	s10 =	sld [smem:$0x3F95];
	_ =	sdelay $0x3  }
0x37: {  	[smem:$0x3F95] =	sst s10  }
0x38: {  	s10 =	sld [smem:$0x3F96]  }
0x39: {  	_ = 	snop;
	(pc) =	sbr.ind lr, $3  }
0x3a: {  	_ = 	snop  }
0x3b: {  	_ = 	snop  }
0x3c: {  	p2 =	seq.s32 s10, $0x1;
	s10 =	sld [smem:$0x3F95]  }
0x3d: {  	_ =	shalt  }
0x3e: {  	_ =	shalt  }
0x3f: {  	_ =	shalt  }
0x40: {  	_ =	shalt  }
0x41: {  	_ =	shalt  }
0x42: {  	_ =	shalt  }
0x43: {  	_ =	shalt  }
0x44: {  	_ =	shalt  }
0x45: {  	_ =	shalt  }
0x46: {  	_ =	shalt  }
0x47: {  	_ =	shalt  }
0x48: {  	_ =	shalt  }
0x49: {  	_ =	shalt  }
0x4a: {  	_ =	shalt  }
0x4b: {  	_ =	shalt  }
0x4c: {  	_ =	shalt  }
0x4d: {  	_ =	shalt  }
0x4e: {  	_ =	shalt  }
0x4f: {  	_ =	shalt  }
0x50: {  	_ =	shalt  }
0x51: {  	_ =	shalt  }
0x52: {  	_ =	shalt  }
0x53: {  	_ =	shalt  }
0x54: {  	_ =	shalt  }
0x55: {  	_ =	shalt  }
0x56: {  	_ =	shalt  }
0x57: {  	_ =	shalt  }
0x58: {  	_ =	shalt  }
0x59: {  	_ =	shalt  }
0x5a: {  	_ =	shalt  }
0x5b: {  	_ =	shalt  }
0x5c: {  	_ =	shalt  }
0x5d: {  	_ =	shalt  }
0x5e: {  	_ =	shalt  }
0x5f: {  	_ =	shalt  }
0x60: {  	_ =	shalt  }
0x61: {  	_ =	shalt  }
0x62: {  	_ =	shalt  }
0x63: {  	_ =	shalt  }
0x64: {  	_ =	shalt  }
0x65: {  	_ =	shalt  }
0x66: {  	_ =	shalt  }
0x67: {  	_ =	shalt  }
0x68: {  	_ =	shalt  }
0x69: {  	_ =	shalt  }
0x6a: {  	_ =	shalt  }
0x6b: {  	_ =	shalt  }
0x6c: {  	_ =	shalt  }
0x6d: {  	_ =	shalt  }
0x6e: {  	_ =	shalt  }
0x6f: {  	_ =	shalt  }
0x70: {  	_ =	shalt  }
0x71: {  	_ =	shalt  }
0x72: {  	_ =	shalt  }
0x73: {  	_ =	shalt  }
0x74: {  	_ =	shalt  }
0x75: {  	_ =	shalt  }
0x76: {  	_ =	shalt  }
0x77: {  	_ =	shalt  }
0x78: {  	_ =	shalt  }
0x79: {  	_ =	shalt  }
0x7a: {  	_ =	shalt  }
0x7b: {  	_ =	shalt  }
0x7c: {  	_ =	shalt  }
0x7d: {  	_ =	shalt  }
0x7e: {  	_ =	shalt  }
0x7f: {  	_ =	shalt  }
0x80: {  	_ =	shalt  }
0x81: {  	_ =	shalt  }
0x82: {  	_ =	shalt  }
0x83: {  	_ =	shalt  }
0x84: {  	_ =	shalt  }
0x85: {  	_ =	shalt  }
0x86: {  	_ =	shalt  }
0x87: {  	_ =	shalt  }
.Lfunc_end0:
.L_simem_size_0:
called_computation_lowered:
.L_overlay_start_0:
0x88: {  	s2 =	sld [smem:$0x3FD9]  }
0x89: {  	s3 =	sld [smem:$0x3FFE];
	_ =	sdelay $0x1  }
0x8a: {  	s1 =	srdreg.scid  }
0x8b: {  	s0 =	sand.u32 $0x1, s1  }
0x8c: {  	s17 =	sshll.u32 s0, $0xA;
	s2 =	sadd.s32 s3, s2  }
0x8d: {  	s2 =	sadd.s32 s2, s17  }
0x8e: {  	[smem:$0x3FA1] =	sst s2  }
0x8f: {  	_ = 	snop  }
0x90: {  	(tm) =	ssettm $0x1  }
0x91: {  	s18 =	sld [smem:$0x3FFB];
	_ =	sdelay $0x3  }
0x92: {  	_ =	strace s18  }
0x93: {  	s2 =	sld [smem:$0x3FFC];
	_ =	sdelay $0x3  }
0x94: {  	_ =	strace s2  }
0x95: {  	s2 =	sld [smem:$0x3FFD];
	_ =	sdelay $0x3  }
0x96: {  	_ =	strace s2  }
0x97: {  	_ =	strace $0x8FFFFFFF  }
0x98: {  	s19 =	sld [smem:$0x3FDB];
	_ =	sdelay $0x1  }
0x99: {  	s20 =	simm.s32 $_scs_section_size  }
0x9a: {  	s4 =	simm.s32 $_size__tile_overlayer_lowered;
	s5 =	simm.s32 $_tile_overlayer_lowered  }
0x9b: {  	s6 =	simm.s32 $0x1BFF;
	s21 =	sshll.u32 s5, $0x1;
	s3 =	sadd.s32 s20, s19  }
0x9c: {  	s22 =	simm.s32 $0x0;
	s4 =	sshll.u32 s4, $0x1;
	s5 =	sadd.s32 s21, s3  }
0x9d: {  	[timem:s22], [sflag:s6] =	dma.local [hbm:s5], s4  }
0x9e: {  	_ =	swait.ge [sflag:s6], s4  }
0x9f: {  	s4 =	ssub.s32 $0x0, s4;
	[sflag:s6] =	ssyncset.done $0x0  }
0xa0: {  	[sflag:s6] =	ssyncadd.s32 s4;
	_ =	sdelay $0x1  }
0xa1: {  	s23 =	simm.s32 $0x1B8B  }
0xa2: {  	_ =	swait.ge [sflag:s23], $0x1  }
0xa3: {  	[sflag:s23] =	ssyncset.done $0x0  }
0xa4: {  	[sflag:s23] =	ssyncadd.s32 $0xFFFFFFFF  }
0xa5: {  	s4 =	sld [smem:$0x0]  }
0xa6: {  	s5 =	sand.u32 $0xFFFFFFFE, s1  }
0xa7: {  	p0 =	sne.s32 s1, s5  }
0xa8: {  	s5 =	sshll.u32 @p0 s5, $0xE  }
0xa9: {  	s5 =	sadd.s32 @p0 $0x11B8D, s5;
	s6 =	sshll.u32 @p0 s4, $0x11  }
0xaa: {  	s5 =	sor.u32 @p0 s6, s5  }
0xab: {  	[sflag:s5] =	ssyncadd.remote.s32 @p0 $0x1;
	_ =	sdelay $0x1  }
0xac: {  	s5 =	simm.s32 @p0 $0x1B8D  }
0xad: {  	_ =	swait.eq @p0 [sflag:s5], $0x1  }
0xae: {  	[sflag:s5] =	ssyncadd.s32 @p0 $0xFFFFFFFF  }
0xaf: {  	s6 =	sshll.u32 @!p0 s1, $0xE  }
0xb0: {  	s6 =	sor.u32 @!p0 $0x4000, s6;
	s5 =	simm.s32 @!p0 $0x1B8D  }
0xb1: {  	s7 =	sshll.u32 @!p0 s4, $0x11;
	s6 =	sadd.s32 @!p0 $0x11B8D, s6;
	_ =	swait.eq @!p0 [sflag:s5], $0x1  }
0xb2: {  	[sflag:s5] =	ssyncadd.s32 @!p0 $0xFFFFFFFF;
	s5 =	sor.u32 @!p0 s7, s6  }
0xb3: {  	s25 =	simm.s32 $0x1B8E;
	s24 =	sld [smem:$0x3FFE];
	[sflag:s5] =	ssyncadd.remote.s32 @!p0 $0x1  }
0xb4: {  	s26 =	simm.s32 $execute0_lowered;
	[smem:$0x3FD2] =	sst s25  }
0xb5: {  	s6 =	sshll.u32 s26, $0x1;
	_ =	strace $0x80000049;
	[dreg:$0x1] =	wrdreg $0xFFFFFFFF  }
0xb6: {  	s28 =	simm.s32 $_size_execute0_lowered;
	s3 =	sadd.s32 s3, s6;
	[dreg:$0x0] =	wrdreg $0x0  }
0xb7: {  	s6 =	sshll.u32 s28, $0x1;
	[dreg:$0x2] =	wrdreg s3  }
0xb8: {  	[dreg:$0x3] =	wrdreg s6  }
0xb9: {  	[dreg:$0x4] =	wrdreg $0xC0  }
0xba: {  	_ =	task [dreg:s22], $0x5FFFF  }
0xbb: {  	[dreg:$0x1] =	wrdreg $0xFFFFFFFF  }
0xbc: {  	[dreg:$0x0] =	wrdreg $0x60  }
0xbd: {  	[dreg:$0x2] =	wrdreg s24  }
0xbe: {  	[dreg:$0x3] =	wrdreg s1  }
0xbf: {  	[dreg:$0x4] =	wrdreg s4  }
0xc0: {  	[dreg:$0x5] =	wrdreg $0x9  }
0xc1: {  	_ =	task.clear_ibuf [dreg:s22], $0x6FFFF;
	_ =	strace $0x90000049  }
0xc2: {  	s29 =	simm.s32 $0x9;
	_ =	strace $0x8000004B  }
0xc3: {  	_ =	swait.ge [sflag:s29], $0x1  }
0xc4: {  	[sflag:s29] =	ssyncadd.s32 $0xFFFFFFFF  }
0xc5: {  	_ =	strace $0x9000004B  }
0xc6: {  	_ =	sfence  }
0xc7: {  	s30 =	sld [smem:$0x0];
	_ =	sdelay $0x2  }
0xc8: {  	s31 =	sshll.u32 s1, $0xD;
	s1 =	sshrl.u32 s1, $0x2  }
0xc9: {  	s4 =	sand.u32 $0x4000, s31;
	s1 =	sadd.s32 s1, s30  }
0xca: {  	s0 =	sor.u32 s4, s0;
	s1 =	sshll.u32 s1, $0x11  }
0xcb: {  	s0 =	sor.u32 s1, s0  }
0xcc: {  	s0 =	sadd.s32 $0x8F2B, s0  }
0xcd: {  	[sflag:s0] =	ssyncadd.remote.s32 $0x1  }
0xce: {  	_ =	sfence.sel $0xFFFF  }
0xcf: {  	[dreg:$0x0] =	wrdreg $0xFFFFFFFF;
	(pc) =	sbr.abs _section_cstart, $3  }
0xd0: {  	[dreg:$0x1] =	wrdreg $0xFFFFFFFF  }
0xd1: {  	_ =	task.clear_ibuf [dreg:s22], $0x2FFFF;
	_ =	strace $0x9FFFFFFF  }
0xd2: {  	(tm) =	ssettm $0x7FFFFFFF  }
0xd3: {  	_ =	shalt  }
tec
execute0_lowered:
.L_overlay_start_1:
0x0: {  	(tag) =	ssettag $0x1  }
0x1: {  	s2 =	rddreg [dreg:$0x0]  }
0x2: {  	s3 =	rddreg [dreg:$0x1];
	_ =	strace $0x8000004A;
	s0 =	simm.s32 $0x1  }
0x3: {  	v0 =	vimm.s32 $0x0;
	[sflag:s0] =	ssyncpa.u1 $0x0;
	s0 =	simm.s32 $0x108  }
0x4: {  	[tilespmem:s0+$0x70] =	vst v0  }
0x5: {  	[tilespmem:s0+$0x60] =	vst v0  }
0x6: {  	[tilespmem:s0+$0x50] =	vst v0  }
0x7: {  	[tilespmem:s0+$0x40] =	vst v0  }
0x8: {  	[tilespmem:s0+$0x30] =	vst v0  }
0x9: {  	s1 =	sadd.s32 $0x290000, s2;
	s15 =	sadd.s32 $0xAA00, s2;
	s6 =	sadd.s32 $0x1EA00, s2;
	[tilespmem:s0+$0x20] =	vst v0  }
0xa: {  	s14 =	sadd.s32 $0xFA00, s2;
	s5 =	sand.u32 $0x1, s3;
	s3 =	simm.s32 $0x40;
	[tilespmem:s0+$0x10] =	vst v0  }
.LBB2_1:
0xb: {  	s3 =	sadd.s32 $0x40, s3;
	[tilespmem:s0+$0x0] =	vst v0;
	s0 =	sadd.s32 $0x80, s0  }
0xc: {  	p0 =	slt.u32 s3, $0x3C40;
	[tilespmem:s0+$0x70] =	vst v0  }
0xd: {  	[tilespmem:s0+$0x60] =	vst v0  }
.Ltmp0:
0xe: {  	[tilespmem:s0+$0x50] =	vst v0;
	(pc) =	sbr.rel @p0 .LBB2_1-.Ltmp0, $4  }
0xf: {  	[tilespmem:s0+$0x40] =	vst v0  }
0x10: {  	[tilespmem:s0+$0x30] =	vst v0  }
0x11: {  	[tilespmem:s0+$0x20] =	vst v0  }
0x12: {  	[tilespmem:s0+$0x10] =	vst v0  }
0x13: {  	s9 =	stileid.u32  }
0x14: {  	s2 =	smul.u32 $0x14, s9  }
0x15: {  	s3 =	smin.u32 s9, $0xE  }
0x16: {  	s2 =	sadd.s32 s3, s2  }
0x17: {  	p0 =	slt.u32 s9, $0xE;
	s7 =	smul.u32 $0xF0, s2;
	s2 =	simm.s32 $0x13B0  }
0x18: {  	s2 =	simm.s32 @!p0 $0x12C0  }
0x19: {  	s2 =	sadd.s32 s2, s7  }
0x1a: {  	s8 =	smin.u32 s2, $0x13880  }
0x1b: {  	s2 =	ssub.s32 s8, s7  }
0x1c: {  	p0 =	sgt.s32 s2, $0x0  }
0x1d: {  	s29 =	simm.s32 $0x2;
	s10 =	simm.s32 $0x9;
	s2 =	simm.s32 @!p0 $0x0  }
0x1e: {  	s4 =	simm.s32 $0xA;
	s11 =	simm.s32 $0xB;
	s28 =	smulhi.u32 $0x88888889, s2  }
0x1f: {  	[dreg:$0x4] =	wrdreg s5;
	s31 =	smul.u32 $0x2710, s5;
	s12 =	simm.s32 $0x1  }
0x20: {  	s22 =	simm.s32 $0x0;
	s18 =	simm.s32 $0xC;
	s30 =	sshrl.u32 s28, $0x7  }
0x21: {  	s20 =	simm.s32 $0x0;
	s21 =	simm.s32 $0x0;
	s3 =	smul.u32 $0xF0, s30  }
.Ltmp1:
0x22: {  	[tilespmem:s0+$0x0] =	vst v0;
	v0 =	vimm.s32 $0xFFFFFFFF;
	[sflag:s29] =	ssyncpa.u1 $0x0;
	s16 =	sshll.u32 s9, $0x8;
	(pc) =	sbr.rel .LBB2_3-.Ltmp1, $4  }
0x23: {  	[tilespmem:$0xF208] =	vst v0;
	[sflag:s10] =	ssyncpa.u1 $0x0;
	p0 =	sne.s32 s2, s3;
	s2 =	simm.s32 $0x1  }
0x24: {  	s14 =	sadd.s32 s31, s14;
	[sflag:s4] =	ssyncpa.u1 $0x0;
	s2 =	simm.s32 @!p0 $0x0  }
0x25: {  	s15 =	sadd.s32 s31, s15;
	[sflag:s11] =	ssyncpa.u1 $0x0;
	s13 =	sadd.s32 s2, s30  }
0x26: {  	v0 =	vlaneseq.u32;
	s19 =	smov.u32 s7;
	p0 =	por $0x0, $0x0;
	s17 =	sadd.s32 $0x1, s13  }
.LBB2_18:
0x27: {  	s0 =	sshrl.u32 s31, $0x2  }
.LBB2_20:
0x28: {  	_ =	swait.ge [sflag:s18], s0  }
0x29: {  	s31 =	ssub.s32 $0x0, s0;
	v1 =	vmov s24;
	vm0 =	veq.s32 v0, $0x0;
	[sflag:s18] =	ssyncset.done $0x0  }
0x2a: {  	vm15 =	veq.s32 v0, $0x2;
	v1 =	vsel vm0, s30, v1;
	[sflag:s18] =	ssyncadd.s32 s31  }
0x2b: {  	v1 =	vsel vm15, s22, v1;
	[sflag:s18] =	ssyncpa.u1 $0x1  }
0x2c: {  	[tilespmem:$0xF208] =	vst v1  }
.LBB2_21:
0x2d: {  	s0 =	sadd.s32 $0xF0, s19  }
0x2e: {  	s2 =	smov.u32 s7;
	p1 =	slt.s32 s0, s8  }
0x2f: {  	s2 =	smov.u32 @p1 s0;
	p1 =	sne.s32 s21, s17  }
.Ltmp2:
0x30: {  	_ = 	snop;
	(pc) =	sbr.rel @!p1 .LBB2_22-.Ltmp2, $3  }
0x31: {  	_ =	sdelay $0x1  }
0x32: {  	s22 =	smov.u32 s20;
	s31 =	sadd.s32 $0x1, s21;
	s20 =	smov.u32 s19  }
0x33: {  	p0 =	por !p0, !p0;
	s21 =	smov.u32 s31;
	s19 =	smov.u32 s2  }
.LBB2_3:
0x34: {  	p1 =	sge.u32 s21, s13  }
0x35: {  	s0 =	smulhi.u32 @!p1 $0xAAAAAAAB, s21  }
0x36: {  	s2 =	smov.u32 s19;
	p2 =	sgt.s32 @!p1 s19, $0x13790  }
0x37: {  	s3 =	sshra.s32 @!p1 s19, $0x1F;
	p2 =	por !p2, p1;
	s0 =	sshrl.u32 @!p1 s0, $0x1  }
0x38: {  	s3 =	sand.u32 @!p1 s3, s19;
	s2 =	simm.s32 @p2 $0x13790;
	s0 =	smul.u32 @!p1 $0x3, s0  }
0x39: {  	s2 =	ssub.s32 @!p1 s2, s3  }
0x3a: {  	s2 =	sadd.s32 @!p1 $0xFFFEC870, s2;
	s0 =	ssub.s32 @!p1 s21, s0  }
0x3b: {  	s3 =	sshll.u32 @!p1 s2, $0x2;
	p2 =	sgt.s32 @!p1 s2, $0xEF;
	s0 =	smul.u32 @!p1 $0x3C0, s0  }
0x3c: {  	s4 =	sand.u32 @!p1 $0x7, s19;
	s2 =	ssub.s32 @!p1 $0x3C0, s3;
	p2 =	por !p2, p1  }
0x3d: {  	s3 =	sshrl.u32 @!p1 s19, $0x3;
	s2 =	sshrl.u32 @!p1 s2, $0x2;
	s0 =	sshrl.u32 @!p1 s0, $0x2  }
0x3e: {  	s3 =	sadd.s32 @!p1 s3, s14;
	s2 =	simm.s32 @!p2 $0x0;
	s0 =	sadd.s32 @!p1 $0x10248, s0  }
0x3f: {  	[tilespmem:s0], [sflag:$0xA] =	stream.linear.gather @!p1 [hbm4b:s3+s4], s2, $0x38;
	[tilespmem:$0x1F6F8] =	vst v63  }
0x40: {  	s0 =	sadd.s32 $0xFFFFFFFF, s21  }
0x41: {  	p1 =	sge.u32 s0, s13  }
0x42: {  	p2 =	sgt.s32 @!p1 s20, $0x13790  }
0x43: {  	s2 =	smov.u32 s20;
	s3 =	sshra.s32 @!p1 s20, $0x1F;
	p2 =	por !p2, p1  }
0x44: {  	s3 =	sand.u32 @!p1 s3, s20;
	s2 =	simm.s32 @p2 $0x13790  }
0x45: {  	s2 =	ssub.s32 @!p1 s2, s3  }
0x46: {  	s2 =	sadd.s32 @!p1 $0xFFFEC870, s2  }
0x47: {  	s4 =	sand.u32 @!p1 $0x1, s0;
	s3 =	sshll.u32 @!p1 s2, $0x2  }
0x48: {  	p2 =	sgt.s32 @!p1 s2, $0xEF;
	s2 =	ssub.s32 @!p1 $0x3C0, s3;
	s3 =	smulhi.u32 @!p1 $0xAAAAAAAB, s0  }
0x49: {  	s23 =	smul.u32 @!p1 $0x3C0, s4;
	p2 =	por !p2, p1;
	s2 =	sshrl.u32 @!p1 s2, $0x2  }
0x4a: {  	s5 =	simm.s32 @!p1 $0xA;
	s2 =	simm.s32 @!p2 $0x0;
	s3 =	sshrl.u32 @!p1 s3, $0x1  }
0x4b: {  	s23 =	sshrl.u32 @!p1 s23, $0x2;
	_ =	swait.ge @!p1 [sflag:s5], s2;
	s3 =	smul.u32 @!p1 $0x3, s3  }
0x4c: {  	s23 =	sadd.s32 @!p1 $0x10518, s23;
	s24 =	ssub.s32 @!p1 $0x0, s2;
	[sflag:s5] =	ssyncset.done @!p1 $0x0  }
0x4d: {  	[sflag:s5] =	ssyncadd.s32 @!p1 s24;
	s5 =	sshrl.u32 @!p1 s20, $0x3;
	s0 =	ssub.s32 @!p1 s0, s3  }
0x4e: {  	s24 =	sand.u32 @!p1 $0x7, s20;
	s5 =	sadd.s32 @!p1 s5, s15;
	s0 =	smul.u32 @!p1 $0x3C0, s0  }
0x4f: {  	[tilespmem:s23], [sflag:$0xB] =	stream.linear.gather @!p1 [hbm4b:s5+s24], s2, $0x38;
	[tilespmem:$0x1F6F8] =	vst v63  }
0x50: {  	s3 =	ssub.s32 @!p1 $0x13880, s20;
	s2 =	smul.u32 @!p1 $0x1E000, s4  }
0x51: {  	p2 =	slt.s32 @!p1 s3, $0xF0  }
0x52: {  	p2 =	por !p2, p1;
	s0 =	sshrl.u32 @!p1 s0, $0x2;
	s2 =	sshrl.u32 @!p1 s2, $0x2  }
0x53: {  	s3 =	simm.s32 @p2 $0xF0;
	s0 =	sadd.s32 @!p1 $0x10248, s0;
	s2 =	sor.u32 @!p1 $0x106F8, s2  }
0x54: {  	[tilespmem:s2], [sflag:$0x9] =	stream.indirect.gather @!p1 [hbm4b:s6+s3], $0x80, s0, s3, $0xb8;
	[tilespmem:$0x1F6F8] =	vst v63  }
0x55: {  	p1 =	slt.u32 s21, $0x2  }
.Ltmp3:
0x56: {  	_ = 	snop;
	(pc) =	sbr.rel @p1 .LBB2_21-.Ltmp3, $1  }
0x57: {  	_ =	sdelay $0x3  }
0x58: {  	p1 =	sgt.s32 s22, $0x13790  }
0x59: {  	s0 =	smov.u32 s22;
	s2 =	sshra.s32 s22, $0x1F;
	s3 =	ssub.s32 $0x13880, s22  }
0x5a: {  	s0 =	simm.s32 @!p1 $0x13790;
	s2 =	sand.u32 s2, s22;
	p1 =	slt.s32 s3, $0xF0  }
0x5b: {  	s0 =	ssub.s32 s0, s2;
	s3 =	simm.s32 @!p1 $0xF0  }
0x5c: {  	s0 =	sadd.s32 $0xFFFEC870, s0;
	s25 =	sshll.u32 s3, $0x7  }
0x5d: {  	s26 =	sshll.u32 s0, $0x2;
	s2 =	sand.u32 $0x3FFFFF80, s25  }
0x5e: {  	p1 =	sgt.s32 s0, $0xEF;
	s29 =	ssub.s32 $0x3C0, s26;
	_ =	swait.ge [sflag:s10], s2  }
0x5f: {  	s2 =	ssub.s32 $0x0, s2;
	[sflag:s10] =	ssyncset.done $0x0;
	s0 =	sshrl.u32 s29, $0x2  }
0x60: {  	[sflag:s10] =	ssyncadd.s32 s2;
	s0 =	simm.s32 @p1 $0x0  }
0x61: {  	_ =	swait.ge [sflag:s11], s0  }
0x62: {  	s0 =	ssub.s32 $0x0, s0;
	[sflag:s11] =	ssyncset.done $0x0  }
0x63: {  	[sflag:s11] =	ssyncadd.s32 s0  }
0x64: {  	v1 =	vld [tilespmem:$0xF208];
	_ =	sdelay $0x4  }
0x65: {  	(v2sf) =	vpush v1, $0x0  }
0x66: {  	(v2sf) =	vpush v1, $0x1  }
0x67: {  	(v2sf) =	vpush v1, $0x2;
	_ =	sdelay $0x3  }
0x68: {  	s0 =	sadd.s32 $0xF0, s22  }
0x69: {  	s2 =	ssub.s32 $0x27100, s22;
	p1 =	slt.s32 s8, s0  }
0x6a: {  	s0 =	smov.u32 @p1 s8;
	p1 =	sgt.s32 s2, $0x0  }
0x6b: {  	s26 =	ssub.s32 s0, s22;
	s2 =	simm.s32 @!p1 $0x0  }
0x6c: {  	p1 =	slt.s32 s2, s26  }
0x6d: {  	s26 =	smov.u32 @p1 s2  }
0x6e: {  	s25 =	simm.s32 $0x1;
	p1 =	slt.s32 s26, $0x1  }
.Ltmp4:
0x6f: {  	s25 =	simm.s32 @!p0 $0x0;
	(pc) =	sbr.rel @p1 .LBB2_8-.Ltmp4, $4  }
0x70: {  	s31 =	smul.u32 $0x3C0, s25  }
0x71: {  	s28 =	spop (v2sf)  }
0x72: {  	s0 =	sshrl.u32 s31, $0x2;
	s30 =	spop (v2sf)  }
0x73: {  	s23 =	sadd.s32 $0x10518, s0;
	s22 =	spop (v2sf)  }
0x74: {  	s0 =	smin.u32 s26, $0x10  }
0x75: {  	v1 =	vmov s0  }
0x76: {  	p2 =	sgt.s32 s26, $0x10;
	vm1 =	vgt.u32 v1, v0  }
.Ltmp5:
0x77: {  	_ = 	snop;
	(pc) =	sbr.rel @!p2 .LBB2_7-.Ltmp5, $2  }
0x78: {  	_ =	sdelay $0x2  }
0x79: {  	s4 =	simm.s32 $0x10;
	s24 =	sadd.s32 $0xFFFFFFF0, s26;
	s0 =	smov.u32 s23;
	vm0 =	vmmov vm1  }
.LBB2_6:
0x7a: {  	s2 =	smin.u32 s24, $0x10;
	s4 =	sadd.s32 $0x10, s4;
	v1 =	vld.msk [tilespmem:s0+$0x0 ss:$0x1], vm1  }
0x7b: {  	v2 =	vmov s2;
	p2 =	slt.s32 s4, s26  }
0x7c: {  	vm1 =	vgt.u32 v2, v0  }
.Ltmp6:
0x7d: {  	(pc) =	sbr.rel @p2 .LBB2_6-.Ltmp6, $3  }
0x7e: {  	_ =	sdelay $0x1  }
0x7f: {  	v1 =	vshll.u32 v1, $0x4  }
0x80: {  	s24 =	sadd.s32 $0xFFFFFFF0, s24;
	[tilespmem:s0+$0x0] =	vst.msk vm0, v1;
	s0 =	sadd.s32 $0x10, s0;
	vm0 =	vmmov vm1  }
.LBB2_7:
0x81: {  	_ =	sdelay $0x4  }
0x82: {  	v1 =	vld.msk [tilespmem:s0+$0x0 ss:$0x1], vm1;
	_ =	sdelay $0x4  }
0x83: {  	v1 =	vshll.u32 v1, $0x4  }
0x84: {  	[tilespmem:s0+$0x0] =	vst.msk vm0, v1  }
.LBB2_8:
0x85: {  	s0 =	sand.u32 $0x1, s21  }
0x86: {  	s0 =	smul.u32 $0xF0, s0  }
0x87: {  	p2 =	sne.s32 s30, $0xFFFFFFFF  }
0x88: {  	v1 =	vld.msk @!p2 [tilespmem:s0+$0x10518], $0x1;
	_ =	sdelay $0x4  }
0x89: {  	(v2sf) =	vpush @!p2 v1, $0x0;
	_ =	sdelay $0xc  }
.Ltmp7:
0x8a: {  	_ = 	snop;
	(pc) =	sbr.rel @p1 .LBB2_19-.Ltmp7, $4  }
0x8b: {  	_ = 	snop  }
0x8c: {  	s29 =	spop @!p2 (v2sf)  }
0x8d: {  	s22 =	simm.s32 @!p2 $0x0;
	s24 =	smov.u32 s29  }
0x8e: {  	[sflag:s18] =	ssyncpa.u1 $0x0;
	s29 =	smov.u32 @p2 s28;
	s24 =	smov.u32 @p2 s30  }
0x8f: {  	v1 =	vld.msk [tilespmem:s23+$0x0], $0x1;
	_ =	sdelay $0x4  }
0x90: {  	(v2sf) =	vpush v1, $0x0;
	_ =	sdelay $0xe  }
0x91: {  	s2 =	smul.u32 $0x1E000, s25;
	s0 =	spop (v2sf)  }
0x92: {  	s26 =	ssub.s32 $0x0, s26;
	p1 =	seq.s32 s29, s0  }
0x93: {  	s30 =	sadd.s32 $0x1, s26;
	s2 =	sshrl.u32 s2, $0x2;
	p2 =	sgt.s32 @!p1 s29, $0x0  }
0x94: {  	s25 =	sor.u32 $0x10738, s2;
	s2 =	smov.u32 s29;
	p2 =	por !p2, p1  }
0x95: {  	s2 =	simm.s32 @p2 $0x0;
	p2 =	seq.s32 s30, $0x0  }
.Ltmp8:
0x96: {  	_ = 	snop;
	(pc) =	sbr.rel @p2 .LBB2_11-.Ltmp8, $4  }
0x97: {  	_ = 	snop  }
0x98: {  	s28 =	simm.s32 $0x0;
	s31 =	sadd.s32 $0x1, s23;
	s2 =	smin.u32 @!p1 s2, $0x270F0  }
0x99: {  	s4 =	simm.s32 @!p1 $0x1;
	s5 =	simm.s32 @!p1 $0x7988;
	s3 =	sand.u32 @!p1 $0x3FFF8, s2  }
0x9a: {  	s4 =	smov.u32 @p1 s28;
	s2 =	sand.u32 @!p1 $0x7, s2;
	s3 =	sadd.s32 @!p1 s1, s3  }
.LBB2_10:
0x9b: {  	s9 =	smov.u32 s4  }
0x9c: {  	[tilespmem:s5], [sflag:$0x2] =	stream.linear.gather @!p1 [hbm4b:s3+s2], $0x80, $0x38;
	[tilespmem:$0x1F6F8] =	vst v63  }
0x9d: {  	s30 =	sadd.s32 $0x1, s30;
	s2 =	smov.u32 s0;
	v1 =	vld.msk [tilespmem:s31+$0x0], $0x1  }
0x9e: {  	p2 =	seq.s32 s30, $0x0;
	_ =	sdelay $0x3  }
0x9f: {  	(v2sf) =	vpush v1, $0x0;
	_ =	sdelay $0xe  }
0xa0: {  	s0 =	spop (v2sf)  }
0xa1: {  	p1 =	seq.s32 s2, s0  }
0xa2: {  	p3 =	sgt.s32 @!p1 s2, $0x0;
	s3 =	sshll.u32 @!p1 s4, $0x9;
	s4 =	sadd.s32 @!p1 $0x1, s4  }
.Ltmp9:
0xa3: {  	p3 =	por !p3, p1;
	s3 =	sshra.s32 @!p1 s3, $0x2;
	(pc) =	sbr.rel @!p2 .LBB2_10-.Ltmp9, $4  }
0xa4: {  	s4 =	smov.u32 @p1 s9;
	s2 =	simm.s32 @p3 $0x0;
	s5 =	sadd.s32 @!p1 $0x7988, s3  }
0xa5: {  	s2 =	smin.u32 @!p1 s2, $0x270F0  }
0xa6: {  	s3 =	sand.u32 @!p1 $0x3FFF8, s2;
	s2 =	sand.u32 @!p1 $0x7, s2  }
0xa7: {  	s31 =	sadd.s32 $0x1, s31;
	s3 =	sadd.s32 @!p1 s1, s3  }
.LBB2_11:
0xa8: {  	[tilespmem:s5], [sflag:$0x2] =	stream.linear.gather @!p1 [hbm4b:s3+s2], $0x80, $0x38;
	[tilespmem:$0x1F6F8] =	vst v63  }
.Ltmp10:
0xa9: {  	s0 =	sshll.u32 s4, $0x7;
	(pc) =	sbr.rel .LBB2_12-.Ltmp10, $4  }
0xaa: {  	s30 =	simm.s32 $0x2;
	s0 =	sand.u32 $0x3FFFFF80, s0  }
0xab: {  	_ =	swait.ge [sflag:s30], s0  }
0xac: {  	s0 =	ssub.s32 $0x0, s0;
	[sflag:s30] =	ssyncset.done $0x0  }
0xad: {  	s31 =	simm.s32 $0x0;
	[sflag:s30] =	ssyncadd.s32 s0  }
.LBB2_13:
0xae: {  	v1 =	vld [tilespmem:s25+$0xFFFFFFC0];
	_ =	sdelay $0x3  }
0xaf: {  	s0 =	sshra.s32 s0, $0x2  }
0xb0: {  	[tilespmem:s0+$0x108] =	vst.add.f32.msk $0xffff, v1  }
0xb1: {  	v1 =	vld [tilespmem:s25+$0xFFFFFFD0];
	_ =	sdelay $0x4  }
0xb2: {  	[tilespmem:s0+$0x118] =	vst.add.f32.msk $0xffff, v1  }
0xb3: {  	v1 =	vld [tilespmem:s25+$0xFFFFFFE0];
	_ =	sdelay $0x4  }
0xb4: {  	[tilespmem:s0+$0x128] =	vst.add.f32.msk $0xffff, v1  }
0xb5: {  	v1 =	vld [tilespmem:s25+$0xFFFFFFF0];
	_ =	sdelay $0x4  }
0xb6: {  	[tilespmem:s0+$0x138] =	vst.add.f32.msk $0xffff, v1  }
0xb7: {  	v1 =	vld [tilespmem:s25+$0x0];
	_ =	sdelay $0x4  }
0xb8: {  	[tilespmem:s0+$0x148] =	vst.add.f32.msk $0xffff, v1  }
0xb9: {  	v1 =	vld [tilespmem:s25+$0x10];
	_ =	sdelay $0x4  }
0xba: {  	[tilespmem:s0+$0x158] =	vst.add.f32.msk $0xffff, v1  }
0xbb: {  	v1 =	vld [tilespmem:s25+$0x20];
	_ =	sdelay $0x4  }
0xbc: {  	[tilespmem:s0+$0x168] =	vst.add.f32.msk $0xffff, v1  }
0xbd: {  	v1 =	vld [tilespmem:s25+$0x30];
	_ =	sdelay $0x4  }
0xbe: {  	[tilespmem:s0+$0x178] =	vst.add.f32.msk $0xffff, v1  }
.LBB2_17:
0xbf: {  	s26 =	sadd.s32 $0x1, s26  }
0xc0: {  	p1 =	seq.s32 s26, $0x0  }
.Ltmp11:
0xc1: {  	_ = 	snop;
	(pc) =	sbr.rel @p1 .LBB2_18-.Ltmp11, $2  }
0xc2: {  	_ =	sdelay $0x2  }
0xc3: {  	s23 =	sadd.s32 $0x1, s23;
	s25 =	sadd.s32 $0x80, s25;
	s29 =	smov.u32 s30  }
.LBB2_12:
0xc4: {  	v1 =	vld.msk [tilespmem:s23+$0x0], $0x1;
	_ =	sdelay $0x4  }
0xc5: {  	(v2sf) =	vpush v1, $0x0;
	_ =	sdelay $0xe  }
0xc6: {  	s30 =	spop (v2sf)  }
0xc7: {  	p1 =	sne.s32 s29, s30  }
.Ltmp12:
0xc8: {  	_ = 	snop;
	(pc) =	sbr.rel @!p1 .LBB2_13-.Ltmp12, $2  }
0xc9: {  	_ =	sdelay $0x2  }
0xca: {  	s0 =	sshll.u32 s22, $0x9  }
0xcb: {  	p1 =	seq.s32 s29, s24  }
.Ltmp13:
0xcc: {  	_ = 	snop;
	(pc) =	sbr.rel @!p1 .LBB2_15-.Ltmp13, $1  }
0xcd: {  	_ =	sdelay $0x3  }
0xce: {  	s0 =	sshra.s32 s0, $0x2  }
.Ltmp14:
0xcf: {  	s0 =	sadd.s32 $0x108, s0;
	(pc) =	sbr.rel .LBB2_16-.Ltmp14, $4  }
0xd0: {  	[spmem:s16] =	stream.linear.scatter [tilespmem:s0], [sflag:$0x1], $0x80, $0x38;
	[tilespmem:$0x1F6F8] =	vst v63  }
0xd1: {  	_ =	swait.ge [sflag:s12], $0x80  }
0xd2: {  	[sflag:s12] =	ssyncset.done $0x0  }
0xd3: {  	[sflag:s12] =	ssyncadd.s32 $0xFFFFFF80  }
.LBB2_15:
0xd4: {  	s2 =	sshll.u32 s28, $0x9  }
0xd5: {  	s2 =	sshra.s32 s2, $0x2  }
0xd6: {  	v1 =	vld [tilespmem:s2+$0x7988];
	_ =	sdelay $0x3  }
0xd7: {  	s0 =	sshra.s32 s0, $0x2  }
0xd8: {  	[tilespmem:s0+$0x108] =	vst.add.f32.msk $0xffff, v1  }
0xd9: {  	v1 =	vld [tilespmem:s2+$0x7998];
	_ =	sdelay $0x4  }
0xda: {  	[tilespmem:s0+$0x118] =	vst.add.f32.msk $0xffff, v1  }
0xdb: {  	v1 =	vld [tilespmem:s2+$0x79A8];
	_ =	sdelay $0x4  }
0xdc: {  	[tilespmem:s0+$0x128] =	vst.add.f32.msk $0xffff, v1  }
0xdd: {  	v1 =	vld [tilespmem:s2+$0x79B8];
	_ =	sdelay $0x4  }
0xde: {  	[tilespmem:s0+$0x138] =	vst.add.f32.msk $0xffff, v1  }
0xdf: {  	v1 =	vld [tilespmem:s2+$0x79C8];
	_ =	sdelay $0x4  }
0xe0: {  	[tilespmem:s0+$0x148] =	vst.add.f32.msk $0xffff, v1  }
0xe1: {  	v1 =	vld [tilespmem:s2+$0x79D8];
	_ =	sdelay $0x4  }
0xe2: {  	[tilespmem:s0+$0x158] =	vst.add.f32.msk $0xffff, v1  }
0xe3: {  	v1 =	vld [tilespmem:s2+$0x79E8];
	_ =	sdelay $0x4  }
0xe4: {  	[tilespmem:s0+$0x168] =	vst.add.f32.msk $0xffff, v1  }
0xe5: {  	v1 =	vld [tilespmem:s2+$0x79F8];
	_ =	sdelay $0x2  }
0xe6: {  	p1 =	sgt.u32 s29, $0x270F0  }
0xe7: {  	s2 =	sand.u32 @!p1 $0x3FFF8, s29  }
0xe8: {  	s3 =	sadd.s32 $0x108, s0;
	[tilespmem:s0+$0x178] =	vst.add.f32.msk $0xffff, v1;
	s0 =	sadd.s32 @!p1 s1, s2;
	s2 =	sand.u32 @!p1 $0x7, s29  }
0xe9: {  	[hbm4b:s0+s2] =	stream.linear.scatter @!p1 [tilespmem:s3], [sflag:$0xC], $0x80, $0x38;
	[tilespmem:$0x1F6F8] =	vst v63  }
0xea: {  	s0 =	simm.s32 $0x0  }
0xeb: {  	s0 =	simm.s32 @!p1 $0x200  }
0xec: {  	s31 =	sadd.s32 s0, s31  }
.LBB2_16:
0xed: {  	s0 =	sadd.s32 $0x1, s22  }
0xee: {  	s2 =	smulhi.u32 $0x88888889, s0;
	_ =	sdelay $0x1  }
0xef: {  	v1 =	vld [tilespmem:s25+$0xFFFFFFC0];
	s2 =	sshrl.u32 s2, $0x7  }
0xf0: {  	s2 =	smul.u32 $0xF0, s2;
	_ =	sdelay $0x1  }
0xf1: {  	s22 =	ssub.s32 s0, s2  }
0xf2: {  	s0 =	sshll.u32 s22, $0x7  }
0xf3: {  	[tilespmem:s0+$0x108] =	vst v1  }
0xf4: {  	v1 =	vld [tilespmem:s25+$0xFFFFFFD0];
	_ =	sdelay $0x4  }
0xf5: {  	[tilespmem:s0+$0x118] =	vst v1  }
0xf6: {  	v1 =	vld [tilespmem:s25+$0xFFFFFFE0];
	_ =	sdelay $0x4  }
0xf7: {  	[tilespmem:s0+$0x128] =	vst v1  }
0xf8: {  	v1 =	vld [tilespmem:s25+$0xFFFFFFF0];
	_ =	sdelay $0x4  }
0xf9: {  	[tilespmem:s0+$0x138] =	vst v1  }
0xfa: {  	v1 =	vld [tilespmem:s25+$0x0];
	_ =	sdelay $0x4  }
0xfb: {  	[tilespmem:s0+$0x148] =	vst v1  }
0xfc: {  	v1 =	vld [tilespmem:s25+$0x10];
	_ =	sdelay $0x4  }
0xfd: {  	[tilespmem:s0+$0x158] =	vst v1  }
0xfe: {  	v1 =	vld [tilespmem:s25+$0x20];
	_ =	sdelay $0x4  }
0xff: {  	[tilespmem:s0+$0x168] =	vst v1  }
0x100: {  	v1 =	vld [tilespmem:s25+$0x30]  }
.Ltmp15:
0x101: {  	_ = 	snop;
	(pc) =	sbr.rel .LBB2_17-.Ltmp15, $2  }
0x102: {  	_ =	sdelay $0x2  }
0x103: {  	s28 =	sadd.s32 $0x1, s28;
	[tilespmem:s0+$0x178] =	vst v1  }
.LBB2_19:
.Ltmp16:
0x104: {  	(pc) =	sbr.rel .LBB2_20-.Ltmp16, $4  }
0x105: {  	_ = 	snop  }
0x106: {  	s0 =	simm.s32 $0x2  }
0x107: {  	_ =	swait.ge [sflag:s0], $0x0  }
0x108: {  	s30 =	smov.u32 s29;
	[sflag:s0] =	ssyncset.done $0x0;
	s0 =	simm.s32 $0x0  }
.LBB2_22:
0x109: {  	_ =	sfence.sel $0x180000  }
0x10a: {  	s0 =	simm.s32 $0x9;
	[bflag:$0x0] =	sbarrier.arrive $0xFFFF  }
0x10b: {  	s24 =	simm.s32 $0xA;
	[sflag:s0] =	ssyncpa.u1 $0x1  }
0x10c: {  	s25 =	simm.s32 $0xB;
	[sflag:s24] =	ssyncpa.u1 $0x1  }
0x10d: {  	s26 =	simm.s32 $0x2;
	[sflag:s25] =	ssyncpa.u1 $0x1  }
0x10e: {  	[sflag:s26] =	ssyncpa.u1 $0x1  }
0x10f: {  	v0 =	vld [tilespmem:$0xF208];
	_ =	sdelay $0x4  }
0x110: {  	(v2sf) =	vpush v0, $0x0  }
0x111: {  	(v2sf) =	vpush v0, $0x1;
	_ =	sdelay $0x1  }
0x112: {  	(v2sf) =	vpush v0, $0x2;
	_ =	sdelay $0xb  }
0x113: {  	s0 =	spop (v2sf)  }
0x114: {  	s2 =	spop (v2sf)  }
0x115: {  	s3 =	smov.u32 s0;
	p0 =	sne.s32 s0, s2  }
0x116: {  	s4 =	spop (v2sf);
	s3 =	simm.s32 @!p0 $0xFFFFFFFF  }
0x117: {  	v2 =	vimm.s32 $0x1;
	v3 =	vlaneseq.u32;
	p0 =	seq.s32 s4, $0xFFFFFFFF;
	v1 =	vmov s3  }
0x118: {  	s16 =	stileid.u32;
	v0 =	vperm.xlane v0, v2;
	p1 =	sne.s32 @!p0 s0, s2;
	v1 =	vperm.xlane v1, v3  }
0x119: {  	vm0 =	vcmask $0x3F04;
	s6 =	simm.s32 $0xF208;
	s0 =	simm.s32 @!p0 $0x1;
	p1 =	por !p1, p0  }
0x11a: {  	s3 =	sshll.u32 s16, $0x1;
	s2 =	sshll.u32 @!p0 s4, $0x9;
	s0 =	simm.s32 @p1 $0x0;
	v0 =	vsel vm0, v1, v0  }
0x11b: {  	s5 =	sor.u32 $0x1000, s3;
	s2 =	sshra.s32 @!p0 s2, $0x2;
	s0 =	sor.u32 @!p0 s0, s3;
	[tilespmem:$0xF208] =	vst v0  }
0x11c: {  	[spmem:s5] =	stream.linear.scatter [tilespmem:s6], [sflag:$0x1], $0x2, $0x38;
	[tilespmem:$0x1F6F8] =	vst v63  }
0x11d: {  	s2 =	sadd.s32 @!p0 $0x108, s2;
	s0 =	sshll.u32 @!p0 s0, $0x7  }
0x11e: {  	[spmem:s0] =	stream.linear.scatter @!p0 [tilespmem:s2], [sflag:$0x1], $0x80, $0x38;
	[tilespmem:$0x1F6F8] =	vst v63  }
0x11f: {  	s0 =	simm.s32 @!p0 $0x82  }
0x120: {  	s28 =	simm.s32 $0x1;
	s0 =	simm.s32 @p0 $0x2  }
0x121: {  	_ =	swait.ge [sflag:s28], s0  }
0x122: {  	s0 =	ssub.s32 $0x0, s0;
	[sflag:s28] =	ssyncset.done $0x0  }
0x123: {  	p0 =	sne.s32 s16, $0x0;
	[sflag:s28] =	ssyncadd.s32 s0  }
.Ltmp17:
0x124: {  	_ =	sfence.stream.spmem;
	(pc) =	sbr.rel @p0 .LBB2_39-.Ltmp17, $4  }
0x125: {  	s29 =	simm.s32 $0x3;
	[bflag:$0x0] =	sbarrier.arrive $0xFFFF  }
0x126: {  	s30 =	simm.s32 $0x4;
	[sflag:s29] =	ssyncpa.u1 $0x1  }
0x127: {  	s31 =	simm.s32 $0x3C;
	[sflag:s30] =	ssyncpa.u1 $0x1  }
0x128: {  	s15 =	rddreg [dreg:$0x4];
	[sflag:s31] =	ssyncpa.u1 $0x1  }
0x129: {  	_ =	sfence.stream.spmem;
	s0 =	simm.s32 $0x5  }
0x12a: {  	s2 =	simm.s32 $0x1000;
	s3 =	simm.s32 $0xF218;
	[sflag:s0] =	ssyncpa.u1 $0x0  }
0x12b: {  	[tilespmem:s3], [sflag:$0x5] =	stream.linear.gather [spmem:s2], $0x20, $0x38;
	[tilespmem:$0x1F6F8] =	vst v63  }
0x12c: {  	s26 =	simm.s32 $0x0;
	s28 =	simm.s32 $0xF238  }
0x12d: {  	[tilespmem:s28], [sflag:$0x5] =	stream.linear.gather [spmem:s26], $0x1000, $0x38;
	[tilespmem:$0x1F6F8] =	vst v63  }
0x12e: {  	_ =	swait.ge [sflag:s0], $0x1020  }
0x12f: {  	[sflag:s0] =	ssyncset.done $0x0  }
0x130: {  	s29 =	simm.s32 $0x0;
	[sflag:s0] =	ssyncadd.s32 $0xFFFFEFE0  }
0x131: {  	v0 =	vld.msk [tilespmem:s29+$0xF218], $0x1;
	_ =	sdelay $0x1  }
0x132: {  	s30 =	simm.s32 $0x1  }
0x133: {  	v1 =	vld.msk [tilespmem:s30+$0xF218], $0x1;
	_ =	sdelay $0x1  }
0x134: {  	(v2sf) =	vpush v0, $0x0;
	_ =	sdelay $0x2  }
0x135: {  	(v2sf) =	vpush v1, $0x0;
	_ =	sdelay $0x2  }
0x136: {  	s31 =	simm.s32 $0x2  }
0x137: {  	v0 =	vld.msk [tilespmem:s31+$0xF218], $0x1;
	_ =	sdelay $0x2  }
0x138: {  	s4 =	simm.s32 $0xFFFFFFFF;
	s5 =	simm.s32 $0xFFFFFFFF;
	s0 =	simm.s32 $0xC  }
.LBB2_24:
0x139: {  	s2 =	smov.u32 s5;
	s3 =	smov.u32 s4  }
0x13a: {  	s4 =	sshra.s32 s0, $0x2;
	p1 =	sne.s32 s0, $0x7C;
	s0 =	sadd.s32 $0x4, s0;
	(v2sf) =	vpush v0, $0x0  }
0x13b: {  	v0 =	vld.msk [tilespmem:s4+$0xF218], $0x1  }
.Ltmp18:
0x13c: {  	(pc) =	sbr.rel @p1 .LBB2_24-.Ltmp18, $4  }
0x13d: {  	s5 =	spop (v2sf)  }
0x13e: {  	p2 =	sne.s32 s3, $0xFFFFFFFF;
	s4 =	smov.u32 s5  }
0x13f: {  	p3 =	seq.s32 s5, $0xFFFFFFFF;
	s4 =	smov.u32 @p2 s3  }
0x140: {  	s5 =	smov.u32 @p3 s2;
	s4 =	smov.u32 @p3 s3  }
0x141: {  	(v2sf) =	vpush v0, $0x0;
	_ =	sdelay $0x8  }
0x142: {  	s0 =	spop (v2sf)  }
0x143: {  	p1 =	sne.s32 s4, $0xFFFFFFFF;
	s2 =	smov.u32 s0  }
0x144: {  	s9 =	simm.s32 $0x6;
	p2 =	seq.s32 s0, $0xFFFFFFFF;
	s2 =	smov.u32 @p1 s4  }
0x145: {  	s6 =	simm.s32 $0x0;
	s2 =	smov.u32 @p2 s4;
	s3 =	spop (v2sf)  }
0x146: {  	s0 =	smov.u32 @p2 s5;
	p1 =	sne.s32 s2, $0xFFFFFFFF;
	s4 =	smov.u32 s3  }
.Ltmp19:
0x147: {  	p2 =	seq.s32 s3, $0xFFFFFFFF;
	s4 =	smov.u32 @p1 s2;
	(pc) =	sbr.rel .LBB2_26-.Ltmp19, $4  }
0x148: {  	s10 =	simm.s32 $0xF188;
	s4 =	smov.u32 @p2 s2;
	s7 =	spop (v2sf)  }
0x149: {  	s11 =	simm.s32 $0x0;
	p1 =	sne.s32 s4, $0xFFFFFFFF;
	s8 =	smov.u32 s7  }
0x14a: {  	s3 =	smov.u32 @p2 s0;
	p2 =	seq.s32 s7, $0xFFFFFFFF;
	s8 =	smov.u32 @p1 s4  }
0x14b: {  	[sflag:s9] =	ssyncpa.u1 $0x0;
	s7 =	smov.u32 @p2 s3;
	s8 =	smov.u32 @p2 s4  }
.LBB2_32:
0x14c: {  	p1 =	sgt.u32 s12, $0x270F0  }
0x14d: {  	p2 =	seq.s32 @!p1 s12, s8  }
0x14e: {  	p1 =	por p1, p2  }
0x14f: {  	p2 =	sne.s32 @!p1 s12, s7  }
0x150: {  	p1 =	por p1, !p2  }
0x151: {  	s0 =	sshll.u32 @p1 s11, $0x9  }
0x152: {  	s0 =	sand.u32 @!p1 $0x3FFF8, s12  }
0x153: {  	s2 =	sand.u32 @!p1 $0x7, s12;
	s0 =	sadd.s32 @!p1 s1, s0  }
0x154: {  	[tilespmem:s10], [sflag:$0x6] =	stream.linear.gather @!p1 [hbm4b:s0+s2], $0x80, $0x38;
	[tilespmem:$0x1F6F8] =	vst v63  }
0x155: {  	_ =	swait.ge @!p1 [sflag:s9], $0x80  }
0x156: {  	[sflag:s9] =	ssyncset.done @!p1 $0x0  }
0x157: {  	[sflag:s9] =	ssyncadd.s32 @!p1 $0xFFFFFF80  }
0x158: {  	v1 =	vld @!p1 [tilespmem:$0xF188];
	_ =	sdelay $0x2  }
0x159: {  	s0 =	sshll.u32 @!p1 s11, $0x9  }
0x15a: {  	s2 =	sshrl.u32 @!p1 s0, $0x2  }
0x15b: {  	[tilespmem:s2+$0xF238] =	vst.add.f32.msk @!p1 $0xffff, v1  }
0x15c: {  	v1 =	vld @!p1 [tilespmem:$0xF198];
	_ =	sdelay $0x4  }
0x15d: {  	[tilespmem:s2+$0xF248] =	vst.add.f32.msk @!p1 $0xffff, v1  }
0x15e: {  	v1 =	vld @!p1 [tilespmem:$0xF1A8];
	_ =	sdelay $0x4  }
0x15f: {  	[tilespmem:s2+$0xF258] =	vst.add.f32.msk @!p1 $0xffff, v1  }
0x160: {  	v1 =	vld @!p1 [tilespmem:$0xF1B8];
	_ =	sdelay $0x4  }
0x161: {  	[tilespmem:s2+$0xF268] =	vst.add.f32.msk @!p1 $0xffff, v1  }
0x162: {  	v1 =	vld @!p1 [tilespmem:$0xF1C8];
	_ =	sdelay $0x4  }
0x163: {  	[tilespmem:s2+$0xF278] =	vst.add.f32.msk @!p1 $0xffff, v1  }
0x164: {  	v1 =	vld @!p1 [tilespmem:$0xF1D8];
	_ =	sdelay $0x4  }
0x165: {  	[tilespmem:s2+$0xF288] =	vst.add.f32.msk @!p1 $0xffff, v1  }
0x166: {  	v1 =	vld @!p1 [tilespmem:$0xF1E8];
	_ =	sdelay $0x4  }
0x167: {  	[tilespmem:s2+$0xF298] =	vst.add.f32.msk @!p1 $0xffff, v1  }
0x168: {  	v1 =	vld @!p1 [tilespmem:$0xF1F8];
	_ =	sdelay $0x4  }
0x169: {  	[tilespmem:s2+$0xF2A8] =	vst.add.f32.msk @!p1 $0xffff, v1  }
0x16a: {  	s0 =	sshrl.u32 s0, $0x2;
	[tilespmem:s6+$0xF218] =	vst.msk $0x1, v0  }
0x16b: {  	v0 =	vld [tilespmem:s0+$0xF238];
	_ =	sdelay $0x2  }
0x16c: {  	s31 =	sshll.u32 s6, $0x9  }
0x16d: {  	s2 =	sshra.s32 s31, $0x2  }
0x16e: {  	[tilespmem:s2+$0xF238] =	vst v0  }
0x16f: {  	v0 =	vld [tilespmem:s0+$0xF248];
	_ =	sdelay $0x4  }
0x170: {  	[tilespmem:s2+$0xF248] =	vst v0  }
0x171: {  	v0 =	vld [tilespmem:s0+$0xF258];
	_ =	sdelay $0x4  }
0x172: {  	[tilespmem:s2+$0xF258] =	vst v0  }
0x173: {  	v0 =	vld [tilespmem:s0+$0xF268];
	_ =	sdelay $0x4  }
0x174: {  	[tilespmem:s2+$0xF268] =	vst v0  }
0x175: {  	v0 =	vld [tilespmem:s0+$0xF278];
	_ =	sdelay $0x4  }
0x176: {  	[tilespmem:s2+$0xF278] =	vst v0  }
0x177: {  	v0 =	vld [tilespmem:s0+$0xF288];
	_ =	sdelay $0x4  }
0x178: {  	[tilespmem:s2+$0xF288] =	vst v0  }
0x179: {  	v0 =	vld [tilespmem:s0+$0xF298];
	_ =	sdelay $0x4  }
0x17a: {  	[tilespmem:s2+$0xF298] =	vst v0  }
0x17b: {  	v0 =	vld [tilespmem:s0+$0xF2A8];
	_ =	sdelay $0x4  }
0x17c: {  	s6 =	sadd.s32 $0x1, s6;
	[tilespmem:s2+$0xF2A8] =	vst v0  }
.LBB2_33:
0x17d: {  	s11 =	sadd.s32 $0x1, s11  }
0x17e: {  	p1 =	sne.s32 s11, $0x20  }
.Ltmp20:
0x17f: {  	_ = 	snop;
	(pc) =	sbr.rel @!p1 .LBB2_34-.Ltmp20, $1  }
0x180: {  	_ =	sdelay $0x3  }
.LBB2_26:
0x181: {  	v0 =	vld.msk [tilespmem:s11+$0xF218], $0x1;
	_ =	sdelay $0x4  }
0x182: {  	(v2sf) =	vpush v0, $0x0;
	_ =	sdelay $0xe  }
0x183: {  	s12 =	spop (v2sf)  }
0x184: {  	p1 =	seq.s32 s12, $0xFFFFFFFF  }
.Ltmp21:
0x185: {  	_ = 	snop;
	(pc) =	sbr.rel @p1 .LBB2_33-.Ltmp21, $1  }
0x186: {  	_ =	sdelay $0x3  }
0x187: {  	p1 =	slt.s32 s6, $0x1  }
.Ltmp22:
0x188: {  	_ = 	snop;
	(pc) =	sbr.rel @p1 .LBB2_32-.Ltmp22, $1  }
0x189: {  	_ =	sdelay $0x3  }
0x18a: {  	s13 =	simm.s32 $0xF218;
	p1 =	por $0x0, $0x0  }
0x18b: {  	v1 =	vld.msk @!p1 [tilespmem:s13+$0x0], $0x1;
	_ =	sdelay $0x4  }
0x18c: {  	(v2sf) =	vpush @!p1 v1, $0x0;
	_ =	sdelay $0xd  }
0x18d: {  	p3 =	sne.s32 s6, $0x1  }
.Ltmp23:
0x18e: {  	s0 =	spop @!p1 (v2sf);
	(pc) =	sbr.rel @!p3 .LBB2_30-.Ltmp23, $4  }
0x18f: {  	p2 =	seq.s32 @!p1 s12, s0  }
0x190: {  	s14 =	simm.s32 $0x0;
	p2 =	por !p2, p1  }
0x191: {  	s2 =	simm.s32 $0xFFFFFFFF;
	s14 =	simm.s32 @p2 $0xFFFFFFFF  }
0x192: {  	s0 =	simm.s32 $0x1;
	s14 =	smov.u32 @p1 s2  }
.LBB2_29:
0x193: {  	s2 =	smov.u32 s14;
	p1 =	sne.s32 s14, $0xFFFFFFFF  }
0x194: {  	s13 =	sadd.s32 $0x1, s13;
	s14 =	smov.u32 s0;
	s0 =	sadd.s32 $0x1, s0  }
0x195: {  	p2 =	sne.s32 s6, s0;
	v1 =	vld.msk @!p1 [tilespmem:s13+$0x0], $0x1;
	_ =	sdelay $0x4  }
0x196: {  	(v2sf) =	vpush @!p1 v1, $0x0;
	_ =	sdelay $0xe  }
.Ltmp24:
0x197: {  	s3 =	spop @!p1 (v2sf);
	(pc) =	sbr.rel @p2 .LBB2_29-.Ltmp24, $4  }
0x198: {  	p3 =	seq.s32 @!p1 s12, s3  }
0x199: {  	p3 =	por !p3, p1  }
0x19a: {  	s14 =	simm.s32 @p3 $0xFFFFFFFF  }
0x19b: {  	s14 =	smov.u32 @p1 s2  }
.LBB2_30:
0x19c: {  	p1 =	seq.s32 s14, $0xFFFFFFFF  }
.Ltmp25:
0x19d: {  	_ = 	snop;
	(pc) =	sbr.rel @p1 .LBB2_32-.Ltmp25, $1  }
0x19e: {  	_ =	sdelay $0x3  }
0x19f: {  	s0 =	sshll.u32 s11, $0x7  }
0x1a0: {  	s0 =	sand.u32 $0x3FFFFF80, s0  }
0x1a1: {  	v0 =	vld [tilespmem:s0+$0xF238];
	_ =	sdelay $0x2  }
0x1a2: {  	s2 =	sshll.u32 s14, $0x9  }
0x1a3: {  	s2 =	sshra.s32 s2, $0x2  }
0x1a4: {  	[tilespmem:s2+$0xF238] =	vst.add.f32.msk $0xffff, v0  }
0x1a5: {  	v0 =	vld [tilespmem:s0+$0xF248];
	_ =	sdelay $0x4  }
0x1a6: {  	[tilespmem:s2+$0xF248] =	vst.add.f32.msk $0xffff, v0  }
0x1a7: {  	v0 =	vld [tilespmem:s0+$0xF258];
	_ =	sdelay $0x4  }
0x1a8: {  	[tilespmem:s2+$0xF258] =	vst.add.f32.msk $0xffff, v0  }
0x1a9: {  	v0 =	vld [tilespmem:s0+$0xF268];
	_ =	sdelay $0x4  }
0x1aa: {  	[tilespmem:s2+$0xF268] =	vst.add.f32.msk $0xffff, v0  }
0x1ab: {  	v0 =	vld [tilespmem:s0+$0xF278];
	_ =	sdelay $0x4  }
0x1ac: {  	[tilespmem:s2+$0xF278] =	vst.add.f32.msk $0xffff, v0  }
0x1ad: {  	v0 =	vld [tilespmem:s0+$0xF288];
	_ =	sdelay $0x4  }
0x1ae: {  	[tilespmem:s2+$0xF288] =	vst.add.f32.msk $0xffff, v0  }
0x1af: {  	v0 =	vld [tilespmem:s0+$0xF298];
	_ =	sdelay $0x4  }
0x1b0: {  	[tilespmem:s2+$0xF298] =	vst.add.f32.msk $0xffff, v0  }
0x1b1: {  	v0 =	vld [tilespmem:s0+$0xF2A8]  }
.Ltmp26:
0x1b2: {  	_ = 	snop;
	(pc) =	sbr.rel .LBB2_33-.Ltmp26, $2  }
0x1b3: {  	_ =	sdelay $0x2  }
0x1b4: {  	[tilespmem:s2+$0xF2A8] =	vst.add.f32.msk $0xffff, v0  }
.LBB2_34:
0x1b5: {  	s0 =	simm.s32 $0x6;
	p1 =	seq.s32 s6, $0x0  }
0x1b6: {  	[sflag:s0] =	ssyncpa.u1 $0x1;
	v0 =	vimm.s32 @p1 $0xFFFFFFFF  }
0x1b7: {  	s9 =	sadd.s32 $0xFFFFFFFF, s6;
	[tilespmem:$0x10238] =	vst @p1 v0  }
0x1b8: {  	v0 =	vld.msk @!p1 [tilespmem:s9+$0xF218], $0x1;
	_ =	sdelay $0x1  }
0x1b9: {  	v1 =	vld.msk @!p1 [tilespmem:$0xF218], $0x1;
	_ =	sdelay $0x2  }
0x1ba: {  	p2 =	seq.s32 @!p1 s9, $0x0;
	v0 =	vbroadcast @!p1 v0, $0x0  }
0x1bb: {  	vm0 =	vmmov @!p1 $0x1;
	p2 =	por !p2, p1  }
0x1bc: {  	v1 =	vnsel @!p1 vm0, $0xFFFFFFFF, v1;
	vm0 =	vcmask @!p1 $0x308;
	v0 =	vpsel !p2, $0xFFFFFFFF, v0  }
0x1bd: {  	p2 =	sne.s32 @!p1 s8, s7;
	v0 =	vsel @!p1 vm0, v1, v0  }
0x1be: {  	s0 =	simm.s32 @!p1 $0xF238;
	s2 =	simm.s32 @!p1 $0x0;
	p3 =	por !p2, p1;
	[tilespmem:$0x10238] =	vst @!p1 v0  }
0x1bf: {  	[spmem:s2] =	stream.linear.scatter @!p1 [tilespmem:s0], [sflag:$0x1], $0x80, $0x38;
	[tilespmem:$0x1F6F8] =	vst v63  }
0x1c0: {  	s0 =	sshll.u32 @!p3 s9, $0x9  }
0x1c1: {  	s0 =	sshra.s32 @!p3 s0, $0x2  }
0x1c2: {  	s2 =	simm.s32 @!p3 $0x80;
	s0 =	sadd.s32 @!p3 $0xF238, s0  }
0x1c3: {  	[spmem:s2] =	stream.linear.scatter @!p3 [tilespmem:s0], [sflag:$0x1], $0x80, $0x38;
	[tilespmem:$0x1F6F8] =	vst v63  }
0x1c4: {  	s0 =	simm.s32 @!p3 $0x1  }
0x1c5: {  	_ =	swait.ge @!p3 [sflag:s0], $0x100  }
0x1c6: {  	p1 =	por p2, p1;
	[sflag:s0] =	ssyncset.done @!p3 $0x0  }
0x1c7: {  	[sflag:s0] =	ssyncadd.s32 @!p3 $0xFFFFFF00;
	s0 =	simm.s32 @!p1 $0x1  }
0x1c8: {  	_ =	swait.ge @!p1 [sflag:s0], $0x80  }
0x1c9: {  	s29 =	simm.s32 $0x10238;
	[sflag:s0] =	ssyncset.done @!p1 $0x0  }
0x1ca: {  	s30 =	simm.s32 $0x1000;
	s31 =	simm.s32 $0x1;
	[sflag:s0] =	ssyncadd.s32 @!p1 $0xFFFFFF80  }
0x1cb: {  	[spmem:s30] =	stream.linear.scatter [tilespmem:s29], [sflag:$0x1], $0x10, $0x38;
	[tilespmem:$0x1F6F8] =	vst v63  }
0x1cc: {  	_ =	swait.ge [sflag:s31], $0x10  }
0x1cd: {  	[sflag:s31] =	ssyncset.done $0x0  }
0x1ce: {  	p1 =	seq.s32 s15, $0x0;
	s8 =	rddreg [dreg:$0x1];
	[sflag:s31] =	ssyncadd.s32 $0xFFFFFFF0  }
0x1cf: {  	s2 =	sshll.u32 @p1 s8, $0xE;
	s7 =	rddreg [dreg:$0x2]  }
0x1d0: {  	s0 =	sadd.s32 @p1 $0x15C3C, s2;
	s2 =	sshll.u32 @p1 s7, $0x11  }
0x1d1: {  	_ =	sfence.stream.spmem;
	s0 =	sor.u32 @p1 s2, s0  }
0x1d2: {  	[sflag:s0] =	ssyncadd.remote.s32 @p1 $0x1;
	s0 =	simm.s32 @p1 $0x4  }
0x1d3: {  	s3 =	simm.s32 @!p1 $0x3C;
	s2 =	sand.u32 $0xFFFFFFFE, s8;
	_ =	swait.ge @p1 [sflag:s0], $0x22  }
0x1d4: {  	s4 =	simm.s32 @!p1 $0x0;
	s2 =	sadd.s32 @!p1 $0x4, s2;
	[sflag:s0] =	ssyncset.done @p1 $0x0  }
0x1d5: {  	s5 =	simm.s32 @!p1 $0x100;
	[sflag:s0] =	ssyncadd.s32 @p1 $0xFFFFFFDE;
	s0 =	sshll.u32 @!p1 s2, $0x1A  }
0x1d6: {  	s2 =	sshll.u32 @!p1 s2, $0xD;
	s0 =	sor.u32 @!p1 s0, s7;
	_ =	swait.eq @!p1 [sflag:s3], $0x1  }
0x1d7: {  	s2 =	sor.u32 @!p1 $0x1C04, s2;
	s3 =	simm.s32 @!p1 $0x1C03;
	s0 =	sor.u32 @!p1 $0x80004000, s0  }
0x1d8: {  	[spmem:s5], [sflag:s2] =	dma.general @!p1 [spmem:s4], [sflag:s3], length:$0x20, [dreg:$0x0], stride_count:$0x0, ici_dest:s0, dma_misc:DstOpCode:WRITE  }
0x1d9: {  	p2 =	slt.s32 s9, $0x2;
	s4 =	simm.s32 @!p1 $0x200;
	s5 =	simm.s32 @!p1 $0x202  }
0x1da: {  	[spmem:s5], [sflag:s2] =	dma.general @!p1 [spmem:s4], [sflag:s3], length:$0x2, [dreg:$0x0], stride_count:$0x0, ici_dest:s0, dma_misc:DstOpCode:WRITE  }
.Ltmp27:
0x1db: {  	s0 =	simm.s32 @!p1 $0x3;
	(pc) =	sbr.rel @p2 .LBB2_38-.Ltmp27, $4  }
0x1dc: {  	s2 =	sshll.u32 @!p1 s8, $0xE;
	_ =	swait.ge @!p1 [sflag:s0], $0x22  }
0x1dd: {  	s3 =	sshll.u32 @!p1 s7, $0x11;
	s2 =	sadd.s32 @!p1 $0x11C3C, s2;
	[sflag:s0] =	ssyncset.done @!p1 $0x0  }
0x1de: {  	[sflag:s0] =	ssyncadd.s32 @!p1 $0xFFFFFFDE;
	s0 =	sor.u32 @!p1 s3, s2  }
0x1df: {  	[sflag:s0] =	ssyncadd.remote.s32 @!p1 $0xFFFFFFFF;
	s0 =	simm.s32 $0x0  }
0x1e0: {  	s0 =	simm.s32 $0xF219  }
0x1e1: {  	v0 =	vld.msk [tilespmem:s0+$0x0], $0x1;
	_ =	sdelay $0x4  }
0x1e2: {  	(v2sf) =	vpush v0, $0x0;
	_ =	sdelay $0xb  }
0x1e3: {  	s31 =	sadd.s32 $0xFFFFFFFE, s6  }
0x1e4: {  	s0 =	sadd.s32 $0xFFFFFFFF, s31  }
0x1e5: {  	p2 =	sne.s32 s0, $0x0  }
.Ltmp28:
0x1e6: {  	s2 =	spop (v2sf);
	(pc) =	sbr.rel @!p2 .LBB2_37-.Ltmp28, $4  }
0x1e7: {  	s4 =	simm.s32 $0xF2B8;
	s7 =	simm.s32 $0x0;
	p1 =	sgt.u32 s2, $0x270F0  }
0x1e8: {  	s5 =	simm.s32 $0x0;
	s6 =	simm.s32 $0xF21A;
	s3 =	sand.u32 @!p1 $0x3FFF8, s2  }
0x1e9: {  	s2 =	sand.u32 @!p1 $0x7, s2;
	s7 =	simm.s32 @!p1 $0x200;
	s3 =	sadd.s32 @!p1 s1, s3  }
0x1ea: {  	[hbm4b:s3+s2] =	stream.linear.scatter @!p1 [tilespmem:s4], [sflag:$0x5], $0x80, $0x38;
	[tilespmem:$0x1F6F8] =	vst v63  }
.LBB2_36:
0x1eb: {  	v0 =	vld.msk [tilespmem:s6+$0x0], $0x1;
	s0 =	sadd.s32 $0xFFFFFFFF, s0;
	s5 =	sadd.s32 s5, s7  }
0x1ec: {  	p1 =	sne.s32 s0, $0x0;
	_ =	sdelay $0x3  }
0x1ed: {  	(v2sf) =	vpush v0, $0x0;
	_ =	sdelay $0xe  }
.Ltmp29:
0x1ee: {  	s2 =	spop (v2sf);
	(pc) =	sbr.rel @p1 .LBB2_36-.Ltmp29, $4  }
0x1ef: {  	s7 =	simm.s32 $0x0;
	p2 =	sgt.u32 s2, $0x270F0  }
0x1f0: {  	s4 =	sadd.s32 $0x80, s4;
	s7 =	simm.s32 @!p2 $0x200;
	s3 =	sand.u32 @!p2 $0x3FFF8, s2  }
0x1f1: {  	s6 =	sadd.s32 $0x1, s6;
	s2 =	sand.u32 @!p2 $0x7, s2;
	s3 =	sadd.s32 @!p2 s1, s3  }
0x1f2: {  	[hbm4b:s3+s2] =	stream.linear.scatter @!p2 [tilespmem:s4], [sflag:$0x5], $0x80, $0x38;
	[tilespmem:$0x1F6F8] =	vst v63  }
.LBB2_37:
0x1f3: {  	s0 =	sadd.s32 s5, s7  }
0x1f4: {  	s0 =	sshrl.u32 s0, $0x2  }
.LBB2_38:
0x1f5: {  	s2 =	simm.s32 $0x5  }
0x1f6: {  	_ =	swait.ge [sflag:s2], s0  }
0x1f7: {  	s31 =	ssub.s32 $0x0, s0;
	[sflag:s2] =	ssyncset.done $0x0  }
0x1f8: {  	[sflag:s2] =	ssyncadd.s32 s31  }
0x1f9: {  	[sflag:s2] =	ssyncpa.u1 $0x1  }
.LBB2_39:
0x1fa: {  	s0 =	sor.u32 s15, s16  }
0x1fb: {  	p1 =	sne.s32 s0, $0x0  }
.Ltmp30:
0x1fc: {  	_ = 	snop;
	(pc) =	sbr.rel @p1 .LBB2_54-.Ltmp30, $3  }
0x1fd: {  	_ =	sdelay $0x1  }
0x1fe: {  	[bflag:$0x0] =	sbarrier.arrive $0xFFFF  }
0x1ff: {  	_ =	sfence  }
0x200: {  	s0 =	simm.s32 $0x7  }
0x201: {  	s2 =	simm.s32 $0x1000;
	s3 =	simm.s32 $0xF218;
	[sflag:s0] =	ssyncpa.u1 $0x0  }
0x202: {  	[tilespmem:s3], [sflag:$0x7] =	stream.linear.gather [spmem:s2], $0x20, $0x38;
	[tilespmem:$0x1F6F8] =	vst v63  }
0x203: {  	s30 =	simm.s32 $0xF238;
	s2 =	simm.s32 $0x0  }
0x204: {  	[tilespmem:s30], [sflag:$0x7] =	stream.linear.gather [spmem:s2], $0x1000, $0x38;
	[tilespmem:$0x1F6F8] =	vst v63  }
.Ltmp31:
0x205: {  	_ = 	snop;
	(pc) =	sbr.rel .LBB2_41-.Ltmp31, $4  }
0x206: {  	_ =	swait.ge [sflag:s0], $0x1020  }
0x207: {  	[sflag:s0] =	ssyncset.done $0x0  }
0x208: {  	s31 =	simm.s32 $0x8;
	[sflag:s0] =	ssyncadd.s32 $0xFFFFEFE0  }
0x209: {  	s3 =	simm.s32 $0x0;
	[sflag:s31] =	ssyncpa.u1 $0x0  }
.LBB2_47:
0x20a: {  	p1 =	slt.u32 s4, $0x270F1  }
0x20b: {  	s0 =	sand.u32 @p1 $0x3FFF8, s4  }
0x20c: {  	s4 =	sand.u32 @p1 $0x7, s4;
	s5 =	simm.s32 @p1 $0xF188;
	s0 =	sadd.s32 @p1 s1, s0  }
0x20d: {  	[tilespmem:s5], [sflag:$0x8] =	stream.linear.gather @p1 [hbm4b:s0+s4], $0x80, $0x38;
	[tilespmem:$0x1F6F8] =	vst v63  }
0x20e: {  	s0 =	simm.s32 @p1 $0x8  }
0x20f: {  	_ =	swait.ge @p1 [sflag:s0], $0x80  }
0x210: {  	[sflag:s0] =	ssyncset.done @p1 $0x0  }
0x211: {  	[sflag:s0] =	ssyncadd.s32 @p1 $0xFFFFFF80  }
0x212: {  	v1 =	vld @p1 [tilespmem:$0xF188];
	_ =	sdelay $0x2  }
0x213: {  	s0 =	sshll.u32 @p1 s3, $0x9  }
0x214: {  	s4 =	sshrl.u32 @p1 s0, $0x2  }
0x215: {  	[tilespmem:s4+$0xF238] =	vst.add.f32.msk @p1 $0xffff, v1  }
0x216: {  	v1 =	vld @p1 [tilespmem:$0xF198];
	_ =	sdelay $0x4  }
0x217: {  	[tilespmem:s4+$0xF248] =	vst.add.f32.msk @p1 $0xffff, v1  }
0x218: {  	v1 =	vld @p1 [tilespmem:$0xF1A8];
	_ =	sdelay $0x4  }
0x219: {  	[tilespmem:s4+$0xF258] =	vst.add.f32.msk @p1 $0xffff, v1  }
0x21a: {  	v1 =	vld @p1 [tilespmem:$0xF1B8];
	_ =	sdelay $0x4  }
0x21b: {  	[tilespmem:s4+$0xF268] =	vst.add.f32.msk @p1 $0xffff, v1  }
0x21c: {  	v1 =	vld @p1 [tilespmem:$0xF1C8];
	_ =	sdelay $0x4  }
0x21d: {  	[tilespmem:s4+$0xF278] =	vst.add.f32.msk @p1 $0xffff, v1  }
0x21e: {  	v1 =	vld @p1 [tilespmem:$0xF1D8];
	_ =	sdelay $0x4  }
0x21f: {  	[tilespmem:s4+$0xF288] =	vst.add.f32.msk @p1 $0xffff, v1  }
0x220: {  	v1 =	vld @p1 [tilespmem:$0xF1E8];
	_ =	sdelay $0x4  }
0x221: {  	[tilespmem:s4+$0xF298] =	vst.add.f32.msk @p1 $0xffff, v1  }
0x222: {  	v1 =	vld @p1 [tilespmem:$0xF1F8];
	_ =	sdelay $0x3  }
0x223: {  	s5 =	sshll.u32 @!p1 s3, $0x9  }
0x224: {  	s5 =	smov.u32 @p1 s0;
	[tilespmem:s4+$0xF2A8] =	vst.add.f32.msk @p1 $0xffff, v1  }
0x225: {  	s0 =	sshrl.u32 s5, $0x2;
	[tilespmem:s2+$0xF218] =	vst.msk $0x1, v0  }
0x226: {  	v0 =	vld [tilespmem:s0+$0xF238];
	_ =	sdelay $0x2  }
0x227: {  	s31 =	sshll.u32 s2, $0x9  }
0x228: {  	s4 =	sshra.s32 s31, $0x2  }
0x229: {  	[tilespmem:s4+$0xF238] =	vst v0  }
0x22a: {  	v0 =	vld [tilespmem:s0+$0xF248];
	_ =	sdelay $0x4  }
0x22b: {  	[tilespmem:s4+$0xF248] =	vst v0  }
0x22c: {  	v0 =	vld [tilespmem:s0+$0xF258];
	_ =	sdelay $0x4  }
0x22d: {  	[tilespmem:s4+$0xF258] =	vst v0  }
0x22e: {  	v0 =	vld [tilespmem:s0+$0xF268];
	_ =	sdelay $0x4  }
0x22f: {  	[tilespmem:s4+$0xF268] =	vst v0  }
0x230: {  	v0 =	vld [tilespmem:s0+$0xF278];
	_ =	sdelay $0x4  }
0x231: {  	[tilespmem:s4+$0xF278] =	vst v0  }
0x232: {  	v0 =	vld [tilespmem:s0+$0xF288];
	_ =	sdelay $0x4  }
0x233: {  	[tilespmem:s4+$0xF288] =	vst v0  }
0x234: {  	v0 =	vld [tilespmem:s0+$0xF298];
	_ =	sdelay $0x4  }
0x235: {  	[tilespmem:s4+$0xF298] =	vst v0  }
0x236: {  	v0 =	vld [tilespmem:s0+$0xF2A8];
	_ =	sdelay $0x4  }
0x237: {  	s2 =	sadd.s32 $0x1, s2;
	[tilespmem:s4+$0xF2A8] =	vst v0  }
.LBB2_48:
0x238: {  	s3 =	sadd.s32 $0x1, s3  }
0x239: {  	p1 =	sne.s32 s3, $0x20  }
.Ltmp32:
0x23a: {  	_ = 	snop;
	(pc) =	sbr.rel @!p1 .LBB2_49-.Ltmp32, $1  }
0x23b: {  	_ =	sdelay $0x3  }
.LBB2_41:
0x23c: {  	v0 =	vld.msk [tilespmem:s3+$0xF218], $0x1;
	_ =	sdelay $0x4  }
0x23d: {  	(v2sf) =	vpush v0, $0x0;
	_ =	sdelay $0xe  }
0x23e: {  	s4 =	spop (v2sf)  }
0x23f: {  	p1 =	seq.s32 s4, $0xFFFFFFFF  }
.Ltmp33:
0x240: {  	_ = 	snop;
	(pc) =	sbr.rel @p1 .LBB2_48-.Ltmp33, $1  }
0x241: {  	_ =	sdelay $0x3  }
0x242: {  	p1 =	slt.s32 s2, $0x1  }
.Ltmp34:
0x243: {  	_ = 	snop;
	(pc) =	sbr.rel @p1 .LBB2_47-.Ltmp34, $1  }
0x244: {  	_ =	sdelay $0x3  }
0x245: {  	s5 =	simm.s32 $0xF218;
	p1 =	por $0x0, $0x0  }
0x246: {  	v1 =	vld.msk @!p1 [tilespmem:s5+$0x0], $0x1;
	_ =	sdelay $0x4  }
0x247: {  	(v2sf) =	vpush @!p1 v1, $0x0;
	_ =	sdelay $0xd  }
0x248: {  	p3 =	sne.s32 s2, $0x1  }
.Ltmp35:
0x249: {  	s0 =	spop @!p1 (v2sf);
	(pc) =	sbr.rel @!p3 .LBB2_45-.Ltmp35, $4  }
0x24a: {  	p2 =	seq.s32 @!p1 s4, s0  }
0x24b: {  	s6 =	simm.s32 $0x0;
	p2 =	por !p2, p1  }
0x24c: {  	s7 =	simm.s32 $0xFFFFFFFF;
	s6 =	simm.s32 @p2 $0xFFFFFFFF  }
0x24d: {  	s0 =	simm.s32 $0x1;
	s6 =	smov.u32 @p1 s7  }
.LBB2_44:
0x24e: {  	s7 =	smov.u32 s6;
	p1 =	sne.s32 s6, $0xFFFFFFFF  }
0x24f: {  	s5 =	sadd.s32 $0x1, s5;
	s6 =	smov.u32 s0;
	s0 =	sadd.s32 $0x1, s0  }
0x250: {  	p2 =	sne.s32 s2, s0;
	v1 =	vld.msk @!p1 [tilespmem:s5+$0x0], $0x1;
	_ =	sdelay $0x4  }
0x251: {  	(v2sf) =	vpush @!p1 v1, $0x0;
	_ =	sdelay $0xe  }
.Ltmp36:
0x252: {  	s8 =	spop @!p1 (v2sf);
	(pc) =	sbr.rel @p2 .LBB2_44-.Ltmp36, $4  }
0x253: {  	p3 =	seq.s32 @!p1 s4, s8  }
0x254: {  	p3 =	por !p3, p1  }
0x255: {  	s6 =	simm.s32 @p3 $0xFFFFFFFF  }
0x256: {  	s6 =	smov.u32 @p1 s7  }
.LBB2_45:
0x257: {  	p1 =	seq.s32 s6, $0xFFFFFFFF  }
.Ltmp37:
0x258: {  	_ = 	snop;
	(pc) =	sbr.rel @p1 .LBB2_47-.Ltmp37, $1  }
0x259: {  	_ =	sdelay $0x3  }
0x25a: {  	s0 =	sshll.u32 s3, $0x7  }
0x25b: {  	s0 =	sand.u32 $0x3FFFFF80, s0  }
0x25c: {  	v0 =	vld [tilespmem:s0+$0xF238];
	_ =	sdelay $0x2  }
0x25d: {  	s4 =	sshll.u32 s6, $0x9  }
0x25e: {  	s4 =	sshra.s32 s4, $0x2  }
0x25f: {  	[tilespmem:s4+$0xF238] =	vst.add.f32.msk $0xffff, v0  }
0x260: {  	v0 =	vld [tilespmem:s0+$0xF248];
	_ =	sdelay $0x4  }
0x261: {  	[tilespmem:s4+$0xF248] =	vst.add.f32.msk $0xffff, v0  }
0x262: {  	v0 =	vld [tilespmem:s0+$0xF258];
	_ =	sdelay $0x4  }
0x263: {  	[tilespmem:s4+$0xF258] =	vst.add.f32.msk $0xffff, v0  }
0x264: {  	v0 =	vld [tilespmem:s0+$0xF268];
	_ =	sdelay $0x4  }
0x265: {  	[tilespmem:s4+$0xF268] =	vst.add.f32.msk $0xffff, v0  }
0x266: {  	v0 =	vld [tilespmem:s0+$0xF278];
	_ =	sdelay $0x4  }
0x267: {  	[tilespmem:s4+$0xF278] =	vst.add.f32.msk $0xffff, v0  }
0x268: {  	v0 =	vld [tilespmem:s0+$0xF288];
	_ =	sdelay $0x4  }
0x269: {  	[tilespmem:s4+$0xF288] =	vst.add.f32.msk $0xffff, v0  }
0x26a: {  	v0 =	vld [tilespmem:s0+$0xF298];
	_ =	sdelay $0x4  }
0x26b: {  	[tilespmem:s4+$0xF298] =	vst.add.f32.msk $0xffff, v0  }
0x26c: {  	v0 =	vld [tilespmem:s0+$0xF2A8]  }
.Ltmp38:
0x26d: {  	_ = 	snop;
	(pc) =	sbr.rel .LBB2_48-.Ltmp38, $2  }
0x26e: {  	_ =	sdelay $0x2  }
0x26f: {  	[tilespmem:s4+$0xF2A8] =	vst.add.f32.msk $0xffff, v0  }
.LBB2_49:
0x270: {  	p1 =	slt.s32 s2, $0x1  }
.Ltmp39:
0x271: {  	_ = 	snop;
	(pc) =	sbr.rel @p1 .LBB2_53-.Ltmp39, $3  }
0x272: {  	_ =	sdelay $0x1  }
0x273: {  	s0 =	simm.s32 $0x8  }
0x274: {  	s3 =	simm.s32 $0x0;
	[sflag:s0] =	ssyncpa.u1 $0x1  }
0x275: {  	s0 =	simm.s32 $0xF218  }
0x276: {  	v0 =	vld.msk [tilespmem:s0+$0x0], $0x1;
	_ =	sdelay $0x4  }
0x277: {  	(v2sf) =	vpush v0, $0x0;
	_ =	sdelay $0xe  }
0x278: {  	s0 =	sadd.s32 $0xFFFFFFFF, s2;
	s5 =	spop (v2sf)  }
0x279: {  	p2 =	sne.s32 s0, $0x0;
	p1 =	sgt.u32 s5, $0x270F0  }
.Ltmp40:
0x27a: {  	s6 =	sand.u32 @!p1 $0x3FFF8, s5;
	(pc) =	sbr.rel @!p2 .LBB2_52-.Ltmp40, $4  }
0x27b: {  	s4 =	simm.s32 $0xF238;
	s5 =	sand.u32 @!p1 $0x7, s5;
	s2 =	sadd.s32 @!p1 s1, s6  }
0x27c: {  	[hbm4b:s2+s5] =	stream.linear.scatter @!p1 [tilespmem:s4], [sflag:$0x7], $0x80, $0x38;
	[tilespmem:$0x1F6F8] =	vst v63  }
0x27d: {  	s5 =	simm.s32 $0x0  }
0x27e: {  	s2 =	simm.s32 $0xF219;
	s5 =	simm.s32 @!p1 $0x200  }
.LBB2_51:
0x27f: {  	v0 =	vld.msk [tilespmem:s2+$0x0], $0x1;
	s0 =	sadd.s32 $0xFFFFFFFF, s0;
	s3 =	sadd.s32 s3, s5  }
0x280: {  	p1 =	sne.s32 s0, $0x0;
	_ =	sdelay $0x3  }
0x281: {  	(v2sf) =	vpush v0, $0x0;
	_ =	sdelay $0xe  }
.Ltmp41:
0x282: {  	s6 =	spop (v2sf);
	(pc) =	sbr.rel @p1 .LBB2_51-.Ltmp41, $4  }
0x283: {  	s5 =	simm.s32 $0x0;
	p2 =	sgt.u32 s6, $0x270F0  }
0x284: {  	s4 =	sadd.s32 $0x80, s4;
	s5 =	simm.s32 @!p2 $0x200;
	s7 =	sand.u32 @!p2 $0x3FFF8, s6  }
0x285: {  	s2 =	sadd.s32 $0x1, s2;
	s6 =	sand.u32 @!p2 $0x7, s6;
	s7 =	sadd.s32 @!p2 s1, s7  }
0x286: {  	[hbm4b:s7+s6] =	stream.linear.scatter @!p2 [tilespmem:s4], [sflag:$0x7], $0x80, $0x38;
	[tilespmem:$0x1F6F8] =	vst v63  }
.LBB2_52:
0x287: {  	s0 =	sadd.s32 s3, s5  }
0x288: {  	s3 =	sshrl.u32 s0, $0x2  }
.LBB2_53:
0x289: {  	s0 =	simm.s32 $0x7  }
0x28a: {  	_ =	swait.ge [sflag:s0], s3  }
0x28b: {  	s1 =	ssub.s32 $0x0, s3;
	[sflag:s0] =	ssyncset.done $0x0  }
0x28c: {  	[sflag:s0] =	ssyncadd.s32 s1  }
0x28d: {  	[sflag:s0] =	ssyncpa.u1 $0x1  }
.LBB2_54:
0x28e: {  	_ =	sfence;
	s0 =	simm.s32 $0x1  }
0x28f: {  	[sflag:s0] =	ssyncpa.u1 $0x1  }
0x290: {  	_ =	strace $0x9000004A  }
0x291: {  	[bflag:$0x2] =	sbarrier.arrive $0xFFFF  }
0x292: {  	s0 =	rddreg [dreg:$0x3]  }
0x293: {  	s0 =	sadd.s32 @!p0 $0x100000, s0  }
0x294: {  	[sflag:s0] =	ssyncadd.tile.s32 @!p0 $0x1;
	_ =	shalt  }
.Lfunc_end2:
_tile_overlayer_lowered:
.L_overlay_start_2:
0x295: {  	(tag) =	ssettag $0x2  }
0x296: {  	s0 =	rddreg [dreg:$0x0];
	s2 =	stileid.u32  }
0x297: {  	s1 =	rddreg [dreg:$0x1];
	p0 =	sne.s32 s2, $0x0  }
0x298: {  	s3 =	rddreg [dreg:$0x2];
	[bflag:$0x3] =	sbarrier.arrive $0xFFFF;
	s2 =	simm.s32 @!p0 $0x1C01  }
0x299: {  	[timem:s3], [sflag:s2] =	dma.local @!p0 [hbm:s0], s1  }
0x29a: {  	s0 =	simm.s32 @!p0 $0x1  }
0x29b: {  	_ =	swait.ge @!p0 [sflag:s0], s1  }
0x29c: {  	s1 =	ssub.s32 @!p0 $0x0, s1;
	[sflag:s0] =	ssyncset.done @!p0 $0x0  }
0x29d: {  	[sflag:s0] =	ssyncadd.s32 @!p0 s1  }
0x29e: {  	[bflag:$0x3] =	sbarrier.arrive $0xFFFF  }
0x29f: {  	_ =	shalt  }

</sc_bundles>
